<compile_context>
chip_gen: v7x
topology: tpu7x:2x2x1
jax: 0.10.2.dev20260603
libtpu: 0.0.44.dev20260713+nightly
codegen_flags: <defaults>
</compile_context>

<pallas_src>
import functools

import jax
import jax.numpy as jnp
from jax import lax
from jax.experimental import pallas as pl
from jax.experimental.pallas import tpu as pltpu
from jax.experimental.pallas import tpu_sc as plsc

N = 10000
E = 320000
D = 128
MAX_Z = 100
NUM_BASIS = 16
H = 64
NG = 256

NC = 2
NS = 16
NW = NC * NS
EPW = E // NW
C = 40
NCH = EPW // C
RPS = 624
NTAIL = N - NS * RPS

_mesh = lambda: plsc.VectorSubcoreMesh(core_axis_name="c", subcore_axis_name="s")


CE = 80


def _emb_body(emb_hbm, z_hbm, out_hbm, idx_v, rows_v, sem):
    cid = lax.axis_index("c")
    sid = lax.axis_index("s")
    wid = sid * NC + cid
    for t in range(4):
        r = wid * 4 + t

        @pl.when(r < N // CE)
        def _(r=r):
            pltpu.sync_copy(z_hbm.at[r], idx_v)
            pltpu.async_copy(emb_hbm.at[idx_v], rows_v, sem).wait()
            pltpu.sync_copy(rows_v, out_hbm.at[pl.ds(r * CE, CE)])


def _embed(emb_table, z2):
    f = functools.partial(
        pl.kernel,
        out_type=jax.ShapeDtypeStruct((N, D), jnp.float32),
        mesh=_mesh(),
        scratch_types=[
            pltpu.VMEM((CE,), jnp.int32),
            pltpu.VMEM((CE, D), jnp.float32),
            pltpu.SemaphoreType.DMA,
        ],
    )(_emb_body)
    return f(emb_table, z2)


BE = 2560


def _radial_body(d_ref, n_ref, w1_ref, b1c_ref, w2a_ref, out_ref):
    d = d_ref[0]
    nrm = n_ref[0]
    centers = lax.broadcasted_iota(jnp.int32, (NUM_BASIS, 1), 0).astype(
        jnp.float32) * (1.0 / (NUM_BASIS - 1))
    diff = d - centers
    inv2w2 = 0.5 * float(NUM_BASIS) * float(NUM_BASIS)
    rbf_t = jnp.exp(-(diff * diff) * inv2w2)
    dn = (((0,), (0,)), ((), ()))
    h_t = lax.dot_general(w1_ref[...], rbf_t.astype(jnp.bfloat16), dn,
                          preferred_element_type=jnp.float32)
    h_t = h_t + b1c_ref[...]
    h_t = h_t * jax.nn.sigmoid(h_t)
    h_aug = jnp.concatenate([h_t * nrm, nrm], axis=0)
    rwp = lax.dot_general(h_aug.astype(jnp.bfloat16), w2a_ref[...],
                          dn, preferred_element_type=jnp.float32)

    def r16(x):
        return lax.bitcast_convert_type(x, jnp.int32) + jnp.int32(0x8000)

    lo = lax.shift_right_logical(r16(rwp[:, : D // 2]), 16)
    hi = r16(rwp[:, D // 2:]) & jnp.int32(-65536)
    out_ref[...] = lo | hi


def _radial(d2, n2, W1, b1c, W2a):
    grid = E // BE
    return pl.pallas_call(
        _radial_body,
        grid=(grid,),
        in_specs=[
            pl.BlockSpec((1, 1, BE), lambda i: (i, 0, 0)),
            pl.BlockSpec((1, 1, BE), lambda i: (i, 0, 0)),
            pl.BlockSpec((NUM_BASIS, H), lambda i: (0, 0)),
            pl.BlockSpec((H, 1), lambda i: (0, 0)),
            pl.BlockSpec((H + 1, D), lambda i: (0, 0)),
        ],
        out_specs=pl.BlockSpec((BE, D // 2), lambda i: (i, 0)),
        out_shape=jax.ShapeDtypeStruct((E, D // 2), jnp.int32),
    )(d2, n2, W1, b1c, W2a)


def _msg_body(feat_hbm, rw_hbm, sd_hbm, out_hbm,
              sd, rw, g, zero_v, agg_sh, isem, rsem, gsem, ssem):
    cid = lax.axis_index("c")
    sid = lax.axis_index("s")
    wid = sid * NC + cid

    def issue_idx(c, s):
        pltpu.async_copy(sd_hbm.at[wid, c], sd[s], isem[s])

    def wait_idx(s):
        pltpu.make_async_copy(sd_hbm.at[wid, 0], sd[s], isem[s]).wait()

    def issue_gather(s):
        pltpu.async_copy(feat_hbm.at[sd[s].at[0]], g[s], gsem[s])

    def wait_gather(s):
        pltpu.make_async_copy(feat_hbm.at[sd[s].at[0]], g[s], gsem[s]).wait()

    def issue_rw(c, s):
        pltpu.async_copy(rw_hbm.at[pl.ds(wid * EPW + c * C, C)], rw[s],
                         rsem[s])

    def wait_rw(s):
        pltpu.make_async_copy(rw_hbm.at[pl.ds(0, C)], rw[s], rsem[s]).wait()

    def compute(s):
        def mul(i, _):
            for j in range(D // 32):
                x = rw[s][i, pl.ds(16 * j, 16)]
                a = lax.bitcast_convert_type(lax.shift_left(x, 16),
                                             jnp.float32)
                b = lax.bitcast_convert_type(x & jnp.int32(-65536),
                                             jnp.float32)
                sa = pl.ds(32 * j, 16)
                sb = pl.ds(32 * j + 16, 16)
                g[s][i, sa] = g[s][i, sa] * a
                g[s][i, sb] = g[s][i, sb] * b
            return 0
        lax.fori_loop(0, C, mul, 0)

    def issue_scatter(s):
        pltpu.async_copy(g[s], agg_sh.at[sd[s].at[1]], ssem, add=True)

    def wait_scatter(s):
        pltpu.make_async_copy(g[s], agg_sh.at[sd[s].at[1]], ssem).wait()

    for s in range(3):
        issue_idx(s, s)
    wait_idx(0)
    issue_gather(0)
    issue_rw(0, 0)
    wait_idx(1)
    issue_gather(1)
    issue_rw(1, 1)

    for i in range(16):
        for j in range(D // 16):
            zero_v[i, pl.ds(j * 16, 16)] = jnp.zeros((16,), jnp.float32)
    for t in range(RPS // 16):
        pltpu.sync_copy(zero_v, agg_sh.at[pl.ds(sid * RPS + t * 16, 16)])

    @pl.when(sid == NS - 1)
    def _():
        pltpu.sync_copy(zero_v, agg_sh.at[pl.ds(NS * RPS, NTAIL)])
    plsc.subcore_barrier()

    def step(c, s, tail):
        wait_gather(s)
        wait_rw(s)
        compute(s)
        if tail:
            wait_scatter((s + 3) % 4)
        else:
            @pl.when(c > 0)
            def _():
                wait_scatter((s + 3) % 4)
        issue_scatter(s)
        if not tail:
            @pl.when(c + 3 < NCH)
            def _():
                issue_idx(c + 3, (s + 3) % 4)

            @pl.when(c + 2 < NCH)
            def _():
                wait_idx((s + 2) % 4)
                issue_gather((s + 2) % 4)
                issue_rw(c + 2, (s + 2) % 4)

    def quad(q, _):
        for r in range(4):
            step(4 * q + r, r, False)
        return 0
    lax.fori_loop(0, NCH // 4, quad, 0)
    for c in range(NCH - NCH % 4, NCH):
        step(c, c % 4, True)
    wait_scatter((NCH - 1) % 4)
    plsc.subcore_barrier()

    pltpu.sync_copy(agg_sh.at[pl.ds(sid * RPS, RPS)],
                    out_hbm.at[cid, pl.ds(sid * RPS, RPS)])

    @pl.when(sid == NS - 1)
    def _():
        pltpu.sync_copy(agg_sh.at[pl.ds(NS * RPS, NTAIL)],
                        out_hbm.at[cid, pl.ds(NS * RPS, NTAIL)])


def _messages(feats, rw, sd4):
    f = functools.partial(
        pl.kernel,
        out_type=jax.ShapeDtypeStruct((NC, N, D), jnp.float32),
        mesh=_mesh(),
        scratch_types=[
            [pltpu.VMEM((2, C), jnp.int32) for _ in range(4)],
            [pltpu.VMEM((C, D // 2), jnp.int32) for _ in range(4)],
            [pltpu.VMEM((C, D), jnp.float32) for _ in range(4)],
            pltpu.VMEM((16, D), jnp.float32),
            pltpu.VMEM_SHARED((N, D), jnp.float32),
            [pltpu.SemaphoreType.DMA for _ in range(4)],
            [pltpu.SemaphoreType.DMA for _ in range(4)],
            [pltpu.SemaphoreType.DMA for _ in range(4)],
            pltpu.SemaphoreType.DMA,
        ],
    )(_msg_body)
    return f(feats, rw, sd4)


BN = 2000
NBB = N // BN


def _head_body(part_ref, batch_ref, w1_ref, b1_ref, w2_ref, out_ref,
               sums, counts):
    pid = pl.program_id(0)

    @pl.when(pid == 0)
    def _():
        sums[...] = jnp.zeros_like(sums)
        counts[...] = jnp.zeros_like(counts)

    a = part_ref[0] + part_ref[1]
    g = a * jax.nn.sigmoid(a)
    b = batch_ref[0]
    gids = lax.broadcasted_iota(jnp.int32, (NG, 1), 0)
    oh = (b == gids).astype(jnp.float32)
    sums[...] += jnp.dot(oh, g, preferred_element_type=jnp.float32)
    counts[...] += jnp.sum(oh, axis=1, keepdims=True)

    @pl.when(pid == NBB - 1)
    def _():
        pooled = sums[...] / jnp.maximum(counts[...], 1.0)
        hfc = pooled @ w1_ref[...] + b1_ref[...]
        hfc = jnp.maximum(hfc, 0.0)
        out_ref[...] = jnp.dot(hfc, w2_ref[...],
                               preferred_element_type=jnp.float32)


def _head(partials, batch3, fcW1, fcb1r, fcW2):
    return pl.pallas_call(
        _head_body,
        grid=(NBB,),
        in_specs=[
            pl.BlockSpec((NC, BN, D), lambda i: (0, i, 0)),
            pl.BlockSpec((1, 1, BN), lambda i: (i, 0, 0)),
            pl.BlockSpec((D, D), lambda i: (0, 0)),
            pl.BlockSpec((1, D), lambda i: (0, 0)),
            pl.BlockSpec((D, 1), lambda i: (0, 0)),
        ],
        out_specs=pl.BlockSpec((NG, 1), lambda i: (0, 0)),
        out_shape=jax.ShapeDtypeStruct((NG, 1), jnp.float32),
        scratch_shapes=[
            pltpu.VMEM((NG, D), jnp.float32),
            pltpu.VMEM((NG, 1), jnp.float32),
        ],
    )(partials, batch3, fcW1, fcb1r, fcW2)


def kernel(z, edge_index, abs_distances, rel_vec, norm, batch,
           emb_table, W1, b1, W2, b2, fcW1, fcb1, fcW2, fcb2):
    del rel_vec
    feats = _embed(emb_table, z.astype(jnp.int32).reshape(N // CE, CE))
    w2a = jnp.concatenate([W2, b2[None, :]], axis=0)
    perm = ([32 * (k // 16) + k % 16 for k in range(D // 2)]
            + [32 * (k // 16) + 16 + k % 16 for k in range(D // 2)])
    w2a_p = w2a[:, jnp.array(perm, dtype=jnp.int32)]
    rw = _radial(abs_distances.reshape(E // BE, 1, BE),
                 norm.reshape(E // BE, 1, BE),
                 W1.astype(jnp.bfloat16), b1.reshape(H, 1),
                 w2a_p.astype(jnp.bfloat16))
    ei = edge_index.astype(jnp.int32)
    sd4 = jnp.stack([ei[0].reshape(NW, NCH, C), ei[1].reshape(NW, NCH, C)],
                    axis=2)
    partials = _messages(feats, rw, sd4)
    out = _head(partials, batch.astype(jnp.int32).reshape(NBB, 1, BN),
                fcW1, fcb1.reshape(1, D), fcW2)
    return out + fcb2[None, :]

# --- scband reference (transcript-rebuilt; emitter-appended) ---
"""Pipeline reference for scband-tpnn-v0-53781580480749 (READ-ONLY COPY).

The authoritative reference and input builder live on the scoring server;
editing this copy changes nothing except your own understanding.
"""

import jax, jax.numpy as jnp
import numpy as np

N = 10000
E = 320000
D = 128
MAX_Z = 100
NUM_BASIS = 16
H = 64
NG = 256


def setup_inputs(seed: int = 0) -> dict:
    key = jax.random.key(seed)
    ks = jax.random.split(key, 16)
    z = jax.random.randint(ks[0], (N,), 0, MAX_Z)
    edge_index = jax.random.randint(ks[1], (2, E), 0, N)
    abs_distances = jax.random.uniform(ks[2], (E,), dtype=jnp.float32)
    rel_vec = jax.random.normal(ks[3], (E, 3), dtype=jnp.float32)
    norm = jax.random.uniform(ks[4], (E,), dtype=jnp.float32)
    batch = jnp.sort(jax.random.randint(ks[5], (N,), 0, NG))
    # learned params
    emb_table = (jax.random.normal(ks[6], (MAX_Z, D), dtype=jnp.float32) * 0.02)
    emb_table = emb_table.at[0].set(0.0)  # padding_idx=0
    W1 = jax.random.normal(ks[7], (NUM_BASIS, H), dtype=jnp.float32) * (1.0 / np.sqrt(NUM_BASIS))
    b1 = jnp.zeros((H,), dtype=jnp.float32)
    W2 = jax.random.normal(ks[8], (H, D), dtype=jnp.float32) * (1.0 / np.sqrt(H))
    b2 = jnp.zeros((D,), dtype=jnp.float32)
    fcW1 = jax.random.normal(ks[9], (D, D), dtype=jnp.float32) * (1.0 / np.sqrt(D))
    fcb1 = jnp.zeros((D,), dtype=jnp.float32)
    fcW2 = jax.random.normal(ks[10], (D, 1), dtype=jnp.float32) * (1.0 / np.sqrt(D))
    fcb2 = jnp.zeros((1,), dtype=jnp.float32)
    return {
        "z": z, "edge_index": edge_index, "abs_distances": abs_distances,
        "rel_vec": rel_vec, "norm": norm, "batch": batch,
        "emb_table": emb_table, "W1": W1, "b1": b1, "W2": W2, "b2": b2,
        "fcW1": fcW1, "fcb1": fcb1, "fcW2": fcW2, "fcb2": fcb2,
    }


def reference(z, edge_index, abs_distances, rel_vec, norm, batch,
              emb_table, W1, b1, W2, b2, fcW1, fcb1, fcW2, fcb2):
    # emb_layer: Embedding(max_z, emb_size, padding_idx=0)
    features = jnp.take(emb_table, z, axis=0)  # [N, D]
    # radial model: Gaussian basis expansion -> 2-layer MLP -> per-edge per-channel weights
    centers = jnp.linspace(0.0, 1.0, NUM_BASIS, dtype=jnp.float32)
    width = 1.0 / NUM_BASIS
    rbf = jnp.exp(-((abs_distances[:, None] - centers[None, :]) ** 2) / (2.0 * width * width))  # [E, NUM_BASIS]
    h = jax.nn.silu(rbf @ W1 + b1)
    radial_w = h @ W2 + b2  # [E, D]
    # equivariant message passing (scalar l=0 channels; rel_vec enters only via l>0 paths, identity here)
    src = edge_index[0]
    dst = edge_index[1]
    msgs = jnp.take(features, src, axis=0) * radial_w * norm[:, None]  # [E, D]
    agg = jax.ops.segment_sum(msgs, dst, num_segments=N)  # [N, D]
    # gate nonlinearity (SiLU gate on scalar channels)
    out = agg * jax.nn.sigmoid(agg)
    # global_mean_pool over graphs in the batch
    sums = jax.ops.segment_sum(out, batch, num_segments=NG)  # [NG, D]
    counts = jax.ops.segment_sum(jnp.ones((N,), dtype=jnp.float32), batch, num_segments=NG)
    pooled = sums / jnp.clip(counts, 1.0, None)[:, None]
    # fc head: Linear(D, D) -> ReLU -> Linear(D, 1)
    hfc = jax.nn.relu(pooled @ fcW1 + fcb1)
    return hfc @ fcW2 + fcb2  # [NG, 1]

if __name__ == "__main__":
    import jax
    _d = setup_inputs()
    print(jax.jit(kernel)(*tuple(_d.values())))

</pallas_src>

<mosaic_0001>
#map = affine_map<(d0, d1) -> (0, 0)>
module attributes {stable_mosaic.version = 14 : i64} {
  func.func @_emb_body(%arg0: i32, %arg1: i32, %arg2: memref<100x128xf32, #tpu.memory_space<hbm>>, %arg3: memref<125x80xi32, #tpu.memory_space<hbm>>, %arg4: memref<10000x128xf32, #tpu.memory_space<hbm>>, %arg5: memref<80xi32, #tpu.memory_space<vmem>>, %arg6: memref<80x128xf32, #tpu.memory_space<vmem>>, %arg7: memref<!tpu.dma_semaphore, #tpu.memory_space<semaphore_mem>>) attributes {dimension_semantics = [#tpu.dimension_semantics<core_parallel>, #tpu.dimension_semantics<subcore_parallel>], iteration_bounds = array<i64: 2, 16>, scalar_prefetch = 0 : i64, scratch_operands = 3 : i64, tpu.core_type = #tpu.core_type<sc_vector_subcore>, window_params = [{transform_indices = #map}, {transform_indices = #map}, {transform_indices = #map}]} {
    %mul3A = arith.constant 2 : i32
    %mul3A_0 = arith.muli %arg1, %mul3A : i32
    %add3A = arith.addi %mul3A_0, %arg0 : i32
    %mul3A_1 = arith.constant 4 : i32
    %mul3A_2 = arith.muli %add3A, %mul3A_1 : i32
    %add3A_3 = arith.constant 0 : i32
    %add3A_4 = arith.addi %mul3A_2, %add3A_3 : i32
    %lt3A = arith.constant 125 : i32
    %lt3A_5 = arith.cmpi slt, %add3A_4, %lt3A : i32
    %convert_element_type3A = arith.extui %lt3A_5 : i1 to i32
    %cond3A = arith.constant 0 : i32
    %cond3A_6 = arith.cmpi ne, %convert_element_type3A, %cond3A : i32
    scf.if %cond3A_6 {
      "tpu.region"() ({
        %run_scoped3A = tpu.sem_alloc : memref<!tpu.dma_semaphore, #tpu.memory_space<semaphore_mem>>
        %dma_start3A_40 = arith.constant 0 : i32
        %dma_start3A_41 = tpu.memref_slice %arg3[%add3A_4, %dma_start3A_40] : memref<125x80xi32, #tpu.memory_space<hbm>> -> memref<1x80xi32, #tpu.memory_space<hbm>>
        %dma_start3A_42 = tpu.memref_squeeze %dma_start3A_41 : memref<1x80xi32, #tpu.memory_space<hbm>> -> memref<80xi32, #tpu.memory_space<hbm>>
        %dma_start3A_43 = arith.constant 0 : i32
        %dma_start3A_44 = tpu.memref_slice %arg3[%add3A_4, %dma_start3A_43] : memref<125x80xi32, #tpu.memory_space<hbm>> -> memref<1x80xi32, #tpu.memory_space<hbm>>
        %dma_start3A_45 = tpu.memref_squeeze %dma_start3A_44 : memref<1x80xi32, #tpu.memory_space<hbm>> -> memref<80xi32, #tpu.memory_space<hbm>>
        tpu.enqueue_dma source(%dma_start3A_45 : memref<80xi32, #tpu.memory_space<hbm>>) target(%arg5 : memref<80xi32, #tpu.memory_space<vmem>>) target_semaphore(%run_scoped3A : memref<!tpu.dma_semaphore, #tpu.memory_space<semaphore_mem>>)
        %dma_wait3A_46 = arith.constant 0 : i32
        %dma_wait3A_47 = tpu.memref_slice %arg3[%add3A_4, %dma_wait3A_46] : memref<125x80xi32, #tpu.memory_space<hbm>> -> memref<1x80xi32, #tpu.memory_space<hbm>>
        %dma_wait3A_48 = tpu.memref_squeeze %dma_wait3A_47 : memref<1x80xi32, #tpu.memory_space<hbm>> -> memref<80xi32, #tpu.memory_space<hbm>>
        %dma_wait3A_49 = arith.constant 0 : i32
        %dma_wait3A_50 = tpu.memref_slice %arg3[%add3A_4, %dma_wait3A_49] : memref<125x80xi32, #tpu.memory_space<hbm>> -> memref<1x80xi32, #tpu.memory_space<hbm>>
        %dma_wait3A_51 = tpu.memref_squeeze %dma_wait3A_50 : memref<1x80xi32, #tpu.memory_space<hbm>> -> memref<80xi32, #tpu.memory_space<hbm>>
        tpu.wait_dma2 semaphore(%run_scoped3A : memref<!tpu.dma_semaphore, #tpu.memory_space<semaphore_mem>>) src(%dma_wait3A_51 : memref<80xi32, #tpu.memory_space<hbm>>) dst(%arg5 : memref<80xi32, #tpu.memory_space<vmem>>)
        tpu.yield
      }) : () -> ()
      %dma_start3A = arith.constant 0 : i32
      %dma_start3A_34 = arith.constant 0 : i32
      %dma_start3A_35 = tpu.memref_slice %arg2[%dma_start3A, %dma_start3A_34] : memref<100x128xf32, #tpu.memory_space<hbm>> -> memref<100x128xf32, #tpu.memory_space<hbm>>
      tpu.enqueue_indirect_dma source(%dma_start3A_35 : memref<100x128xf32, #tpu.memory_space<hbm>>) target(%arg6 : memref<80x128xf32, #tpu.memory_space<vmem>>) offsets(%arg5 : memref<80xi32, #tpu.memory_space<vmem>>) semaphore(%arg7 : memref<!tpu.dma_semaphore, #tpu.memory_space<semaphore_mem>>)
      %dma_wait3A = arith.constant 0 : i32
      %dma_wait3A_36 = arith.constant 0 : i32
      %dma_wait3A_37 = tpu.memref_slice %arg2[%dma_wait3A, %dma_wait3A_36] : memref<100x128xf32, #tpu.memory_space<hbm>> -> memref<100x128xf32, #tpu.memory_space<hbm>>
      tpu.wait_indirect_dma semaphore(%arg7 : memref<!tpu.dma_semaphore, #tpu.memory_space<semaphore_mem>>) src(%dma_wait3A_37 : memref<100x128xf32, #tpu.memory_space<hbm>>) dst(%arg6 : memref<80x128xf32, #tpu.memory_space<vmem>>)
      %mul3A_38 = arith.constant 80 : i32
      %mul3A_39 = arith.muli %add3A_4, %mul3A_38 : i32
      "tpu.region"() ({
        %run_scoped3A = tpu.sem_alloc : memref<!tpu.dma_semaphore, #tpu.memory_space<semaphore_mem>>
        %dma_start3A_40 = arith.constant 0 : i32
        %dma_start3A_41 = tpu.memref_slice %arg4[%mul3A_39, %dma_start3A_40] : memref<10000x128xf32, #tpu.memory_space<hbm>> -> memref<80x128xf32, #tpu.memory_space<hbm>>
        %dma_start3A_42 = arith.constant 0 : i32
        %dma_start3A_43 = tpu.memref_slice %arg4[%mul3A_39, %dma_start3A_42] : memref<10000x128xf32, #tpu.memory_space<hbm>> -> memref<80x128xf32, #tpu.memory_space<hbm>>
        tpu.enqueue_dma source(%arg6 : memref<80x128xf32, #tpu.memory_space<vmem>>) target(%dma_start3A_43 : memref<80x128xf32, #tpu.memory_space<hbm>>) target_semaphore(%run_scoped3A : memref<!tpu.dma_semaphore, #tpu.memory_space<semaphore_mem>>)
        %dma_wait3A_44 = arith.constant 0 : i32
        %dma_wait3A_45 = tpu.memref_slice %arg4[%mul3A_39, %dma_wait3A_44] : memref<10000x128xf32, #tpu.memory_space<hbm>> -> memref<80x128xf32, #tpu.memory_space<hbm>>
        %dma_wait3A_46 = arith.constant 0 : i32
        %dma_wait3A_47 = tpu.memref_slice %arg4[%mul3A_39, %dma_wait3A_46] : memref<10000x128xf32, #tpu.memory_space<hbm>> -> memref<80x128xf32, #tpu.memory_space<hbm>>
        tpu.wait_dma2 semaphore(%run_scoped3A : memref<!tpu.dma_semaphore, #tpu.memory_space<semaphore_mem>>) src(%arg6 : memref<80x128xf32, #tpu.memory_space<vmem>>) dst(%dma_wait3A_47 : memref<80x128xf32, #tpu.memory_space<hbm>>)
        tpu.yield
      }) : () -> ()
    } else {
    }
    %mul3A_7 = arith.constant 4 : i32
    %mul3A_8 = arith.muli %add3A, %mul3A_7 : i32
    %add3A_9 = arith.constant 1 : i32
    %add3A_10 = arith.addi %mul3A_8, %add3A_9 : i32
    %lt3A_11 = arith.constant 125 : i32
    %lt3A_12 = arith.cmpi slt, %add3A_10, %lt3A_11 : i32
    %convert_element_type3A_13 = arith.extui %lt3A_12 : i1 to i32
    %cond3A_14 = arith.constant 0 : i32
    %cond3A_15 = arith.cmpi ne, %convert_element_type3A_13, %cond3A_14 : i32
    scf.if %cond3A_15 {
      "tpu.region"() ({
        %run_scoped3A = tpu.sem_alloc : memref<!tpu.dma_semaphore, #tpu.memory_space<semaphore_mem>>
        %dma_start3A_40 = arith.constant 0 : i32
        %dma_start3A_41 = tpu.memref_slice %arg3[%add3A_10, %dma_start3A_40] : memref<125x80xi32, #tpu.memory_space<hbm>> -> memref<1x80xi32, #tpu.memory_space<hbm>>
        %dma_start3A_42 = tpu.memref_squeeze %dma_start3A_41 : memref<1x80xi32, #tpu.memory_space<hbm>> -> memref<80xi32, #tpu.memory_space<hbm>>
        %dma_start3A_43 = arith.constant 0 : i32
        %dma_start3A_44 = tpu.memref_slice %arg3[%add3A_10, %dma_start3A_43] : memref<125x80xi32, #tpu.memory_space<hbm>> -> memref<1x80xi32, #tpu.memory_space<hbm>>
        %dma_start3A_45 = tpu.memref_squeeze %dma_start3A_44 : memref<1x80xi32, #tpu.memory_space<hbm>> -> memref<80xi32, #tpu.memory_space<hbm>>
        tpu.enqueue_dma source(%dma_start3A_45 : memref<80xi32, #tpu.memory_space<hbm>>) target(%arg5 : memref<80xi32, #tpu.memory_space<vmem>>) target_semaphore(%run_scoped3A : memref<!tpu.dma_semaphore, #tpu.memory_space<semaphore_mem>>)
        %dma_wait3A_46 = arith.constant 0 : i32
        %dma_wait3A_47 = tpu.memref_slice %arg3[%add3A_10, %dma_wait3A_46] : memref<125x80xi32, #tpu.memory_space<hbm>> -> memref<1x80xi32, #tpu.memory_space<hbm>>
        %dma_wait3A_48 = tpu.memref_squeeze %dma_wait3A_47 : memref<1x80xi32, #tpu.memory_space<hbm>> -> memref<80xi32, #tpu.memory_space<hbm>>
        %dma_wait3A_49 = arith.constant 0 : i32
        %dma_wait3A_50 = tpu.memref_slice %arg3[%add3A_10, %dma_wait3A_49] : memref<125x80xi32, #tpu.memory_space<hbm>> -> memref<1x80xi32, #tpu.memory_space<hbm>>
        %dma_wait3A_51 = tpu.memref_squeeze %dma_wait3A_50 : memref<1x80xi32, #tpu.memory_space<hbm>> -> memref<80xi32, #tpu.memory_space<hbm>>
        tpu.wait_dma2 semaphore(%run_scoped3A : memref<!tpu.dma_semaphore, #tpu.memory_space<semaphore_mem>>) src(%dma_wait3A_51 : memref<80xi32, #tpu.memory_space<hbm>>) dst(%arg5 : memref<80xi32, #tpu.memory_space<vmem>>)
        tpu.yield
      }) : () -> ()
      %dma_start3A = arith.constant 0 : i32
      %dma_start3A_34 = arith.constant 0 : i32
      %dma_start3A_35 = tpu.memref_slice %arg2[%dma_start3A, %dma_start3A_34] : memref<100x128xf32, #tpu.memory_space<hbm>> -> memref<100x128xf32, #tpu.memory_space<hbm>>
      tpu.enqueue_indirect_dma source(%dma_start3A_35 : memref<100x128xf32, #tpu.memory_space<hbm>>) target(%arg6 : memref<80x128xf32, #tpu.memory_space<vmem>>) offsets(%arg5 : memref<80xi32, #tpu.memory_space<vmem>>) semaphore(%arg7 : memref<!tpu.dma_semaphore, #tpu.memory_space<semaphore_mem>>)
      %dma_wait3A = arith.constant 0 : i32
      %dma_wait3A_36 = arith.constant 0 : i32
      %dma_wait3A_37 = tpu.memref_slice %arg2[%dma_wait3A, %dma_wait3A_36] : memref<100x128xf32, #tpu.memory_space<hbm>> -> memref<100x128xf32, #tpu.memory_space<hbm>>
      tpu.wait_indirect_dma semaphore(%arg7 : memref<!tpu.dma_semaphore, #tpu.memory_space<semaphore_mem>>) src(%dma_wait3A_37 : memref<100x128xf32, #tpu.memory_space<hbm>>) dst(%arg6 : memref<80x128xf32, #tpu.memory_space<vmem>>)
      %mul3A_38 = arith.constant 80 : i32
      %mul3A_39 = arith.muli %add3A_10, %mul3A_38 : i32
      "tpu.region"() ({
        %run_scoped3A = tpu.sem_alloc : memref<!tpu.dma_semaphore, #tpu.memory_space<semaphore_mem>>
        %dma_start3A_40 = arith.constant 0 : i32
        %dma_start3A_41 = tpu.memref_slice %arg4[%mul3A_39, %dma_start3A_40] : memref<10000x128xf32, #tpu.memory_space<hbm>> -> memref<80x128xf32, #tpu.memory_space<hbm>>
        %dma_start3A_42 = arith.constant 0 : i32
        %dma_start3A_43 = tpu.memref_slice %arg4[%mul3A_39, %dma_start3A_42] : memref<10000x128xf32, #tpu.memory_space<hbm>> -> memref<80x128xf32, #tpu.memory_space<hbm>>
        tpu.enqueue_dma source(%arg6 : memref<80x128xf32, #tpu.memory_space<vmem>>) target(%dma_start3A_43 : memref<80x128xf32, #tpu.memory_space<hbm>>) target_semaphore(%run_scoped3A : memref<!tpu.dma_semaphore, #tpu.memory_space<semaphore_mem>>)
        %dma_wait3A_44 = arith.constant 0 : i32
        %dma_wait3A_45 = tpu.memref_slice %arg4[%mul3A_39, %dma_wait3A_44] : memref<10000x128xf32, #tpu.memory_space<hbm>> -> memref<80x128xf32, #tpu.memory_space<hbm>>
        %dma_wait3A_46 = arith.constant 0 : i32
        %dma_wait3A_47 = tpu.memref_slice %arg4[%mul3A_39, %dma_wait3A_46] : memref<10000x128xf32, #tpu.memory_space<hbm>> -> memref<80x128xf32, #tpu.memory_space<hbm>>
        tpu.wait_dma2 semaphore(%run_scoped3A : memref<!tpu.dma_semaphore, #tpu.memory_space<semaphore_mem>>) src(%arg6 : memref<80x128xf32, #tpu.memory_space<vmem>>) dst(%dma_wait3A_47 : memref<80x128xf32, #tpu.memory_space<hbm>>)
        tpu.yield
      }) : () -> ()
    } else {
    }
    %mul3A_16 = arith.constant 4 : i32
    %mul3A_17 = arith.muli %add3A, %mul3A_16 : i32
    %add3A_18 = arith.constant 2 : i32
    %add3A_19 = arith.addi %mul3A_17, %add3A_18 : i32
    %lt3A_20 = arith.constant 125 : i32
    %lt3A_21 = arith.cmpi slt, %add3A_19, %lt3A_20 : i32
    %convert_element_type3A_22 = arith.extui %lt3A_21 : i1 to i32
    %cond3A_23 = arith.constant 0 : i32
    %cond3A_24 = arith.cmpi ne, %convert_element_type3A_22, %cond3A_23 : i32
    scf.if %cond3A_24 {
      "tpu.region"() ({
        %run_scoped3A = tpu.sem_alloc : memref<!tpu.dma_semaphore, #tpu.memory_space<semaphore_mem>>
        %dma_start3A_40 = arith.constant 0 : i32
        %dma_start3A_41 = tpu.memref_slice %arg3[%add3A_19, %dma_start3A_40] : memref<125x80xi32, #tpu.memory_space<hbm>> -> memref<1x80xi32, #tpu.memory_space<hbm>>
        %dma_start3A_42 = tpu.memref_squeeze %dma_start3A_41 : memref<1x80xi32, #tpu.memory_space<hbm>> -> memref<80xi32, #tpu.memory_space<hbm>>
        %dma_start3A_43 = arith.constant 0 : i32
        %dma_start3A_44 = tpu.memref_slice %arg3[%add3A_19, %dma_start3A_43] : memref<125x80xi32, #tpu.memory_space<hbm>> -> memref<1x80xi32, #tpu.memory_space<hbm>>
        %dma_start3A_45 = tpu.memref_squeeze %dma_start3A_44 : memref<1x80xi32, #tpu.memory_space<hbm>> -> memref<80xi32, #tpu.memory_space<hbm>>
        tpu.enqueue_dma source(%dma_start3A_45 : memref<80xi32, #tpu.memory_space<hbm>>) target(%arg5 : memref<80xi32, #tpu.memory_space<vmem>>) target_semaphore(%run_scoped3A : memref<!tpu.dma_semaphore, #tpu.memory_space<semaphore_mem>>)
        %dma_wait3A_46 = arith.constant 0 : i32
        %dma_wait3A_47 = tpu.memref_slice %arg3[%add3A_19, %dma_wait3A_46] : memref<125x80xi32, #tpu.memory_space<hbm>> -> memref<1x80xi32, #tpu.memory_space<hbm>>
        %dma_wait3A_48 = tpu.memref_squeeze %dma_wait3A_47 : memref<1x80xi32, #tpu.memory_space<hbm>> -> memref<80xi32, #tpu.memory_space<hbm>>
        %dma_wait3A_49 = arith.constant 0 : i32
        %dma_wait3A_50 = tpu.memref_slice %arg3[%add3A_19, %dma_wait3A_49] : memref<125x80xi32, #tpu.memory_space<hbm>> -> memref<1x80xi32, #tpu.memory_space<hbm>>
        %dma_wait3A_51 = tpu.memref_squeeze %dma_wait3A_50 : memref<1x80xi32, #tpu.memory_space<hbm>> -> memref<80xi32, #tpu.memory_space<hbm>>
        tpu.wait_dma2 semaphore(%run_scoped3A : memref<!tpu.dma_semaphore, #tpu.memory_space<semaphore_mem>>) src(%dma_wait3A_51 : memref<80xi32, #tpu.memory_space<hbm>>) dst(%arg5 : memref<80xi32, #tpu.memory_space<vmem>>)
        tpu.yield
      }) : () -> ()
      %dma_start3A = arith.constant 0 : i32
      %dma_start3A_34 = arith.constant 0 : i32
      %dma_start3A_35 = tpu.memref_slice %arg2[%dma_start3A, %dma_start3A_34] : memref<100x128xf32, #tpu.memory_space<hbm>> -> memref<100x128xf32, #tpu.memory_space<hbm>>
      tpu.enqueue_indirect_dma source(%dma_start3A_35 : memref<100x128xf32, #tpu.memory_space<hbm>>) target(%arg6 : memref<80x128xf32, #tpu.memory_space<vmem>>) offsets(%arg5 : memref<80xi32, #tpu.memory_space<vmem>>) semaphore(%arg7 : memref<!tpu.dma_semaphore, #tpu.memory_space<semaphore_mem>>)
      %dma_wait3A = arith.constant 0 : i32
      %dma_wait3A_36 = arith.constant 0 : i32
      %dma_wait3A_37 = tpu.memref_slice %arg2[%dma_wait3A, %dma_wait3A_36] : memref<100x128xf32, #tpu.memory_space<hbm>> -> memref<100x128xf32, #tpu.memory_space<hbm>>
      tpu.wait_indirect_dma semaphore(%arg7 : memref<!tpu.dma_semaphore, #tpu.memory_space<semaphore_mem>>) src(%dma_wait3A_37 : memref<100x128xf32, #tpu.memory_space<hbm>>) dst(%arg6 : memref<80x128xf32, #tpu.memory_space<vmem>>)
      %mul3A_38 = arith.constant 80 : i32
      %mul3A_39 = arith.muli %add3A_19, %mul3A_38 : i32
      "tpu.region"() ({
        %run_scoped3A = tpu.sem_alloc : memref<!tpu.dma_semaphore, #tpu.memory_space<semaphore_mem>>
        %dma_start3A_40 = arith.constant 0 : i32
        %dma_start3A_41 = tpu.memref_slice %arg4[%mul3A_39, %dma_start3A_40] : memref<10000x128xf32, #tpu.memory_space<hbm>> -> memref<80x128xf32, #tpu.memory_space<hbm>>
        %dma_start3A_42 = arith.constant 0 : i32
        %dma_start3A_43 = tpu.memref_slice %arg4[%mul3A_39, %dma_start3A_42] : memref<10000x128xf32, #tpu.memory_space<hbm>> -> memref<80x128xf32, #tpu.memory_space<hbm>>
        tpu.enqueue_dma source(%arg6 : memref<80x128xf32, #tpu.memory_space<vmem>>) target(%dma_start3A_43 : memref<80x128xf32, #tpu.memory_space<hbm>>) target_semaphore(%run_scoped3A : memref<!tpu.dma_semaphore, #tpu.memory_space<semaphore_mem>>)
        %dma_wait3A_44 = arith.constant 0 : i32
        %dma_wait3A_45 = tpu.memref_slice %arg4[%mul3A_39, %dma_wait3A_44] : memref<10000x128xf32, #tpu.memory_space<hbm>> -> memref<80x128xf32, #tpu.memory_space<hbm>>
        %dma_wait3A_46 = arith.constant 0 : i32
        %dma_wait3A_47 = tpu.memref_slice %arg4[%mul3A_39, %dma_wait3A_46] : memref<10000x128xf32, #tpu.memory_space<hbm>> -> memref<80x128xf32, #tpu.memory_space<hbm>>
        tpu.wait_dma2 semaphore(%run_scoped3A : memref<!tpu.dma_semaphore, #tpu.memory_space<semaphore_mem>>) src(%arg6 : memref<80x128xf32, #tpu.memory_space<vmem>>) dst(%dma_wait3A_47 : memref<80x128xf32, #tpu.memory_space<hbm>>)
        tpu.yield
      }) : () -> ()
    } else {
    }
    %mul3A_25 = arith.constant 4 : i32
    %mul3A_26 = arith.muli %add3A, %mul3A_25 : i32
    %add3A_27 = arith.constant 3 : i32
    %add3A_28 = arith.addi %mul3A_26, %add3A_27 : i32
    %lt3A_29 = arith.constant 125 : i32
    %lt3A_30 = arith.cmpi slt, %add3A_28, %lt3A_29 : i32
    %convert_element_type3A_31 = arith.extui %lt3A_30 : i1 to i32
    %cond3A_32 = arith.constant 0 : i32
    %cond3A_33 = arith.cmpi ne, %convert_element_type3A_31, %cond3A_32 : i32
    scf.if %cond3A_33 {
      "tpu.region"() ({
        %run_scoped3A = tpu.sem_alloc : memref<!tpu.dma_semaphore, #tpu.memory_space<semaphore_mem>>
        %dma_start3A_40 = arith.constant 0 : i32
        %dma_start3A_41 = tpu.memref_slice %arg3[%add3A_28, %dma_start3A_40] : memref<125x80xi32, #tpu.memory_space<hbm>> -> memref<1x80xi32, #tpu.memory_space<hbm>>
        %dma_start3A_42 = tpu.memref_squeeze %dma_start3A_41 : memref<1x80xi32, #tpu.memory_space<hbm>> -> memref<80xi32, #tpu.memory_space<hbm>>
        %dma_start3A_43 = arith.constant 0 : i32
        %dma_start3A_44 = tpu.memref_slice %arg3[%add3A_28, %dma_start3A_43] : memref<125x80xi32, #tpu.memory_space<hbm>> -> memref<1x80xi32, #tpu.memory_space<hbm>>
        %dma_start3A_45 = tpu.memref_squeeze %dma_start3A_44 : memref<1x80xi32, #tpu.memory_space<hbm>> -> memref<80xi32, #tpu.memory_space<hbm>>
        tpu.enqueue_dma source(%dma_start3A_45 : memref<80xi32, #tpu.memory_space<hbm>>) target(%arg5 : memref<80xi32, #tpu.memory_space<vmem>>) target_semaphore(%run_scoped3A : memref<!tpu.dma_semaphore, #tpu.memory_space<semaphore_mem>>)
        %dma_wait3A_46 = arith.constant 0 : i32
        %dma_wait3A_47 = tpu.memref_slice %arg3[%add3A_28, %dma_wait3A_46] : memref<125x80xi32, #tpu.memory_space<hbm>> -> memref<1x80xi32, #tpu.memory_space<hbm>>
        %dma_wait3A_48 = tpu.memref_squeeze %dma_wait3A_47 : memref<1x80xi32, #tpu.memory_space<hbm>> -> memref<80xi32, #tpu.memory_space<hbm>>
        %dma_wait3A_49 = arith.constant 0 : i32
        %dma_wait3A_50 = tpu.memref_slice %arg3[%add3A_28, %dma_wait3A_49] : memref<125x80xi32, #tpu.memory_space<hbm>> -> memref<1x80xi32, #tpu.memory_space<hbm>>
        %dma_wait3A_51 = tpu.memref_squeeze %dma_wait3A_50 : memref<1x80xi32, #tpu.memory_space<hbm>> -> memref<80xi32, #tpu.memory_space<hbm>>
        tpu.wait_dma2 semaphore(%run_scoped3A : memref<!tpu.dma_semaphore, #tpu.memory_space<semaphore_mem>>) src(%dma_wait3A_51 : memref<80xi32, #tpu.memory_space<hbm>>) dst(%arg5 : memref<80xi32, #tpu.memory_space<vmem>>)
        tpu.yield
      }) : () -> ()
      %dma_start3A = arith.constant 0 : i32
      %dma_start3A_34 = arith.constant 0 : i32
      %dma_start3A_35 = tpu.memref_slice %arg2[%dma_start3A, %dma_start3A_34] : memref<100x128xf32, #tpu.memory_space<hbm>> -> memref<100x128xf32, #tpu.memory_space<hbm>>
      tpu.enqueue_indirect_dma source(%dma_start3A_35 : memref<100x128xf32, #tpu.memory_space<hbm>>) target(%arg6 : memref<80x128xf32, #tpu.memory_space<vmem>>) offsets(%arg5 : memref<80xi32, #tpu.memory_space<vmem>>) semaphore(%arg7 : memref<!tpu.dma_semaphore, #tpu.memory_space<semaphore_mem>>)
      %dma_wait3A = arith.constant 0 : i32
      %dma_wait3A_36 = arith.constant 0 : i32
      %dma_wait3A_37 = tpu.memref_slice %arg2[%dma_wait3A, %dma_wait3A_36] : memref<100x128xf32, #tpu.memory_space<hbm>> -> memref<100x128xf32, #tpu.memory_space<hbm>>
      tpu.wait_indirect_dma semaphore(%arg7 : memref<!tpu.dma_semaphore, #tpu.memory_space<semaphore_mem>>) src(%dma_wait3A_37 : memref<100x128xf32, #tpu.memory_space<hbm>>) dst(%arg6 : memref<80x128xf32, #tpu.memory_space<vmem>>)
      %mul3A_38 = arith.constant 80 : i32
      %mul3A_39 = arith.muli %add3A_28, %mul3A_38 : i32
      "tpu.region"() ({
        %run_scoped3A = tpu.sem_alloc : memref<!tpu.dma_semaphore, #tpu.memory_space<semaphore_mem>>
        %dma_start3A_40 = arith.constant 0 : i32
        %dma_start3A_41 = tpu.memref_slice %arg4[%mul3A_39, %dma_start3A_40] : memref<10000x128xf32, #tpu.memory_space<hbm>> -> memref<80x128xf32, #tpu.memory_space<hbm>>
        %dma_start3A_42 = arith.constant 0 : i32
        %dma_start3A_43 = tpu.memref_slice %arg4[%mul3A_39, %dma_start3A_42] : memref<10000x128xf32, #tpu.memory_space<hbm>> -> memref<80x128xf32, #tpu.memory_space<hbm>>
        tpu.enqueue_dma source(%arg6 : memref<80x128xf32, #tpu.memory_space<vmem>>) target(%dma_start3A_43 : memref<80x128xf32, #tpu.memory_space<hbm>>) target_semaphore(%run_scoped3A : memref<!tpu.dma_semaphore, #tpu.memory_space<semaphore_mem>>)
        %dma_wait3A_44 = arith.constant 0 : i32
        %dma_wait3A_45 = tpu.memref_slice %arg4[%mul3A_39, %dma_wait3A_44] : memref<10000x128xf32, #tpu.memory_space<hbm>> -> memref<80x128xf32, #tpu.memory_space<hbm>>
        %dma_wait3A_46 = arith.constant 0 : i32
        %dma_wait3A_47 = tpu.memref_slice %arg4[%mul3A_39, %dma_wait3A_46] : memref<10000x128xf32, #tpu.memory_space<hbm>> -> memref<80x128xf32, #tpu.memory_space<hbm>>
        tpu.wait_dma2 semaphore(%run_scoped3A : memref<!tpu.dma_semaphore, #tpu.memory_space<semaphore_mem>>) src(%arg6 : memref<80x128xf32, #tpu.memory_space<vmem>>) dst(%dma_wait3A_47 : memref<80x128xf32, #tpu.memory_space<hbm>>)
        tpu.yield
      }) : () -> ()
    } else {
    }
    return
  }
}

#map = affine_map<(d0, d1) -> (0, 0)>
#map1 = affine_map<(d0, d1) -> (0, 0, 0, 0)>
#map2 = affine_map<(d0, d1) -> (0, 0, 0)>
module attributes {stable_mosaic.version = 14 : i64} {
  func.func @_msg_body(%arg0: i32, %arg1: i32, %arg2: memref<10000x128xf32, #tpu.memory_space<hbm>>, %arg3: memref<320000x64xi32, #tpu.memory_space<hbm>>, %arg4: memref<32x250x2x40xi32, #tpu.memory_space<hbm>>, %arg5: memref<2x10000x128xf32, #tpu.memory_space<hbm>>, %arg6: memref<2x40xi32, #tpu.memory_space<vmem>>, %arg7: memref<2x40xi32, #tpu.memory_space<vmem>>, %arg8: memref<2x40xi32, #tpu.memory_space<vmem>>, %arg9: memref<2x40xi32, #tpu.memory_space<vmem>>, %arg10: memref<40x64xi32, #tpu.memory_space<vmem>>, %arg11: memref<40x64xi32, #tpu.memory_space<vmem>>, %arg12: memref<40x64xi32, #tpu.memory_space<vmem>>, %arg13: memref<40x64xi32, #tpu.memory_space<vmem>>, %arg14: memref<40x128xf32, #tpu.memory_space<vmem>>, %arg15: memref<40x128xf32, #tpu.memory_space<vmem>>, %arg16: memref<40x128xf32, #tpu.memory_space<vmem>>, %arg17: memref<40x128xf32, #tpu.memory_space<vmem>>, %arg18: memref<16x128xf32, #tpu.memory_space<vmem>>, %arg19: memref<10000x128xf32, #tpu.memory_space<vmem_shared>>, %arg20: memref<!tpu.dma_semaphore, #tpu.memory_space<semaphore_mem>>, %arg21: memref<!tpu.dma_semaphore, #tpu.memory_space<semaphore_mem>>, %arg22: memref<!tpu.dma_semaphore, #tpu.memory_space<semaphore_mem>>, %arg23: memref<!tpu.dma_semaphore, #tpu.memory_space<semaphore_mem>>, %arg24: memref<!tpu.dma_semaphore, #tpu.memory_space<semaphore_mem>>, %arg25: memref<!tpu.dma_semaphore, #tpu.memory_space<semaphore_mem>>, %arg26: memref<!tpu.dma_semaphore, #tpu.memory_space<semaphore_mem>>, %arg27: memref<!tpu.dma_semaphore, #tpu.memory_space<semaphore_mem>>, %arg28: memref<!tpu.dma_semaphore, #tpu.memory_space<semaphore_mem>>, %arg29: memref<!tpu.dma_semaphore, #tpu.memory_space<semaphore_mem>>, %arg30: memref<!tpu.dma_semaphore, #tpu.memory_space<semaphore_mem>>, %arg31: memref<!tpu.dma_semaphore, #tpu.memory_space<semaphore_mem>>, %arg32: memref<!tpu.dma_semaphore, #tpu.memory_space<semaphore_mem>>) attributes {dimension_semantics = [#tpu.dimension_semantics<core_parallel>, #tpu.dimension_semantics<subcore_parallel>], iteration_bounds = array<i64: 2, 16>, scalar_prefetch = 0 : i64, scratch_operands = 27 : i64, tpu.core_type = #tpu.core_type<sc_vector_subcore>, window_params = [{transform_indices = #map}, {transform_indices = #map}, {transform_indices = #map1}, {transform_indices = #map2}]} {
    %mul3A = arith.constant 2 : i32
    %mul3A_0 = arith.muli %arg1, %mul3A : i32
    %add3A = arith.addi %mul3A_0, %arg0 : i32
    %dma_start3A = arith.constant 0 : i32
    %dma_start3A_1 = arith.constant 0 : i32
    %dma_start3A_2 = arith.constant 0 : i32
    %dma_start3A_3 = tpu.memref_slice %arg4[%add3A, %dma_start3A, %dma_start3A_1, %dma_start3A_2] : memref<32x250x2x40xi32, #tpu.memory_space<hbm>> -> memref<1x1x2x40xi32, #tpu.memory_space<hbm>>
    %dma_start3A_4 = tpu.memref_squeeze %dma_start3A_3 : memref<1x1x2x40xi32, #tpu.memory_space<hbm>> -> memref<2x40xi32, #tpu.memory_space<hbm>>
    %dma_start3A_5 = arith.constant 0 : i32
    %dma_start3A_6 = arith.constant 0 : i32
    %dma_start3A_7 = tpu.memref_slice %arg4[%add3A, %dma_start3A, %dma_start3A_5, %dma_start3A_6] : memref<32x250x2x40xi32, #tpu.memory_space<hbm>> -> memref<1x1x2x40xi32, #tpu.memory_space<hbm>>
    %dma_start3A_8 = tpu.memref_squeeze %dma_start3A_7 : memref<1x1x2x40xi32, #tpu.memory_space<hbm>> -> memref<2x40xi32, #tpu.memory_space<hbm>>
    tpu.enqueue_dma source(%dma_start3A_8 : memref<2x40xi32, #tpu.memory_space<hbm>>) target(%arg6 : memref<2x40xi32, #tpu.memory_space<vmem>>) target_semaphore(%arg20 : memref<!tpu.dma_semaphore, #tpu.memory_space<semaphore_mem>>)
    %dma_start3A_9 = arith.constant 1 : i32
    %dma_start3A_10 = arith.constant 0 : i32
    %dma_start3A_11 = arith.constant 0 : i32
    %dma_start3A_12 = tpu.memref_slice %arg4[%add3A, %dma_start3A_9, %dma_start3A_10, %dma_start3A_11] : memref<32x250x2x40xi32, #tpu.memory_space<hbm>> -> memref<1x1x2x40xi32, #tpu.memory_space<hbm>>
    %dma_start3A_13 = tpu.memref_squeeze %dma_start3A_12 : memref<1x1x2x40xi32, #tpu.memory_space<hbm>> -> memref<2x40xi32, #tpu.memory_space<hbm>>
    %dma_start3A_14 = arith.constant 0 : i32
    %dma_start3A_15 = arith.constant 0 : i32
    %dma_start3A_16 = tpu.memref_slice %arg4[%add3A, %dma_start3A_9, %dma_start3A_14, %dma_start3A_15] : memref<32x250x2x40xi32, #tpu.memory_space<hbm>> -> memref<1x1x2x40xi32, #tpu.memory_space<hbm>>
    %dma_start3A_17 = tpu.memref_squeeze %dma_start3A_16 : memref<1x1x2x40xi32, #tpu.memory_space<hbm>> -> memref<2x40xi32, #tpu.memory_space<hbm>>
    tpu.enqueue_dma source(%dma_start3A_17 : memref<2x40xi32, #tpu.memory_space<hbm>>) target(%arg7 : memref<2x40xi32, #tpu.memory_space<vmem>>) target_semaphore(%arg21 : memref<!tpu.dma_semaphore, #tpu.memory_space<semaphore_mem>>)
    %dma_start3A_18 = arith.constant 2 : i32
    %dma_start3A_19 = arith.constant 0 : i32
    %dma_start3A_20 = arith.constant 0 : i32
    %dma_start3A_21 = tpu.memref_slice %arg4[%add3A, %dma_start3A_18, %dma_start3A_19, %dma_start3A_20] : memref<32x250x2x40xi32, #tpu.memory_space<hbm>> -> memref<1x1x2x40xi32, #tpu.memory_space<hbm>>
    %dma_start3A_22 = tpu.memref_squeeze %dma_start3A_21 : memref<1x1x2x40xi32, #tpu.memory_space<hbm>> -> memref<2x40xi32, #tpu.memory_space<hbm>>
    %dma_start3A_23 = arith.constant 0 : i32
    %dma_start3A_24 = arith.constant 0 : i32
    %dma_start3A_25 = tpu.memref_slice %arg4[%add3A, %dma_start3A_18, %dma_start3A_23, %dma_start3A_24] : memref<32x250x2x40xi32, #tpu.memory_space<hbm>> -> memref<1x1x2x40xi32, #tpu.memory_space<hbm>>
    %dma_start3A_26 = tpu.memref_squeeze %dma_start3A_25 : memref<1x1x2x40xi32, #tpu.memory_space<hbm>> -> memref<2x40xi32, #tpu.memory_space<hbm>>
    tpu.enqueue_dma source(%dma_start3A_26 : memref<2x40xi32, #tpu.memory_space<hbm>>) target(%arg8 : memref<2x40xi32, #tpu.memory_space<vmem>>) target_semaphore(%arg22 : memref<!tpu.dma_semaphore, #tpu.memory_space<semaphore_mem>>)
    %dma_wait3A = arith.constant 0 : i32
    %dma_wait3A_27 = arith.constant 0 : i32
    %dma_wait3A_28 = arith.constant 0 : i32
    %dma_wait3A_29 = tpu.memref_slice %arg4[%add3A, %dma_wait3A, %dma_wait3A_27, %dma_wait3A_28] : memref<32x250x2x40xi32, #tpu.memory_space<hbm>> -> memref<1x1x2x40xi32, #tpu.memory_space<hbm>>
    %dma_wait3A_30 = tpu.memref_squeeze %dma_wait3A_29 : memref<1x1x2x40xi32, #tpu.memory_space<hbm>> -> memref<2x40xi32, #tpu.memory_space<hbm>>
    %dma_wait3A_31 = arith.constant 0 : i32
    %dma_wait3A_32 = arith.constant 0 : i32
    %dma_wait3A_33 = tpu.memref_slice %arg4[%add3A, %dma_wait3A, %dma_wait3A_31, %dma_wait3A_32] : memref<32x250x2x40xi32, #tpu.memory_space<hbm>> -> memref<1x1x2x40xi32, #tpu.memory_space<hbm>>
    %dma_wait3A_34 = tpu.memref_squeeze %dma_wait3A_33 : memref<1x1x2x40xi32, #tpu.memory_space<hbm>> -> memref<2x40xi32, #tpu.memory_space<hbm>>
    tpu.wait_dma2 semaphore(%arg20 : memref<!tpu.dma_semaphore, #tpu.memory_space<semaphore_mem>>) src(%dma_wait3A_34 : memref<2x40xi32, #tpu.memory_space<hbm>>) dst(%arg6 : memref<2x40xi32, #tpu.memory_space<vmem>>)
    %dma_start3A_35 = arith.constant 0 : i32
    %dma_start3A_36 = arith.constant 0 : i32
    %dma_start3A_37 = tpu.memref_slice %arg6[%dma_start3A_35, %dma_start3A_36] : memref<2x40xi32, #tpu.memory_space<vmem>> -> memref<1x40xi32, #tpu.memory_space<vmem>>
    %dma_start3A_38 = tpu.memref_squeeze %dma_start3A_37 : memref<1x40xi32, #tpu.memory_space<vmem>> -> memref<40xi32, #tpu.memory_space<vmem>>
    %dma_start3A_39 = arith.constant 0 : i32
    %dma_start3A_40 = arith.constant 0 : i32
    %dma_start3A_41 = tpu.memref_slice %arg2[%dma_start3A_39, %dma_start3A_40] : memref<10000x128xf32, #tpu.memory_space<hbm>> -> memref<10000x128xf32, #tpu.memory_space<hbm>>
    tpu.enqueue_indirect_dma source(%dma_start3A_41 : memref<10000x128xf32, #tpu.memory_space<hbm>>) target(%arg14 : memref<40x128xf32, #tpu.memory_space<vmem>>) offsets(%dma_start3A_38 : memref<40xi32, #tpu.memory_space<vmem>>) semaphore(%arg28 : memref<!tpu.dma_semaphore, #tpu.memory_space<semaphore_mem>>)
    %mul3A_42 = arith.constant 10000 : i32
    %mul3A_43 = arith.muli %add3A, %mul3A_42 : i32
    %add3A_44 = arith.constant 0 : i32
    %add3A_45 = arith.addi %mul3A_43, %add3A_44 : i32
    %dma_start3A_46 = arith.constant 0 : i32
    %dma_start3A_47 = tpu.memref_slice %arg3[%add3A_45, %dma_start3A_46] : memref<320000x64xi32, #tpu.memory_space<hbm>> -> memref<40x64xi32, #tpu.memory_space<hbm>>
    %dma_start3A_48 = arith.constant 0 : i32
    %dma_start3A_49 = tpu.memref_slice %arg3[%add3A_45, %dma_start3A_48] : memref<320000x64xi32, #tpu.memory_space<hbm>> -> memref<40x64xi32, #tpu.memory_space<hbm>>
    tpu.enqueue_dma source(%dma_start3A_49 : memref<40x64xi32, #tpu.memory_space<hbm>>) target(%arg10 : memref<40x64xi32, #tpu.memory_space<vmem>>) target_semaphore(%arg24 : memref<!tpu.dma_semaphore, #tpu.memory_space<semaphore_mem>>)
    %dma_wait3A_50 = arith.constant 0 : i32
    %dma_wait3A_51 = arith.constant 0 : i32
    %dma_wait3A_52 = arith.constant 0 : i32
    %dma_wait3A_53 = tpu.memref_slice %arg4[%add3A, %dma_wait3A_50, %dma_wait3A_51, %dma_wait3A_52] : memref<32x250x2x40xi32, #tpu.memory_space<hbm>> -> memref<1x1x2x40xi32, #tpu.memory_space<hbm>>
    %dma_wait3A_54 = tpu.memref_squeeze %dma_wait3A_53 : memref<1x1x2x40xi32, #tpu.memory_space<hbm>> -> memref<2x40xi32, #tpu.memory_space<hbm>>
    %dma_wait3A_55 = arith.constant 0 : i32
    %dma_wait3A_56 = arith.constant 0 : i32
    %dma_wait3A_57 = tpu.memref_slice %arg4[%add3A, %dma_wait3A_50, %dma_wait3A_55, %dma_wait3A_56] : memref<32x250x2x40xi32, #tpu.memory_space<hbm>> -> memref<1x1x2x40xi32, #tpu.memory_space<hbm>>
    %dma_wait3A_58 = tpu.memref_squeeze %dma_wait3A_57 : memref<1x1x2x40xi32, #tpu.memory_space<hbm>> -> memref<2x40xi32, #tpu.memory_space<hbm>>
    tpu.wait_dma2 semaphore(%arg21 : memref<!tpu.dma_semaphore, #tpu.memory_space<semaphore_mem>>) src(%dma_wait3A_58 : memref<2x40xi32, #tpu.memory_space<hbm>>) dst(%arg7 : memref<2x40xi32, #tpu.memory_space<vmem>>)
    %dma_start3A_59 = arith.constant 0 : i32
    %dma_start3A_60 = arith.constant 0 : i32
    %dma_start3A_61 = tpu.memref_slice %arg7[%dma_start3A_59, %dma_start3A_60] : memref<2x40xi32, #tpu.memory_space<vmem>> -> memref<1x40xi32, #tpu.memory_space<vmem>>
    %dma_start3A_62 = tpu.memref_squeeze %dma_start3A_61 : memref<1x40xi32, #tpu.memory_space<vmem>> -> memref<40xi32, #tpu.memory_space<vmem>>
    %dma_start3A_63 = arith.constant 0 : i32
    %dma_start3A_64 = arith.constant 0 : i32
    %dma_start3A_65 = tpu.memref_slice %arg2[%dma_start3A_63, %dma_start3A_64] : memref<10000x128xf32, #tpu.memory_space<hbm>> -> memref<10000x128xf32, #tpu.memory_space<hbm>>
    tpu.enqueue_indirect_dma source(%dma_start3A_65 : memref<10000x128xf32, #tpu.memory_space<hbm>>) target(%arg15 : memref<40x128xf32, #tpu.memory_space<vmem>>) offsets(%dma_start3A_62 : memref<40xi32, #tpu.memory_space<vmem>>) semaphore(%arg29 : memref<!tpu.dma_semaphore, #tpu.memory_space<semaphore_mem>>)
    %mul3A_66 = arith.constant 10000 : i32
    %mul3A_67 = arith.muli %add3A, %mul3A_66 : i32
    %add3A_68 = arith.constant 40 : i32
    %add3A_69 = arith.addi %mul3A_67, %add3A_68 : i32
    %dma_start3A_70 = arith.constant 0 : i32
    %dma_start3A_71 = tpu.memref_slice %arg3[%add3A_69, %dma_start3A_70] : memref<320000x64xi32, #tpu.memory_space<hbm>> -> memref<40x64xi32, #tpu.memory_space<hbm>>
    %dma_start3A_72 = arith.constant 0 : i32
    %dma_start3A_73 = tpu.memref_slice %arg3[%add3A_69, %dma_start3A_72] : memref<320000x64xi32, #tpu.memory_space<hbm>> -> memref<40x64xi32, #tpu.memory_space<hbm>>
    tpu.enqueue_dma source(%dma_start3A_73 : memref<40x64xi32, #tpu.memory_space<hbm>>) target(%arg11 : memref<40x64xi32, #tpu.memory_space<vmem>>) target_semaphore(%arg25 : memref<!tpu.dma_semaphore, #tpu.memory_space<semaphore_mem>>)
    %broadcast_in_dim3A = arith.constant 0.000000e+00 : f32
    %broadcast_in_dim3A_74 = vector.broadcast %broadcast_in_dim3A : f32 to vector<16xf32>
    %swap3A = arith.constant 0 : i32
    %swap3A_75 = arith.index_cast %swap3A : i32 to index
    %swap3A_76 = arith.constant 0 : index
    %swap3A_77 = tpu.vector_load %arg18[%swap3A_75, %swap3A_76] {strides = array<i32>} : memref<16x128xf32, #tpu.memory_space<vmem>>, vector<1x16xf32>,
    %swap3A_78 = vector.shape_cast %swap3A_77 : vector<1x16xf32> to vector<16xf32>
    %swap3A_79 = vector.shape_cast %broadcast_in_dim3A_74 : vector<16xf32> to vector<1x16xf32>
    tpu.vector_store %arg18[%swap3A_75, %swap3A_76], %swap3A_79 {strides = array<i32>} : memref<16x128xf32, #tpu.memory_space<vmem>>, vector<1x16xf32>,
    %broadcast_in_dim3A_80 = arith.constant 0.000000e+00 : f32
    %broadcast_in_dim3A_81 = vector.broadcast %broadcast_in_dim3A_80 : f32 to vector<16xf32>
    %swap3A_82 = arith.constant 0 : i32
    %swap3A_83 = arith.index_cast %swap3A_82 : i32 to index
    %swap3A_84 = arith.constant 16 : index
    %swap3A_85 = tpu.vector_load %arg18[%swap3A_83, %swap3A_84] {strides = array<i32>} : memref<16x128xf32, #tpu.memory_space<vmem>>, vector<1x16xf32>,
    %swap3A_86 = vector.shape_cast %swap3A_85 : vector<1x16xf32> to vector<16xf32>
    %swap3A_87 = vector.shape_cast %broadcast_in_dim3A_81 : vector<16xf32> to vector<1x16xf32>
    tpu.vector_store %arg18[%swap3A_83, %swap3A_84], %swap3A_87 {strides = array<i32>} : memref<16x128xf32, #tpu.memory_space<vmem>>, vector<1x16xf32>,
    %broadcast_in_dim3A_88 = arith.constant 0.000000e+00 : f32
    %broadcast_in_dim3A_89 = vector.broadcast %broadcast_in_dim3A_88 : f32 to vector<16xf32>
    %swap3A_90 = arith.constant 0 : i32
    %swap3A_91 = arith.index_cast %swap3A_90 : i32 to index
    %swap3A_92 = arith.constant 32 : index
    %swap3A_93 = tpu.vector_load %arg18[%swap3A_91, %swap3A_92] {strides = array<i32>} : memref<16x128xf32, #tpu.memory_space<vmem>>, vector<1x16xf32>,
    %swap3A_94 = vector.shape_cast %swap3A_93 : vector<1x16xf32> to vector<16xf32>
    %swap3A_95 = vector.shape_cast %broadcast_in_dim3A_89 : vector<16xf32> to vector<1x16xf32>
    tpu.vector_store %arg18[%swap3A_91, %swap3A_92], %swap3A_95 {strides = array<i32>} : memref<16x128xf32, #tpu.memory_space<vmem>>, vector<1x16xf32>,
    %broadcast_in_dim3A_96 = arith.constant 0.000000e+00 : f32
    %broadcast_in_dim3A_97 = vector.broadcast %broadcast_in_dim3A_96 : f32 to vector<16xf32>
    %swap3A_98 = arith.constant 0 : i32
    %swap3A_99 = arith.index_cast %swap3A_98 : i32 to index
    %swap3A_100 = arith.constant 48 : index
    %swap3A_101 = tpu.vector_load %arg18[%swap3A_99, %swap3A_100] {strides = array<i32>} : memref<16x128xf32, #tpu.memory_space<vmem>>, vector<1x16xf32>,
    %swap3A_102 = vector.shape_cast %swap3A_101 : vector<1x16xf32> to vector<16xf32>
    %swap3A_103 = vector.shape_cast %broadcast_in_dim3A_97 : vector<16xf32> to vector<1x16xf32>
    tpu.vector_store %arg18[%swap3A_99, %swap3A_100], %swap3A_103 {strides = array<i32>} : memref<16x128xf32, #tpu.memory_space<vmem>>, vector<1x16xf32>,
    %broadcast_in_dim3A_104 = arith.constant 0.000000e+00 : f32
    %broadcast_in_dim3A_105 = vector.broadcast %broadcast_in_dim3A_104 : f32 to vector<16xf32>
    %swap3A_106 = arith.constant 0 : i32
    %swap3A_107 = arith.index_cast %swap3A_106 : i32 to index
    %swap3A_108 = arith.constant 64 : index
    %swap3A_109 = tpu.vector_load %arg18[%swap3A_107, %swap3A_108] {strides = array<i32>} : memref<16x128xf32, #tpu.memory_space<vmem>>, vector<1x16xf32>,
    %swap3A_110 = vector.shape_cast %swap3A_109 : vector<1x16xf32> to vector<16xf32>
    %swap3A_111 = vector.shape_cast %broadcast_in_dim3A_105 : vector<16xf32> to vector<1x16xf32>
    tpu.vector_store %arg18[%swap3A_107, %swap3A_108], %swap3A_111 {strides = array<i32>} : memref<16x128xf32, #tpu.memory_space<vmem>>, vector<1x16xf32>,
    %broadcast_in_dim3A_112 = arith.constant 0.000000e+00 : f32
    %broadcast_in_dim3A_113 = vector.broadcast %broadcast_in_dim3A_112 : f32 to vector<16xf32>
    %swap3A_114 = arith.constant 0 : i32
    %swap3A_115 = arith.index_cast %swap3A_114 : i32 to index
    %swap3A_116 = arith.constant 80 : index
    %swap3A_117 = tpu.vector_load %arg18[%swap3A_115, %swap3A_116] {strides = array<i32>} : memref<16x128xf32, #tpu.memory_space<vmem>>, vector<1x16xf32>,
    %swap3A_118 = vector.shape_cast %swap3A_117 : vector<1x16xf32> to vector<16xf32>
    %swap3A_119 = vector.shape_cast %broadcast_in_dim3A_113 : vector<16xf32> to vector<1x16xf32>
    tpu.vector_store %arg18[%swap3A_115, %swap3A_116], %swap3A_119 {strides = array<i32>} : memref<16x128xf32, #tpu.memory_space<vmem>>, vector<1x16xf32>,
    %broadcast_in_dim3A_120 = arith.constant 0.000000e+00 : f32
    %broadcast_in_dim3A_121 = vector.broadcast %broadcast_in_dim3A_120 : f32 to vector<16xf32>
    %swap3A_122 = arith.constant 0 : i32
    %swap3A_123 = arith.index_cast %swap3A_122 : i32 to index
    %swap3A_124 = arith.constant 96 : index
    %swap3A_125 = tpu.vector_load %arg18[%swap3A_123, %swap3A_124] {strides = array<i32>} : memref<16x128xf32, #tpu.memory_space<vmem>>, vector<1x16xf32>,
    %swap3A_126 = vector.shape_cast %swap3A_125 : vector<1x16xf32> to vector<16xf32>
    %swap3A_127 = vector.shape_cast %broadcast_in_dim3A_121 : vector<16xf32> to vector<1x16xf32>
    tpu.vector_store %arg18[%swap3A_123, %swap3A_124], %swap3A_127 {strides = array<i32>} : memref<16x128xf32, #tpu.memory_space<vmem>>, vector<1x16xf32>,
    %broadcast_in_dim3A_128 = arith.constant 0.000000e+00 : f32
    %broadcast_in_dim3A_129 = vector.broadcast %broadcast_in_dim3A_128 : f32 to vector<16xf32>
    %swap3A_130 = arith.constant 0 : i32
    %swap3A_131 = arith.index_cast %swap3A_130 : i32 to index
    %swap3A_132 = arith.constant 112 : index
    %swap3A_133 = tpu.vector_load %arg18[%swap3A_131, %swap3A_132] {strides = array<i32>} : memref<16x128xf32, #tpu.memory_space<vmem>>, vector<1x16xf32>,
    %swap3A_134 = vector.shape_cast %swap3A_133 : vector<1x16xf32> to vector<16xf32>
    %swap3A_135 = vector.shape_cast %broadcast_in_dim3A_129 : vector<16xf32> to vector<1x16xf32>
    tpu.vector_store %arg18[%swap3A_131, %swap3A_132], %swap3A_135 {strides = array<i32>} : memref<16x128xf32, #tpu.memory_space<vmem>>, vector<1x16xf32>,
    %broadcast_in_dim3A_136 = arith.constant 0.000000e+00 : f32
    %broadcast_in_dim3A_137 = vector.broadcast %broadcast_in_dim3A_136 : f32 to vector<16xf32>
    %swap3A_138 = arith.constant 1 : i32
    %swap3A_139 = arith.index_cast %swap3A_138 : i32 to index
    %swap3A_140 = arith.constant 0 : index
    %swap3A_141 = tpu.vector_load %arg18[%swap3A_139, %swap3A_140] {strides = array<i32>} : memref<16x128xf32, #tpu.memory_space<vmem>>, vector<1x16xf32>,
    %swap3A_142 = vector.shape_cast %swap3A_141 : vector<1x16xf32> to vector<16xf32>
    %swap3A_143 = vector.shape_cast %broadcast_in_dim3A_137 : vector<16xf32> to vector<1x16xf32>
    tpu.vector_store %arg18[%swap3A_139, %swap3A_140], %swap3A_143 {strides = array<i32>} : memref<16x128xf32, #tpu.memory_space<vmem>>, vector<1x16xf32>,
    %broadcast_in_dim3A_144 = arith.constant 0.000000e+00 : f32
    %broadcast_in_dim3A_145 = vector.broadcast %broadcast_in_dim3A_144 : f32 to vector<16xf32>
    %swap3A_146 = arith.constant 1 : i32
    %swap3A_147 = arith.index_cast %swap3A_146 : i32 to index
    %swap3A_148 = arith.constant 16 : index
    %swap3A_149 = tpu.vector_load %arg18[%swap3A_147, %swap3A_148] {strides = array<i32>} : memref<16x128xf32, #tpu.memory_space<vmem>>, vector<1x16xf32>,
    %swap3A_150 = vector.shape_cast %swap3A_149 : vector<1x16xf32> to vector<16xf32>
    %swap3A_151 = vector.shape_cast %broadcast_in_dim3A_145 : vector<16xf32> to vector<1x16xf32>
    tpu.vector_store %arg18[%swap3A_147, %swap3A_148], %swap3A_151 {strides = array<i32>} : memref<16x128xf32, #tpu.memory_space<vmem>>, vector<1x16xf32>,
    %broadcast_in_dim3A_152 = arith.constant 0.000000e+00 : f32
    %broadcast_in_dim3A_153 = vector.broadcast %broadcast_in_dim3A_152 : f32 to vector<16xf32>
    %swap3A_154 = arith.constant 1 : i32
    %swap3A_155 = arith.index_cast %swap3A_154 : i32 to index
    %swap3A_156 = arith.constant 32 : index
    %swap3A_157 = tpu.vector_load %arg18[%swap3A_155, %swap3A_156] {strides = array<i32>} : memref<16x128xf32, #tpu.memory_space<vmem>>, vector<1x16xf32>,
    %swap3A_158 = vector.shape_cast %swap3A_157 : vector<1x16xf32> to vector<16xf32>
    %swap3A_159 = vector.shape_cast %broadcast_in_dim3A_153 : vector<16xf32> to vector<1x16xf32>
    tpu.vector_store %arg18[%swap3A_155, %swap3A_156], %swap3A_159 {strides = array<i32>} : memref<16x128xf32, #tpu.memory_space<vmem>>, vector<1x16xf32>,
    %broadcast_in_dim3A_160 = arith.constant 0.000000e+00 : f32
    %broadcast_in_dim3A_161 = vector.broadcast %broadcast_in_dim3A_160 : f32 to vector<16xf32>
    %swap3A_162 = arith.constant 1 : i32
    %swap3A_163 = arith.index_cast %swap3A_162 : i32 to index
    %swap3A_164 = arith.constant 48 : index
    %swap3A_165 = tpu.vector_load %arg18[%swap3A_163, %swap3A_164] {strides = array<i32>} : memref<16x128xf32, #tpu.memory_space<vmem>>, vector<1x16xf32>,
    %swap3A_166 = vector.shape_cast %swap3A_165 : vector<1x16xf32> to vector<16xf32>
    %swap3A_167 = vector.shape_cast %broadcast_in_dim3A_161 : vector<16xf32> to vector<1x16xf32>
    tpu.vector_store %arg18[%swap3A_163, %swap3A_164], %swap3A_167 {strides = array<i32>} : memref<16x128xf32, #tpu.memory_space<vmem>>, vector<1x16xf32>,
    %broadcast_in_dim3A_168 = arith.constant 0.000000e+00 : f32
    %broadcast_in_dim3A_169 = vector.broadcast %broadcast_in_dim3A_168 : f32 to vector<16xf32>
    %swap3A_170 = arith.constant 1 : i32
    %swap3A_171 = arith.index_cast %swap3A_170 : i32 to index
    %swap3A_172 = arith.constant 64 : index
    %swap3A_173 = tpu.vector_load %arg18[%swap3A_171, %swap3A_172] {strides = array<i32>} : memref<16x128xf32, #tpu.memory_space<vmem>>, vector<1x16xf32>,
    %swap3A_174 = vector.shape_cast %swap3A_173 : vector<1x16xf32> to vector<16xf32>
    %swap3A_175 = vector.shape_cast %broadcast_in_dim3A_169 : vector<16xf32> to vector<1x16xf32>
    tpu.vector_store %arg18[%swap3A_171, %swap3A_172], %swap3A_175 {strides = array<i32>} : memref<16x128xf32, #tpu.memory_space<vmem>>, vector<1x16xf32>,
    %broadcast_in_dim3A_176 = arith.constant 0.000000e+00 : f32
    %broadcast_in_dim3A_177 = vector.broadcast %broadcast_in_dim3A_176 : f32 to vector<16xf32>
    %swap3A_178 = arith.constant 1 : i32
    %swap3A_179 = arith.index_cast %swap3A_178 : i32 to index
    %swap3A_180 = arith.constant 80 : index
    %swap3A_181 = tpu.vector_load %arg18[%swap3A_179, %swap3A_180] {strides = array<i32>} : memref<16x128xf32, #tpu.memory_space<vmem>>, vector<1x16xf32>,
    %swap3A_182 = vector.shape_cast %swap3A_181 : vector<1x16xf32> to vector<16xf32>
    %swap3A_183 = vector.shape_cast %broadcast_in_dim3A_177 : vector<16xf32> to vector<1x16xf32>
    tpu.vector_store %arg18[%swap3A_179, %swap3A_180], %swap3A_183 {strides = array<i32>} : memref<16x128xf32, #tpu.memory_space<vmem>>, vector<1x16xf32>,
    %broadcast_in_dim3A_184 = arith.constant 0.000000e+00 : f32
    %broadcast_in_dim3A_185 = vector.broadcast %broadcast_in_dim3A_184 : f32 to vector<16xf32>
    %swap3A_186 = arith.constant 1 : i32
    %swap3A_187 = arith.index_cast %swap3A_186 : i32 to index
    %swap3A_188 = arith.constant 96 : index
    %swap3A_189 = tpu.vector_load %arg18[%swap3A_187, %swap3A_188] {strides = array<i32>} : memref<16x128xf32, #tpu.memory_space<vmem>>, vector<1x16xf32>,
    %swap3A_190 = vector.shape_cast %swap3A_189 : vector<1x16xf32> to vector<16xf32>
    %swap3A_191 = vector.shape_cast %broadcast_in_dim3A_185 : vector<16xf32> to vector<1x16xf32>
    tpu.vector_store %arg18[%swap3A_187, %swap3A_188], %swap3A_191 {strides = array<i32>} : memref<16x128xf32, #tpu.memory_space<vmem>>, vector<1x16xf32>,
    %broadcast_in_dim3A_192 = arith.constant 0.000000e+00 : f32
    %broadcast_in_dim3A_193 = vector.broadcast %broadcast_in_dim3A_192 : f32 to vector<16xf32>
    %swap3A_194 = arith.constant 1 : i32
    %swap3A_195 = arith.index_cast %swap3A_194 : i32 to index
    %swap3A_196 = arith.constant 112 : index
    %swap3A_197 = tpu.vector_load %arg18[%swap3A_195, %swap3A_196] {strides = array<i32>} : memref<16x128xf32, #tpu.memory_space<vmem>>, vector<1x16xf32>,
    %swap3A_198 = vector.shape_cast %swap3A_197 : vector<1x16xf32> to vector<16xf32>
    %swap3A_199 = vector.shape_cast %broadcast_in_dim3A_193 : vector<16xf32> to vector<1x16xf32>
    tpu.vector_store %arg18[%swap3A_195, %swap3A_196], %swap3A_199 {strides = array<i32>} : memref<16x128xf32, #tpu.memory_space<vmem>>, vector<1x16xf32>,
    %broadcast_in_dim3A_200 = arith.constant 0.000000e+00 : f32
    %broadcast_in_dim3A_201 = vector.broadcast %broadcast_in_dim3A_200 : f32 to vector<16xf32>
    %swap3A_202 = arith.constant 2 : i32
    %swap3A_203 = arith.index_cast %swap3A_202 : i32 to index
    %swap3A_204 = arith.constant 0 : index
    %swap3A_205 = tpu.vector_load %arg18[%swap3A_203, %swap3A_204] {strides = array<i32>} : memref<16x128xf32, #tpu.memory_space<vmem>>, vector<1x16xf32>,
    %swap3A_206 = vector.shape_cast %swap3A_205 : vector<1x16xf32> to vector<16xf32>
    %swap3A_207 = vector.shape_cast %broadcast_in_dim3A_201 : vector<16xf32> to vector<1x16xf32>
    tpu.vector_store %arg18[%swap3A_203, %swap3A_204], %swap3A_207 {strides = array<i32>} : memref<16x128xf32, #tpu.memory_space<vmem>>, vector<1x16xf32>,
    %broadcast_in_dim3A_208 = arith.constant 0.000000e+00 : f32
    %broadcast_in_dim3A_209 = vector.broadcast %broadcast_in_dim3A_208 : f32 to vector<16xf32>
    %swap3A_210 = arith.constant 2 : i32
    %swap3A_211 = arith.index_cast %swap3A_210 : i32 to index
    %swap3A_212 = arith.constant 16 : index
    %swap3A_213 = tpu.vector_load %arg18[%swap3A_211, %swap3A_212] {strides = array<i32>} : memref<16x128xf32, #tpu.memory_space<vmem>>, vector<1x16xf32>,
    %swap3A_214 = vector.shape_cast %swap3A_213 : vector<1x16xf32> to vector<16xf32>
    %swap3A_215 = vector.shape_cast %broadcast_in_dim3A_209 : vector<16xf32> to vector<1x16xf32>
    tpu.vector_store %arg18[%swap3A_211, %swap3A_212], %swap3A_215 {strides = array<i32>} : memref<16x128xf32, #tpu.memory_space<vmem>>, vector<1x16xf32>,
    %broadcast_in_dim3A_216 = arith.constant 0.000000e+00 : f32
    %broadcast_in_dim3A_217 = vector.broadcast %broadcast_in_dim3A_216 : f32 to vector<16xf32>
    %swap3A_218 = arith.constant 2 : i32
    %swap3A_219 = arith.index_cast %swap3A_218 : i32 to index
    %swap3A_220 = arith.constant 32 : index
    %swap3A_221 = tpu.vector_load %arg18[%swap3A_219, %swap3A_220] {strides = array<i32>} : memref<16x128xf32, #tpu.memory_space<vmem>>, vector<1x16xf32>,
    %swap3A_222 = vector.shape_cast %swap3A_221 : vector<1x16xf32> to vector<16xf32>
    %swap3A_223 = vector.shape_cast %broadcast_in_dim3A_217 : vector<16xf32> to vector<1x16xf32>
    tpu.vector_store %arg18[%swap3A_219, %swap3A_220], %swap3A_223 {strides = array<i32>} : memref<16x128xf32, #tpu.memory_space<vmem>>, vector<1x16xf32>,
    %broadcast_in_dim3A_224 = arith.constant 0.000000e+00 : f32
    %broadcast_in_dim3A_225 = vector.broadcast %broadcast_in_dim3A_224 : f32 to vector<16xf32>
    %swap3A_226 = arith.constant 2 : i32
    %swap3A_227 = arith.index_cast %swap3A_226 : i32 to index
    %swap3A_228 = arith.constant 48 : index
    %swap3A_229 = tpu.vector_load %arg18[%swap3A_227, %swap3A_228] {strides = array<i32>} : memref<16x128xf32, #tpu.memory_space<vmem>>, vector<1x16xf32>,
    %swap3A_230 = vector.shape_cast %swap3A_229 : vector<1x16xf32> to vector<16xf32>
    %swap3A_231 = vector.shape_cast %broadcast_in_dim3A_225 : vector<16xf32> to vector<1x16xf32>
    tpu.vector_store %arg18[%swap3A_227, %swap3A_228], %swap3A_231 {strides = array<i32>} : memref<16x128xf32, #tpu.memory_space<vmem>>, vector<1x16xf32>,
    %broadcast_in_dim3A_232 = arith.constant 0.000000e+00 : f32
    %broadcast_in_dim3A_233 = vector.broadcast %broadcast_in_dim3A_232 : f32 to vector<16xf32>
    %swap3A_234 = arith.constant 2 : i32
    %swap3A_235 = arith.index_cast %swap3A_234 : i32 to index
    %swap3A_236 = arith.constant 64 : index
    %swap3A_237 = tpu.vector_load %arg18[%swap3A_235, %swap3A_236] {strides = array<i32>} : memref<16x128xf32, #tpu.memory_space<vmem>>, vector<1x16xf32>,
    %swap3A_238 = vector.shape_cast %swap3A_237 : vector<1x16xf32> to vector<16xf32>
    %swap3A_239 = vector.shape_cast %broadcast_in_dim3A_233 : vector<16xf32> to vector<1x16xf32>
    tpu.vector_store %arg18[%swap3A_235, %swap3A_236], %swap3A_239 {strides = array<i32>} : memref<16x128xf32, #tpu.memory_space<vmem>>, vector<1x16xf32>,
    %broadcast_in_dim3A_240 = arith.constant 0.000000e+00 : f32
    %broadcast_in_dim3A_241 = vector.broadcast %broadcast_in_dim3A_240 : f32 to vector<16xf32>
    %swap3A_242 = arith.constant 2 : i32
    %swap3A_243 = arith.index_cast %swap3A_242 : i32 to index
    %swap3A_244 = arith.constant 80 : index
    %swap3A_245 = tpu.vector_load %arg18[%swap3A_243, %swap3A_244] {strides = array<i32>} : memref<16x128xf32, #tpu.memory_space<vmem>>, vector<1x16xf32>,
    %swap3A_246 = vector.shape_cast %swap3A_245 : vector<1x16xf32> to vector<16xf32>
    %swap3A_247 = vector.shape_cast %broadcast_in_dim3A_241 : vector<16xf32> to vector<1x16xf32>
    tpu.vector_store %arg18[%swap3A_243, %swap3A_244], %swap3A_247 {strides = array<i32>} : memref<16x128xf32, #tpu.memory_space<vmem>>, vector<1x16xf32>,
    %broadcast_in_dim3A_248 = arith.constant 0.000000e+00 : f32
    %broadcast_in_dim3A_249 = vector.broadcast %broadcast_in_dim3A_248 : f32 to vector<16xf32>
    %swap3A_250 = arith.constant 2 : i32
    %swap3A_251 = arith.index_cast %swap3A_250 : i32 to index
    %swap3A_252 = arith.constant 96 : index
    %swap3A_253 = tpu.vector_load %arg18[%swap3A_251, %swap3A_252] {strides = array<i32>} : memref<16x128xf32, #tpu.memory_space<vmem>>, vector<1x16xf32>,
    %swap3A_254 = vector.shape_cast %swap3A_253 : vector<1x16xf32> to vector<16xf32>
    %swap3A_255 = vector.shape_cast %broadcast_in_dim3A_249 : vector<16xf32> to vector<1x16xf32>
    tpu.vector_store %arg18[%swap3A_251, %swap3A_252], %swap3A_255 {strides = array<i32>} : memref<16x128xf32, #tpu.memory_space<vmem>>, vector<1x16xf32>,
    %broadcast_in_dim3A_256 = arith.constant 0.000000e+00 : f32
    %broadcast_in_dim3A_257 = vector.broadcast %broadcast_in_dim3A_256 : f32 to vector<16xf32>
    %swap3A_258 = arith.constant 2 : i32
    %swap3A_259 = arith.index_cast %swap3A_258 : i32 to index
    %swap3A_260 = arith.constant 112 : index
    %swap3A_261 = tpu.vector_load %arg18[%swap3A_259, %swap3A_260] {strides = array<i32>} : memref<16x128xf32, #tpu.memory_space<vmem>>, vector<1x16xf32>,
    %swap3A_262 = vector.shape_cast %swap3A_261 : vector<1x16xf32> to vector<16xf32>
    %swap3A_263 = vector.shape_cast %broadcast_in_dim3A_257 : vector<16xf32> to vector<1x16xf32>
    tpu.vector_store %arg18[%swap3A_259, %swap3A_260], %swap3A_263 {strides = array<i32>} : memref<16x128xf32, #tpu.memory_space<vmem>>, vector<1x16xf32>,
    %broadcast_in_dim3A_264 = arith.constant 0.000000e+00 : f32
    %broadcast_in_dim3A_265 = vector.broadcast %broadcast_in_dim3A_264 : f32 to vector<16xf32>
    %swap3A_266 = arith.constant 3 : i32
    %swap3A_267 = arith.index_cast %swap3A_266 : i32 to index
    %swap3A_268 = arith.constant 0 : index
    %swap3A_269 = tpu.vector_load %arg18[%swap3A_267, %swap3A_268] {strides = array<i32>} : memref<16x128xf32, #tpu.memory_space<vmem>>, vector<1x16xf32>,
    %swap3A_270 = vector.shape_cast %swap3A_269 : vector<1x16xf32> to vector<16xf32>
    %swap3A_271 = vector.shape_cast %broadcast_in_dim3A_265 : vector<16xf32> to vector<1x16xf32>
    tpu.vector_store %arg18[%swap3A_267, %swap3A_268], %swap3A_271 {strides = array<i32>} : memref<16x128xf32, #tpu.memory_space<vmem>>, vector<1x16xf32>,
    %broadcast_in_dim3A_272 = arith.constant 0.000000e+00 : f32
    %broadcast_in_dim3A_273 = vector.broadcast %broadcast_in_dim3A_272 : f32 to vector<16xf32>
    %swap3A_274 = arith.constant 3 : i32
    %swap3A_275 = arith.index_cast %swap3A_274 : i32 to index
    %swap3A_276 = arith.constant 16 : index
    %swap3A_277 = tpu.vector_load %arg18[%swap3A_275, %swap3A_276] {strides = array<i32>} : memref<16x128xf32, #tpu.memory_space<vmem>>, vector<1x16xf32>,
    %swap3A_278 = vector.shape_cast %swap3A_277 : vector<1x16xf32> to vector<16xf32>
    %swap3A_279 = vector.shape_cast %broadcast_in_dim3A_273 : vector<16xf32> to vector<1x16xf32>
    tpu.vector_store %arg18[%swap3A_275, %swap3A_276], %swap3A_279 {strides = array<i32>} : memref<16x128xf32, #tpu.memory_space<vmem>>, vector<1x16xf32>,
    %broadcast_in_dim3A_280 = arith.constant 0.000000e+00 : f32
    %broadcast_in_dim3A_281 = vector.broadcast %broadcast_in_dim3A_280 : f32 to vector<16xf32>
    %swap3A_282 = arith.constant 3 : i32
    %swap3A_283 = arith.index_cast %swap3A_282 : i32 to index
    %swap3A_284 = arith.constant 32 : index
    %swap3A_285 = tpu.vector_load %arg18[%swap3A_283, %swap3A_284] {strides = array<i32>} : memref<16x128xf32, #tpu.memory_space<vmem>>, vector<1x16xf32>,
    %swap3A_286 = vector.shape_cast %swap3A_285 : vector<1x16xf32> to vector<16xf32>
    %swap3A_287 = vector.shape_cast %broadcast_in_dim3A_281 : vector<16xf32> to vector<1x16xf32>
    tpu.vector_store %arg18[%swap3A_283, %swap3A_284], %swap3A_287 {strides = array<i32>} : memref<16x128xf32, #tpu.memory_space<vmem>>, vector<1x16xf32>,
    %broadcast_in_dim3A_288 = arith.constant 0.000000e+00 : f32
    %broadcast_in_dim3A_289 = vector.broadcast %broadcast_in_dim3A_288 : f32 to vector<16xf32>
    %swap3A_290 = arith.constant 3 : i32
    %swap3A_291 = arith.index_cast %swap3A_290 : i32 to index
    %swap3A_292 = arith.constant 48 : index
    %swap3A_293 = tpu.vector_load %arg18[%swap3A_291, %swap3A_292] {strides = array<i32>} : memref<16x128xf32, #tpu.memory_space<vmem>>, vector<1x16xf32>,
    %swap3A_294 = vector.shape_cast %swap3A_293 : vector<1x16xf32> to vector<16xf32>
    %swap3A_295 = vector.shape_cast %broadcast_in_dim3A_289 : vector<16xf32> to vector<1x16xf32>
    tpu.vector_store %arg18[%swap3A_291, %swap3A_292], %swap3A_295 {strides = array<i32>} : memref<16x128xf32, #tpu.memory_space<vmem>>, vector<1x16xf32>,
    %broadcast_in_dim3A_296 = arith.constant 0.000000e+00 : f32
    %broadcast_in_dim3A_297 = vector.broadcast %broadcast_in_dim3A_296 : f32 to vector<16xf32>
    %swap3A_298 = arith.constant 3 : i32
    %swap3A_299 = arith.index_cast %swap3A_298 : i32 to index
    %swap3A_300 = arith.constant 64 : index
    %swap3A_301 = tpu.vector_load %arg18[%swap3A_299, %swap3A_300] {strides = array<i32>} : memref<16x128xf32, #tpu.memory_space<vmem>>, vector<1x16xf32>,
    %swap3A_302 = vector.shape_cast %swap3A_301 : vector<1x16xf32> to vector<16xf32>
    %swap3A_303 = vector.shape_cast %broadcast_in_dim3A_297 : vector<16xf32> to vector<1x16xf32>
    tpu.vector_store %arg18[%swap3A_299, %swap3A_300], %swap3A_303 {strides = array<i32>} : memref<16x128xf32, #tpu.memory_space<vmem>>, vector<1x16xf32>,
    %broadcast_in_dim3A_304 = arith.constant 0.000000e+00 : f32
    %broadcast_in_dim3A_305 = vector.broadcast %broadcast_in_dim3A_304 : f32 to vector<16xf32>
    %swap3A_306 = arith.constant 3 : i32
    %swap3A_307 = arith.index_cast %swap3A_306 : i32 to index
    %swap3A_308 = arith.constant 80 : index
    %swap3A_309 = tpu.vector_load %arg18[%swap3A_307, %swap3A_308] {strides = array<i32>} : memref<16x128xf32, #tpu.memory_space<vmem>>, vector<1x16xf32>,
    %swap3A_310 = vector.shape_cast %swap3A_309 : vector<1x16xf32> to vector<16xf32>
    %swap3A_311 = vector.shape_cast %broadcast_in_dim3A_305 : vector<16xf32> to vector<1x16xf32>
    tpu.vector_store %arg18[%swap3A_307, %swap3A_308], %swap3A_311 {strides = array<i32>} : memref<16x128xf32, #tpu.memory_space<vmem>>, vector<1x16xf32>,
    %broadcast_in_dim3A_312 = arith.constant 0.000000e+00 : f32
    %broadcast_in_dim3A_313 = vector.broadcast %broadcast_in_dim3A_312 : f32 to vector<16xf32>
    %swap3A_314 = arith.constant 3 : i32
    %swap3A_315 = arith.index_cast %swap3A_314 : i32 to index
    %swap3A_316 = arith.constant 96 : index
    %swap3A_317 = tpu.vector_load %arg18[%swap3A_315, %swap3A_316] {strides = array<i32>} : memref<16x128xf32, #tpu.memory_space<vmem>>, vector<1x16xf32>,
    %swap3A_318 = vector.shape_cast %swap3A_317 : vector<1x16xf32> to vector<16xf32>
    %swap3A_319 = vector.shape_cast %broadcast_in_dim3A_313 : vector<16xf32> to vector<1x16xf32>
    tpu.vector_store %arg18[%swap3A_315, %swap3A_316], %swap3A_319 {strides = array<i32>} : memref<16x128xf32, #tpu.memory_space<vmem>>, vector<1x16xf32>,
    %broadcast_in_dim3A_320 = arith.constant 0.000000e+00 : f32
    %broadcast_in_dim3A_321 = vector.broadcast %broadcast_in_dim3A_320 : f32 to vector<16xf32>
    %swap3A_322 = arith.constant 3 : i32
    %swap3A_323 = arith.index_cast %swap3A_322 : i32 to index
    %swap3A_324 = arith.constant 112 : index
    %swap3A_325 = tpu.vector_load %arg18[%swap3A_323, %swap3A_324] {strides = array<i32>} : memref<16x128xf32, #tpu.memory_space<vmem>>, vector<1x16xf32>,
    %swap3A_326 = vector.shape_cast %swap3A_325 : vector<1x16xf32> to vector<16xf32>
    %swap3A_327 = vector.shape_cast %broadcast_in_dim3A_321 : vector<16xf32> to vector<1x16xf32>
    tpu.vector_store %arg18[%swap3A_323, %swap3A_324], %swap3A_327 {strides = array<i32>} : memref<16x128xf32, #tpu.memory_space<vmem>>, vector<1x16xf32>,
    %broadcast_in_dim3A_328 = arith.constant 0.000000e+00 : f32
    %broadcast_in_dim3A_329 = vector.broadcast %broadcast_in_dim3A_328 : f32 to vector<16xf32>
    %swap3A_330 = arith.constant 4 : i32
    %swap3A_331 = arith.index_cast %swap3A_330 : i32 to index
    %swap3A_332 = arith.constant 0 : index
    %swap3A_333 = tpu.vector_load %arg18[%swap3A_331, %swap3A_332] {strides = array<i32>} : memref<16x128xf32, #tpu.memory_space<vmem>>, vector<1x16xf32>,
    %swap3A_334 = vector.shape_cast %swap3A_333 : vector<1x16xf32> to vector<16xf32>
    %swap3A_335 = vector.shape_cast %broadcast_in_dim3A_329 : vector<16xf32> to vector<1x16xf32>
    tpu.vector_store %arg18[%swap3A_331, %swap3A_332], %swap3A_335 {strides = array<i32>} : memref<16x128xf32, #tpu.memory_space<vmem>>, vector<1x16xf32>,
    %broadcast_in_dim3A_336 = arith.constant 0.000000e+00 : f32
    %broadcast_in_dim3A_337 = vector.broadcast %broadcast_in_dim3A_336 : f32 to vector<16xf32>
    %swap3A_338 = arith.constant 4 : i32
    %swap3A_339 = arith.index_cast %swap3A_338 : i32 to index
    %swap3A_340 = arith.constant 16 : index
    %swap3A_341 = tpu.vector_load %arg18[%swap3A_339, %swap3A_340] {strides = array<i32>} : memref<16x128xf32, #tpu.memory_space<vmem>>, vector<1x16xf32>,
    %swap3A_342 = vector.shape_cast %swap3A_341 : vector<1x16xf32> to vector<16xf32>
    %swap3A_343 = vector.shape_cast %broadcast_in_dim3A_337 : vector<16xf32> to vector<1x16xf32>
    tpu.vector_store %arg18[%swap3A_339, %swap3A_340], %swap3A_343 {strides = array<i32>} : memref<16x128xf32, #tpu.memory_space<vmem>>, vector<1x16xf32>,
    %broadcast_in_dim3A_344 = arith.constant 0.000000e+00 : f32
    %broadcast_in_dim3A_345 = vector.broadcast %broadcast_in_dim3A_344 : f32 to vector<16xf32>
    %swap3A_346 = arith.constant 4 : i32
    %swap3A_347 = arith.index_cast %swap3A_346 : i32 to index
    %swap3A_348 = arith.constant 32 : index
    %swap3A_349 = tpu.vector_load %arg18[%swap3A_347, %swap3A_348] {strides = array<i32>} : memref<16x128xf32, #tpu.memory_space<vmem>>, vector<1x16xf32>,
    %swap3A_350 = vector.shape_cast %swap3A_349 : vector<1x16xf32> to vector<16xf32>
    %swap3A_351 = vector.shape_cast %broadcast_in_dim3A_345 : vector<16xf32> to vector<1x16xf32>
    tpu.vector_store %arg18[%swap3A_347, %swap3A_348], %swap3A_351 {strides = array<i32>} : memref<16x128xf32, #tpu.memory_space<vmem>>, vector<1x16xf32>,
    %broadcast_in_dim3A_352 = arith.constant 0.000000e+00 : f32
    %broadcast_in_dim3A_353 = vector.broadcast %broadcast_in_dim3A_352 : f32 to vector<16xf32>
    %swap3A_354 = arith.constant 4 : i32
    %swap3A_355 = arith.index_cast %swap3A_354 : i32 to index
    %swap3A_356 = arith.constant 48 : index
    %swap3A_357 = tpu.vector_load %arg18[%swap3A_355, %swap3A_356] {strides = array<i32>} : memref<16x128xf32, #tpu.memory_space<vmem>>, vector<1x16xf32>,
    %swap3A_358 = vector.shape_cast %swap3A_357 : vector<1x16xf32> to vector<16xf32>
    %swap3A_359 = vector.shape_cast %broadcast_in_dim3A_353 : vector<16xf32> to vector<1x16xf32>
    tpu.vector_store %arg18[%swap3A_355, %swap3A_356], %swap3A_359 {strides = array<i32>} : memref<16x128xf32, #tpu.memory_space<vmem>>, vector<1x16xf32>,
    %broadcast_in_dim3A_360 = arith.constant 0.000000e+00 : f32
    %broadcast_in_dim3A_361 = vector.broadcast %broadcast_in_dim3A_360 : f32 to vector<16xf32>
    %swap3A_362 = arith.constant 4 : i32
    %swap3A_363 = arith.index_cast %swap3A_362 : i32 to index
    %swap3A_364 = arith.constant 64 : index
    %swap3A_365 = tpu.vector_load %arg18[%swap3A_363, %swap3A_364] {strides = array<i32>} : memref<16x128xf32, #tpu.memory_space<vmem>>, vector<1x16xf32>,
    %swap3A_366 = vector.shape_cast %swap3A_365 : vector<1x16xf32> to vector<16xf32>
    %swap3A_367 = vector.shape_cast %broadcast_in_dim3A_361 : vector<16xf32> to vector<1x16xf32>
    tpu.vector_store %arg18[%swap3A_363, %swap3A_364], %swap3A_367 {strides = array<i32>} : memref<16x128xf32, #tpu.memory_space<vmem>>, vector<1x16xf32>,
    %broadcast_in_dim3A_368 = arith.constant 0.000000e+00 : f32
    %broadcast_in_dim3A_369 = vector.broadcast %broadcast_in_dim3A_368 : f32 to vector<16xf32>
    %swap3A_370 = arith.constant 4 : i32
    %swap3A_371 = arith.index_cast %swap3A_370 : i32 to index
    %swap3A_372 = arith.constant 80 : index
    %swap3A_373 = tpu.vector_load %arg18[%swap3A_371, %swap3A_372] {strides = array<i32>} : memref<16x128xf32, #tpu.memory_space<vmem>>, vector<1x16xf32>,
    %swap3A_374 = vector.shape_cast %swap3A_373 : vector<1x16xf32> to vector<16xf32>
    %swap3A_375 = vector.shape_cast %broadcast_in_dim3A_369 : vector<16xf32> to vector<1x16xf32>
    tpu.vector_store %arg18[%swap3A_371, %swap3A_372], %swap3A_375 {strides = array<i32>} : memref<16x128xf32, #tpu.memory_space<vmem>>, vector<1x16xf32>,
    %broadcast_in_dim3A_376 = arith.constant 0.000000e+00 : f32
    %broadcast_in_dim3A_377 = vector.broadcast %broadcast_in_dim3A_376 : f32 to vector<16xf32>
    %swap3A_378 = arith.constant 4 : i32
    %swap3A_379 = arith.index_cast %swap3A_378 : i32 to index
    %swap3A_380 = arith.constant 96 : index
    %swap3A_381 = tpu.vector_load %arg18[%swap3A_379, %swap3A_380] {strides = array<i32>} : memref<16x128xf32, #tpu.memory_space<vmem>>, vector<1x16xf32>,
    %swap3A_382 = vector.shape_cast %swap3A_381 : vector<1x16xf32> to vector<16xf32>
    %swap3A_383 = vector.shape_cast %broadcast_in_dim3A_377 : vector<16xf32> to vector<1x16xf32>
    tpu.vector_store %arg18[%swap3A_379, %swap3A_380], %swap3A_383 {strides = array<i32>} : memref<16x128xf32, #tpu.memory_space<vmem>>, vector<1x16xf32>,
    %broadcast_in_dim3A_384 = arith.constant 0.000000e+00 : f32
    %broadcast_in_dim3A_385 = vector.broadcast %broadcast_in_dim3A_384 : f32 to vector<16xf32>
    %swap3A_386 = arith.constant 4 : i32
    %swap3A_387 = arith.index_cast %swap3A_386 : i32 to index
    %swap3A_388 = arith.constant 112 : index
    %swap3A_389 = tpu.vector_load %arg18[%swap3A_387, %swap3A_388] {strides = array<i32>} : memref<16x128xf32, #tpu.memory_space<vmem>>, vector<1x16xf32>,
    %swap3A_390 = vector.shape_cast %swap3A_389 : vector<1x16xf32> to vector<16xf32>
    %swap3A_391 = vector.shape_cast %broadcast_in_dim3A_385 : vector<16xf32> to vector<1x16xf32>
    tpu.vector_store %arg18[%swap3A_387, %swap3A_388], %swap3A_391 {strides = array<i32>} : memref<16x128xf32, #tpu.memory_space<vmem>>, vector<1x16xf32>,
    %broadcast_in_dim3A_392 = arith.constant 0.000000e+00 : f32
    %broadcast_in_dim3A_393 = vector.broadcast %broadcast_in_dim3A_392 : f32 to vector<16xf32>
    %swap3A_394 = arith.constant 5 : i32
    %swap3A_395 = arith.index_cast %swap3A_394 : i32 to index
    %swap3A_396 = arith.constant 0 : index
    %swap3A_397 = tpu.vector_load %arg18[%swap3A_395, %swap3A_396] {strides = array<i32>} : memref<16x128xf32, #tpu.memory_space<vmem>>, vector<1x16xf32>,
    %swap3A_398 = vector.shape_cast %swap3A_397 : vector<1x16xf32> to vector<16xf32>
    %swap3A_399 = vector.shape_cast %broadcast_in_dim3A_393 : vector<16xf32> to vector<1x16xf32>
    tpu.vector_store %arg18[%swap3A_395, %swap3A_396], %swap3A_399 {strides = array<i32>} : memref<16x128xf32, #tpu.memory_space<vmem>>, vector<1x16xf32>,
    %broadcast_in_dim3A_400 = arith.constant 0.000000e+00 : f32
    %broadcast_in_dim3A_401 = vector.broadcast %broadcast_in_dim3A_400 : f32 to vector<16xf32>
    %swap3A_402 = arith.constant 5 : i32
    %swap3A_403 = arith.index_cast %swap3A_402 : i32 to index
    %swap3A_404 = arith.constant 16 : index
    %swap3A_405 = tpu.vector_load %arg18[%swap3A_403, %swap3A_404] {strides = array<i32>} : memref<16x128xf32, #tpu.memory_space<vmem>>, vector<1x16xf32>,
    %swap3A_406 = vector.shape_cast %swap3A_405 : vector<1x16xf32> to vector<16xf32>
    %swap3A_407 = vector.shape_cast %broadcast_in_dim3A_401 : vector<16xf32> to vector<1x16xf32>
    tpu.vector_store %arg18[%swap3A_403, %swap3A_404], %swap3A_407 {strides = array<i32>} : memref<16x128xf32, #tpu.memory_space<vmem>>, vector<1x16xf32>,
    %broadcast_in_dim3A_408 = arith.constant 0.000000e+00 : f32
    %broadcast_in_dim3A_409 = vector.broadcast %broadcast_in_dim3A_408 : f32 to vector<16xf32>
    %swap3A_410 = arith.constant 5 : i32
    %swap3A_411 = arith.index_cast %swap3A_410 : i32 to index
    %swap3A_412 = arith.constant 32 : index
    %swap3A_413 = tpu.vector_load %arg18[%swap3A_411, %swap3A_412] {strides = array<i32>} : memref<16x128xf32, #tpu.memory_space<vmem>>, vector<1x16xf32>,
    %swap3A_414 = vector.shape_cast %swap3A_413 : vector<1x16xf32> to vector<16xf32>
    %swap3A_415 = vector.shape_cast %broadcast_in_dim3A_409 : vector<16xf32> to vector<1x16xf32>
    tpu.vector_store %arg18[%swap3A_411, %swap3A_412], %swap3A_415 {strides = array<i32>} : memref<16x128xf32, #tpu.memory_space<vmem>>, vector<1x16xf32>,
    %broadcast_in_dim3A_416 = arith.constant 0.000000e+00 : f32
    %broadcast_in_dim3A_417 = vector.broadcast %broadcast_in_dim3A_416 : f32 to vector<16xf32>
    %swap3A_418 = arith.constant 5 : i32
    %swap3A_419 = arith.index_cast %swap3A_418 : i32 to index
    %swap3A_420 = arith.constant 48 : index
    %swap3A_421 = tpu.vector_load %arg18[%swap3A_419, %swap3A_420] {strides = array<i32>} : memref<16x128xf32, #tpu.memory_space<vmem>>, vector<1x16xf32>,
    %swap3A_422 = vector.shape_cast %swap3A_421 : vector<1x16xf32> to vector<16xf32>
    %swap3A_423 = vector.shape_cast %broadcast_in_dim3A_417 : vector<16xf32> to vector<1x16xf32>
    tpu.vector_store %arg18[%swap3A_419, %swap3A_420], %swap3A_423 {strides = array<i32>} : memref<16x128xf32, #tpu.memory_space<vmem>>, vector<1x16xf32>,
    %broadcast_in_dim3A_424 = arith.constant 0.000000e+00 : f32
    %broadcast_in_dim3A_425 = vector.broadcast %broadcast_in_dim3A_424 : f32 to vector<16xf32>
    %swap3A_426 = arith.constant 5 : i32
    %swap3A_427 = arith.index_cast %swap3A_426 : i32 to index
    %swap3A_428 = arith.constant 64 : index
    %swap3A_429 = tpu.vector_load %arg18[%swap3A_427, %swap3A_428] {strides = array<i32>} : memref<16x128xf32, #tpu.memory_space<vmem>>, vector<1x16xf32>,
    %swap3A_430 = vector.shape_cast %swap3A_429 : vector<1x16xf32> to vector<16xf32>
    %swap3A_431 = vector.shape_cast %broadcast_in_dim3A_425 : vector<16xf32> to vector<1x16xf32>
    tpu.vector_store %arg18[%swap3A_427, %swap3A_428], %swap3A_431 {strides = array<i32>} : memref<16x128xf32, #tpu.memory_space<vmem>>, vector<1x16xf32>,
    %broadcast_in_dim3A_432 = arith.constant 0.000000e+00 : f32
    %broadcast_in_dim3A_433 = vector.broadcast %broadcast_in_dim3A_432 : f32 to vector<16xf32>
    %swap3A_434 = arith.constant 5 : i32
    %swap3A_435 = arith.index_cast %swap3A_434 : i32 to index
    %swap3A_436 = arith.constant 80 : index
    %swap3A_437 = tpu.vector_load %arg18[%swap3A_435, %swap3A_436] {strides = array<i32>} : memref<16x128xf32, #tpu.memory_space<vmem>>, vector<1x16xf32>,
    %swap3A_438 = vector.shape_cast %swap3A_437 : vector<1x16xf32> to vector<16xf32>
    %swap3A_439 = vector.shape_cast %broadcast_in_dim3A_433 : vector<16xf32> to vector<1x16xf32>
    tpu.vector_store %arg18[%swap3A_435, %swap3A_436], %swap3A_439 {strides = array<i32>} : memref<16x128xf32, #tpu.memory_space<vmem>>, vector<1x16xf32>,
    %broadcast_in_dim3A_440 = arith.constant 0.000000e+00 : f32
    %broadcast_in_dim3A_441 = vector.broadcast %broadcast_in_dim3A_440 : f32 to vector<16xf32>
    %swap3A_442 = arith.constant 5 : i32
    %swap3A_443 = arith.index_cast %swap3A_442 : i32 to index
    %swap3A_444 = arith.constant 96 : index
    %swap3A_445 = tpu.vector_load %arg18[%swap3A_443, %swap3A_444] {strides = array<i32>} : memref<16x128xf32, #tpu.memory_space<vmem>>, vector<1x16xf32>,
    %swap3A_446 = vector.shape_cast %swap3A_445 : vector<1x16xf32> to vector<16xf32>
    %swap3A_447 = vector.shape_cast %broadcast_in_dim3A_441 : vector<16xf32> to vector<1x16xf32>
    tpu.vector_store %arg18[%swap3A_443, %swap3A_444], %swap3A_447 {strides = array<i32>} : memref<16x128xf32, #tpu.memory_space<vmem>>, vector<1x16xf32>,
    %broadcast_in_dim3A_448 = arith.constant 0.000000e+00 : f32
    %broadcast_in_dim3A_449 = vector.broadcast %broadcast_in_dim3A_448 : f32 to vector<16xf32>
    %swap3A_450 = arith.constant 5 : i32
    %swap3A_451 = arith.index_cast %swap3A_450 : i32 to index
    %swap3A_452 = arith.constant 112 : index
    %swap3A_453 = tpu.vector_load %arg18[%swap3A_451, %swap3A_452] {strides = array<i32>} : memref<16x128xf32, #tpu.memory_space<vmem>>, vector<1x16xf32>,
    %swap3A_454 = vector.shape_cast %swap3A_453 : vector<1x16xf32> to vector<16xf32>
    %swap3A_455 = vector.shape_cast %broadcast_in_dim3A_449 : vector<16xf32> to vector<1x16xf32>
    tpu.vector_store %arg18[%swap3A_451, %swap3A_452], %swap3A_455 {strides = array<i32>} : memref<16x128xf32, #tpu.memory_space<vmem>>, vector<1x16xf32>,
    %broadcast_in_dim3A_456 = arith.constant 0.000000e+00 : f32
    %broadcast_in_dim3A_457 = vector.broadcast %broadcast_in_dim3A_456 : f32 to vector<16xf32>
    %swap3A_458 = arith.constant 6 : i32
    %swap3A_459 = arith.index_cast %swap3A_458 : i32 to index
    %swap3A_460 = arith.constant 0 : index
    %swap3A_461 = tpu.vector_load %arg18[%swap3A_459, %swap3A_460] {strides = array<i32>} : memref<16x128xf32, #tpu.memory_space<vmem>>, vector<1x16xf32>,
    %swap3A_462 = vector.shape_cast %swap3A_461 : vector<1x16xf32> to vector<16xf32>
    %swap3A_463 = vector.shape_cast %broadcast_in_dim3A_457 : vector<16xf32> to vector<1x16xf32>
    tpu.vector_store %arg18[%swap3A_459, %swap3A_460], %swap3A_463 {strides = array<i32>} : memref<16x128xf32, #tpu.memory_space<vmem>>, vector<1x16xf32>,
    %broadcast_in_dim3A_464 = arith.constant 0.000000e+00 : f32
    %broadcast_in_dim3A_465 = vector.broadcast %broadcast_in_dim3A_464 : f32 to vector<16xf32>
    %swap3A_466 = arith.constant 6 : i32
    %swap3A_467 = arith.index_cast %swap3A_466 : i32 to index
    %swap3A_468 = arith.constant 16 : index
    %swap3A_469 = tpu.vector_load %arg18[%swap3A_467, %swap3A_468] {strides = array<i32>} : memref<16x128xf32, #tpu.memory_space<vmem>>, vector<1x16xf32>,
    %swap3A_470 = vector.shape_cast %swap3A_469 : vector<1x16xf32> to vector<16xf32>
    %swap3A_471 = vector.shape_cast %broadcast_in_dim3A_465 : vector<16xf32> to vector<1x16xf32>
    tpu.vector_store %arg18[%swap3A_467, %swap3A_468], %swap3A_471 {strides = array<i32>} : memref<16x128xf32, #tpu.memory_space<vmem>>, vector<1x16xf32>,
    %broadcast_in_dim3A_472 = arith.constant 0.000000e+00 : f32
    %broadcast_in_dim3A_473 = vector.broadcast %broadcast_in_dim3A_472 : f32 to vector<16xf32>
    %swap3A_474 = arith.constant 6 : i32
    %swap3A_475 = arith.index_cast %swap3A_474 : i32 to index
    %swap3A_476 = arith.constant 32 : index
    %swap3A_477 = tpu.vector_load %arg18[%swap3A_475, %swap3A_476] {strides = array<i32>} : memref<16x128xf32, #tpu.memory_space<vmem>>, vector<1x16xf32>,
    %swap3A_478 = vector.shape_cast %swap3A_477 : vector<1x16xf32> to vector<16xf32>
    %swap3A_479 = vector.shape_cast %broadcast_in_dim3A_473 : vector<16xf32> to vector<1x16xf32>
    tpu.vector_store %arg18[%swap3A_475, %swap3A_476], %swap3A_479 {strides = array<i32>} : memref<16x128xf32, #tpu.memory_space<vmem>>, vector<1x16xf32>,
    %broadcast_in_dim3A_480 = arith.constant 0.000000e+00 : f32
    %broadcast_in_dim3A_481 = vector.broadcast %broadcast_in_dim3A_480 : f32 to vector<16xf32>
    %swap3A_482 = arith.constant 6 : i32
    %swap3A_483 = arith.index_cast %swap3A_482 : i32 to index
    %swap3A_484 = arith.constant 48 : index
    %swap3A_485 = tpu.vector_load %arg18[%swap3A_483, %swap3A_484] {strides = array<i32>} : memref<16x128xf32, #tpu.memory_space<vmem>>, vector<1x16xf32>,
    %swap3A_486 = vector.shape_cast %swap3A_485 : vector<1x16xf32> to vector<16xf32>
    %swap3A_487 = vector.shape_cast %broadcast_in_dim3A_481 : vector<16xf32> to vector<1x16xf32>
    tpu.vector_store %arg18[%swap3A_483, %swap3A_484], %swap3A_487 {strides = array<i32>} : memref<16x128xf32, #tpu.memory_space<vmem>>, vector<1x16xf32>,
    %broadcast_in_dim3A_488 = arith.constant 0.000000e+00 : f32
    %broadcast_in_dim3A_489 = vector.broadcast %broadcast_in_dim3A_488 : f32 to vector<16xf32>
    %swap3A_490 = arith.constant 6 : i32
    %swap3A_491 = arith.index_cast %swap3A_490 : i32 to index
    %swap3A_492 = arith.constant 64 : index
    %swap3A_493 = tpu.vector_load %arg18[%swap3A_491, %swap3A_492] {strides = array<i32>} : memref<16x128xf32, #tpu.memory_space<vmem>>, vector<1x16xf32>,
    %swap3A_494 = vector.shape_cast %swap3A_493 : vector<1x16xf32> to vector<16xf32>
    %swap3A_495 = vector.shape_cast %broadcast_in_dim3A_489 : vector<16xf32> to vector<1x16xf32>
    tpu.vector_store %arg18[%swap3A_491, %swap3A_492], %swap3A_495 {strides = array<i32>} : memref<16x128xf32, #tpu.memory_space<vmem>>, vector<1x16xf32>,
    %broadcast_in_dim3A_496 = arith.constant 0.000000e+00 : f32
    %broadcast_in_dim3A_497 = vector.broadcast %broadcast_in_dim3A_496 : f32 to vector<16xf32>
    %swap3A_498 = arith.constant 6 : i32
    %swap3A_499 = arith.index_cast %swap3A_498 : i32 to index
    %swap3A_500 = arith.constant 80 : index
    %swap3A_501 = tpu.vector_load %arg18[%swap3A_499, %swap3A_500] {strides = array<i32>} : memref<16x128xf32, #tpu.memory_space<vmem>>, vector<1x16xf32>,
    %swap3A_502 = vector.shape_cast %swap3A_501 : vector<1x16xf32> to vector<16xf32>
    %swap3A_503 = vector.shape_cast %broadcast_in_dim3A_497 : vector<16xf32> to vector<1x16xf32>
    tpu.vector_store %arg18[%swap3A_499, %swap3A_500], %swap3A_503 {strides = array<i32>} : memref<16x128xf32, #tpu.memory_space<vmem>>, vector<1x16xf32>,
    %broadcast_in_dim3A_504 = arith.constant 0.000000e+00 : f32
    %broadcast_in_dim3A_505 = vector.broadcast %broadcast_in_dim3A_504 : f32 to vector<16xf32>
    %swap3A_506 = arith.constant 6 : i32
    %swap3A_507 = arith.index_cast %swap3A_506 : i32 to index
    %swap3A_508 = arith.constant 96 : index
    %swap3A_509 = tpu.vector_load %arg18[%swap3A_507, %swap3A_508] {strides = array<i32>} : memref<16x128xf32, #tpu.memory_space<vmem>>, vector<1x16xf32>,
    %swap3A_510 = vector.shape_cast %swap3A_509 : vector<1x16xf32> to vector<16xf32>
    %swap3A_511 = vector.shape_cast %broadcast_in_dim3A_505 : vector<16xf32> to vector<1x16xf32>
    tpu.vector_store %arg18[%swap3A_507, %swap3A_508], %swap3A_511 {strides = array<i32>} : memref<16x128xf32, #tpu.memory_space<vmem>>, vector<1x16xf32>,
    %broadcast_in_dim3A_512 = arith.constant 0.000000e+00 : f32
    %broadcast_in_dim3A_513 = vector.broadcast %broadcast_in_dim3A_512 : f32 to vector<16xf32>
    %swap3A_514 = arith.constant 6 : i32
    %swap3A_515 = arith.index_cast %swap3A_514 : i32 to index
    %swap3A_516 = arith.constant 112 : index
    %swap3A_517 = tpu.vector_load %arg18[%swap3A_515, %swap3A_516] {strides = array<i32>} : memref<16x128xf32, #tpu.memory_space<vmem>>, vector<1x16xf32>,
    %swap3A_518 = vector.shape_cast %swap3A_517 : vector<1x16xf32> to vector<16xf32>
    %swap3A_519 = vector.shape_cast %broadcast_in_dim3A_513 : vector<16xf32> to vector<1x16xf32>
    tpu.vector_store %arg18[%swap3A_515, %swap3A_516], %swap3A_519 {strides = array<i32>} : memref<16x128xf32, #tpu.memory_space<vmem>>, vector<1x16xf32>,
    %broadcast_in_dim3A_520 = arith.constant 0.000000e+00 : f32
    %broadcast_in_dim3A_521 = vector.broadcast %broadcast_in_dim3A_520 : f32 to vector<16xf32>
    %swap3A_522 = arith.constant 7 : i32
    %swap3A_523 = arith.index_cast %swap3A_522 : i32 to index
    %swap3A_524 = arith.constant 0 : index
    %swap3A_525 = tpu.vector_load %arg18[%swap3A_523, %swap3A_524] {strides = array<i32>} : memref<16x128xf32, #tpu.memory_space<vmem>>, vector<1x16xf32>,
    %swap3A_526 = vector.shape_cast %swap3A_525 : vector<1x16xf32> to vector<16xf32>
    %swap3A_527 = vector.shape_cast %broadcast_in_dim3A_521 : vector<16xf32> to vector<1x16xf32>
    tpu.vector_store %arg18[%swap3A_523, %swap3A_524], %swap3A_527 {strides = array<i32>} : memref<16x128xf32, #tpu.memory_space<vmem>>, vector<1x16xf32>,
    %broadcast_in_dim3A_528 = arith.constant 0.000000e+00 : f32
    %broadcast_in_dim3A_529 = vector.broadcast %broadcast_in_dim3A_528 : f32 to vector<16xf32>
    %swap3A_530 = arith.constant 7 : i32
    %swap3A_531 = arith.index_cast %swap3A_530 : i32 to index
    %swap3A_532 = arith.constant 16 : index
    %swap3A_533 = tpu.vector_load %arg18[%swap3A_531, %swap3A_532] {strides = array<i32>} : memref<16x128xf32, #tpu.memory_space<vmem>>, vector<1x16xf32>,
    %swap3A_534 = vector.shape_cast %swap3A_533 : vector<1x16xf32> to vector<16xf32>
    %swap3A_535 = vector.shape_cast %broadcast_in_dim3A_529 : vector<16xf32> to vector<1x16xf32>
    tpu.vector_store %arg18[%swap3A_531, %swap3A_532], %swap3A_535 {strides = array<i32>} : memref<16x128xf32, #tpu.memory_space<vmem>>, vector<1x16xf32>,
    %broadcast_in_dim3A_536 = arith.constant 0.000000e+00 : f32
    %broadcast_in_dim3A_537 = vector.broadcast %broadcast_in_dim3A_536 : f32 to vector<16xf32>
    %swap3A_538 = arith.constant 7 : i32
    %swap3A_539 = arith.index_cast %swap3A_538 : i32 to index
    %swap3A_540 = arith.constant 32 : index
    %swap3A_541 = tpu.vector_load %arg18[%swap3A_539, %swap3A_540] {strides = array<i32>} : memref<16x128xf32, #tpu.memory_space<vmem>>, vector<1x16xf32>,
    %swap3A_542 = vector.shape_cast %swap3A_541 : vector<1x16xf32> to vector<16xf32>
    %swap3A_543 = vector.shape_cast %broadcast_in_dim3A_537 : vector<16xf32> to vector<1x16xf32>
    tpu.vector_store %arg18[%swap3A_539, %swap3A_540], %swap3A_543 {strides = array<i32>} : memref<16x128xf32, #tpu.memory_space<vmem>>, vector<1x16xf32>,
    %broadcast_in_dim3A_544 = arith.constant 0.000000e+00 : f32
    %broadcast_in_dim3A_545 = vector.broadcast %broadcast_in_dim3A_544 : f32 to vector<16xf32>
    %swap3A_546 = arith.constant 7 : i32
    %swap3A_547 = arith.index_cast %swap3A_546 : i32 to index
    %swap3A_548 = arith.constant 48 : index
    %swap3A_549 = tpu.vector_load %arg18[%swap3A_547, %swap3A_548] {strides = array<i32>} : memref<16x128xf32, #tpu.memory_space<vmem>>, vector<1x16xf32>,
    %swap3A_550 = vector.shape_cast %swap3A_549 : vector<1x16xf32> to vector<16xf32>
    %swap3A_551 = vector.shape_cast %broadcast_in_dim3A_545 : vector<16xf32> to vector<1x16xf32>
    tpu.vector_store %arg18[%swap3A_547, %swap3A_548], %swap3A_551 {strides = array<i32>} : memref<16x128xf32, #tpu.memory_space<vmem>>, vector<1x16xf32>,
    %broadcast_in_dim3A_552 = arith.constant 0.000000e+00 : f32
    %broadcast_in_dim3A_553 = vector.broadcast %broadcast_in_dim3A_552 : f32 to vector<16xf32>
    %swap3A_554 = arith.constant 7 : i32
    %swap3A_555 = arith.index_cast %swap3A_554 : i32 to index
    %swap3A_556 = arith.constant 64 : index
    %swap3A_557 = tpu.vector_load %arg18[%swap3A_555, %swap3A_556] {strides = array<i32>} : memref<16x128xf32, #tpu.memory_space<vmem>>, vector<1x16xf32>,
    %swap3A_558 = vector.shape_cast %swap3A_557 : vector<1x16xf32> to vector<16xf32>
    %swap3A_559 = vector.shape_cast %broadcast_in_dim3A_553 : vector<16xf32> to vector<1x16xf32>
    tpu.vector_store %arg18[%swap3A_555, %swap3A_556], %swap3A_559 {strides = array<i32>} : memref<16x128xf32, #tpu.memory_space<vmem>>, vector<1x16xf32>,
    %broadcast_in_dim3A_560 = arith.constant 0.000000e+00 : f32
    %broadcast_in_dim3A_561 = vector.broadcast %broadcast_in_dim3A_560 : f32 to vector<16xf32>
    %swap3A_562 = arith.constant 7 : i32
    %swap3A_563 = arith.index_cast %swap3A_562 : i32 to index
    %swap3A_564 = arith.constant 80 : index
    %swap3A_565 = tpu.vector_load %arg18[%swap3A_563, %swap3A_564] {strides = array<i32>} : memref<16x128xf32, #tpu.memory_space<vmem>>, vector<1x16xf32>,
    %swap3A_566 = vector.shape_cast %swap3A_565 : vector<1x16xf32> to vector<16xf32>
    %swap3A_567 = vector.shape_cast %broadcast_in_dim3A_561 : vector<16xf32> to vector<1x16xf32>
    tpu.vector_store %arg18[%swap3A_563, %swap3A_564], %swap3A_567 {strides = array<i32>} : memref<16x128xf32, #tpu.memory_space<vmem>>, vector<1x16xf32>,
    %broadcast_in_dim3A_568 = arith.constant 0.000000e+00 : f32
    %broadcast_in_dim3A_569 = vector.broadcast %broadcast_in_dim3A_568 : f32 to vector<16xf32>
    %swap3A_570 = arith.constant 7 : i32
    %swap3A_571 = arith.index_cast %swap3A_570 : i32 to index
    %swap3A_572 = arith.constant 96 : index
    %swap3A_573 = tpu.vector_load %arg18[%swap3A_571, %swap3A_572] {strides = array<i32>} : memref<16x128xf32, #tpu.memory_space<vmem>>, vector<1x16xf32>,
    %swap3A_574 = vector.shape_cast %swap3A_573 : vector<1x16xf32> to vector<16xf32>
    %swap3A_575 = vector.shape_cast %broadcast_in_dim3A_569 : vector<16xf32> to vector<1x16xf32>
    tpu.vector_store %arg18[%swap3A_571, %swap3A_572], %swap3A_575 {strides = array<i32>} : memref<16x128xf32, #tpu.memory_space<vmem>>, vector<1x16xf32>,
    %broadcast_in_dim3A_576 = arith.constant 0.000000e+00 : f32
    %broadcast_in_dim3A_577 = vector.broadcast %broadcast_in_dim3A_576 : f32 to vector<16xf32>
    %swap3A_578 = arith.constant 7 : i32
    %swap3A_579 = arith.index_cast %swap3A_578 : i32 to index
    %swap3A_580 = arith.constant 112 : index
    %swap3A_581 = tpu.vector_load %arg18[%swap3A_579, %swap3A_580] {strides = array<i32>} : memref<16x128xf32, #tpu.memory_space<vmem>>, vector<1x16xf32>,
    %swap3A_582 = vector.shape_cast %swap3A_581 : vector<1x16xf32> to vector<16xf32>
    %swap3A_583 = vector.shape_cast %broadcast_in_dim3A_577 : vector<16xf32> to vector<1x16xf32>
    tpu.vector_store %arg18[%swap3A_579, %swap3A_580], %swap3A_583 {strides = array<i32>} : memref<16x128xf32, #tpu.memory_space<vmem>>, vector<1x16xf32>,
    %broadcast_in_dim3A_584 = arith.constant 0.000000e+00 : f32
    %broadcast_in_dim3A_585 = vector.broadcast %broadcast_in_dim3A_584 : f32 to vector<16xf32>
    %swap3A_586 = arith.constant 8 : i32
    %swap3A_587 = arith.index_cast %swap3A_586 : i32 to index
    %swap3A_588 = arith.constant 0 : index
    %swap3A_589 = tpu.vector_load %arg18[%swap3A_587, %swap3A_588] {strides = array<i32>} : memref<16x128xf32, #tpu.memory_space<vmem>>, vector<1x16xf32>,
    %swap3A_590 = vector.shape_cast %swap3A_589 : vector<1x16xf32> to vector<16xf32>
    %swap3A_591 = vector.shape_cast %broadcast_in_dim3A_585 : vector<16xf32> to vector<1x16xf32>
    tpu.vector_store %arg18[%swap3A_587, %swap3A_588], %swap3A_591 {strides = array<i32>} : memref<16x128xf32, #tpu.memory_space<vmem>>, vector<1x16xf32>,
    %broadcast_in_dim3A_592 = arith.constant 0.000000e+00 : f32
    %broadcast_in_dim3A_593 = vector.broadcast %broadcast_in_dim3A_592 : f32 to vector<16xf32>
    %swap3A_594 = arith.constant 8 : i32
    %swap3A_595 = arith.index_cast %swap3A_594 : i32 to index
    %swap3A_596 = arith.constant 16 : index
    %swap3A_597 = tpu.vector_load %arg18[%swap3A_595, %swap3A_596] {strides = array<i32>} : memref<16x128xf32, #tpu.memory_space<vmem>>, vector<1x16xf32>,
    %swap3A_598 = vector.shape_cast %swap3A_597 : vector<1x16xf32> to vector<16xf32>
    %swap3A_599 = vector.shape_cast %broadcast_in_dim3A_593 : vector<16xf32> to vector<1x16xf32>
    tpu.vector_store %arg18[%swap3A_595, %swap3A_596], %swap3A_599 {strides = array<i32>} : memref<16x128xf32, #tpu.memory_space<vmem>>, vector<1x16xf32>,
    %broadcast_in_dim3A_600 = arith.constant 0.000000e+00 : f32
    %broadcast_in_dim3A_601 = vector.broadcast %broadcast_in_dim3A_600 : f32 to vector<16xf32>
    %swap3A_602 = arith.constant 8 : i32
    %swap3A_603 = arith.index_cast %swap3A_602 : i32 to index
    %swap3A_604 = arith.constant 32 : index
    %swap3A_605 = tpu.vector_load %arg18[%swap3A_603, %swap3A_604] {strides = array<i32>} : memref<16x128xf32, #tpu.memory_space<vmem>>, vector<1x16xf32>,
    %swap3A_606 = vector.shape_cast %swap3A_605 : vector<1x16xf32> to vector<16xf32>
    %swap3A_607 = vector.shape_cast %broadcast_in_dim3A_601 : vector<16xf32> to vector<1x16xf32>
    tpu.vector_store %arg18[%swap3A_603, %swap3A_604], %swap3A_607 {strides = array<i32>} : memref<16x128xf32, #tpu.memory_space<vmem>>, vector<1x16xf32>,
    %broadcast_in_dim3A_608 = arith.constant 0.000000e+00 : f32
    %broadcast_in_dim3A_609 = vector.broadcast %broadcast_in_dim3A_608 : f32 to vector<16xf32>
    %swap3A_610 = arith.constant 8 : i32
    %swap3A_611 = arith.index_cast %swap3A_610 : i32 to index
    %swap3A_612 = arith.constant 48 : index
    %swap3A_613 = tpu.vector_load %arg18[%swap3A_611, %swap3A_612] {strides = array<i32>} : memref<16x128xf32, #tpu.memory_space<vmem>>, vector<1x16xf32>,
    %swap3A_614 = vector.shape_cast %swap3A_613 : vector<1x16xf32> to vector<16xf32>
    %swap3A_615 = vector.shape_cast %broadcast_in_dim3A_609 : vector<16xf32> to vector<1x16xf32>
    tpu.vector_store %arg18[%swap3A_611, %swap3A_612], %swap3A_615 {strides = array<i32>} : memref<16x128xf32, #tpu.memory_space<vmem>>, vector<1x16xf32>,
    %broadcast_in_dim3A_616 = arith.constant 0.000000e+00 : f32
    %broadcast_in_dim3A_617 = vector.broadcast %broadcast_in_dim3A_616 : f32 to vector<16xf32>
    %swap3A_618 = arith.constant 8 : i32
    %swap3A_619 = arith.index_cast %swap3A_618 : i32 to index
    %swap3A_620 = arith.constant 64 : index
    %swap3A_621 = tpu.vector_load %arg18[%swap3A_619, %swap3A_620] {strides = array<i32>} : memref<16x128xf32, #tpu.memory_space<vmem>>, vector<1x16xf32>,
    %swap3A_622 = vector.shape_cast %swap3A_621 : vector<1x16xf32> to vector<16xf32>
    %swap3A_623 = vector.shape_cast %broadcast_in_dim3A_617 : vector<16xf32> to vector<1x16xf32>
    tpu.vector_store %arg18[%swap3A_619, %swap3A_620], %swap3A_623 {strides = array<i32>} : memref<16x128xf32, #tpu.memory_space<vmem>>, vector<1x16xf32>,
    %broadcast_in_dim3A_624 = arith.constant 0.000000e+00 : f32
    %broadcast_in_dim3A_625 = vector.broadcast %broadcast_in_dim3A_624 : f32 to vector<16xf32>
    %swap3A_626 = arith.constant 8 : i32
    %swap3A_627 = arith.index_cast %swap3A_626 : i32 to index
    %swap3A_628 = arith.constant 80 : index
    %swap3A_629 = tpu.vector_load %arg18[%swap3A_627, %swap3A_628] {strides = array<i32>} : memref<16x128xf32, #tpu.memory_space<vmem>>, vector<1x16xf32>,
    %swap3A_630 = vector.shape_cast %swap3A_629 : vector<1x16xf32> to vector<16xf32>
    %swap3A_631 = vector.shape_cast %broadcast_in_dim3A_625 : vector<16xf32> to vector<1x16xf32>
    tpu.vector_store %arg18[%swap3A_627, %swap3A_628], %swap3A_631 {strides = array<i32>} : memref<16x128xf32, #tpu.memory_space<vmem>>, vector<1x16xf32>,
    %broadcast_in_dim3A_632 = arith.constant 0.000000e+00 : f32
    %broadcast_in_dim3A_633 = vector.broadcast %broadcast_in_dim3A_632 : f32 to vector<16xf32>
    %swap3A_634 = arith.constant 8 : i32
    %swap3A_635 = arith.index_cast %swap3A_634 : i32 to index
    %swap3A_636 = arith.constant 96 : index
    %swap3A_637 = tpu.vector_load %arg18[%swap3A_635, %swap3A_636] {strides = array<i32>} : memref<16x128xf32, #tpu.memory_space<vmem>>, vector<1x16xf32>,
    %swap3A_638 = vector.shape_cast %swap3A_637 : vector<1x16xf32> to vector<16xf32>
    %swap3A_639 = vector.shape_cast %broadcast_in_dim3A_633 : vector<16xf32> to vector<1x16xf32>
    tpu.vector_store %arg18[%swap3A_635, %swap3A_636], %swap3A_639 {strides = array<i32>} : memref<16x128xf32, #tpu.memory_space<vmem>>, vector<1x16xf32>,
    %broadcast_in_dim3A_640 = arith.constant 0.000000e+00 : f32
    %broadcast_in_dim3A_641 = vector.broadcast %broadcast_in_dim3A_640 : f32 to vector<16xf32>
    %swap3A_642 = arith.constant 8 : i32
    %swap3A_643 = arith.index_cast %swap3A_642 : i32 to index
    %swap3A_644 = arith.constant 112 : index
    %swap3A_645 = tpu.vector_load %arg18[%swap3A_643, %swap3A_644] {strides = array<i32>} : memref<16x128xf32, #tpu.memory_space<vmem>>, vector<1x16xf32>,
    %swap3A_646 = vector.shape_cast %swap3A_645 : vector<1x16xf32> to vector<16xf32>
    %swap3A_647 = vector.shape_cast %broadcast_in_dim3A_641 : vector<16xf32> to vector<1x16xf32>
    tpu.vector_store %arg18[%swap3A_643, %swap3A_644], %swap3A_647 {strides = array<i32>} : memref<16x128xf32, #tpu.memory_space<vmem>>, vector<1x16xf32>,
    %broadcast_in_dim3A_648 = arith.constant 0.000000e+00 : f32
    %broadcast_in_dim3A_649 = vector.broadcast %broadcast_in_dim3A_648 : f32 to vector<16xf32>
    %swap3A_650 = arith.constant 9 : i32
    %swap3A_651 = arith.index_cast %swap3A_650 : i32 to index
    %swap3A_652 = arith.constant 0 : index
    %swap3A_653 = tpu.vector_load %arg18[%swap3A_651, %swap3A_652] {strides = array<i32>} : memref<16x128xf32, #tpu.memory_space<vmem>>, vector<1x16xf32>,
    %swap3A_654 = vector.shape_cast %swap3A_653 : vector<1x16xf32> to vector<16xf32>
    %swap3A_655 = vector.shape_cast %broadcast_in_dim3A_649 : vector<16xf32> to vector<1x16xf32>
    tpu.vector_store %arg18[%swap3A_651, %swap3A_652], %swap3A_655 {strides = array<i32>} : memref<16x128xf32, #tpu.memory_space<vmem>>, vector<1x16xf32>,
    %broadcast_in_dim3A_656 = arith.constant 0.000000e+00 : f32
    %broadcast_in_dim3A_657 = vector.broadcast %broadcast_in_dim3A_656 : f32 to vector<16xf32>
    %swap3A_658 = arith.constant 9 : i32
    %swap3A_659 = arith.index_cast %swap3A_658 : i32 to index
    %swap3A_660 = arith.constant 16 : index
    %swap3A_661 = tpu.vector_load %arg18[%swap3A_659, %swap3A_660] {strides = array<i32>} : memref<16x128xf32, #tpu.memory_space<vmem>>, vector<1x16xf32>,
    %swap3A_662 = vector.shape_cast %swap3A_661 : vector<1x16xf32> to vector<16xf32>
    %swap3A_663 = vector.shape_cast %broadcast_in_dim3A_657 : vector<16xf32> to vector<1x16xf32>
    tpu.vector_store %arg18[%swap3A_659, %swap3A_660], %swap3A_663 {strides = array<i32>} : memref<16x128xf32, #tpu.memory_space<vmem>>, vector<1x16xf32>,
    %broadcast_in_dim3A_664 = arith.constant 0.000000e+00 : f32
    %broadcast_in_dim3A_665 = vector.broadcast %broadcast_in_dim3A_664 : f32 to vector<16xf32>
    %swap3A_666 = arith.constant 9 : i32
    %swap3A_667 = arith.index_cast %swap3A_666 : i32 to index
    %swap3A_668 = arith.constant 32 : index
    %swap3A_669 = tpu.vector_load %arg18[%swap3A_667, %swap3A_668] {strides = array<i32>} : memref<16x128xf32, #tpu.memory_space<vmem>>, vector<1x16xf32>,
    %swap3A_670 = vector.shape_cast %swap3A_669 : vector<1x16xf32> to vector<16xf32>
    %swap3A_671 = vector.shape_cast %broadcast_in_dim3A_665 : vector<16xf32> to vector<1x16xf32>
    tpu.vector_store %arg18[%swap3A_667, %swap3A_668], %swap3A_671 {strides = array<i32>} : memref<16x128xf32, #tpu.memory_space<vmem>>, vector<1x16xf32>,
    %broadcast_in_dim3A_672 = arith.constant 0.000000e+00 : f32
    %broadcast_in_dim3A_673 = vector.broadcast %broadcast_in_dim3A_672 : f32 to vector<16xf32>
    %swap3A_674 = arith.constant 9 : i32
    %swap3A_675 = arith.index_cast %swap3A_674 : i32 to index
    %swap3A_676 = arith.constant 48 : index
    %swap3A_677 = tpu.vector_load %arg18[%swap3A_675, %swap3A_676] {strides = array<i32>} : memref<16x128xf32, #tpu.memory_space<vmem>>, vector<1x16xf32>,
    %swap3A_678 = vector.shape_cast %swap3A_677 : vector<1x16xf32> to vector<16xf32>
    %swap3A_679 = vector.shape_cast %broadcast_in_dim3A_673 : vector<16xf32> to vector<1x16xf32>
    tpu.vector_store %arg18[%swap3A_675, %swap3A_676], %swap3A_679 {strides = array<i32>} : memref<16x128xf32, #tpu.memory_space<vmem>>, vector<1x16xf32>,
    %broadcast_in_dim3A_680 = arith.constant 0.000000e+00 : f32
    %broadcast_in_dim3A_681 = vector.broadcast %broadcast_in_dim3A_680 : f32 to vector<16xf32>
    %swap3A_682 = arith.constant 9 : i32
    %swap3A_683 = arith.index_cast %swap3A_682 : i32 to index
    %swap3A_684 = arith.constant 64 : index
    %swap3A_685 = tpu.vector_load %arg18[%swap3A_683, %swap3A_684] {strides = array<i32>} : memref<16x128xf32, #tpu.memory_space<vmem>>, vector<1x16xf32>,
    %swap3A_686 = vector.shape_cast %swap3A_685 : vector<1x16xf32> to vector<16xf32>
    %swap3A_687 = vector.shape_cast %broadcast_in_dim3A_681 : vector<16xf32> to vector<1x16xf32>
    tpu.vector_store %arg18[%swap3A_683, %swap3A_684], %swap3A_687 {strides = array<i32>} : memref<16x128xf32, #tpu.memory_space<vmem>>, vector<1x16xf32>,
    %broadcast_in_dim3A_688 = arith.constant 0.000000e+00 : f32
    %broadcast_in_dim3A_689 = vector.broadcast %broadcast_in_dim3A_688 : f32 to vector<16xf32>
    %swap3A_690 = arith.constant 9 : i32
    %swap3A_691 = arith.index_cast %swap3A_690 : i32 to index
    %swap3A_692 = arith.constant 80 : index
    %swap3A_693 = tpu.vector_load %arg18[%swap3A_691, %swap3A_692] {strides = array<i32>} : memref<16x128xf32, #tpu.memory_space<vmem>>, vector<1x16xf32>,
    %swap3A_694 = vector.shape_cast %swap3A_693 : vector<1x16xf32> to vector<16xf32>
    %swap3A_695 = vector.shape_cast %broadcast_in_dim3A_689 : vector<16xf32> to vector<1x16xf32>
    tpu.vector_store %arg18[%swap3A_691, %swap3A_692], %swap3A_695 {strides = array<i32>} : memref<16x128xf32, #tpu.memory_space<vmem>>, vector<1x16xf32>,
    %broadcast_in_dim3A_696 = arith.constant 0.000000e+00 : f32
    %broadcast_in_dim3A_697 = vector.broadcast %broadcast_in_dim3A_696 : f32 to vector<16xf32>
    %swap3A_698 = arith.constant 9 : i32
    %swap3A_699 = arith.index_cast %swap3A_698 : i32 to index
    %swap3A_700 = arith.constant 96 : index
    %swap3A_701 = tpu.vector_load %arg18[%swap3A_699, %swap3A_700] {strides = array<i32>} : memref<16x128xf32, #tpu.memory_space<vmem>>, vector<1x16xf32>,
    %swap3A_702 = vector.shape_cast %swap3A_701 : vector<1x16xf32> to vector<16xf32>
    %swap3A_703 = vector.shape_cast %broadcast_in_dim3A_697 : vector<16xf32> to vector<1x16xf32>
    tpu.vector_store %arg18[%swap3A_699, %swap3A_700], %swap3A_703 {strides = array<i32>} : memref<16x128xf32, #tpu.memory_space<vmem>>, vector<1x16xf32>,
    %broadcast_in_dim3A_704 = arith.constant 0.000000e+00 : f32
    %broadcast_in_dim3A_705 = vector.broadcast %broadcast_in_dim3A_704 : f32 to vector<16xf32>
    %swap3A_706 = arith.constant 9 : i32
    %swap3A_707 = arith.index_cast %swap3A_706 : i32 to index
    %swap3A_708 = arith.constant 112 : index
    %swap3A_709 = tpu.vector_load %arg18[%swap3A_707, %swap3A_708] {strides = array<i32>} : memref<16x128xf32, #tpu.memory_space<vmem>>, vector<1x16xf32>,
    %swap3A_710 = vector.shape_cast %swap3A_709 : vector<1x16xf32> to vector<16xf32>
    %swap3A_711 = vector.shape_cast %broadcast_in_dim3A_705 : vector<16xf32> to vector<1x16xf32>
    tpu.vector_store %arg18[%swap3A_707, %swap3A_708], %swap3A_711 {strides = array<i32>} : memref<16x128xf32, #tpu.memory_space<vmem>>, vector<1x16xf32>,
    %broadcast_in_dim3A_712 = arith.constant 0.000000e+00 : f32
    %broadcast_in_dim3A_713 = vector.broadcast %broadcast_in_dim3A_712 : f32 to vector<16xf32>
    %swap3A_714 = arith.constant 10 : i32
    %swap3A_715 = arith.index_cast %swap3A_714 : i32 to index
    %swap3A_716 = arith.constant 0 : index
    %swap3A_717 = tpu.vector_load %arg18[%swap3A_715, %swap3A_716] {strides = array<i32>} : memref<16x128xf32, #tpu.memory_space<vmem>>, vector<1x16xf32>,
    %swap3A_718 = vector.shape_cast %swap3A_717 : vector<1x16xf32> to vector<16xf32>
    %swap3A_719 = vector.shape_cast %broadcast_in_dim3A_713 : vector<16xf32> to vector<1x16xf32>
    tpu.vector_store %arg18[%swap3A_715, %swap3A_716], %swap3A_719 {strides = array<i32>} : memref<16x128xf32, #tpu.memory_space<vmem>>, vector<1x16xf32>,
    %broadcast_in_dim3A_720 = arith.constant 0.000000e+00 : f32
    %broadcast_in_dim3A_721 = vector.broadcast %broadcast_in_dim3A_720 : f32 to vector<16xf32>
    %swap3A_722 = arith.constant 10 : i32
    %swap3A_723 = arith.index_cast %swap3A_722 : i32 to index
    %swap3A_724 = arith.constant 16 : index
    %swap3A_725 = tpu.vector_load %arg18[%swap3A_723, %swap3A_724] {strides = array<i32>} : memref<16x128xf32, #tpu.memory_space<vmem>>, vector<1x16xf32>,
    %swap3A_726 = vector.shape_cast %swap3A_725 : vector<1x16xf32> to vector<16xf32>
    %swap3A_727 = vector.shape_cast %broadcast_in_dim3A_721 : vector<16xf32> to vector<1x16xf32>
    tpu.vector_store %arg18[%swap3A_723, %swap3A_724], %swap3A_727 {strides = array<i32>} : memref<16x128xf32, #tpu.memory_space<vmem>>, vector<1x16xf32>,
    %broadcast_in_dim3A_728 = arith.constant 0.000000e+00 : f32
    %broadcast_in_dim3A_729 = vector.broadcast %broadcast_in_dim3A_728 : f32 to vector<16xf32>
    %swap3A_730 = arith.constant 10 : i32
    %swap3A_731 = arith.index_cast %swap3A_730 : i32 to index
    %swap3A_732 = arith.constant 32 : index
    %swap3A_733 = tpu.vector_load %arg18[%swap3A_731, %swap3A_732] {strides = array<i32>} : memref<16x128xf32, #tpu.memory_space<vmem>>, vector<1x16xf32>,
    %swap3A_734 = vector.shape_cast %swap3A_733 : vector<1x16xf32> to vector<16xf32>
    %swap3A_735 = vector.shape_cast %broadcast_in_dim3A_729 : vector<16xf32> to vector<1x16xf32>
    tpu.vector_store %arg18[%swap3A_731, %swap3A_732], %swap3A_735 {strides = array<i32>} : memref<16x128xf32, #tpu.memory_space<vmem>>, vector<1x16xf32>,
    %broadcast_in_dim3A_736 = arith.constant 0.000000e+00 : f32
    %broadcast_in_dim3A_737 = vector.broadcast %broadcast_in_dim3A_736 : f32 to vector<16xf32>
    %swap3A_738 = arith.constant 10 : i32
    %swap3A_739 = arith.index_cast %swap3A_738 : i32 to index
    %swap3A_740 = arith.constant 48 : index
    %swap3A_741 = tpu.vector_load %arg18[%swap3A_739, %swap3A_740] {strides = array<i32>} : memref<16x128xf32, #tpu.memory_space<vmem>>, vector<1x16xf32>,
    %swap3A_742 = vector.shape_cast %swap3A_741 : vector<1x16xf32> to vector<16xf32>
    %swap3A_743 = vector.shape_cast %broadcast_in_dim3A_737 : vector<16xf32> to vector<1x16xf32>
    tpu.vector_store %arg18[%swap3A_739, %swap3A_740], %swap3A_743 {strides = array<i32>} : memref<16x128xf32, #tpu.memory_space<vmem>>, vector<1x16xf32>,
    %broadcast_in_dim3A_744 = arith.constant 0.000000e+00 : f32
    %broadcast_in_dim3A_745 = vector.broadcast %broadcast_in_dim3A_744 : f32 to vector<16xf32>
    %swap3A_746 = arith.constant 10 : i32
    %swap3A_747 = arith.index_cast %swap3A_746 : i32 to index
    %swap3A_748 = arith.constant 64 : index
    %swap3A_749 = tpu.vector_load %arg18[%swap3A_747, %swap3A_748] {strides = array<i32>} : memref<16x128xf32, #tpu.memory_space<vmem>>, vector<1x16xf32>,
    %swap3A_750 = vector.shape_cast %swap3A_749 : vector<1x16xf32> to vector<16xf32>
    %swap3A_751 = vector.shape_cast %broadcast_in_dim3A_745 : vector<16xf32> to vector<1x16xf32>
    tpu.vector_store %arg18[%swap3A_747, %swap3A_748], %swap3A_751 {strides = array<i32>} : memref<16x128xf32, #tpu.memory_space<vmem>>, vector<1x16xf32>,
    %broadcast_in_dim3A_752 = arith.constant 0.000000e+00 : f32
    %broadcast_in_dim3A_753 = vector.broadcast %broadcast_in_dim3A_752 : f32 to vector<16xf32>
    %swap3A_754 = arith.constant 10 : i32
    %swap3A_755 = arith.index_cast %swap3A_754 : i32 to index
    %swap3A_756 = arith.constant 80 : index
    %swap3A_757 = tpu.vector_load %arg18[%swap3A_755, %swap3A_756] {strides = array<i32>} : memref<16x128xf32, #tpu.memory_space<vmem>>, vector<1x16xf32>,
    %swap3A_758 = vector.shape_cast %swap3A_757 : vector<1x16xf32> to vector<16xf32>
    %swap3A_759 = vector.shape_cast %broadcast_in_dim3A_753 : vector<16xf32> to vector<1x16xf32>
    tpu.vector_store %arg18[%swap3A_755, %swap3A_756], %swap3A_759 {strides = array<i32>} : memref<16x128xf32, #tpu.memory_space<vmem>>, vector<1x16xf32>,
    %broadcast_in_dim3A_760 = arith.constant 0.000000e+00 : f32
    %broadcast_in_dim3A_761 = vector.broadcast %broadcast_in_dim3A_760 : f32 to vector<16xf32>
    %swap3A_762 = arith.constant 10 : i32
    %swap3A_763 = arith.index_cast %swap3A_762 : i32 to index
    %swap3A_764 = arith.constant 96 : index
    %swap3A_765 = tpu.vector_load %arg18[%swap3A_763, %swap3A_764] {strides = array<i32>} : memref<16x128xf32, #tpu.memory_space<vmem>>, vector<1x16xf32>,
    %swap3A_766 = vector.shape_cast %swap3A_765 : vector<1x16xf32> to vector<16xf32>
    %swap3A_767 = vector.shape_cast %broadcast_in_dim3A_761 : vector<16xf32> to vector<1x16xf32>
    tpu.vector_store %arg18[%swap3A_763, %swap3A_764], %swap3A_767 {strides = array<i32>} : memref<16x128xf32, #tpu.memory_space<vmem>>, vector<1x16xf32>,
    %broadcast_in_dim3A_768 = arith.constant 0.000000e+00 : f32
    %broadcast_in_dim3A_769 = vector.broadcast %broadcast_in_dim3A_768 : f32 to vector<16xf32>
    %swap3A_770 = arith.constant 10 : i32
    %swap3A_771 = arith.index_cast %swap3A_770 : i32 to index
    %swap3A_772 = arith.constant 112 : index
    %swap3A_773 = tpu.vector_load %arg18[%swap3A_771, %swap3A_772] {strides = array<i32>} : memref<16x128xf32, #tpu.memory_space<vmem>>, vector<1x16xf32>,
    %swap3A_774 = vector.shape_cast %swap3A_773 : vector<1x16xf32> to vector<16xf32>
    %swap3A_775 = vector.shape_cast %broadcast_in_dim3A_769 : vector<16xf32> to vector<1x16xf32>
    tpu.vector_store %arg18[%swap3A_771, %swap3A_772], %swap3A_775 {strides = array<i32>} : memref<16x128xf32, #tpu.memory_space<vmem>>, vector<1x16xf32>,
    %broadcast_in_dim3A_776 = arith.constant 0.000000e+00 : f32
    %broadcast_in_dim3A_777 = vector.broadcast %broadcast_in_dim3A_776 : f32 to vector<16xf32>
    %swap3A_778 = arith.constant 11 : i32
    %swap3A_779 = arith.index_cast %swap3A_778 : i32 to index
    %swap3A_780 = arith.constant 0 : index
    %swap3A_781 = tpu.vector_load %arg18[%swap3A_779, %swap3A_780] {strides = array<i32>} : memref<16x128xf32, #tpu.memory_space<vmem>>, vector<1x16xf32>,
    %swap3A_782 = vector.shape_cast %swap3A_781 : vector<1x16xf32> to vector<16xf32>
    %swap3A_783 = vector.shape_cast %broadcast_in_dim3A_777 : vector<16xf32> to vector<1x16xf32>
    tpu.vector_store %arg18[%swap3A_779, %swap3A_780], %swap3A_783 {strides = array<i32>} : memref<16x128xf32, #tpu.memory_space<vmem>>, vector<1x16xf32>,
    %broadcast_in_dim3A_784 = arith.constant 0.000000e+00 : f32
    %broadcast_in_dim3A_785 = vector.broadcast %broadcast_in_dim3A_784 : f32 to vector<16xf32>
    %swap3A_786 = arith.constant 11 : i32
    %swap3A_787 = arith.index_cast %swap3A_786 : i32 to index
    %swap3A_788 = arith.constant 16 : index
    %swap3A_789 = tpu.vector_load %arg18[%swap3A_787, %swap3A_788] {strides = array<i32>} : memref<16x128xf32, #tpu.memory_space<vmem>>, vector<1x16xf32>,
    %swap3A_790 = vector.shape_cast %swap3A_789 : vector<1x16xf32> to vector<16xf32>
    %swap3A_791 = vector.shape_cast %broadcast_in_dim3A_785 : vector<16xf32> to vector<1x16xf32>
    tpu.vector_store %arg18[%swap3A_787, %swap3A_788], %swap3A_791 {strides = array<i32>} : memref<16x128xf32, #tpu.memory_space<vmem>>, vector<1x16xf32>,
    %broadcast_in_dim3A_792 = arith.constant 0.000000e+00 : f32
    %broadcast_in_dim3A_793 = vector.broadcast %broadcast_in_dim3A_792 : f32 to vector<16xf32>
    %swap3A_794 = arith.constant 11 : i32
    %swap3A_795 = arith.index_cast %swap3A_794 : i32 to index
    %swap3A_796 = arith.constant 32 : index
    %swap3A_797 = tpu.vector_load %arg18[%swap3A_795, %swap3A_796] {strides = array<i32>} : memref<16x128xf32, #tpu.memory_space<vmem>>, vector<1x16xf32>,
    %swap3A_798 = vector.shape_cast %swap3A_797 : vector<1x16xf32> to vector<16xf32>
    %swap3A_799 = vector.shape_cast %broadcast_in_dim3A_793 : vector<16xf32> to vector<1x16xf32>
    tpu.vector_store %arg18[%swap3A_795, %swap3A_796], %swap3A_799 {strides = array<i32>} : memref<16x128xf32, #tpu.memory_space<vmem>>, vector<1x16xf32>,
    %broadcast_in_dim3A_800 = arith.constant 0.000000e+00 : f32
    %broadcast_in_dim3A_801 = vector.broadcast %broadcast_in_dim3A_800 : f32 to vector<16xf32>
    %swap3A_802 = arith.constant 11 : i32
    %swap3A_803 = arith.index_cast %swap3A_802 : i32 to index
    %swap3A_804 = arith.constant 48 : index
    %swap3A_805 = tpu.vector_load %arg18[%swap3A_803, %swap3A_804] {strides = array<i32>} : memref<16x128xf32, #tpu.memory_space<vmem>>, vector<1x16xf32>,
    %swap3A_806 = vector.shape_cast %swap3A_805 : vector<1x16xf32> to vector<16xf32>
    %swap3A_807 = vector.shape_cast %broadcast_in_dim3A_801 : vector<16xf32> to vector<1x16xf32>
    tpu.vector_store %arg18[%swap3A_803, %swap3A_804], %swap3A_807 {strides = array<i32>} : memref<16x128xf32, #tpu.memory_space<vmem>>, vector<1x16xf32>,
    %broadcast_in_dim3A_808 = arith.constant 0.000000e+00 : f32
    %broadcast_in_dim3A_809 = vector.broadcast %broadcast_in_dim3A_808 : f32 to vector<16xf32>
    %swap3A_810 = arith.constant 11 : i32
    %swap3A_811 = arith.index_cast %swap3A_810 : i32 to index
    %swap3A_812 = arith.constant 64 : index
    %swap3A_813 = tpu.vector_load %arg18[%swap3A_811, %swap3A_812] {strides = array<i32>} : memref<16x128xf32, #tpu.memory_space<vmem>>, vector<1x16xf32>,
    %swap3A_814 = vector.shape_cast %swap3A_813 : vector<1x16xf32> to vector<16xf32>
    %swap3A_815 = vector.shape_cast %broadcast_in_dim3A_809 : vector<16xf32> to vector<1x16xf32>
    tpu.vector_store %arg18[%swap3A_811, %swap3A_812], %swap3A_815 {strides = array<i32>} : memref<16x128xf32, #tpu.memory_space<vmem>>, vector<1x16xf32>,
    %broadcast_in_dim3A_816 = arith.constant 0.000000e+00 : f32
    %broadcast_in_dim3A_817 = vector.broadcast %broadcast_in_dim3A_816 : f32 to vector<16xf32>
    %swap3A_818 = arith.constant 11 : i32
    %swap3A_819 = arith.index_cast %swap3A_818 : i32 to index
    %swap3A_820 = arith.constant 80 : index
    %swap3A_821 = tpu.vector_load %arg18[%swap3A_819, %swap3A_820] {strides = array<i32>} : memref<16x128xf32, #tpu.memory_space<vmem>>, vector<1x16xf32>,
    %swap3A_822 = vector.shape_cast %swap3A_821 : vector<1x16xf32> to vector<16xf32>
    %swap3A_823 = vector.shape_cast %broadcast_in_dim3A_817 : vector<16xf32> to vector<1x16xf32>
    tpu.vector_store %arg18[%swap3A_819, %swap3A_820], %swap3A_823 {strides = array<i32>} : memref<16x128xf32, #tpu.memory_space<vmem>>, vector<1x16xf32>,
    %broadcast_in_dim3A_824 = arith.constant 0.000000e+00 : f32
    %broadcast_in_dim3A_825 = vector.broadcast %broadcast_in_dim3A_824 : f32 to vector<16xf32>
    %swap3A_826 = arith.constant 11 : i32
    %swap3A_827 = arith.index_cast %swap3A_826 : i32 to index
    %swap3A_828 = arith.constant 96 : index
    %swap3A_829 = tpu.vector_load %arg18[%swap3A_827, %swap3A_828] {strides = array<i32>} : memref<16x128xf32, #tpu.memory_space<vmem>>, vector<1x16xf32>,
    %swap3A_830 = vector.shape_cast %swap3A_829 : vector<1x16xf32> to vector<16xf32>
    %swap3A_831 = vector.shape_cast %broadcast_in_dim3A_825 : vector<16xf32> to vector<1x16xf32>
    tpu.vector_store %arg18[%swap3A_827, %swap3A_828], %swap3A_831 {strides = array<i32>} : memref<16x128xf32, #tpu.memory_space<vmem>>, vector<1x16xf32>,
    %broadcast_in_dim3A_832 = arith.constant 0.000000e+00 : f32
    %broadcast_in_dim3A_833 = vector.broadcast %broadcast_in_dim3A_832 : f32 to vector<16xf32>
    %swap3A_834 = arith.constant 11 : i32
    %swap3A_835 = arith.index_cast %swap3A_834 : i32 to index
    %swap3A_836 = arith.constant 112 : index
    %swap3A_837 = tpu.vector_load %arg18[%swap3A_835, %swap3A_836] {strides = array<i32>} : memref<16x128xf32, #tpu.memory_space<vmem>>, vector<1x16xf32>,
    %swap3A_838 = vector.shape_cast %swap3A_837 : vector<1x16xf32> to vector<16xf32>
    %swap3A_839 = vector.shape_cast %broadcast_in_dim3A_833 : vector<16xf32> to vector<1x16xf32>
    tpu.vector_store %arg18[%swap3A_835, %swap3A_836], %swap3A_839 {strides = array<i32>} : memref<16x128xf32, #tpu.memory_space<vmem>>, vector<1x16xf32>,
    %broadcast_in_dim3A_840 = arith.constant 0.000000e+00 : f32
    %broadcast_in_dim3A_841 = vector.broadcast %broadcast_in_dim3A_840 : f32 to vector<16xf32>
    %swap3A_842 = arith.constant 12 : i32
    %swap3A_843 = arith.index_cast %swap3A_842 : i32 to index
    %swap3A_844 = arith.constant 0 : index
    %swap3A_845 = tpu.vector_load %arg18[%swap3A_843, %swap3A_844] {strides = array<i32>} : memref<16x128xf32, #tpu.memory_space<vmem>>, vector<1x16xf32>,
    %swap3A_846 = vector.shape_cast %swap3A_845 : vector<1x16xf32> to vector<16xf32>
    %swap3A_847 = vector.shape_cast %broadcast_in_dim3A_841 : vector<16xf32> to vector<1x16xf32>
    tpu.vector_store %arg18[%swap3A_843, %swap3A_844], %swap3A_847 {strides = array<i32>} : memref<16x128xf32, #tpu.memory_space<vmem>>, vector<1x16xf32>,
    %broadcast_in_dim3A_848 = arith.constant 0.000000e+00 : f32
    %broadcast_in_dim3A_849 = vector.broadcast %broadcast_in_dim3A_848 : f32 to vector<16xf32>
    %swap3A_850 = arith.constant 12 : i32
    %swap3A_851 = arith.index_cast %swap3A_850 : i32 to index
    %swap3A_852 = arith.constant 16 : index
    %swap3A_853 = tpu.vector_load %arg18[%swap3A_851, %swap3A_852] {strides = array<i32>} : memref<16x128xf32, #tpu.memory_space<vmem>>, vector<1x16xf32>,
    %swap3A_854 = vector.shape_cast %swap3A_853 : vector<1x16xf32> to vector<16xf32>
    %swap3A_855 = vector.shape_cast %broadcast_in_dim3A_849 : vector<16xf32> to vector<1x16xf32>
    tpu.vector_store %arg18[%swap3A_851, %swap3A_852], %swap3A_855 {strides = array<i32>} : memref<16x128xf32, #tpu.memory_space<vmem>>, vector<1x16xf32>,
    %broadcast_in_dim3A_856 = arith.constant 0.000000e+00 : f32
    %broadcast_in_dim3A_857 = vector.broadcast %broadcast_in_dim3A_856 : f32 to vector<16xf32>
    %swap3A_858 = arith.constant 12 : i32
    %swap3A_859 = arith.index_cast %swap3A_858 : i32 to index
    %swap3A_860 = arith.constant 32 : index
    %swap3A_861 = tpu.vector_load %arg18[%swap3A_859, %swap3A_860] {strides = array<i32>} : memref<16x128xf32, #tpu.memory_space<vmem>>, vector<1x16xf32>,
    %swap3A_862 = vector.shape_cast %swap3A_861 : vector<1x16xf32> to vector<16xf32>
    %swap3A_863 = vector.shape_cast %broadcast_in_dim3A_857 : vector<16xf32> to vector<1x16xf32>
    tpu.vector_store %arg18[%swap3A_859, %swap3A_860], %swap3A_863 {strides = array<i32>} : memref<16x128xf32, #tpu.memory_space<vmem>>, vector<1x16xf32>,
    %broadcast_in_dim3A_864 = arith.constant 0.000000e+00 : f32
    %broadcast_in_dim3A_865 = vector.broadcast %broadcast_in_dim3A_864 : f32 to vector<16xf32>
    %swap3A_866 = arith.constant 12 : i32
    %swap3A_867 = arith.index_cast %swap3A_866 : i32 to index
    %swap3A_868 = arith.constant 48 : index
    %swap3A_869 = tpu.vector_load %arg18[%swap3A_867, %swap3A_868] {strides = array<i32>} : memref<16x128xf32, #tpu.memory_space<vmem>>, vector<1x16xf32>,
    %swap3A_870 = vector.shape_cast %swap3A_869 : vector<1x16xf32> to vector<16xf32>
    %swap3A_871 = vector.shape_cast %broadcast_in_dim3A_865 : vector<16xf32> to vector<1x16xf32>
    tpu.vector_store %arg18[%swap3A_867, %swap3A_868], %swap3A_871 {strides = array<i32>} : memref<16x128xf32, #tpu.memory_space<vmem>>, vector<1x16xf32>,
    %broadcast_in_dim3A_872 = arith.constant 0.000000e+00 : f32
    %broadcast_in_dim3A_873 = vector.broadcast %broadcast_in_dim3A_872 : f32 to vector<16xf32>
    %swap3A_874 = arith.constant 12 : i32
    %swap3A_875 = arith.index_cast %swap3A_874 : i32 to index
    %swap3A_876 = arith.constant 64 : index
    %swap3A_877 = tpu.vector_load %arg18[%swap3A_875, %swap3A_876] {strides = array<i32>} : memref<16x128xf32, #tpu.memory_space<vmem>>, vector<1x16xf32>,
    %swap3A_878 = vector.shape_cast %swap3A_877 : vector<1x16xf32> to vector<16xf32>
    %swap3A_879 = vector.shape_cast %broadcast_in_dim3A_873 : vector<16xf32> to vector<1x16xf32>
    tpu.vector_store %arg18[%swap3A_875, %swap3A_876], %swap3A_879 {strides = array<i32>} : memref<16x128xf32, #tpu.memory_space<vmem>>, vector<1x16xf32>,
    %broadcast_in_dim3A_880 = arith.constant 0.000000e+00 : f32
    %broadcast_in_dim3A_881 = vector.broadcast %broadcast_in_dim3A_880 : f32 to vector<16xf32>
    %swap3A_882 = arith.constant 12 : i32
    %swap3A_883 = arith.index_cast %swap3A_882 : i32 to index
    %swap3A_884 = arith.constant 80 : index
    %swap3A_885 = tpu.vector_load %arg18[%swap3A_883, %swap3A_884] {strides = array<i32>} : memref<16x128xf32, #tpu.memory_space<vmem>>, vector<1x16xf32>,
    %swap3A_886 = vector.shape_cast %swap3A_885 : vector<1x16xf32> to vector<16xf32>
    %swap3A_887 = vector.shape_cast %broadcast_in_dim3A_881 : vector<16xf32> to vector<1x16xf32>
    tpu.vector_store %arg18[%swap3A_883, %swap3A_884], %swap3A_887 {strides = array<i32>} : memref<16x128xf32, #tpu.memory_space<vmem>>, vector<1x16xf32>,
    %broadcast_in_dim3A_888 = arith.constant 0.000000e+00 : f32
    %broadcast_in_dim3A_889 = vector.broadcast %broadcast_in_dim3A_888 : f32 to vector<16xf32>
    %swap3A_890 = arith.constant 12 : i32
    %swap3A_891 = arith.index_cast %swap3A_890 : i32 to index
    %swap3A_892 = arith.constant 96 : index
    %swap3A_893 = tpu.vector_load %arg18[%swap3A_891, %swap3A_892] {strides = array<i32>} : memref<16x128xf32, #tpu.memory_space<vmem>>, vector<1x16xf32>,
    %swap3A_894 = vector.shape_cast %swap3A_893 : vector<1x16xf32> to vector<16xf32>
    %swap3A_895 = vector.shape_cast %broadcast_in_dim3A_889 : vector<16xf32> to vector<1x16xf32>
    tpu.vector_store %arg18[%swap3A_891, %swap3A_892], %swap3A_895 {strides = array<i32>} : memref<16x128xf32, #tpu.memory_space<vmem>>, vector<1x16xf32>,
    %broadcast_in_dim3A_896 = arith.constant 0.000000e+00 : f32
    %broadcast_in_dim3A_897 = vector.broadcast %broadcast_in_dim3A_896 : f32 to vector<16xf32>
    %swap3A_898 = arith.constant 12 : i32
    %swap3A_899 = arith.index_cast %swap3A_898 : i32 to index
    %swap3A_900 = arith.constant 112 : index
    %swap3A_901 = tpu.vector_load %arg18[%swap3A_899, %swap3A_900] {strides = array<i32>} : memref<16x128xf32, #tpu.memory_space<vmem>>, vector<1x16xf32>,
    %swap3A_902 = vector.shape_cast %swap3A_901 : vector<1x16xf32> to vector<16xf32>
    %swap3A_903 = vector.shape_cast %broadcast_in_dim3A_897 : vector<16xf32> to vector<1x16xf32>
    tpu.vector_store %arg18[%swap3A_899, %swap3A_900], %swap3A_903 {strides = array<i32>} : memref<16x128xf32, #tpu.memory_space<vmem>>, vector<1x16xf32>,
    %broadcast_in_dim3A_904 = arith.constant 0.000000e+00 : f32
    %broadcast_in_dim3A_905 = vector.broadcast %broadcast_in_dim3A_904 : f32 to vector<16xf32>
    %swap3A_906 = arith.constant 13 : i32
    %swap3A_907 = arith.index_cast %swap3A_906 : i32 to index
    %swap3A_908 = arith.constant 0 : index
    %swap3A_909 = tpu.vector_load %arg18[%swap3A_907, %swap3A_908] {strides = array<i32>} : memref<16x128xf32, #tpu.memory_space<vmem>>, vector<1x16xf32>,
    %swap3A_910 = vector.shape_cast %swap3A_909 : vector<1x16xf32> to vector<16xf32>
    %swap3A_911 = vector.shape_cast %broadcast_in_dim3A_905 : vector<16xf32> to vector<1x16xf32>
    tpu.vector_store %arg18[%swap3A_907, %swap3A_908], %swap3A_911 {strides = array<i32>} : memref<16x128xf32, #tpu.memory_space<vmem>>, vector<1x16xf32>,
    %broadcast_in_dim3A_912 = arith.constant 0.000000e+00 : f32
    %broadcast_in_dim3A_913 = vector.broadcast %broadcast_in_dim3A_912 : f32 to vector<16xf32>
    %swap3A_914 = arith.constant 13 : i32
    %swap3A_915 = arith.index_cast %swap3A_914 : i32 to index
    %swap3A_916 = arith.constant 16 : index
    %swap3A_917 = tpu.vector_load %arg18[%swap3A_915, %swap3A_916] {strides = array<i32>} : memref<16x128xf32, #tpu.memory_space<vmem>>, vector<1x16xf32>,
    %swap3A_918 = vector.shape_cast %swap3A_917 : vector<1x16xf32> to vector<16xf32>
    %swap3A_919 = vector.shape_cast %broadcast_in_dim3A_913 : vector<16xf32> to vector<1x16xf32>
    tpu.vector_store %arg18[%swap3A_915, %swap3A_916], %swap3A_919 {strides = array<i32>} : memref<16x128xf32, #tpu.memory_space<vmem>>, vector<1x16xf32>,
    %broadcast_in_dim3A_920 = arith.constant 0.000000e+00 : f32
    %broadcast_in_dim3A_921 = vector.broadcast %broadcast_in_dim3A_920 : f32 to vector<16xf32>
    %swap3A_922 = arith.constant 13 : i32
    %swap3A_923 = arith.index_cast %swap3A_922 : i32 to index
    %swap3A_924 = arith.constant 32 : index
    %swap3A_925 = tpu.vector_load %arg18[%swap3A_923, %swap3A_924] {strides = array<i32>} : memref<16x128xf32, #tpu.memory_space<vmem>>, vector<1x16xf32>,
    %swap3A_926 = vector.shape_cast %swap3A_925 : vector<1x16xf32> to vector<16xf32>
    %swap3A_927 = vector.shape_cast %broadcast_in_dim3A_921 : vector<16xf32> to vector<1x16xf32>
    tpu.vector_store %arg18[%swap3A_923, %swap3A_924], %swap3A_927 {strides = array<i32>} : memref<16x128xf32, #tpu.memory_space<vmem>>, vector<1x16xf32>,
    %broadcast_in_dim3A_928 = arith.constant 0.000000e+00 : f32
    %broadcast_in_dim3A_929 = vector.broadcast %broadcast_in_dim3A_928 : f32 to vector<16xf32>
    %swap3A_930 = arith.constant 13 : i32
    %swap3A_931 = arith.index_cast %swap3A_930 : i32 to index
    %swap3A_932 = arith.constant 48 : index
    %swap3A_933 = tpu.vector_load %arg18[%swap3A_931, %swap3A_932] {strides = array<i32>} : memref<16x128xf32, #tpu.memory_space<vmem>>, vector<1x16xf32>,
    %swap3A_934 = vector.shape_cast %swap3A_933 : vector<1x16xf32> to vector<16xf32>
    %swap3A_935 = vector.shape_cast %broadcast_in_dim3A_929 : vector<16xf32> to vector<1x16xf32>
    tpu.vector_store %arg18[%swap3A_931, %swap3A_932], %swap3A_935 {strides = array<i32>} : memref<16x128xf32, #tpu.memory_space<vmem>>, vector<1x16xf32>,
    %broadcast_in_dim3A_936 = arith.constant 0.000000e+00 : f32
    %broadcast_in_dim3A_937 = vector.broadcast %broadcast_in_dim3A_936 : f32 to vector<16xf32>
    %swap3A_938 = arith.constant 13 : i32
    %swap3A_939 = arith.index_cast %swap3A_938 : i32 to index
    %swap3A_940 = arith.constant 64 : index
    %swap3A_941 = tpu.vector_load %arg18[%swap3A_939, %swap3A_940] {strides = array<i32>} : memref<16x128xf32, #tpu.memory_space<vmem>>, vector<1x16xf32>,
    %swap3A_942 = vector.shape_cast %swap3A_941 : vector<1x16xf32> to vector<16xf32>
    %swap3A_943 = vector.shape_cast %broadcast_in_dim3A_937 : vector<16xf32> to vector<1x16xf32>
    tpu.vector_store %arg18[%swap3A_939, %swap3A_940], %swap3A_943 {strides = array<i32>} : memref<16x128xf32, #tpu.memory_space<vmem>>, vector<1x16xf32>,
    %broadcast_in_dim3A_944 = arith.constant 0.000000e+00 : f32
    %broadcast_in_dim3A_945 = vector.broadcast %broadcast_in_dim3A_944 : f32 to vector<16xf32>
    %swap3A_946 = arith.constant 13 : i32
    %swap3A_947 = arith.index_cast %swap3A_946 : i32 to index
    %swap3A_948 = arith.constant 80 : index
    %swap3A_949 = tpu.vector_load %arg18[%swap3A_947, %swap3A_948] {strides = array<i32>} : memref<16x128xf32, #tpu.memory_space<vmem>>, vector<1x16xf32>,
    %swap3A_950 = vector.shape_cast %swap3A_949 : vector<1x16xf32> to vector<16xf32>
    %swap3A_951 = vector.shape_cast %broadcast_in_dim3A_945 : vector<16xf32> to vector<1x16xf32>
    tpu.vector_store %arg18[%swap3A_947, %swap3A_948], %swap3A_951 {strides = array<i32>} : memref<16x128xf32, #tpu.memory_space<vmem>>, vector<1x16xf32>,
    %broadcast_in_dim3A_952 = arith.constant 0.000000e+00 : f32
    %broadcast_in_dim3A_953 = vector.broadcast %broadcast_in_dim3A_952 : f32 to vector<16xf32>
    %swap3A_954 = arith.constant 13 : i32
    %swap3A_955 = arith.index_cast %swap3A_954 : i32 to index
    %swap3A_956 = arith.constant 96 : index
    %swap3A_957 = tpu.vector_load %arg18[%swap3A_955, %swap3A_956] {strides = array<i32>} : memref<16x128xf32, #tpu.memory_space<vmem>>, vector<1x16xf32>,
    %swap3A_958 = vector.shape_cast %swap3A_957 : vector<1x16xf32> to vector<16xf32>
    %swap3A_959 = vector.shape_cast %broadcast_in_dim3A_953 : vector<16xf32> to vector<1x16xf32>
    tpu.vector_store %arg18[%swap3A_955, %swap3A_956], %swap3A_959 {strides = array<i32>} : memref<16x128xf32, #tpu.memory_space<vmem>>, vector<1x16xf32>,
    %broadcast_in_dim3A_960 = arith.constant 0.000000e+00 : f32
    %broadcast_in_dim3A_961 = vector.broadcast %broadcast_in_dim3A_960 : f32 to vector<16xf32>
    %swap3A_962 = arith.constant 13 : i32
    %swap3A_963 = arith.index_cast %swap3A_962 : i32 to index
    %swap3A_964 = arith.constant 112 : index
    %swap3A_965 = tpu.vector_load %arg18[%swap3A_963, %swap3A_964] {strides = array<i32>} : memref<16x128xf32, #tpu.memory_space<vmem>>, vector<1x16xf32>,
    %swap3A_966 = vector.shape_cast %swap3A_965 : vector<1x16xf32> to vector<16xf32>
    %swap3A_967 = vector.shape_cast %broadcast_in_dim3A_961 : vector<16xf32> to vector<1x16xf32>
    tpu.vector_store %arg18[%swap3A_963, %swap3A_964], %swap3A_967 {strides = array<i32>} : memref<16x128xf32, #tpu.memory_space<vmem>>, vector<1x16xf32>,
    %broadcast_in_dim3A_968 = arith.constant 0.000000e+00 : f32
    %broadcast_in_dim3A_969 = vector.broadcast %broadcast_in_dim3A_968 : f32 to vector<16xf32>
    %swap3A_970 = arith.constant 14 : i32
    %swap3A_971 = arith.index_cast %swap3A_970 : i32 to index
    %swap3A_972 = arith.constant 0 : index
    %swap3A_973 = tpu.vector_load %arg18[%swap3A_971, %swap3A_972] {strides = array<i32>} : memref<16x128xf32, #tpu.memory_space<vmem>>, vector<1x16xf32>,
    %swap3A_974 = vector.shape_cast %swap3A_973 : vector<1x16xf32> to vector<16xf32>
    %swap3A_975 = vector.shape_cast %broadcast_in_dim3A_969 : vector<16xf32> to vector<1x16xf32>
    tpu.vector_store %arg18[%swap3A_971, %swap3A_972], %swap3A_975 {strides = array<i32>} : memref<16x128xf32, #tpu.memory_space<vmem>>, vector<1x16xf32>,
    %broadcast_in_dim3A_976 = arith.constant 0.000000e+00 : f32
    %broadcast_in_dim3A_977 = vector.broadcast %broadcast_in_dim3A_976 : f32 to vector<16xf32>
    %swap3A_978 = arith.constant 14 : i32
    %swap3A_979 = arith.index_cast %swap3A_978 : i32 to index
    %swap3A_980 = arith.constant 16 : index
    %swap3A_981 = tpu.vector_load %arg18[%swap3A_979, %swap3A_980] {strides = array<i32>} : memref<16x128xf32, #tpu.memory_space<vmem>>, vector<1x16xf32>,
    %swap3A_982 = vector.shape_cast %swap3A_981 : vector<1x16xf32> to vector<16xf32>
    %swap3A_983 = vector.shape_cast %broadcast_in_dim3A_977 : vector<16xf32> to vector<1x16xf32>
    tpu.vector_store %arg18[%swap3A_979, %swap3A_980], %swap3A_983 {strides = array<i32>} : memref<16x128xf32, #tpu.memory_space<vmem>>, vector<1x16xf32>,
    %broadcast_in_dim3A_984 = arith.constant 0.000000e+00 : f32
    %broadcast_in_dim3A_985 = vector.broadcast %broadcast_in_dim3A_984 : f32 to vector<16xf32>
    %swap3A_986 = arith.constant 14 : i32
    %swap3A_987 = arith.index_cast %swap3A_986 : i32 to index
    %swap3A_988 = arith.constant 32 : index
    %swap3A_989 = tpu.vector_load %arg18[%swap3A_987, %swap3A_988] {strides = array<i32>} : memref<16x128xf32, #tpu.memory_space<vmem>>, vector<1x16xf32>,
    %swap3A_990 = vector.shape_cast %swap3A_989 : vector<1x16xf32> to vector<16xf32>
    %swap3A_991 = vector.shape_cast %broadcast_in_dim3A_985 : vector<16xf32> to vector<1x16xf32>
    tpu.vector_store %arg18[%swap3A_987, %swap3A_988], %swap3A_991 {strides = array<i32>} : memref<16x128xf32, #tpu.memory_space<vmem>>, vector<1x16xf32>,
    %broadcast_in_dim3A_992 = arith.constant 0.000000e+00 : f32
    %broadcast_in_dim3A_993 = vector.broadcast %broadcast_in_dim3A_992 : f32 to vector<16xf32>
    %swap3A_994 = arith.constant 14 : i32
    %swap3A_995 = arith.index_cast %swap3A_994 : i32 to index
    %swap3A_996 = arith.constant 48 : index
    %swap3A_997 = tpu.vector_load %arg18[%swap3A_995, %swap3A_996] {strides = array<i32>} : memref<16x128xf32, #tpu.memory_space<vmem>>, vector<1x16xf32>,
    %swap3A_998 = vector.shape_cast %swap3A_997 : vector<1x16xf32> to vector<16xf32>
    %swap3A_999 = vector.shape_cast %broadcast_in_dim3A_993 : vector<16xf32> to vector<1x16xf32>
    tpu.vector_store %arg18[%swap3A_995, %swap3A_996], %swap3A_999 {strides = array<i32>} : memref<16x128xf32, #tpu.memory_space<vmem>>, vector<1x16xf32>,
    %broadcast_in_dim3A_1000 = arith.constant 0.000000e+00 : f32
    %broadcast_in_dim3A_1001 = vector.broadcast %broadcast_in_dim3A_1000 : f32 to vector<16xf32>
    %swap3A_1002 = arith.constant 14 : i32
    %swap3A_1003 = arith.index_cast %swap3A_1002 : i32 to index
    %swap3A_1004 = arith.constant 64 : index
    %swap3A_1005 = tpu.vector_load %arg18[%swap3A_1003, %swap3A_1004] {strides = array<i32>} : memref<16x128xf32, #tpu.memory_space<vmem>>, vector<1x16xf32>,
    %swap3A_1006 = vector.shape_cast %swap3A_1005 : vector<1x16xf32> to vector<16xf32>
    %swap3A_1007 = vector.shape_cast %broadcast_in_dim3A_1001 : vector<16xf32> to vector<1x16xf32>
    tpu.vector_store %arg18[%swap3A_1003, %swap3A_1004], %swap3A_1007 {strides = array<i32>} : memref<16x128xf32, #tpu.memory_space<vmem>>, vector<1x16xf32>,
    %broadcast_in_dim3A_1008 = arith.constant 0.000000e+00 : f32
    %broadcast_in_dim3A_1009 = vector.broadcast %broadcast_in_dim3A_1008 : f32 to vector<16xf32>
    %swap3A_1010 = arith.constant 14 : i32
    %swap3A_1011 = arith.index_cast %swap3A_1010 : i32 to index
    %swap3A_1012 = arith.constant 80 : index
    %swap3A_1013 = tpu.vector_load %arg18[%swap3A_1011, %swap3A_1012] {strides = array<i32>} : memref<16x128xf32, #tpu.memory_space<vmem>>, vector<1x16xf32>,
    %swap3A_1014 = vector.shape_cast %swap3A_1013 : vector<1x16xf32> to vector<16xf32>
    %swap3A_1015 = vector.shape_cast %broadcast_in_dim3A_1009 : vector<16xf32> to vector<1x16xf32>
    tpu.vector_store %arg18[%swap3A_1011, %swap3A_1012], %swap3A_1015 {strides = array<i32>} : memref<16x128xf32, #tpu.memory_space<vmem>>, vector<1x16xf32>,
    %broadcast_in_dim3A_1016 = arith.constant 0.000000e+00 : f32
    %broadcast_in_dim3A_1017 = vector.broadcast %broadcast_in_dim3A_1016 : f32 to vector<16xf32>
    %swap3A_1018 = arith.constant 14 : i32
    %swap3A_1019 = arith.index_cast %swap3A_1018 : i32 to index
    %swap3A_1020 = arith.constant 96 : index
    %swap3A_1021 = tpu.vector_load %arg18[%swap3A_1019, %swap3A_1020] {strides = array<i32>} : memref<16x128xf32, #tpu.memory_space<vmem>>, vector<1x16xf32>,
    %swap3A_1022 = vector.shape_cast %swap3A_1021 : vector<1x16xf32> to vector<16xf32>
    %swap3A_1023 = vector.shape_cast %broadcast_in_dim3A_1017 : vector<16xf32> to vector<1x16xf32>
    tpu.vector_store %arg18[%swap3A_1019, %swap3A_1020], %swap3A_1023 {strides = array<i32>} : memref<16x128xf32, #tpu.memory_space<vmem>>, vector<1x16xf32>,
    %broadcast_in_dim3A_1024 = arith.constant 0.000000e+00 : f32
    %broadcast_in_dim3A_1025 = vector.broadcast %broadcast_in_dim3A_1024 : f32 to vector<16xf32>
    %swap3A_1026 = arith.constant 14 : i32
    %swap3A_1027 = arith.index_cast %swap3A_1026 : i32 to index
    %swap3A_1028 = arith.constant 112 : index
    %swap3A_1029 = tpu.vector_load %arg18[%swap3A_1027, %swap3A_1028] {strides = array<i32>} : memref<16x128xf32, #tpu.memory_space<vmem>>, vector<1x16xf32>,
    %swap3A_1030 = vector.shape_cast %swap3A_1029 : vector<1x16xf32> to vector<16xf32>
    %swap3A_1031 = vector.shape_cast %broadcast_in_dim3A_1025 : vector<16xf32> to vector<1x16xf32>
    tpu.vector_store %arg18[%swap3A_1027, %swap3A_1028], %swap3A_1031 {strides = array<i32>} : memref<16x128xf32, #tpu.memory_space<vmem>>, vector<1x16xf32>,
    %broadcast_in_dim3A_1032 = arith.constant 0.000000e+00 : f32
    %broadcast_in_dim3A_1033 = vector.broadcast %broadcast_in_dim3A_1032 : f32 to vector<16xf32>
    %swap3A_1034 = arith.constant 15 : i32
    %swap3A_1035 = arith.index_cast %swap3A_1034 : i32 to index
    %swap3A_1036 = arith.constant 0 : index
    %swap3A_1037 = tpu.vector_load %arg18[%swap3A_1035, %swap3A_1036] {strides = array<i32>} : memref<16x128xf32, #tpu.memory_space<vmem>>, vector<1x16xf32>,
    %swap3A_1038 = vector.shape_cast %swap3A_1037 : vector<1x16xf32> to vector<16xf32>
    %swap3A_1039 = vector.shape_cast %broadcast_in_dim3A_1033 : vector<16xf32> to vector<1x16xf32>
    tpu.vector_store %arg18[%swap3A_1035, %swap3A_1036], %swap3A_1039 {strides = array<i32>} : memref<16x128xf32, #tpu.memory_space<vmem>>, vector<1x16xf32>,
    %broadcast_in_dim3A_1040 = arith.constant 0.000000e+00 : f32
    %broadcast_in_dim3A_1041 = vector.broadcast %broadcast_in_dim3A_1040 : f32 to vector<16xf32>
    %swap3A_1042 = arith.constant 15 : i32
    %swap3A_1043 = arith.index_cast %swap3A_1042 : i32 to index
    %swap3A_1044 = arith.constant 16 : index
    %swap3A_1045 = tpu.vector_load %arg18[%swap3A_1043, %swap3A_1044] {strides = array<i32>} : memref<16x128xf32, #tpu.memory_space<vmem>>, vector<1x16xf32>,
    %swap3A_1046 = vector.shape_cast %swap3A_1045 : vector<1x16xf32> to vector<16xf32>
    %swap3A_1047 = vector.shape_cast %broadcast_in_dim3A_1041 : vector<16xf32> to vector<1x16xf32>
    tpu.vector_store %arg18[%swap3A_1043, %swap3A_1044], %swap3A_1047 {strides = array<i32>} : memref<16x128xf32, #tpu.memory_space<vmem>>, vector<1x16xf32>,
    %broadcast_in_dim3A_1048 = arith.constant 0.000000e+00 : f32
    %broadcast_in_dim3A_1049 = vector.broadcast %broadcast_in_dim3A_1048 : f32 to vector<16xf32>
    %swap3A_1050 = arith.constant 15 : i32
    %swap3A_1051 = arith.index_cast %swap3A_1050 : i32 to index
    %swap3A_1052 = arith.constant 32 : index
    %swap3A_1053 = tpu.vector_load %arg18[%swap3A_1051, %swap3A_1052] {strides = array<i32>} : memref<16x128xf32, #tpu.memory_space<vmem>>, vector<1x16xf32>,
    %swap3A_1054 = vector.shape_cast %swap3A_1053 : vector<1x16xf32> to vector<16xf32>
    %swap3A_1055 = vector.shape_cast %broadcast_in_dim3A_1049 : vector<16xf32> to vector<1x16xf32>
    tpu.vector_store %arg18[%swap3A_1051, %swap3A_1052], %swap3A_1055 {strides = array<i32>} : memref<16x128xf32, #tpu.memory_space<vmem>>, vector<1x16xf32>,
    %broadcast_in_dim3A_1056 = arith.constant 0.000000e+00 : f32
    %broadcast_in_dim3A_1057 = vector.broadcast %broadcast_in_dim3A_1056 : f32 to vector<16xf32>
    %swap3A_1058 = arith.constant 15 : i32
    %swap3A_1059 = arith.index_cast %swap3A_1058 : i32 to index
    %swap3A_1060 = arith.constant 48 : index
    %swap3A_1061 = tpu.vector_load %arg18[%swap3A_1059, %swap3A_1060] {strides = array<i32>} : memref<16x128xf32, #tpu.memory_space<vmem>>, vector<1x16xf32>,
    %swap3A_1062 = vector.shape_cast %swap3A_1061 : vector<1x16xf32> to vector<16xf32>
    %swap3A_1063 = vector.shape_cast %broadcast_in_dim3A_1057 : vector<16xf32> to vector<1x16xf32>
    tpu.vector_store %arg18[%swap3A_1059, %swap3A_1060], %swap3A_1063 {strides = array<i32>} : memref<16x128xf32, #tpu.memory_space<vmem>>, vector<1x16xf32>,
    %broadcast_in_dim3A_1064 = arith.constant 0.000000e+00 : f32
    %broadcast_in_dim3A_1065 = vector.broadcast %broadcast_in_dim3A_1064 : f32 to vector<16xf32>
    %swap3A_1066 = arith.constant 15 : i32
    %swap3A_1067 = arith.index_cast %swap3A_1066 : i32 to index
    %swap3A_1068 = arith.constant 64 : index
    %swap3A_1069 = tpu.vector_load %arg18[%swap3A_1067, %swap3A_1068] {strides = array<i32>} : memref<16x128xf32, #tpu.memory_space<vmem>>, vector<1x16xf32>,
    %swap3A_1070 = vector.shape_cast %swap3A_1069 : vector<1x16xf32> to vector<16xf32>
    %swap3A_1071 = vector.shape_cast %broadcast_in_dim3A_1065 : vector<16xf32> to vector<1x16xf32>
    tpu.vector_store %arg18[%swap3A_1067, %swap3A_1068], %swap3A_1071 {strides = array<i32>} : memref<16x128xf32, #tpu.memory_space<vmem>>, vector<1x16xf32>,
    %broadcast_in_dim3A_1072 = arith.constant 0.000000e+00 : f32
    %broadcast_in_dim3A_1073 = vector.broadcast %broadcast_in_dim3A_1072 : f32 to vector<16xf32>
    %swap3A_1074 = arith.constant 15 : i32
    %swap3A_1075 = arith.index_cast %swap3A_1074 : i32 to index
    %swap3A_1076 = arith.constant 80 : index
    %swap3A_1077 = tpu.vector_load %arg18[%swap3A_1075, %swap3A_1076] {strides = array<i32>} : memref<16x128xf32, #tpu.memory_space<vmem>>, vector<1x16xf32>,
    %swap3A_1078 = vector.shape_cast %swap3A_1077 : vector<1x16xf32> to vector<16xf32>
    %swap3A_1079 = vector.shape_cast %broadcast_in_dim3A_1073 : vector<16xf32> to vector<1x16xf32>
    tpu.vector_store %arg18[%swap3A_1075, %swap3A_1076], %swap3A_1079 {strides = array<i32>} : memref<16x128xf32, #tpu.memory_space<vmem>>, vector<1x16xf32>,
    %broadcast_in_dim3A_1080 = arith.constant 0.000000e+00 : f32
    %broadcast_in_dim3A_1081 = vector.broadcast %broadcast_in_dim3A_1080 : f32 to vector<16xf32>
    %swap3A_1082 = arith.constant 15 : i32
    %swap3A_1083 = arith.index_cast %swap3A_1082 : i32 to index
    %swap3A_1084 = arith.constant 96 : index
    %swap3A_1085 = tpu.vector_load %arg18[%swap3A_1083, %swap3A_1084] {strides = array<i32>} : memref<16x128xf32, #tpu.memory_space<vmem>>, vector<1x16xf32>,
    %swap3A_1086 = vector.shape_cast %swap3A_1085 : vector<1x16xf32> to vector<16xf32>
    %swap3A_1087 = vector.shape_cast %broadcast_in_dim3A_1081 : vector<16xf32> to vector<1x16xf32>
    tpu.vector_store %arg18[%swap3A_1083, %swap3A_1084], %swap3A_1087 {strides = array<i32>} : memref<16x128xf32, #tpu.memory_space<vmem>>, vector<1x16xf32>,
    %broadcast_in_dim3A_1088 = arith.constant 0.000000e+00 : f32
    %broadcast_in_dim3A_1089 = vector.broadcast %broadcast_in_dim3A_1088 : f32 to vector<16xf32>
    %swap3A_1090 = arith.constant 15 : i32
    %swap3A_1091 = arith.index_cast %swap3A_1090 : i32 to index
    %swap3A_1092 = arith.constant 112 : index
    %swap3A_1093 = tpu.vector_load %arg18[%swap3A_1091, %swap3A_1092] {strides = array<i32>} : memref<16x128xf32, #tpu.memory_space<vmem>>, vector<1x16xf32>,
    %swap3A_1094 = vector.shape_cast %swap3A_1093 : vector<1x16xf32> to vector<16xf32>
    %swap3A_1095 = vector.shape_cast %broadcast_in_dim3A_1089 : vector<16xf32> to vector<1x16xf32>
    tpu.vector_store %arg18[%swap3A_1091, %swap3A_1092], %swap3A_1095 {strides = array<i32>} : memref<16x128xf32, #tpu.memory_space<vmem>>, vector<1x16xf32>,
    %mul3A_1096 = arith.constant 624 : i32
    %mul3A_1097 = arith.muli %arg1, %mul3A_1096 : i32
    %add3A_1098 = arith.constant 0 : i32
    %add3A_1099 = arith.addi %mul3A_1097, %add3A_1098 : i32
    "tpu.region"() ({
      %run_scoped3A = tpu.sem_alloc : memref<!tpu.dma_semaphore, #tpu.memory_space<semaphore_mem>>
      %dma_start3A_1345 = arith.constant 0 : i32
      %dma_start3A_1346 = tpu.memref_slice %arg19[%add3A_1099, %dma_start3A_1345] : memref<10000x128xf32, #tpu.memory_space<vmem_shared>> -> memref<16x128xf32, #tpu.memory_space<vmem_shared>>
      %dma_start3A_1347 = arith.constant 0 : i32
      %dma_start3A_1348 = tpu.memref_slice %arg19[%add3A_1099, %dma_start3A_1347] : memref<10000x128xf32, #tpu.memory_space<vmem_shared>> -> memref<16x128xf32, #tpu.memory_space<vmem_shared>>
      tpu.enqueue_dma source(%arg18 : memref<16x128xf32, #tpu.memory_space<vmem>>) target(%dma_start3A_1348 : memref<16x128xf32, #tpu.memory_space<vmem_shared>>) target_semaphore(%run_scoped3A : memref<!tpu.dma_semaphore, #tpu.memory_space<semaphore_mem>>)
      %dma_wait3A_1349 = arith.constant 0 : i32
      %dma_wait3A_1350 = tpu.memref_slice %arg19[%add3A_1099, %dma_wait3A_1349] : memref<10000x128xf32, #tpu.memory_space<vmem_shared>> -> memref<16x128xf32, #tpu.memory_space<vmem_shared>>
      %dma_wait3A_1351 = arith.constant 0 : i32
      %dma_wait3A_1352 = tpu.memref_slice %arg19[%add3A_1099, %dma_wait3A_1351] : memref<10000x128xf32, #tpu.memory_space<vmem_shared>> -> memref<16x128xf32, #tpu.memory_space<vmem_shared>>
      tpu.wait_dma2 semaphore(%run_scoped3A : memref<!tpu.dma_semaphore, #tpu.memory_space<semaphore_mem>>) src(%arg18 : memref<16x128xf32, #tpu.memory_space<vmem>>) dst(%dma_wait3A_1352 : memref<16x128xf32, #tpu.memory_space<vmem_shared>>)
      tpu.yield
    }) : () -> ()
    %mul3A_1100 = arith.constant 624 : i32
    %mul3A_1101 = arith.muli %arg1, %mul3A_1100 : i32
    %add3A_1102 = arith.constant 16 : i32
    %add3A_1103 = arith.addi %mul3A_1101, %add3A_1102 : i32
    "tpu.region"() ({
      %run_scoped3A = tpu.sem_alloc : memref<!tpu.dma_semaphore, #tpu.memory_space<semaphore_mem>>
      %dma_start3A_1345 = arith.constant 0 : i32
      %dma_start3A_1346 = tpu.memref_slice %arg19[%add3A_1103, %dma_start3A_1345] : memref<10000x128xf32, #tpu.memory_space<vmem_shared>> -> memref<16x128xf32, #tpu.memory_space<vmem_shared>>
      %dma_start3A_1347 = arith.constant 0 : i32
      %dma_start3A_1348 = tpu.memref_slice %arg19[%add3A_1103, %dma_start3A_1347] : memref<10000x128xf32, #tpu.memory_space<vmem_shared>> -> memref<16x128xf32, #tpu.memory_space<vmem_shared>>
      tpu.enqueue_dma source(%arg18 : memref<16x128xf32, #tpu.memory_space<vmem>>) target(%dma_start3A_1348 : memref<16x128xf32, #tpu.memory_space<vmem_shared>>) target_semaphore(%run_scoped3A : memref<!tpu.dma_semaphore, #tpu.memory_space<semaphore_mem>>)
      %dma_wait3A_1349 = arith.constant 0 : i32
      %dma_wait3A_1350 = tpu.memref_slice %arg19[%add3A_1103, %dma_wait3A_1349] : memref<10000x128xf32, #tpu.memory_space<vmem_shared>> -> memref<16x128xf32, #tpu.memory_space<vmem_shared>>
      %dma_wait3A_1351 = arith.constant 0 : i32
      %dma_wait3A_1352 = tpu.memref_slice %arg19[%add3A_1103, %dma_wait3A_1351] : memref<10000x128xf32, #tpu.memory_space<vmem_shared>> -> memref<16x128xf32, #tpu.memory_space<vmem_shared>>
      tpu.wait_dma2 semaphore(%run_scoped3A : memref<!tpu.dma_semaphore, #tpu.memory_space<semaphore_mem>>) src(%arg18 : memref<16x128xf32, #tpu.memory_space<vmem>>) dst(%dma_wait3A_1352 : memref<16x128xf32, #tpu.memory_space<vmem_shared>>)
      tpu.yield
    }) : () -> ()
    %mul3A_1104 = arith.constant 624 : i32
    %mul3A_1105 = arith.muli %arg1, %mul3A_1104 : i32
    %add3A_1106 = arith.constant 32 : i32
    %add3A_1107 = arith.addi %mul3A_1105, %add3A_1106 : i32
    "tpu.region"() ({
      %run_scoped3A = tpu.sem_alloc : memref<!tpu.dma_semaphore, #tpu.memory_space<semaphore_mem>>
      %dma_start3A_1345 = arith.constant 0 : i32
      %dma_start3A_1346 = tpu.memref_slice %arg19[%add3A_1107, %dma_start3A_1345] : memref<10000x128xf32, #tpu.memory_space<vmem_shared>> -> memref<16x128xf32, #tpu.memory_space<vmem_shared>>
      %dma_start3A_1347 = arith.constant 0 : i32
      %dma_start3A_1348 = tpu.memref_slice %arg19[%add3A_1107, %dma_start3A_1347] : memref<10000x128xf32, #tpu.memory_space<vmem_shared>> -> memref<16x128xf32, #tpu.memory_space<vmem_shared>>
      tpu.enqueue_dma source(%arg18 : memref<16x128xf32, #tpu.memory_space<vmem>>) target(%dma_start3A_1348 : memref<16x128xf32, #tpu.memory_space<vmem_shared>>) target_semaphore(%run_scoped3A : memref<!tpu.dma_semaphore, #tpu.memory_space<semaphore_mem>>)
      %dma_wait3A_1349 = arith.constant 0 : i32
      %dma_wait3A_1350 = tpu.memref_slice %arg19[%add3A_1107, %dma_wait3A_1349] : memref<10000x128xf32, #tpu.memory_space<vmem_shared>> -> memref<16x128xf32, #tpu.memory_space<vmem_shared>>
      %dma_wait3A_1351 = arith.constant 0 : i32
      %dma_wait3A_1352 = tpu.memref_slice %arg19[%add3A_1107, %dma_wait3A_1351] : memref<10000x128xf32, #tpu.memory_space<vmem_shared>> -> memref<16x128xf32, #tpu.memory_space<vmem_shared>>
      tpu.wait_dma2 semaphore(%run_scoped3A : memref<!tpu.dma_semaphore, #tpu.memory_space<semaphore_mem>>) src(%arg18 : memref<16x128xf32, #tpu.memory_space<vmem>>) dst(%dma_wait3A_1352 : memref<16x128xf32, #tpu.memory_space<vmem_shared>>)
      tpu.yield
    }) : () -> ()
    %mul3A_1108 = arith.constant 624 : i32
    %mul3A_1109 = arith.muli %arg1, %mul3A_1108 : i32
    %add3A_1110 = arith.constant 48 : i32
    %add3A_1111 = arith.addi %mul3A_1109, %add3A_1110 : i32
    "tpu.region"() ({
      %run_scoped3A = tpu.sem_alloc : memref<!tpu.dma_semaphore, #tpu.memory_space<semaphore_mem>>
      %dma_start3A_1345 = arith.constant 0 : i32
      %dma_start3A_1346 = tpu.memref_slice %arg19[%add3A_1111, %dma_start3A_1345] : memref<10000x128xf32, #tpu.memory_space<vmem_shared>> -> memref<16x128xf32, #tpu.memory_space<vmem_shared>>
      %dma_start3A_1347 = arith.constant 0 : i32
      %dma_start3A_1348 = tpu.memref_slice %arg19[%add3A_1111, %dma_start3A_1347] : memref<10000x128xf32, #tpu.memory_space<vmem_shared>> -> memref<16x128xf32, #tpu.memory_space<vmem_shared>>
      tpu.enqueue_dma source(%arg18 : memref<16x128xf32, #tpu.memory_space<vmem>>) target(%dma_start3A_1348 : memref<16x128xf32, #tpu.memory_space<vmem_shared>>) target_semaphore(%run_scoped3A : memref<!tpu.dma_semaphore, #tpu.memory_space<semaphore_mem>>)
      %dma_wait3A_1349 = arith.constant 0 : i32
      %dma_wait3A_1350 = tpu.memref_slice %arg19[%add3A_1111, %dma_wait3A_1349] : memref<10000x128xf32, #tpu.memory_space<vmem_shared>> -> memref<16x128xf32, #tpu.memory_space<vmem_shared>>
      %dma_wait3A_1351 = arith.constant 0 : i32
      %dma_wait3A_1352 = tpu.memref_slice %arg19[%add3A_1111, %dma_wait3A_1351] : memref<10000x128xf32, #tpu.memory_space<vmem_shared>> -> memref<16x128xf32, #tpu.memory_space<vmem_shared>>
      tpu.wait_dma2 semaphore(%run_scoped3A : memref<!tpu.dma_semaphore, #tpu.memory_space<semaphore_mem>>) src(%arg18 : memref<16x128xf32, #tpu.memory_space<vmem>>) dst(%dma_wait3A_1352 : memref<16x128xf32, #tpu.memory_space<vmem_shared>>)
      tpu.yield
    }) : () -> ()
    %mul3A_1112 = arith.constant 624 : i32
    %mul3A_1113 = arith.muli %arg1, %mul3A_1112 : i32
    %add3A_1114 = arith.constant 64 : i32
    %add3A_1115 = arith.addi %mul3A_1113, %add3A_1114 : i32
    "tpu.region"() ({
      %run_scoped3A = tpu.sem_alloc : memref<!tpu.dma_semaphore, #tpu.memory_space<semaphore_mem>>
      %dma_start3A_1345 = arith.constant 0 : i32
      %dma_start3A_1346 = tpu.memref_slice %arg19[%add3A_1115, %dma_start3A_1345] : memref<10000x128xf32, #tpu.memory_space<vmem_shared>> -> memref<16x128xf32, #tpu.memory_space<vmem_shared>>
      %dma_start3A_1347 = arith.constant 0 : i32
      %dma_start3A_1348 = tpu.memref_slice %arg19[%add3A_1115, %dma_start3A_1347] : memref<10000x128xf32, #tpu.memory_space<vmem_shared>> -> memref<16x128xf32, #tpu.memory_space<vmem_shared>>
      tpu.enqueue_dma source(%arg18 : memref<16x128xf32, #tpu.memory_space<vmem>>) target(%dma_start3A_1348 : memref<16x128xf32, #tpu.memory_space<vmem_shared>>) target_semaphore(%run_scoped3A : memref<!tpu.dma_semaphore, #tpu.memory_space<semaphore_mem>>)
      %dma_wait3A_1349 = arith.constant 0 : i32
      %dma_wait3A_1350 = tpu.memref_slice %arg19[%add3A_1115, %dma_wait3A_1349] : memref<10000x128xf32, #tpu.memory_space<vmem_shared>> -> memref<16x128xf32, #tpu.memory_space<vmem_shared>>
      %dma_wait3A_1351 = arith.constant 0 : i32
      %dma_wait3A_1352 = tpu.memref_slice %arg19[%add3A_1115, %dma_wait3A_1351] : memref<10000x128xf32, #tpu.memory_space<vmem_shared>> -> memref<16x128xf32, #tpu.memory_space<vmem_shared>>
      tpu.wait_dma2 semaphore(%run_scoped3A : memref<!tpu.dma_semaphore, #tpu.memory_space<semaphore_mem>>) src(%arg18 : memref<16x128xf32, #tpu.memory_space<vmem>>) dst(%dma_wait3A_1352 : memref<16x128xf32, #tpu.memory_space<vmem_shared>>)
      tpu.yield
    }) : () -> ()
    %mul3A_1116 = arith.constant 624 : i32
    %mul3A_1117 = arith.muli %arg1, %mul3A_1116 : i32
    %add3A_1118 = arith.constant 80 : i32
    %add3A_1119 = arith.addi %mul3A_1117, %add3A_1118 : i32
    "tpu.region"() ({
      %run_scoped3A = tpu.sem_alloc : memref<!tpu.dma_semaphore, #tpu.memory_space<semaphore_mem>>
      %dma_start3A_1345 = arith.constant 0 : i32
      %dma_start3A_1346 = tpu.memref_slice %arg19[%add3A_1119, %dma_start3A_1345] : memref<10000x128xf32, #tpu.memory_space<vmem_shared>> -> memref<16x128xf32, #tpu.memory_space<vmem_shared>>
      %dma_start3A_1347 = arith.constant 0 : i32
      %dma_start3A_1348 = tpu.memref_slice %arg19[%add3A_1119, %dma_start3A_1347] : memref<10000x128xf32, #tpu.memory_space<vmem_shared>> -> memref<16x128xf32, #tpu.memory_space<vmem_shared>>
      tpu.enqueue_dma source(%arg18 : memref<16x128xf32, #tpu.memory_space<vmem>>) target(%dma_start3A_1348 : memref<16x128xf32, #tpu.memory_space<vmem_shared>>) target_semaphore(%run_scoped3A : memref<!tpu.dma_semaphore, #tpu.memory_space<semaphore_mem>>)
      %dma_wait3A_1349 = arith.constant 0 : i32
      %dma_wait3A_1350 = tpu.memref_slice %arg19[%add3A_1119, %dma_wait3A_1349] : memref<10000x128xf32, #tpu.memory_space<vmem_shared>> -> memref<16x128xf32, #tpu.memory_space<vmem_shared>>
      %dma_wait3A_1351 = arith.constant 0 : i32
      %dma_wait3A_1352 = tpu.memref_slice %arg19[%add3A_1119, %dma_wait3A_1351] : memref<10000x128xf32, #tpu.memory_space<vmem_shared>> -> memref<16x128xf32, #tpu.memory_space<vmem_shared>>
      tpu.wait_dma2 semaphore(%run_scoped3A : memref<!tpu.dma_semaphore, #tpu.memory_space<semaphore_mem>>) src(%arg18 : memref<16x128xf32, #tpu.memory_space<vmem>>) dst(%dma_wait3A_1352 : memref<16x128xf32, #tpu.memory_space<vmem_shared>>)
      tpu.yield
    }) : () -> ()
    %mul3A_1120 = arith.constant 624 : i32
    %mul3A_1121 = arith.muli %arg1, %mul3A_1120 : i32
    %add3A_1122 = arith.constant 96 : i32
    %add3A_1123 = arith.addi %mul3A_1121, %add3A_1122 : i32
    "tpu.region"() ({
      %run_scoped3A = tpu.sem_alloc : memref<!tpu.dma_semaphore, #tpu.memory_space<semaphore_mem>>
      %dma_start3A_1345 = arith.constant 0 : i32
      %dma_start3A_1346 = tpu.memref_slice %arg19[%add3A_1123, %dma_start3A_1345] : memref<10000x128xf32, #tpu.memory_space<vmem_shared>> -> memref<16x128xf32, #tpu.memory_space<vmem_shared>>
      %dma_start3A_1347 = arith.constant 0 : i32
      %dma_start3A_1348 = tpu.memref_slice %arg19[%add3A_1123, %dma_start3A_1347] : memref<10000x128xf32, #tpu.memory_space<vmem_shared>> -> memref<16x128xf32, #tpu.memory_space<vmem_shared>>
      tpu.enqueue_dma source(%arg18 : memref<16x128xf32, #tpu.memory_space<vmem>>) target(%dma_start3A_1348 : memref<16x128xf32, #tpu.memory_space<vmem_shared>>) target_semaphore(%run_scoped3A : memref<!tpu.dma_semaphore, #tpu.memory_space<semaphore_mem>>)
      %dma_wait3A_1349 = arith.constant 0 : i32
      %dma_wait3A_1350 = tpu.memref_slice %arg19[%add3A_1123, %dma_wait3A_1349] : memref<10000x128xf32, #tpu.memory_space<vmem_shared>> -> memref<16x128xf32, #tpu.memory_space<vmem_shared>>
      %dma_wait3A_1351 = arith.constant 0 : i32
      %dma_wait3A_1352 = tpu.memref_slice %arg19[%add3A_1123, %dma_wait3A_1351] : memref<10000x128xf32, #tpu.memory_space<vmem_shared>> -> memref<16x128xf32, #tpu.memory_space<vmem_shared>>
      tpu.wait_dma2 semaphore(%run_scoped3A : memref<!tpu.dma_semaphore, #tpu.memory_space<semaphore_mem>>) src(%arg18 : memref<16x128xf32, #tpu.memory_space<vmem>>) dst(%dma_wait3A_1352 : memref<16x128xf32, #tpu.memory_space<vmem_shared>>)
      tpu.yield
    }) : () -> ()
    %mul3A_1124 = arith.constant 624 : i32
    %mul3A_1125 = arith.muli %arg1, %mul3A_1124 : i32
    %add3A_1126 = arith.constant 112 : i32
    %add3A_1127 = arith.addi %mul3A_1125, %add3A_1126 : i32
    "tpu.region"() ({
      %run_scoped3A = tpu.sem_alloc : memref<!tpu.dma_semaphore, #tpu.memory_space<semaphore_mem>>
      %dma_start3A_1345 = arith.constant 0 : i32
      %dma_start3A_1346 = tpu.memref_slice %arg19[%add3A_1127, %dma_start3A_1345] : memref<10000x128xf32, #tpu.memory_space<vmem_shared>> -> memref<16x128xf32, #tpu.memory_space<vmem_shared>>
      %dma_start3A_1347 = arith.constant 0 : i32
      %dma_start3A_1348 = tpu.memref_slice %arg19[%add3A_1127, %dma_start3A_1347] : memref<10000x128xf32, #tpu.memory_space<vmem_shared>> -> memref<16x128xf32, #tpu.memory_space<vmem_shared>>
      tpu.enqueue_dma source(%arg18 : memref<16x128xf32, #tpu.memory_space<vmem>>) target(%dma_start3A_1348 : memref<16x128xf32, #tpu.memory_space<vmem_shared>>) target_semaphore(%run_scoped3A : memref<!tpu.dma_semaphore, #tpu.memory_space<semaphore_mem>>)
      %dma_wait3A_1349 = arith.constant 0 : i32
      %dma_wait3A_1350 = tpu.memref_slice %arg19[%add3A_1127, %dma_wait3A_1349] : memref<10000x128xf32, #tpu.memory_space<vmem_shared>> -> memref<16x128xf32, #tpu.memory_space<vmem_shared>>
      %dma_wait3A_1351 = arith.constant 0 : i32
      %dma_wait3A_1352 = tpu.memref_slice %arg19[%add3A_1127, %dma_wait3A_1351] : memref<10000x128xf32, #tpu.memory_space<vmem_shared>> -> memref<16x128xf32, #tpu.memory_space<vmem_shared>>
      tpu.wait_dma2 semaphore(%run_scoped3A : memref<!tpu.dma_semaphore, #tpu.memory_space<semaphore_mem>>) src(%arg18 : memref<16x128xf32, #tpu.memory_space<vmem>>) dst(%dma_wait3A_1352 : memref<16x128xf32, #tpu.memory_space<vmem_shared>>)
      tpu.yield
    }) : () -> ()
    %mul3A_1128 = arith.constant 624 : i32
    %mul3A_1129 = arith.muli %arg1, %mul3A_1128 : i32
    %add3A_1130 = arith.constant 128 : i32
    %add3A_1131 = arith.addi %mul3A_1129, %add3A_1130 : i32
    "tpu.region"() ({
      %run_scoped3A = tpu.sem_alloc : memref<!tpu.dma_semaphore, #tpu.memory_space<semaphore_mem>>
      %dma_start3A_1345 = arith.constant 0 : i32
      %dma_start3A_1346 = tpu.memref_slice %arg19[%add3A_1131, %dma_start3A_1345] : memref<10000x128xf32, #tpu.memory_space<vmem_shared>> -> memref<16x128xf32, #tpu.memory_space<vmem_shared>>
      %dma_start3A_1347 = arith.constant 0 : i32
      %dma_start3A_1348 = tpu.memref_slice %arg19[%add3A_1131, %dma_start3A_1347] : memref<10000x128xf32, #tpu.memory_space<vmem_shared>> -> memref<16x128xf32, #tpu.memory_space<vmem_shared>>
      tpu.enqueue_dma source(%arg18 : memref<16x128xf32, #tpu.memory_space<vmem>>) target(%dma_start3A_1348 : memref<16x128xf32, #tpu.memory_space<vmem_shared>>) target_semaphore(%run_scoped3A : memref<!tpu.dma_semaphore, #tpu.memory_space<semaphore_mem>>)
      %dma_wait3A_1349 = arith.constant 0 : i32
      %dma_wait3A_1350 = tpu.memref_slice %arg19[%add3A_1131, %dma_wait3A_1349] : memref<10000x128xf32, #tpu.memory_space<vmem_shared>> -> memref<16x128xf32, #tpu.memory_space<vmem_shared>>
      %dma_wait3A_1351 = arith.constant 0 : i32
      %dma_wait3A_1352 = tpu.memref_slice %arg19[%add3A_1131, %dma_wait3A_1351] : memref<10000x128xf32, #tpu.memory_space<vmem_shared>> -> memref<16x128xf32, #tpu.memory_space<vmem_shared>>
      tpu.wait_dma2 semaphore(%run_scoped3A : memref<!tpu.dma_semaphore, #tpu.memory_space<semaphore_mem>>) src(%arg18 : memref<16x128xf32, #tpu.memory_space<vmem>>) dst(%dma_wait3A_1352 : memref<16x128xf32, #tpu.memory_space<vmem_shared>>)
      tpu.yield
    }) : () -> ()
    %mul3A_1132 = arith.constant 624 : i32
    %mul3A_1133 = arith.muli %arg1, %mul3A_1132 : i32
    %add3A_1134 = arith.constant 144 : i32
    %add3A_1135 = arith.addi %mul3A_1133, %add3A_1134 : i32
    "tpu.region"() ({
      %run_scoped3A = tpu.sem_alloc : memref<!tpu.dma_semaphore, #tpu.memory_space<semaphore_mem>>
      %dma_start3A_1345 = arith.constant 0 : i32
      %dma_start3A_1346 = tpu.memref_slice %arg19[%add3A_1135, %dma_start3A_1345] : memref<10000x128xf32, #tpu.memory_space<vmem_shared>> -> memref<16x128xf32, #tpu.memory_space<vmem_shared>>
      %dma_start3A_1347 = arith.constant 0 : i32
      %dma_start3A_1348 = tpu.memref_slice %arg19[%add3A_1135, %dma_start3A_1347] : memref<10000x128xf32, #tpu.memory_space<vmem_shared>> -> memref<16x128xf32, #tpu.memory_space<vmem_shared>>
      tpu.enqueue_dma source(%arg18 : memref<16x128xf32, #tpu.memory_space<vmem>>) target(%dma_start3A_1348 : memref<16x128xf32, #tpu.memory_space<vmem_shared>>) target_semaphore(%run_scoped3A : memref<!tpu.dma_semaphore, #tpu.memory_space<semaphore_mem>>)
      %dma_wait3A_1349 = arith.constant 0 : i32
      %dma_wait3A_1350 = tpu.memref_slice %arg19[%add3A_1135, %dma_wait3A_1349] : memref<10000x128xf32, #tpu.memory_space<vmem_shared>> -> memref<16x128xf32, #tpu.memory_space<vmem_shared>>
      %dma_wait3A_1351 = arith.constant 0 : i32
      %dma_wait3A_1352 = tpu.memref_slice %arg19[%add3A_1135, %dma_wait3A_1351] : memref<10000x128xf32, #tpu.memory_space<vmem_shared>> -> memref<16x128xf32, #tpu.memory_space<vmem_shared>>
      tpu.wait_dma2 semaphore(%run_scoped3A : memref<!tpu.dma_semaphore, #tpu.memory_space<semaphore_mem>>) src(%arg18 : memref<16x128xf32, #tpu.memory_space<vmem>>) dst(%dma_wait3A_1352 : memref<16x128xf32, #tpu.memory_space<vmem_shared>>)
      tpu.yield
    }) : () -> ()
    %mul3A_1136 = arith.constant 624 : i32
    %mul3A_1137 = arith.muli %arg1, %mul3A_1136 : i32
    %add3A_1138 = arith.constant 160 : i32
    %add3A_1139 = arith.addi %mul3A_1137, %add3A_1138 : i32
    "tpu.region"() ({
      %run_scoped3A = tpu.sem_alloc : memref<!tpu.dma_semaphore, #tpu.memory_space<semaphore_mem>>
      %dma_start3A_1345 = arith.constant 0 : i32
      %dma_start3A_1346 = tpu.memref_slice %arg19[%add3A_1139, %dma_start3A_1345] : memref<10000x128xf32, #tpu.memory_space<vmem_shared>> -> memref<16x128xf32, #tpu.memory_space<vmem_shared>>
      %dma_start3A_1347 = arith.constant 0 : i32
      %dma_start3A_1348 = tpu.memref_slice %arg19[%add3A_1139, %dma_start3A_1347] : memref<10000x128xf32, #tpu.memory_space<vmem_shared>> -> memref<16x128xf32, #tpu.memory_space<vmem_shared>>
      tpu.enqueue_dma source(%arg18 : memref<16x128xf32, #tpu.memory_space<vmem>>) target(%dma_start3A_1348 : memref<16x128xf32, #tpu.memory_space<vmem_shared>>) target_semaphore(%run_scoped3A : memref<!tpu.dma_semaphore, #tpu.memory_space<semaphore_mem>>)
      %dma_wait3A_1349 = arith.constant 0 : i32
      %dma_wait3A_1350 = tpu.memref_slice %arg19[%add3A_1139, %dma_wait3A_1349] : memref<10000x128xf32, #tpu.memory_space<vmem_shared>> -> memref<16x128xf32, #tpu.memory_space<vmem_shared>>
      %dma_wait3A_1351 = arith.constant 0 : i32
      %dma_wait3A_1352 = tpu.memref_slice %arg19[%add3A_1139, %dma_wait3A_1351] : memref<10000x128xf32, #tpu.memory_space<vmem_shared>> -> memref<16x128xf32, #tpu.memory_space<vmem_shared>>
      tpu.wait_dma2 semaphore(%run_scoped3A : memref<!tpu.dma_semaphore, #tpu.memory_space<semaphore_mem>>) src(%arg18 : memref<16x128xf32, #tpu.memory_space<vmem>>) dst(%dma_wait3A_1352 : memref<16x128xf32, #tpu.memory_space<vmem_shared>>)
      tpu.yield
    }) : () -> ()
    %mul3A_1140 = arith.constant 624 : i32
    %mul3A_1141 = arith.muli %arg1, %mul3A_1140 : i32
    %add3A_1142 = arith.constant 176 : i32
    %add3A_1143 = arith.addi %mul3A_1141, %add3A_1142 : i32
    "tpu.region"() ({
      %run_scoped3A = tpu.sem_alloc : memref<!tpu.dma_semaphore, #tpu.memory_space<semaphore_mem>>
      %dma_start3A_1345 = arith.constant 0 : i32
      %dma_start3A_1346 = tpu.memref_slice %arg19[%add3A_1143, %dma_start3A_1345] : memref<10000x128xf32, #tpu.memory_space<vmem_shared>> -> memref<16x128xf32, #tpu.memory_space<vmem_shared>>
      %dma_start3A_1347 = arith.constant 0 : i32
      %dma_start3A_1348 = tpu.memref_slice %arg19[%add3A_1143, %dma_start3A_1347] : memref<10000x128xf32, #tpu.memory_space<vmem_shared>> -> memref<16x128xf32, #tpu.memory_space<vmem_shared>>
      tpu.enqueue_dma source(%arg18 : memref<16x128xf32, #tpu.memory_space<vmem>>) target(%dma_start3A_1348 : memref<16x128xf32, #tpu.memory_space<vmem_shared>>) target_semaphore(%run_scoped3A : memref<!tpu.dma_semaphore, #tpu.memory_space<semaphore_mem>>)
      %dma_wait3A_1349 = arith.constant 0 : i32
      %dma_wait3A_1350 = tpu.memref_slice %arg19[%add3A_1143, %dma_wait3A_1349] : memref<10000x128xf32, #tpu.memory_space<vmem_shared>> -> memref<16x128xf32, #tpu.memory_space<vmem_shared>>
      %dma_wait3A_1351 = arith.constant 0 : i32
      %dma_wait3A_1352 = tpu.memref_slice %arg19[%add3A_1143, %dma_wait3A_1351] : memref<10000x128xf32, #tpu.memory_space<vmem_shared>> -> memref<16x128xf32, #tpu.memory_space<vmem_shared>>
      tpu.wait_dma2 semaphore(%run_scoped3A : memref<!tpu.dma_semaphore, #tpu.memory_space<semaphore_mem>>) src(%arg18 : memref<16x128xf32, #tpu.memory_space<vmem>>) dst(%dma_wait3A_1352 : memref<16x128xf32, #tpu.memory_space<vmem_shared>>)
      tpu.yield
    }) : () -> ()
    %mul3A_1144 = arith.constant 624 : i32
    %mul3A_1145 = arith.muli %arg1, %mul3A_1144 : i32
    %add3A_1146 = arith.constant 192 : i32
    %add3A_1147 = arith.addi %mul3A_1145, %add3A_1146 : i32
    "tpu.region"() ({
      %run_scoped3A = tpu.sem_alloc : memref<!tpu.dma_semaphore, #tpu.memory_space<semaphore_mem>>
      %dma_start3A_1345 = arith.constant 0 : i32
      %dma_start3A_1346 = tpu.memref_slice %arg19[%add3A_1147, %dma_start3A_1345] : memref<10000x128xf32, #tpu.memory_space<vmem_shared>> -> memref<16x128xf32, #tpu.memory_space<vmem_shared>>
      %dma_start3A_1347 = arith.constant 0 : i32
      %dma_start3A_1348 = tpu.memref_slice %arg19[%add3A_1147, %dma_start3A_1347] : memref<10000x128xf32, #tpu.memory_space<vmem_shared>> -> memref<16x128xf32, #tpu.memory_space<vmem_shared>>
      tpu.enqueue_dma source(%arg18 : memref<16x128xf32, #tpu.memory_space<vmem>>) target(%dma_start3A_1348 : memref<16x128xf32, #tpu.memory_space<vmem_shared>>) target_semaphore(%run_scoped3A : memref<!tpu.dma_semaphore, #tpu.memory_space<semaphore_mem>>)
      %dma_wait3A_1349 = arith.constant 0 : i32
      %dma_wait3A_1350 = tpu.memref_slice %arg19[%add3A_1147, %dma_wait3A_1349] : memref<10000x128xf32, #tpu.memory_space<vmem_shared>> -> memref<16x128xf32, #tpu.memory_space<vmem_shared>>
      %dma_wait3A_1351 = arith.constant 0 : i32
      %dma_wait3A_1352 = tpu.memref_slice %arg19[%add3A_1147, %dma_wait3A_1351] : memref<10000x128xf32, #tpu.memory_space<vmem_shared>> -> memref<16x128xf32, #tpu.memory_space<vmem_shared>>
      tpu.wait_dma2 semaphore(%run_scoped3A : memref<!tpu.dma_semaphore, #tpu.memory_space<semaphore_mem>>) src(%arg18 : memref<16x128xf32, #tpu.memory_space<vmem>>) dst(%dma_wait3A_1352 : memref<16x128xf32, #tpu.memory_space<vmem_shared>>)
      tpu.yield
    }) : () -> ()
    %mul3A_1148 = arith.constant 624 : i32
    %mul3A_1149 = arith.muli %arg1, %mul3A_1148 : i32
    %add3A_1150 = arith.constant 208 : i32
    %add3A_1151 = arith.addi %mul3A_1149, %add3A_1150 : i32
    "tpu.region"() ({
      %run_scoped3A = tpu.sem_alloc : memref<!tpu.dma_semaphore, #tpu.memory_space<semaphore_mem>>
      %dma_start3A_1345 = arith.constant 0 : i32
      %dma_start3A_1346 = tpu.memref_slice %arg19[%add3A_1151, %dma_start3A_1345] : memref<10000x128xf32, #tpu.memory_space<vmem_shared>> -> memref<16x128xf32, #tpu.memory_space<vmem_shared>>
      %dma_start3A_1347 = arith.constant 0 : i32
      %dma_start3A_1348 = tpu.memref_slice %arg19[%add3A_1151, %dma_start3A_1347] : memref<10000x128xf32, #tpu.memory_space<vmem_shared>> -> memref<16x128xf32, #tpu.memory_space<vmem_shared>>
      tpu.enqueue_dma source(%arg18 : memref<16x128xf32, #tpu.memory_space<vmem>>) target(%dma_start3A_1348 : memref<16x128xf32, #tpu.memory_space<vmem_shared>>) target_semaphore(%run_scoped3A : memref<!tpu.dma_semaphore, #tpu.memory_space<semaphore_mem>>)
      %dma_wait3A_1349 = arith.constant 0 : i32
      %dma_wait3A_1350 = tpu.memref_slice %arg19[%add3A_1151, %dma_wait3A_1349] : memref<10000x128xf32, #tpu.memory_space<vmem_shared>> -> memref<16x128xf32, #tpu.memory_space<vmem_shared>>
      %dma_wait3A_1351 = arith.constant 0 : i32
      %dma_wait3A_1352 = tpu.memref_slice %arg19[%add3A_1151, %dma_wait3A_1351] : memref<10000x128xf32, #tpu.memory_space<vmem_shared>> -> memref<16x128xf32, #tpu.memory_space<vmem_shared>>
      tpu.wait_dma2 semaphore(%run_scoped3A : memref<!tpu.dma_semaphore, #tpu.memory_space<semaphore_mem>>) src(%arg18 : memref<16x128xf32, #tpu.memory_space<vmem>>) dst(%dma_wait3A_1352 : memref<16x128xf32, #tpu.memory_space<vmem_shared>>)
      tpu.yield
    }) : () -> ()
    %mul3A_1152 = arith.constant 624 : i32
    %mul3A_1153 = arith.muli %arg1, %mul3A_1152 : i32
    %add3A_1154 = arith.constant 224 : i32
    %add3A_1155 = arith.addi %mul3A_1153, %add3A_1154 : i32
    "tpu.region"() ({
      %run_scoped3A = tpu.sem_alloc : memref<!tpu.dma_semaphore, #tpu.memory_space<semaphore_mem>>
      %dma_start3A_1345 = arith.constant 0 : i32
      %dma_start3A_1346 = tpu.memref_slice %arg19[%add3A_1155, %dma_start3A_1345] : memref<10000x128xf32, #tpu.memory_space<vmem_shared>> -> memref<16x128xf32, #tpu.memory_space<vmem_shared>>
      %dma_start3A_1347 = arith.constant 0 : i32
      %dma_start3A_1348 = tpu.memref_slice %arg19[%add3A_1155, %dma_start3A_1347] : memref<10000x128xf32, #tpu.memory_space<vmem_shared>> -> memref<16x128xf32, #tpu.memory_space<vmem_shared>>
      tpu.enqueue_dma source(%arg18 : memref<16x128xf32, #tpu.memory_space<vmem>>) target(%dma_start3A_1348 : memref<16x128xf32, #tpu.memory_space<vmem_shared>>) target_semaphore(%run_scoped3A : memref<!tpu.dma_semaphore, #tpu.memory_space<semaphore_mem>>)
      %dma_wait3A_1349 = arith.constant 0 : i32
      %dma_wait3A_1350 = tpu.memref_slice %arg19[%add3A_1155, %dma_wait3A_1349] : memref<10000x128xf32, #tpu.memory_space<vmem_shared>> -> memref<16x128xf32, #tpu.memory_space<vmem_shared>>
      %dma_wait3A_1351 = arith.constant 0 : i32
      %dma_wait3A_1352 = tpu.memref_slice %arg19[%add3A_1155, %dma_wait3A_1351] : memref<10000x128xf32, #tpu.memory_space<vmem_shared>> -> memref<16x128xf32, #tpu.memory_space<vmem_shared>>
      tpu.wait_dma2 semaphore(%run_scoped3A : memref<!tpu.dma_semaphore, #tpu.memory_space<semaphore_mem>>) src(%arg18 : memref<16x128xf32, #tpu.memory_space<vmem>>) dst(%dma_wait3A_1352 : memref<16x128xf32, #tpu.memory_space<vmem_shared>>)
      tpu.yield
    }) : () -> ()
    %mul3A_1156 = arith.constant 624 : i32
    %mul3A_1157 = arith.muli %arg1, %mul3A_1156 : i32
    %add3A_1158 = arith.constant 240 : i32
    %add3A_1159 = arith.addi %mul3A_1157, %add3A_1158 : i32
    "tpu.region"() ({
      %run_scoped3A = tpu.sem_alloc : memref<!tpu.dma_semaphore, #tpu.memory_space<semaphore_mem>>
      %dma_start3A_1345 = arith.constant 0 : i32
      %dma_start3A_1346 = tpu.memref_slice %arg19[%add3A_1159, %dma_start3A_1345] : memref<10000x128xf32, #tpu.memory_space<vmem_shared>> -> memref<16x128xf32, #tpu.memory_space<vmem_shared>>
      %dma_start3A_1347 = arith.constant 0 : i32
      %dma_start3A_1348 = tpu.memref_slice %arg19[%add3A_1159, %dma_start3A_1347] : memref<10000x128xf32, #tpu.memory_space<vmem_shared>> -> memref<16x128xf32, #tpu.memory_space<vmem_shared>>
      tpu.enqueue_dma source(%arg18 : memref<16x128xf32, #tpu.memory_space<vmem>>) target(%dma_start3A_1348 : memref<16x128xf32, #tpu.memory_space<vmem_shared>>) target_semaphore(%run_scoped3A : memref<!tpu.dma_semaphore, #tpu.memory_space<semaphore_mem>>)
      %dma_wait3A_1349 = arith.constant 0 : i32
      %dma_wait3A_1350 = tpu.memref_slice %arg19[%add3A_1159, %dma_wait3A_1349] : memref<10000x128xf32, #tpu.memory_space<vmem_shared>> -> memref<16x128xf32, #tpu.memory_space<vmem_shared>>
      %dma_wait3A_1351 = arith.constant 0 : i32
      %dma_wait3A_1352 = tpu.memref_slice %arg19[%add3A_1159, %dma_wait3A_1351] : memref<10000x128xf32, #tpu.memory_space<vmem_shared>> -> memref<16x128xf32, #tpu.memory_space<vmem_shared>>
      tpu.wait_dma2 semaphore(%run_scoped3A : memref<!tpu.dma_semaphore, #tpu.memory_space<semaphore_mem>>) src(%arg18 : memref<16x128xf32, #tpu.memory_space<vmem>>) dst(%dma_wait3A_1352 : memref<16x128xf32, #tpu.memory_space<vmem_shared>>)
      tpu.yield
    }) : () -> ()
    %mul3A_1160 = arith.constant 624 : i32
    %mul3A_1161 = arith.muli %arg1, %mul3A_1160 : i32
    %add3A_1162 = arith.constant 256 : i32
    %add3A_1163 = arith.addi %mul3A_1161, %add3A_1162 : i32
    "tpu.region"() ({
      %run_scoped3A = tpu.sem_alloc : memref<!tpu.dma_semaphore, #tpu.memory_space<semaphore_mem>>
      %dma_start3A_1345 = arith.constant 0 : i32
      %dma_start3A_1346 = tpu.memref_slice %arg19[%add3A_1163, %dma_start3A_1345] : memref<10000x128xf32, #tpu.memory_space<vmem_shared>> -> memref<16x128xf32, #tpu.memory_space<vmem_shared>>
      %dma_start3A_1347 = arith.constant 0 : i32
      %dma_start3A_1348 = tpu.memref_slice %arg19[%add3A_1163, %dma_start3A_1347] : memref<10000x128xf32, #tpu.memory_space<vmem_shared>> -> memref<16x128xf32, #tpu.memory_space<vmem_shared>>
      tpu.enqueue_dma source(%arg18 : memref<16x128xf32, #tpu.memory_space<vmem>>) target(%dma_start3A_1348 : memref<16x128xf32, #tpu.memory_space<vmem_shared>>) target_semaphore(%run_scoped3A : memref<!tpu.dma_semaphore, #tpu.memory_space<semaphore_mem>>)
      %dma_wait3A_1349 = arith.constant 0 : i32
      %dma_wait3A_1350 = tpu.memref_slice %arg19[%add3A_1163, %dma_wait3A_1349] : memref<10000x128xf32, #tpu.memory_space<vmem_shared>> -> memref<16x128xf32, #tpu.memory_space<vmem_shared>>
      %dma_wait3A_1351 = arith.constant 0 : i32
      %dma_wait3A_1352 = tpu.memref_slice %arg19[%add3A_1163, %dma_wait3A_1351] : memref<10000x128xf32, #tpu.memory_space<vmem_shared>> -> memref<16x128xf32, #tpu.memory_space<vmem_shared>>
      tpu.wait_dma2 semaphore(%run_scoped3A : memref<!tpu.dma_semaphore, #tpu.memory_space<semaphore_mem>>) src(%arg18 : memref<16x128xf32, #tpu.memory_space<vmem>>) dst(%dma_wait3A_1352 : memref<16x128xf32, #tpu.memory_space<vmem_shared>>)
      tpu.yield
    }) : () -> ()
    %mul3A_1164 = arith.constant 624 : i32
    %mul3A_1165 = arith.muli %arg1, %mul3A_1164 : i32
    %add3A_1166 = arith.constant 272 : i32
    %add3A_1167 = arith.addi %mul3A_1165, %add3A_1166 : i32
    "tpu.region"() ({
      %run_scoped3A = tpu.sem_alloc : memref<!tpu.dma_semaphore, #tpu.memory_space<semaphore_mem>>
      %dma_start3A_1345 = arith.constant 0 : i32
      %dma_start3A_1346 = tpu.memref_slice %arg19[%add3A_1167, %dma_start3A_1345] : memref<10000x128xf32, #tpu.memory_space<vmem_shared>> -> memref<16x128xf32, #tpu.memory_space<vmem_shared>>
      %dma_start3A_1347 = arith.constant 0 : i32
      %dma_start3A_1348 = tpu.memref_slice %arg19[%add3A_1167, %dma_start3A_1347] : memref<10000x128xf32, #tpu.memory_space<vmem_shared>> -> memref<16x128xf32, #tpu.memory_space<vmem_shared>>
      tpu.enqueue_dma source(%arg18 : memref<16x128xf32, #tpu.memory_space<vmem>>) target(%dma_start3A_1348 : memref<16x128xf32, #tpu.memory_space<vmem_shared>>) target_semaphore(%run_scoped3A : memref<!tpu.dma_semaphore, #tpu.memory_space<semaphore_mem>>)
      %dma_wait3A_1349 = arith.constant 0 : i32
      %dma_wait3A_1350 = tpu.memref_slice %arg19[%add3A_1167, %dma_wait3A_1349] : memref<10000x128xf32, #tpu.memory_space<vmem_shared>> -> memref<16x128xf32, #tpu.memory_space<vmem_shared>>
      %dma_wait3A_1351 = arith.constant 0 : i32
      %dma_wait3A_1352 = tpu.memref_slice %arg19[%add3A_1167, %dma_wait3A_1351] : memref<10000x128xf32, #tpu.memory_space<vmem_shared>> -> memref<16x128xf32, #tpu.memory_space<vmem_shared>>
      tpu.wait_dma2 semaphore(%run_scoped3A : memref<!tpu.dma_semaphore, #tpu.memory_space<semaphore_mem>>) src(%arg18 : memref<16x128xf32, #tpu.memory_space<vmem>>) dst(%dma_wait3A_1352 : memref<16x128xf32, #tpu.memory_space<vmem_shared>>)
      tpu.yield
    }) : () -> ()
    %mul3A_1168 = arith.constant 624 : i32
    %mul3A_1169 = arith.muli %arg1, %mul3A_1168 : i32
    %add3A_1170 = arith.constant 288 : i32
    %add3A_1171 = arith.addi %mul3A_1169, %add3A_1170 : i32
    "tpu.region"() ({
      %run_scoped3A = tpu.sem_alloc : memref<!tpu.dma_semaphore, #tpu.memory_space<semaphore_mem>>
      %dma_start3A_1345 = arith.constant 0 : i32
      %dma_start3A_1346 = tpu.memref_slice %arg19[%add3A_1171, %dma_start3A_1345] : memref<10000x128xf32, #tpu.memory_space<vmem_shared>> -> memref<16x128xf32, #tpu.memory_space<vmem_shared>>
      %dma_start3A_1347 = arith.constant 0 : i32
      %dma_start3A_1348 = tpu.memref_slice %arg19[%add3A_1171, %dma_start3A_1347] : memref<10000x128xf32, #tpu.memory_space<vmem_shared>> -> memref<16x128xf32, #tpu.memory_space<vmem_shared>>
      tpu.enqueue_dma source(%arg18 : memref<16x128xf32, #tpu.memory_space<vmem>>) target(%dma_start3A_1348 : memref<16x128xf32, #tpu.memory_space<vmem_shared>>) target_semaphore(%run_scoped3A : memref<!tpu.dma_semaphore, #tpu.memory_space<semaphore_mem>>)
      %dma_wait3A_1349 = arith.constant 0 : i32
      %dma_wait3A_1350 = tpu.memref_slice %arg19[%add3A_1171, %dma_wait3A_1349] : memref<10000x128xf32, #tpu.memory_space<vmem_shared>> -> memref<16x128xf32, #tpu.memory_space<vmem_shared>>
      %dma_wait3A_1351 = arith.constant 0 : i32
      %dma_wait3A_1352 = tpu.memref_slice %arg19[%add3A_1171, %dma_wait3A_1351] : memref<10000x128xf32, #tpu.memory_space<vmem_shared>> -> memref<16x128xf32, #tpu.memory_space<vmem_shared>>
      tpu.wait_dma2 semaphore(%run_scoped3A : memref<!tpu.dma_semaphore, #tpu.memory_space<semaphore_mem>>) src(%arg18 : memref<16x128xf32, #tpu.memory_space<vmem>>) dst(%dma_wait3A_1352 : memref<16x128xf32, #tpu.memory_space<vmem_shared>>)
      tpu.yield
    }) : () -> ()
    %mul3A_1172 = arith.constant 624 : i32
    %mul3A_1173 = arith.muli %arg1, %mul3A_1172 : i32
    %add3A_1174 = arith.constant 304 : i32
    %add3A_1175 = arith.addi %mul3A_1173, %add3A_1174 : i32
    "tpu.region"() ({
      %run_scoped3A = tpu.sem_alloc : memref<!tpu.dma_semaphore, #tpu.memory_space<semaphore_mem>>
      %dma_start3A_1345 = arith.constant 0 : i32
      %dma_start3A_1346 = tpu.memref_slice %arg19[%add3A_1175, %dma_start3A_1345] : memref<10000x128xf32, #tpu.memory_space<vmem_shared>> -> memref<16x128xf32, #tpu.memory_space<vmem_shared>>
      %dma_start3A_1347 = arith.constant 0 : i32
      %dma_start3A_1348 = tpu.memref_slice %arg19[%add3A_1175, %dma_start3A_1347] : memref<10000x128xf32, #tpu.memory_space<vmem_shared>> -> memref<16x128xf32, #tpu.memory_space<vmem_shared>>
      tpu.enqueue_dma source(%arg18 : memref<16x128xf32, #tpu.memory_space<vmem>>) target(%dma_start3A_1348 : memref<16x128xf32, #tpu.memory_space<vmem_shared>>) target_semaphore(%run_scoped3A : memref<!tpu.dma_semaphore, #tpu.memory_space<semaphore_mem>>)
      %dma_wait3A_1349 = arith.constant 0 : i32
      %dma_wait3A_1350 = tpu.memref_slice %arg19[%add3A_1175, %dma_wait3A_1349] : memref<10000x128xf32, #tpu.memory_space<vmem_shared>> -> memref<16x128xf32, #tpu.memory_space<vmem_shared>>
      %dma_wait3A_1351 = arith.constant 0 : i32
      %dma_wait3A_1352 = tpu.memref_slice %arg19[%add3A_1175, %dma_wait3A_1351] : memref<10000x128xf32, #tpu.memory_space<vmem_shared>> -> memref<16x128xf32, #tpu.memory_space<vmem_shared>>
      tpu.wait_dma2 semaphore(%run_scoped3A : memref<!tpu.dma_semaphore, #tpu.memory_space<semaphore_mem>>) src(%arg18 : memref<16x128xf32, #tpu.memory_space<vmem>>) dst(%dma_wait3A_1352 : memref<16x128xf32, #tpu.memory_space<vmem_shared>>)
      tpu.yield
    }) : () -> ()
    %mul3A_1176 = arith.constant 624 : i32
    %mul3A_1177 = arith.muli %arg1, %mul3A_1176 : i32
    %add3A_1178 = arith.constant 320 : i32
    %add3A_1179 = arith.addi %mul3A_1177, %add3A_1178 : i32
    "tpu.region"() ({
      %run_scoped3A = tpu.sem_alloc : memref<!tpu.dma_semaphore, #tpu.memory_space<semaphore_mem>>
      %dma_start3A_1345 = arith.constant 0 : i32
      %dma_start3A_1346 = tpu.memref_slice %arg19[%add3A_1179, %dma_start3A_1345] : memref<10000x128xf32, #tpu.memory_space<vmem_shared>> -> memref<16x128xf32, #tpu.memory_space<vmem_shared>>
      %dma_start3A_1347 = arith.constant 0 : i32
      %dma_start3A_1348 = tpu.memref_slice %arg19[%add3A_1179, %dma_start3A_1347] : memref<10000x128xf32, #tpu.memory_space<vmem_shared>> -> memref<16x128xf32, #tpu.memory_space<vmem_shared>>
      tpu.enqueue_dma source(%arg18 : memref<16x128xf32, #tpu.memory_space<vmem>>) target(%dma_start3A_1348 : memref<16x128xf32, #tpu.memory_space<vmem_shared>>) target_semaphore(%run_scoped3A : memref<!tpu.dma_semaphore, #tpu.memory_space<semaphore_mem>>)
      %dma_wait3A_1349 = arith.constant 0 : i32
      %dma_wait3A_1350 = tpu.memref_slice %arg19[%add3A_1179, %dma_wait3A_1349] : memref<10000x128xf32, #tpu.memory_space<vmem_shared>> -> memref<16x128xf32, #tpu.memory_space<vmem_shared>>
      %dma_wait3A_1351 = arith.constant 0 : i32
      %dma_wait3A_1352 = tpu.memref_slice %arg19[%add3A_1179, %dma_wait3A_1351] : memref<10000x128xf32, #tpu.memory_space<vmem_shared>> -> memref<16x128xf32, #tpu.memory_space<vmem_shared>>
      tpu.wait_dma2 semaphore(%run_scoped3A : memref<!tpu.dma_semaphore, #tpu.memory_space<semaphore_mem>>) src(%arg18 : memref<16x128xf32, #tpu.memory_space<vmem>>) dst(%dma_wait3A_1352 : memref<16x128xf32, #tpu.memory_space<vmem_shared>>)
      tpu.yield
    }) : () -> ()
    %mul3A_1180 = arith.constant 624 : i32
    %mul3A_1181 = arith.muli %arg1, %mul3A_1180 : i32
    %add3A_1182 = arith.constant 336 : i32
    %add3A_1183 = arith.addi %mul3A_1181, %add3A_1182 : i32
    "tpu.region"() ({
      %run_scoped3A = tpu.sem_alloc : memref<!tpu.dma_semaphore, #tpu.memory_space<semaphore_mem>>
      %dma_start3A_1345 = arith.constant 0 : i32
      %dma_start3A_1346 = tpu.memref_slice %arg19[%add3A_1183, %dma_start3A_1345] : memref<10000x128xf32, #tpu.memory_space<vmem_shared>> -> memref<16x128xf32, #tpu.memory_space<vmem_shared>>
      %dma_start3A_1347 = arith.constant 0 : i32
      %dma_start3A_1348 = tpu.memref_slice %arg19[%add3A_1183, %dma_start3A_1347] : memref<10000x128xf32, #tpu.memory_space<vmem_shared>> -> memref<16x128xf32, #tpu.memory_space<vmem_shared>>
      tpu.enqueue_dma source(%arg18 : memref<16x128xf32, #tpu.memory_space<vmem>>) target(%dma_start3A_1348 : memref<16x128xf32, #tpu.memory_space<vmem_shared>>) target_semaphore(%run_scoped3A : memref<!tpu.dma_semaphore, #tpu.memory_space<semaphore_mem>>)
      %dma_wait3A_1349 = arith.constant 0 : i32
      %dma_wait3A_1350 = tpu.memref_slice %arg19[%add3A_1183, %dma_wait3A_1349] : memref<10000x128xf32, #tpu.memory_space<vmem_shared>> -> memref<16x128xf32, #tpu.memory_space<vmem_shared>>
      %dma_wait3A_1351 = arith.constant 0 : i32
      %dma_wait3A_1352 = tpu.memref_slice %arg19[%add3A_1183, %dma_wait3A_1351] : memref<10000x128xf32, #tpu.memory_space<vmem_shared>> -> memref<16x128xf32, #tpu.memory_space<vmem_shared>>
      tpu.wait_dma2 semaphore(%run_scoped3A : memref<!tpu.dma_semaphore, #tpu.memory_space<semaphore_mem>>) src(%arg18 : memref<16x128xf32, #tpu.memory_space<vmem>>) dst(%dma_wait3A_1352 : memref<16x128xf32, #tpu.memory_space<vmem_shared>>)
      tpu.yield
    }) : () -> ()
    %mul3A_1184 = arith.constant 624 : i32
    %mul3A_1185 = arith.muli %arg1, %mul3A_1184 : i32
    %add3A_1186 = arith.constant 352 : i32
    %add3A_1187 = arith.addi %mul3A_1185, %add3A_1186 : i32
    "tpu.region"() ({
      %run_scoped3A = tpu.sem_alloc : memref<!tpu.dma_semaphore, #tpu.memory_space<semaphore_mem>>
      %dma_start3A_1345 = arith.constant 0 : i32
      %dma_start3A_1346 = tpu.memref_slice %arg19[%add3A_1187, %dma_start3A_1345] : memref<10000x128xf32, #tpu.memory_space<vmem_shared>> -> memref<16x128xf32, #tpu.memory_space<vmem_shared>>
      %dma_start3A_1347 = arith.constant 0 : i32
      %dma_start3A_1348 = tpu.memref_slice %arg19[%add3A_1187, %dma_start3A_1347] : memref<10000x128xf32, #tpu.memory_space<vmem_shared>> -> memref<16x128xf32, #tpu.memory_space<vmem_shared>>
      tpu.enqueue_dma source(%arg18 : memref<16x128xf32, #tpu.memory_space<vmem>>) target(%dma_start3A_1348 : memref<16x128xf32, #tpu.memory_space<vmem_shared>>) target_semaphore(%run_scoped3A : memref<!tpu.dma_semaphore, #tpu.memory_space<semaphore_mem>>)
      %dma_wait3A_1349 = arith.constant 0 : i32
      %dma_wait3A_1350 = tpu.memref_slice %arg19[%add3A_1187, %dma_wait3A_1349] : memref<10000x128xf32, #tpu.memory_space<vmem_shared>> -> memref<16x128xf32, #tpu.memory_space<vmem_shared>>
      %dma_wait3A_1351 = arith.constant 0 : i32
      %dma_wait3A_1352 = tpu.memref_slice %arg19[%add3A_1187, %dma_wait3A_1351] : memref<10000x128xf32, #tpu.memory_space<vmem_shared>> -> memref<16x128xf32, #tpu.memory_space<vmem_shared>>
      tpu.wait_dma2 semaphore(%run_scoped3A : memref<!tpu.dma_semaphore, #tpu.memory_space<semaphore_mem>>) src(%arg18 : memref<16x128xf32, #tpu.memory_space<vmem>>) dst(%dma_wait3A_1352 : memref<16x128xf32, #tpu.memory_space<vmem_shared>>)
      tpu.yield
    }) : () -> ()
    %mul3A_1188 = arith.constant 624 : i32
    %mul3A_1189 = arith.muli %arg1, %mul3A_1188 : i32
    %add3A_1190 = arith.constant 368 : i32
    %add3A_1191 = arith.addi %mul3A_1189, %add3A_1190 : i32
    "tpu.region"() ({
      %run_scoped3A = tpu.sem_alloc : memref<!tpu.dma_semaphore, #tpu.memory_space<semaphore_mem>>
      %dma_start3A_1345 = arith.constant 0 : i32
      %dma_start3A_1346 = tpu.memref_slice %arg19[%add3A_1191, %dma_start3A_1345] : memref<10000x128xf32, #tpu.memory_space<vmem_shared>> -> memref<16x128xf32, #tpu.memory_space<vmem_shared>>
      %dma_start3A_1347 = arith.constant 0 : i32
      %dma_start3A_1348 = tpu.memref_slice %arg19[%add3A_1191, %dma_start3A_1347] : memref<10000x128xf32, #tpu.memory_space<vmem_shared>> -> memref<16x128xf32, #tpu.memory_space<vmem_shared>>
      tpu.enqueue_dma source(%arg18 : memref<16x128xf32, #tpu.memory_space<vmem>>) target(%dma_start3A_1348 : memref<16x128xf32, #tpu.memory_space<vmem_shared>>) target_semaphore(%run_scoped3A : memref<!tpu.dma_semaphore, #tpu.memory_space<semaphore_mem>>)
      %dma_wait3A_1349 = arith.constant 0 : i32
      %dma_wait3A_1350 = tpu.memref_slice %arg19[%add3A_1191, %dma_wait3A_1349] : memref<10000x128xf32, #tpu.memory_space<vmem_shared>> -> memref<16x128xf32, #tpu.memory_space<vmem_shared>>
      %dma_wait3A_1351 = arith.constant 0 : i32
      %dma_wait3A_1352 = tpu.memref_slice %arg19[%add3A_1191, %dma_wait3A_1351] : memref<10000x128xf32, #tpu.memory_space<vmem_shared>> -> memref<16x128xf32, #tpu.memory_space<vmem_shared>>
      tpu.wait_dma2 semaphore(%run_scoped3A : memref<!tpu.dma_semaphore, #tpu.memory_space<semaphore_mem>>) src(%arg18 : memref<16x128xf32, #tpu.memory_space<vmem>>) dst(%dma_wait3A_1352 : memref<16x128xf32, #tpu.memory_space<vmem_shared>>)
      tpu.yield
    }) : () -> ()
    %mul3A_1192 = arith.constant 624 : i32
    %mul3A_1193 = arith.muli %arg1, %mul3A_1192 : i32
    %add3A_1194 = arith.constant 384 : i32
    %add3A_1195 = arith.addi %mul3A_1193, %add3A_1194 : i32
    "tpu.region"() ({
      %run_scoped3A = tpu.sem_alloc : memref<!tpu.dma_semaphore, #tpu.memory_space<semaphore_mem>>
      %dma_start3A_1345 = arith.constant 0 : i32
      %dma_start3A_1346 = tpu.memref_slice %arg19[%add3A_1195, %dma_start3A_1345] : memref<10000x128xf32, #tpu.memory_space<vmem_shared>> -> memref<16x128xf32, #tpu.memory_space<vmem_shared>>
      %dma_start3A_1347 = arith.constant 0 : i32
      %dma_start3A_1348 = tpu.memref_slice %arg19[%add3A_1195, %dma_start3A_1347] : memref<10000x128xf32, #tpu.memory_space<vmem_shared>> -> memref<16x128xf32, #tpu.memory_space<vmem_shared>>
      tpu.enqueue_dma source(%arg18 : memref<16x128xf32, #tpu.memory_space<vmem>>) target(%dma_start3A_1348 : memref<16x128xf32, #tpu.memory_space<vmem_shared>>) target_semaphore(%run_scoped3A : memref<!tpu.dma_semaphore, #tpu.memory_space<semaphore_mem>>)
      %dma_wait3A_1349 = arith.constant 0 : i32
      %dma_wait3A_1350 = tpu.memref_slice %arg19[%add3A_1195, %dma_wait3A_1349] : memref<10000x128xf32, #tpu.memory_space<vmem_shared>> -> memref<16x128xf32, #tpu.memory_space<vmem_shared>>
      %dma_wait3A_1351 = arith.constant 0 : i32
      %dma_wait3A_1352 = tpu.memref_slice %arg19[%add3A_1195, %dma_wait3A_1351] : memref<10000x128xf32, #tpu.memory_space<vmem_shared>> -> memref<16x128xf32, #tpu.memory_space<vmem_shared>>
      tpu.wait_dma2 semaphore(%run_scoped3A : memref<!tpu.dma_semaphore, #tpu.memory_space<semaphore_mem>>) src(%arg18 : memref<16x128xf32, #tpu.memory_space<vmem>>) dst(%dma_wait3A_1352 : memref<16x128xf32, #tpu.memory_space<vmem_shared>>)
      tpu.yield
    }) : () -> ()
    %mul3A_1196 = arith.constant 624 : i32
    %mul3A_1197 = arith.muli %arg1, %mul3A_1196 : i32
    %add3A_1198 = arith.constant 400 : i32
    %add3A_1199 = arith.addi %mul3A_1197, %add3A_1198 : i32
    "tpu.region"() ({
      %run_scoped3A = tpu.sem_alloc : memref<!tpu.dma_semaphore, #tpu.memory_space<semaphore_mem>>
      %dma_start3A_1345 = arith.constant 0 : i32
      %dma_start3A_1346 = tpu.memref_slice %arg19[%add3A_1199, %dma_start3A_1345] : memref<10000x128xf32, #tpu.memory_space<vmem_shared>> -> memref<16x128xf32, #tpu.memory_space<vmem_shared>>
      %dma_start3A_1347 = arith.constant 0 : i32
      %dma_start3A_1348 = tpu.memref_slice %arg19[%add3A_1199, %dma_start3A_1347] : memref<10000x128xf32, #tpu.memory_space<vmem_shared>> -> memref<16x128xf32, #tpu.memory_space<vmem_shared>>
      tpu.enqueue_dma source(%arg18 : memref<16x128xf32, #tpu.memory_space<vmem>>) target(%dma_start3A_1348 : memref<16x128xf32, #tpu.memory_space<vmem_shared>>) target_semaphore(%run_scoped3A : memref<!tpu.dma_semaphore, #tpu.memory_space<semaphore_mem>>)
      %dma_wait3A_1349 = arith.constant 0 : i32
      %dma_wait3A_1350 = tpu.memref_slice %arg19[%add3A_1199, %dma_wait3A_1349] : memref<10000x128xf32, #tpu.memory_space<vmem_shared>> -> memref<16x128xf32, #tpu.memory_space<vmem_shared>>
      %dma_wait3A_1351 = arith.constant 0 : i32
      %dma_wait3A_1352 = tpu.memref_slice %arg19[%add3A_1199, %dma_wait3A_1351] : memref<10000x128xf32, #tpu.memory_space<vmem_shared>> -> memref<16x128xf32, #tpu.memory_space<vmem_shared>>
      tpu.wait_dma2 semaphore(%run_scoped3A : memref<!tpu.dma_semaphore, #tpu.memory_space<semaphore_mem>>) src(%arg18 : memref<16x128xf32, #tpu.memory_space<vmem>>) dst(%dma_wait3A_1352 : memref<16x128xf32, #tpu.memory_space<vmem_shared>>)
      tpu.yield
    }) : () -> ()
    %mul3A_1200 = arith.constant 624 : i32
    %mul3A_1201 = arith.muli %arg1, %mul3A_1200 : i32
    %add3A_1202 = arith.constant 416 : i32
    %add3A_1203 = arith.addi %mul3A_1201, %add3A_1202 : i32
    "tpu.region"() ({
      %run_scoped3A = tpu.sem_alloc : memref<!tpu.dma_semaphore, #tpu.memory_space<semaphore_mem>>
      %dma_start3A_1345 = arith.constant 0 : i32
      %dma_start3A_1346 = tpu.memref_slice %arg19[%add3A_1203, %dma_start3A_1345] : memref<10000x128xf32, #tpu.memory_space<vmem_shared>> -> memref<16x128xf32, #tpu.memory_space<vmem_shared>>
      %dma_start3A_1347 = arith.constant 0 : i32
      %dma_start3A_1348 = tpu.memref_slice %arg19[%add3A_1203, %dma_start3A_1347] : memref<10000x128xf32, #tpu.memory_space<vmem_shared>> -> memref<16x128xf32, #tpu.memory_space<vmem_shared>>
      tpu.enqueue_dma source(%arg18 : memref<16x128xf32, #tpu.memory_space<vmem>>) target(%dma_start3A_1348 : memref<16x128xf32, #tpu.memory_space<vmem_shared>>) target_semaphore(%run_scoped3A : memref<!tpu.dma_semaphore, #tpu.memory_space<semaphore_mem>>)
      %dma_wait3A_1349 = arith.constant 0 : i32
      %dma_wait3A_1350 = tpu.memref_slice %arg19[%add3A_1203, %dma_wait3A_1349] : memref<10000x128xf32, #tpu.memory_space<vmem_shared>> -> memref<16x128xf32, #tpu.memory_space<vmem_shared>>
      %dma_wait3A_1351 = arith.constant 0 : i32
      %dma_wait3A_1352 = tpu.memref_slice %arg19[%add3A_1203, %dma_wait3A_1351] : memref<10000x128xf32, #tpu.memory_space<vmem_shared>> -> memref<16x128xf32, #tpu.memory_space<vmem_shared>>
      tpu.wait_dma2 semaphore(%run_scoped3A : memref<!tpu.dma_semaphore, #tpu.memory_space<semaphore_mem>>) src(%arg18 : memref<16x128xf32, #tpu.memory_space<vmem>>) dst(%dma_wait3A_1352 : memref<16x128xf32, #tpu.memory_space<vmem_shared>>)
      tpu.yield
    }) : () -> ()
    %mul3A_1204 = arith.constant 624 : i32
    %mul3A_1205 = arith.muli %arg1, %mul3A_1204 : i32
    %add3A_1206 = arith.constant 432 : i32
    %add3A_1207 = arith.addi %mul3A_1205, %add3A_1206 : i32
    "tpu.region"() ({
      %run_scoped3A = tpu.sem_alloc : memref<!tpu.dma_semaphore, #tpu.memory_space<semaphore_mem>>
      %dma_start3A_1345 = arith.constant 0 : i32
      %dma_start3A_1346 = tpu.memref_slice %arg19[%add3A_1207, %dma_start3A_1345] : memref<10000x128xf32, #tpu.memory_space<vmem_shared>> -> memref<16x128xf32, #tpu.memory_space<vmem_shared>>
      %dma_start3A_1347 = arith.constant 0 : i32
      %dma_start3A_1348 = tpu.memref_slice %arg19[%add3A_1207, %dma_start3A_1347] : memref<10000x128xf32, #tpu.memory_space<vmem_shared>> -> memref<16x128xf32, #tpu.memory_space<vmem_shared>>
      tpu.enqueue_dma source(%arg18 : memref<16x128xf32, #tpu.memory_space<vmem>>) target(%dma_start3A_1348 : memref<16x128xf32, #tpu.memory_space<vmem_shared>>) target_semaphore(%run_scoped3A : memref<!tpu.dma_semaphore, #tpu.memory_space<semaphore_mem>>)
      %dma_wait3A_1349 = arith.constant 0 : i32
      %dma_wait3A_1350 = tpu.memref_slice %arg19[%add3A_1207, %dma_wait3A_1349] : memref<10000x128xf32, #tpu.memory_space<vmem_shared>> -> memref<16x128xf32, #tpu.memory_space<vmem_shared>>
      %dma_wait3A_1351 = arith.constant 0 : i32
      %dma_wait3A_1352 = tpu.memref_slice %arg19[%add3A_1207, %dma_wait3A_1351] : memref<10000x128xf32, #tpu.memory_space<vmem_shared>> -> memref<16x128xf32, #tpu.memory_space<vmem_shared>>
      tpu.wait_dma2 semaphore(%run_scoped3A : memref<!tpu.dma_semaphore, #tpu.memory_space<semaphore_mem>>) src(%arg18 : memref<16x128xf32, #tpu.memory_space<vmem>>) dst(%dma_wait3A_1352 : memref<16x128xf32, #tpu.memory_space<vmem_shared>>)
      tpu.yield
    }) : () -> ()
    %mul3A_1208 = arith.constant 624 : i32
    %mul3A_1209 = arith.muli %arg1, %mul3A_1208 : i32
    %add3A_1210 = arith.constant 448 : i32
    %add3A_1211 = arith.addi %mul3A_1209, %add3A_1210 : i32
    "tpu.region"() ({
      %run_scoped3A = tpu.sem_alloc : memref<!tpu.dma_semaphore, #tpu.memory_space<semaphore_mem>>
      %dma_start3A_1345 = arith.constant 0 : i32
      %dma_start3A_1346 = tpu.memref_slice %arg19[%add3A_1211, %dma_start3A_1345] : memref<10000x128xf32, #tpu.memory_space<vmem_shared>> -> memref<16x128xf32, #tpu.memory_space<vmem_shared>>
      %dma_start3A_1347 = arith.constant 0 : i32
      %dma_start3A_1348 = tpu.memref_slice %arg19[%add3A_1211, %dma_start3A_1347] : memref<10000x128xf32, #tpu.memory_space<vmem_shared>> -> memref<16x128xf32, #tpu.memory_space<vmem_shared>>
      tpu.enqueue_dma source(%arg18 : memref<16x128xf32, #tpu.memory_space<vmem>>) target(%dma_start3A_1348 : memref<16x128xf32, #tpu.memory_space<vmem_shared>>) target_semaphore(%run_scoped3A : memref<!tpu.dma_semaphore, #tpu.memory_space<semaphore_mem>>)
      %dma_wait3A_1349 = arith.constant 0 : i32
      %dma_wait3A_1350 = tpu.memref_slice %arg19[%add3A_1211, %dma_wait3A_1349] : memref<10000x128xf32, #tpu.memory_space<vmem_shared>> -> memref<16x128xf32, #tpu.memory_space<vmem_shared>>
      %dma_wait3A_1351 = arith.constant 0 : i32
      %dma_wait3A_1352 = tpu.memref_slice %arg19[%add3A_1211, %dma_wait3A_1351] : memref<10000x128xf32, #tpu.memory_space<vmem_shared>> -> memref<16x128xf32, #tpu.memory_space<vmem_shared>>
      tpu.wait_dma2 semaphore(%run_scoped3A : memref<!tpu.dma_semaphore, #tpu.memory_space<semaphore_mem>>) src(%arg18 : memref<16x128xf32, #tpu.memory_space<vmem>>) dst(%dma_wait3A_1352 : memref<16x128xf32, #tpu.memory_space<vmem_shared>>)
      tpu.yield
    }) : () -> ()
    %mul3A_1212 = arith.constant 624 : i32
    %mul3A_1213 = arith.muli %arg1, %mul3A_1212 : i32
    %add3A_1214 = arith.constant 464 : i32
    %add3A_1215 = arith.addi %mul3A_1213, %add3A_1214 : i32
    "tpu.region"() ({
      %run_scoped3A = tpu.sem_alloc : memref<!tpu.dma_semaphore, #tpu.memory_space<semaphore_mem>>
      %dma_start3A_1345 = arith.constant 0 : i32
      %dma_start3A_1346 = tpu.memref_slice %arg19[%add3A_1215, %dma_start3A_1345] : memref<10000x128xf32, #tpu.memory_space<vmem_shared>> -> memref<16x128xf32, #tpu.memory_space<vmem_shared>>
      %dma_start3A_1347 = arith.constant 0 : i32
      %dma_start3A_1348 = tpu.memref_slice %arg19[%add3A_1215, %dma_start3A_1347] : memref<10000x128xf32, #tpu.memory_space<vmem_shared>> -> memref<16x128xf32, #tpu.memory_space<vmem_shared>>
      tpu.enqueue_dma source(%arg18 : memref<16x128xf32, #tpu.memory_space<vmem>>) target(%dma_start3A_1348 : memref<16x128xf32, #tpu.memory_space<vmem_shared>>) target_semaphore(%run_scoped3A : memref<!tpu.dma_semaphore, #tpu.memory_space<semaphore_mem>>)
      %dma_wait3A_1349 = arith.constant 0 : i32
      %dma_wait3A_1350 = tpu.memref_slice %arg19[%add3A_1215, %dma_wait3A_1349] : memref<10000x128xf32, #tpu.memory_space<vmem_shared>> -> memref<16x128xf32, #tpu.memory_space<vmem_shared>>
      %dma_wait3A_1351 = arith.constant 0 : i32
      %dma_wait3A_1352 = tpu.memref_slice %arg19[%add3A_1215, %dma_wait3A_1351] : memref<10000x128xf32, #tpu.memory_space<vmem_shared>> -> memref<16x128xf32, #tpu.memory_space<vmem_shared>>
      tpu.wait_dma2 semaphore(%run_scoped3A : memref<!tpu.dma_semaphore, #tpu.memory_space<semaphore_mem>>) src(%arg18 : memref<16x128xf32, #tpu.memory_space<vmem>>) dst(%dma_wait3A_1352 : memref<16x128xf32, #tpu.memory_space<vmem_shared>>)
      tpu.yield
    }) : () -> ()
    %mul3A_1216 = arith.constant 624 : i32
    %mul3A_1217 = arith.muli %arg1, %mul3A_1216 : i32
    %add3A_1218 = arith.constant 480 : i32
    %add3A_1219 = arith.addi %mul3A_1217, %add3A_1218 : i32
    "tpu.region"() ({
      %run_scoped3A = tpu.sem_alloc : memref<!tpu.dma_semaphore, #tpu.memory_space<semaphore_mem>>
      %dma_start3A_1345 = arith.constant 0 : i32
      %dma_start3A_1346 = tpu.memref_slice %arg19[%add3A_1219, %dma_start3A_1345] : memref<10000x128xf32, #tpu.memory_space<vmem_shared>> -> memref<16x128xf32, #tpu.memory_space<vmem_shared>>
      %dma_start3A_1347 = arith.constant 0 : i32
      %dma_start3A_1348 = tpu.memref_slice %arg19[%add3A_1219, %dma_start3A_1347] : memref<10000x128xf32, #tpu.memory_space<vmem_shared>> -> memref<16x128xf32, #tpu.memory_space<vmem_shared>>
      tpu.enqueue_dma source(%arg18 : memref<16x128xf32, #tpu.memory_space<vmem>>) target(%dma_start3A_1348 : memref<16x128xf32, #tpu.memory_space<vmem_shared>>) target_semaphore(%run_scoped3A : memref<!tpu.dma_semaphore, #tpu.memory_space<semaphore_mem>>)
      %dma_wait3A_1349 = arith.constant 0 : i32
      %dma_wait3A_1350 = tpu.memref_slice %arg19[%add3A_1219, %dma_wait3A_1349] : memref<10000x128xf32, #tpu.memory_space<vmem_shared>> -> memref<16x128xf32, #tpu.memory_space<vmem_shared>>
      %dma_wait3A_1351 = arith.constant 0 : i32
      %dma_wait3A_1352 = tpu.memref_slice %arg19[%add3A_1219, %dma_wait3A_1351] : memref<10000x128xf32, #tpu.memory_space<vmem_shared>> -> memref<16x128xf32, #tpu.memory_space<vmem_shared>>
      tpu.wait_dma2 semaphore(%run_scoped3A : memref<!tpu.dma_semaphore, #tpu.memory_space<semaphore_mem>>) src(%arg18 : memref<16x128xf32, #tpu.memory_space<vmem>>) dst(%dma_wait3A_1352 : memref<16x128xf32, #tpu.memory_space<vmem_shared>>)
      tpu.yield
    }) : () -> ()
    %mul3A_1220 = arith.constant 624 : i32
    %mul3A_1221 = arith.muli %arg1, %mul3A_1220 : i32
    %add3A_1222 = arith.constant 496 : i32
    %add3A_1223 = arith.addi %mul3A_1221, %add3A_1222 : i32
    "tpu.region"() ({
      %run_scoped3A = tpu.sem_alloc : memref<!tpu.dma_semaphore, #tpu.memory_space<semaphore_mem>>
      %dma_start3A_1345 = arith.constant 0 : i32
      %dma_start3A_1346 = tpu.memref_slice %arg19[%add3A_1223, %dma_start3A_1345] : memref<10000x128xf32, #tpu.memory_space<vmem_shared>> -> memref<16x128xf32, #tpu.memory_space<vmem_shared>>
      %dma_start3A_1347 = arith.constant 0 : i32
      %dma_start3A_1348 = tpu.memref_slice %arg19[%add3A_1223, %dma_start3A_1347] : memref<10000x128xf32, #tpu.memory_space<vmem_shared>> -> memref<16x128xf32, #tpu.memory_space<vmem_shared>>
      tpu.enqueue_dma source(%arg18 : memref<16x128xf32, #tpu.memory_space<vmem>>) target(%dma_start3A_1348 : memref<16x128xf32, #tpu.memory_space<vmem_shared>>) target_semaphore(%run_scoped3A : memref<!tpu.dma_semaphore, #tpu.memory_space<semaphore_mem>>)
      %dma_wait3A_1349 = arith.constant 0 : i32
      %dma_wait3A_1350 = tpu.memref_slice %arg19[%add3A_1223, %dma_wait3A_1349] : memref<10000x128xf32, #tpu.memory_space<vmem_shared>> -> memref<16x128xf32, #tpu.memory_space<vmem_shared>>
      %dma_wait3A_1351 = arith.constant 0 : i32
      %dma_wait3A_1352 = tpu.memref_slice %arg19[%add3A_1223, %dma_wait3A_1351] : memref<10000x128xf32, #tpu.memory_space<vmem_shared>> -> memref<16x128xf32, #tpu.memory_space<vmem_shared>>
      tpu.wait_dma2 semaphore(%run_scoped3A : memref<!tpu.dma_semaphore, #tpu.memory_space<semaphore_mem>>) src(%arg18 : memref<16x128xf32, #tpu.memory_space<vmem>>) dst(%dma_wait3A_1352 : memref<16x128xf32, #tpu.memory_space<vmem_shared>>)
      tpu.yield
    }) : () -> ()
    %mul3A_1224 = arith.constant 624 : i32
    %mul3A_1225 = arith.muli %arg1, %mul3A_1224 : i32
    %add3A_1226 = arith.constant 512 : i32
    %add3A_1227 = arith.addi %mul3A_1225, %add3A_1226 : i32
    "tpu.region"() ({
      %run_scoped3A = tpu.sem_alloc : memref<!tpu.dma_semaphore, #tpu.memory_space<semaphore_mem>>
      %dma_start3A_1345 = arith.constant 0 : i32
      %dma_start3A_1346 = tpu.memref_slice %arg19[%add3A_1227, %dma_start3A_1345] : memref<10000x128xf32, #tpu.memory_space<vmem_shared>> -> memref<16x128xf32, #tpu.memory_space<vmem_shared>>
      %dma_start3A_1347 = arith.constant 0 : i32
      %dma_start3A_1348 = tpu.memref_slice %arg19[%add3A_1227, %dma_start3A_1347] : memref<10000x128xf32, #tpu.memory_space<vmem_shared>> -> memref<16x128xf32, #tpu.memory_space<vmem_shared>>
      tpu.enqueue_dma source(%arg18 : memref<16x128xf32, #tpu.memory_space<vmem>>) target(%dma_start3A_1348 : memref<16x128xf32, #tpu.memory_space<vmem_shared>>) target_semaphore(%run_scoped3A : memref<!tpu.dma_semaphore, #tpu.memory_space<semaphore_mem>>)
      %dma_wait3A_1349 = arith.constant 0 : i32
      %dma_wait3A_1350 = tpu.memref_slice %arg19[%add3A_1227, %dma_wait3A_1349] : memref<10000x128xf32, #tpu.memory_space<vmem_shared>> -> memref<16x128xf32, #tpu.memory_space<vmem_shared>>
      %dma_wait3A_1351 = arith.constant 0 : i32
      %dma_wait3A_1352 = tpu.memref_slice %arg19[%add3A_1227, %dma_wait3A_1351] : memref<10000x128xf32, #tpu.memory_space<vmem_shared>> -> memref<16x128xf32, #tpu.memory_space<vmem_shared>>
      tpu.wait_dma2 semaphore(%run_scoped3A : memref<!tpu.dma_semaphore, #tpu.memory_space<semaphore_mem>>) src(%arg18 : memref<16x128xf32, #tpu.memory_space<vmem>>) dst(%dma_wait3A_1352 : memref<16x128xf32, #tpu.memory_space<vmem_shared>>)
      tpu.yield
    }) : () -> ()
    %mul3A_1228 = arith.constant 624 : i32
    %mul3A_1229 = arith.muli %arg1, %mul3A_1228 : i32
    %add3A_1230 = arith.constant 528 : i32
    %add3A_1231 = arith.addi %mul3A_1229, %add3A_1230 : i32
    "tpu.region"() ({
      %run_scoped3A = tpu.sem_alloc : memref<!tpu.dma_semaphore, #tpu.memory_space<semaphore_mem>>
      %dma_start3A_1345 = arith.constant 0 : i32
      %dma_start3A_1346 = tpu.memref_slice %arg19[%add3A_1231, %dma_start3A_1345] : memref<10000x128xf32, #tpu.memory_space<vmem_shared>> -> memref<16x128xf32, #tpu.memory_space<vmem_shared>>
      %dma_start3A_1347 = arith.constant 0 : i32
      %dma_start3A_1348 = tpu.memref_slice %arg19[%add3A_1231, %dma_start3A_1347] : memref<10000x128xf32, #tpu.memory_space<vmem_shared>> -> memref<16x128xf32, #tpu.memory_space<vmem_shared>>
      tpu.enqueue_dma source(%arg18 : memref<16x128xf32, #tpu.memory_space<vmem>>) target(%dma_start3A_1348 : memref<16x128xf32, #tpu.memory_space<vmem_shared>>) target_semaphore(%run_scoped3A : memref<!tpu.dma_semaphore, #tpu.memory_space<semaphore_mem>>)
      %dma_wait3A_1349 = arith.constant 0 : i32
      %dma_wait3A_1350 = tpu.memref_slice %arg19[%add3A_1231, %dma_wait3A_1349] : memref<10000x128xf32, #tpu.memory_space<vmem_shared>> -> memref<16x128xf32, #tpu.memory_space<vmem_shared>>
      %dma_wait3A_1351 = arith.constant 0 : i32
      %dma_wait3A_1352 = tpu.memref_slice %arg19[%add3A_1231, %dma_wait3A_1351] : memref<10000x128xf32, #tpu.memory_space<vmem_shared>> -> memref<16x128xf32, #tpu.memory_space<vmem_shared>>
      tpu.wait_dma2 semaphore(%run_scoped3A : memref<!tpu.dma_semaphore, #tpu.memory_space<semaphore_mem>>) src(%arg18 : memref<16x128xf32, #tpu.memory_space<vmem>>) dst(%dma_wait3A_1352 : memref<16x128xf32, #tpu.memory_space<vmem_shared>>)
      tpu.yield
    }) : () -> ()
    %mul3A_1232 = arith.constant 624 : i32
    %mul3A_1233 = arith.muli %arg1, %mul3A_1232 : i32
    %add3A_1234 = arith.constant 544 : i32
    %add3A_1235 = arith.addi %mul3A_1233, %add3A_1234 : i32
    "tpu.region"() ({
      %run_scoped3A = tpu.sem_alloc : memref<!tpu.dma_semaphore, #tpu.memory_space<semaphore_mem>>
      %dma_start3A_1345 = arith.constant 0 : i32
      %dma_start3A_1346 = tpu.memref_slice %arg19[%add3A_1235, %dma_start3A_1345] : memref<10000x128xf32, #tpu.memory_space<vmem_shared>> -> memref<16x128xf32, #tpu.memory_space<vmem_shared>>
      %dma_start3A_1347 = arith.constant 0 : i32
      %dma_start3A_1348 = tpu.memref_slice %arg19[%add3A_1235, %dma_start3A_1347] : memref<10000x128xf32, #tpu.memory_space<vmem_shared>> -> memref<16x128xf32, #tpu.memory_space<vmem_shared>>
      tpu.enqueue_dma source(%arg18 : memref<16x128xf32, #tpu.memory_space<vmem>>) target(%dma_start3A_1348 : memref<16x128xf32, #tpu.memory_space<vmem_shared>>) target_semaphore(%run_scoped3A : memref<!tpu.dma_semaphore, #tpu.memory_space<semaphore_mem>>)
      %dma_wait3A_1349 = arith.constant 0 : i32
      %dma_wait3A_1350 = tpu.memref_slice %arg19[%add3A_1235, %dma_wait3A_1349] : memref<10000x128xf32, #tpu.memory_space<vmem_shared>> -> memref<16x128xf32, #tpu.memory_space<vmem_shared>>
      %dma_wait3A_1351 = arith.constant 0 : i32
      %dma_wait3A_1352 = tpu.memref_slice %arg19[%add3A_1235, %dma_wait3A_1351] : memref<10000x128xf32, #tpu.memory_space<vmem_shared>> -> memref<16x128xf32, #tpu.memory_space<vmem_shared>>
      tpu.wait_dma2 semaphore(%run_scoped3A : memref<!tpu.dma_semaphore, #tpu.memory_space<semaphore_mem>>) src(%arg18 : memref<16x128xf32, #tpu.memory_space<vmem>>) dst(%dma_wait3A_1352 : memref<16x128xf32, #tpu.memory_space<vmem_shared>>)
      tpu.yield
    }) : () -> ()
    %mul3A_1236 = arith.constant 624 : i32
    %mul3A_1237 = arith.muli %arg1, %mul3A_1236 : i32
    %add3A_1238 = arith.constant 560 : i32
    %add3A_1239 = arith.addi %mul3A_1237, %add3A_1238 : i32
    "tpu.region"() ({
      %run_scoped3A = tpu.sem_alloc : memref<!tpu.dma_semaphore, #tpu.memory_space<semaphore_mem>>
      %dma_start3A_1345 = arith.constant 0 : i32
      %dma_start3A_1346 = tpu.memref_slice %arg19[%add3A_1239, %dma_start3A_1345] : memref<10000x128xf32, #tpu.memory_space<vmem_shared>> -> memref<16x128xf32, #tpu.memory_space<vmem_shared>>
      %dma_start3A_1347 = arith.constant 0 : i32
      %dma_start3A_1348 = tpu.memref_slice %arg19[%add3A_1239, %dma_start3A_1347] : memref<10000x128xf32, #tpu.memory_space<vmem_shared>> -> memref<16x128xf32, #tpu.memory_space<vmem_shared>>
      tpu.enqueue_dma source(%arg18 : memref<16x128xf32, #tpu.memory_space<vmem>>) target(%dma_start3A_1348 : memref<16x128xf32, #tpu.memory_space<vmem_shared>>) target_semaphore(%run_scoped3A : memref<!tpu.dma_semaphore, #tpu.memory_space<semaphore_mem>>)
      %dma_wait3A_1349 = arith.constant 0 : i32
      %dma_wait3A_1350 = tpu.memref_slice %arg19[%add3A_1239, %dma_wait3A_1349] : memref<10000x128xf32, #tpu.memory_space<vmem_shared>> -> memref<16x128xf32, #tpu.memory_space<vmem_shared>>
      %dma_wait3A_1351 = arith.constant 0 : i32
      %dma_wait3A_1352 = tpu.memref_slice %arg19[%add3A_1239, %dma_wait3A_1351] : memref<10000x128xf32, #tpu.memory_space<vmem_shared>> -> memref<16x128xf32, #tpu.memory_space<vmem_shared>>
      tpu.wait_dma2 semaphore(%run_scoped3A : memref<!tpu.dma_semaphore, #tpu.memory_space<semaphore_mem>>) src(%arg18 : memref<16x128xf32, #tpu.memory_space<vmem>>) dst(%dma_wait3A_1352 : memref<16x128xf32, #tpu.memory_space<vmem_shared>>)
      tpu.yield
    }) : () -> ()
    %mul3A_1240 = arith.constant 624 : i32
    %mul3A_1241 = arith.muli %arg1, %mul3A_1240 : i32
    %add3A_1242 = arith.constant 576 : i32
    %add3A_1243 = arith.addi %mul3A_1241, %add3A_1242 : i32
    "tpu.region"() ({
      %run_scoped3A = tpu.sem_alloc : memref<!tpu.dma_semaphore, #tpu.memory_space<semaphore_mem>>
      %dma_start3A_1345 = arith.constant 0 : i32
      %dma_start3A_1346 = tpu.memref_slice %arg19[%add3A_1243, %dma_start3A_1345] : memref<10000x128xf32, #tpu.memory_space<vmem_shared>> -> memref<16x128xf32, #tpu.memory_space<vmem_shared>>
      %dma_start3A_1347 = arith.constant 0 : i32
      %dma_start3A_1348 = tpu.memref_slice %arg19[%add3A_1243, %dma_start3A_1347] : memref<10000x128xf32, #tpu.memory_space<vmem_shared>> -> memref<16x128xf32, #tpu.memory_space<vmem_shared>>
      tpu.enqueue_dma source(%arg18 : memref<16x128xf32, #tpu.memory_space<vmem>>) target(%dma_start3A_1348 : memref<16x128xf32, #tpu.memory_space<vmem_shared>>) target_semaphore(%run_scoped3A : memref<!tpu.dma_semaphore, #tpu.memory_space<semaphore_mem>>)
      %dma_wait3A_1349 = arith.constant 0 : i32
      %dma_wait3A_1350 = tpu.memref_slice %arg19[%add3A_1243, %dma_wait3A_1349] : memref<10000x128xf32, #tpu.memory_space<vmem_shared>> -> memref<16x128xf32, #tpu.memory_space<vmem_shared>>
      %dma_wait3A_1351 = arith.constant 0 : i32
      %dma_wait3A_1352 = tpu.memref_slice %arg19[%add3A_1243, %dma_wait3A_1351] : memref<10000x128xf32, #tpu.memory_space<vmem_shared>> -> memref<16x128xf32, #tpu.memory_space<vmem_shared>>
      tpu.wait_dma2 semaphore(%run_scoped3A : memref<!tpu.dma_semaphore, #tpu.memory_space<semaphore_mem>>) src(%arg18 : memref<16x128xf32, #tpu.memory_space<vmem>>) dst(%dma_wait3A_1352 : memref<16x128xf32, #tpu.memory_space<vmem_shared>>)
      tpu.yield
    }) : () -> ()
    %mul3A_1244 = arith.constant 624 : i32
    %mul3A_1245 = arith.muli %arg1, %mul3A_1244 : i32
    %add3A_1246 = arith.constant 592 : i32
    %add3A_1247 = arith.addi %mul3A_1245, %add3A_1246 : i32
    "tpu.region"() ({
      %run_scoped3A = tpu.sem_alloc : memref<!tpu.dma_semaphore, #tpu.memory_space<semaphore_mem>>
      %dma_start3A_1345 = arith.constant 0 : i32
      %dma_start3A_1346 = tpu.memref_slice %arg19[%add3A_1247, %dma_start3A_1345] : memref<10000x128xf32, #tpu.memory_space<vmem_shared>> -> memref<16x128xf32, #tpu.memory_space<vmem_shared>>
      %dma_start3A_1347 = arith.constant 0 : i32
      %dma_start3A_1348 = tpu.memref_slice %arg19[%add3A_1247, %dma_start3A_1347] : memref<10000x128xf32, #tpu.memory_space<vmem_shared>> -> memref<16x128xf32, #tpu.memory_space<vmem_shared>>
      tpu.enqueue_dma source(%arg18 : memref<16x128xf32, #tpu.memory_space<vmem>>) target(%dma_start3A_1348 : memref<16x128xf32, #tpu.memory_space<vmem_shared>>) target_semaphore(%run_scoped3A : memref<!tpu.dma_semaphore, #tpu.memory_space<semaphore_mem>>)
      %dma_wait3A_1349 = arith.constant 0 : i32
      %dma_wait3A_1350 = tpu.memref_slice %arg19[%add3A_1247, %dma_wait3A_1349] : memref<10000x128xf32, #tpu.memory_space<vmem_shared>> -> memref<16x128xf32, #tpu.memory_space<vmem_shared>>
      %dma_wait3A_1351 = arith.constant 0 : i32
      %dma_wait3A_1352 = tpu.memref_slice %arg19[%add3A_1247, %dma_wait3A_1351] : memref<10000x128xf32, #tpu.memory_space<vmem_shared>> -> memref<16x128xf32, #tpu.memory_space<vmem_shared>>
      tpu.wait_dma2 semaphore(%run_scoped3A : memref<!tpu.dma_semaphore, #tpu.memory_space<semaphore_mem>>) src(%arg18 : memref<16x128xf32, #tpu.memory_space<vmem>>) dst(%dma_wait3A_1352 : memref<16x128xf32, #tpu.memory_space<vmem_shared>>)
      tpu.yield
    }) : () -> ()
    %mul3A_1248 = arith.constant 624 : i32
    %mul3A_1249 = arith.muli %arg1, %mul3A_1248 : i32
    %add3A_1250 = arith.constant 608 : i32
    %add3A_1251 = arith.addi %mul3A_1249, %add3A_1250 : i32
    "tpu.region"() ({
      %run_scoped3A = tpu.sem_alloc : memref<!tpu.dma_semaphore, #tpu.memory_space<semaphore_mem>>
      %dma_start3A_1345 = arith.constant 0 : i32
      %dma_start3A_1346 = tpu.memref_slice %arg19[%add3A_1251, %dma_start3A_1345] : memref<10000x128xf32, #tpu.memory_space<vmem_shared>> -> memref<16x128xf32, #tpu.memory_space<vmem_shared>>
      %dma_start3A_1347 = arith.constant 0 : i32
      %dma_start3A_1348 = tpu.memref_slice %arg19[%add3A_1251, %dma_start3A_1347] : memref<10000x128xf32, #tpu.memory_space<vmem_shared>> -> memref<16x128xf32, #tpu.memory_space<vmem_shared>>
      tpu.enqueue_dma source(%arg18 : memref<16x128xf32, #tpu.memory_space<vmem>>) target(%dma_start3A_1348 : memref<16x128xf32, #tpu.memory_space<vmem_shared>>) target_semaphore(%run_scoped3A : memref<!tpu.dma_semaphore, #tpu.memory_space<semaphore_mem>>)
      %dma_wait3A_1349 = arith.constant 0 : i32
      %dma_wait3A_1350 = tpu.memref_slice %arg19[%add3A_1251, %dma_wait3A_1349] : memref<10000x128xf32, #tpu.memory_space<vmem_shared>> -> memref<16x128xf32, #tpu.memory_space<vmem_shared>>
      %dma_wait3A_1351 = arith.constant 0 : i32
      %dma_wait3A_1352 = tpu.memref_slice %arg19[%add3A_1251, %dma_wait3A_1351] : memref<10000x128xf32, #tpu.memory_space<vmem_shared>> -> memref<16x128xf32, #tpu.memory_space<vmem_shared>>
      tpu.wait_dma2 semaphore(%run_scoped3A : memref<!tpu.dma_semaphore, #tpu.memory_space<semaphore_mem>>) src(%arg18 : memref<16x128xf32, #tpu.memory_space<vmem>>) dst(%dma_wait3A_1352 : memref<16x128xf32, #tpu.memory_space<vmem_shared>>)
      tpu.yield
    }) : () -> ()
    %eq3A = arith.constant 15 : i32
    %eq3A_1252 = arith.cmpi eq, %arg1, %eq3A : i32
    %convert_element_type3A = arith.extui %eq3A_1252 : i1 to i32
    %cond3A = arith.constant 0 : i32
    %cond3A_1253 = arith.cmpi ne, %convert_element_type3A, %cond3A : i32
    scf.if %cond3A_1253 {
      "tpu.region"() ({
        %run_scoped3A = tpu.sem_alloc : memref<!tpu.dma_semaphore, #tpu.memory_space<semaphore_mem>>
        %dma_start3A_1345 = arith.constant 9984 : i32
        %dma_start3A_1346 = arith.constant 0 : i32
        %dma_start3A_1347 = tpu.memref_slice %arg19[%dma_start3A_1345, %dma_start3A_1346] : memref<10000x128xf32, #tpu.memory_space<vmem_shared>> -> memref<16x128xf32, #tpu.memory_space<vmem_shared>>
        %dma_start3A_1348 = arith.constant 9984 : i32
        %dma_start3A_1349 = arith.constant 0 : i32
        %dma_start3A_1350 = tpu.memref_slice %arg19[%dma_start3A_1348, %dma_start3A_1349] : memref<10000x128xf32, #tpu.memory_space<vmem_shared>> -> memref<16x128xf32, #tpu.memory_space<vmem_shared>>
        tpu.enqueue_dma source(%arg18 : memref<16x128xf32, #tpu.memory_space<vmem>>) target(%dma_start3A_1350 : memref<16x128xf32, #tpu.memory_space<vmem_shared>>) target_semaphore(%run_scoped3A : memref<!tpu.dma_semaphore, #tpu.memory_space<semaphore_mem>>)
        %dma_wait3A_1351 = arith.constant 9984 : i32
        %dma_wait3A_1352 = arith.constant 0 : i32
        %dma_wait3A_1353 = tpu.memref_slice %arg19[%dma_wait3A_1351, %dma_wait3A_1352] : memref<10000x128xf32, #tpu.memory_space<vmem_shared>> -> memref<16x128xf32, #tpu.memory_space<vmem_shared>>
        %dma_wait3A_1354 = arith.constant 9984 : i32
        %dma_wait3A_1355 = arith.constant 0 : i32
        %dma_wait3A_1356 = tpu.memref_slice %arg19[%dma_wait3A_1354, %dma_wait3A_1355] : memref<10000x128xf32, #tpu.memory_space<vmem_shared>> -> memref<16x128xf32, #tpu.memory_space<vmem_shared>>
        tpu.wait_dma2 semaphore(%run_scoped3A : memref<!tpu.dma_semaphore, #tpu.memory_space<semaphore_mem>>) src(%arg18 : memref<16x128xf32, #tpu.memory_space<vmem>>) dst(%dma_wait3A_1356 : memref<16x128xf32, #tpu.memory_space<vmem_shared>>)
        tpu.yield
      }) : () -> ()
    } else {
    }
    %barrier3A = arith.constant 0 : index
    tpu.barrier barrier_id(%barrier3A)
    %scan3A = arith.constant 0 : i32
    %scan3A_1254 = arith.constant 0 : i32
    %scan3A_1255 = arith.constant 62 : i32
    %scan3A_1256 = arith.addi %scan3A_1254, %scan3A_1255 : i32
    %scan3A_1257 = arith.constant 1 : i32
    %scan3A_1258 = scf.for %scan3A_1345 = %scan3A_1254 to %scan3A_1256 step %scan3A_1257 iter_args(%scan3A_1346 = %scan3A) -> (i32)  : i32 {
      %mul3A_1347 = arith.constant 4 : i32
      %mul3A_1348 = arith.muli %mul3A_1347, %scan3A_1345 : i32
      %add3A_1349 = arith.constant 0 : i32
      %add3A_1350 = arith.addi %mul3A_1348, %add3A_1349 : i32
      %dma_wait3A_1351 = arith.constant 0 : i32
      %dma_wait3A_1352 = arith.constant 0 : i32
      %dma_wait3A_1353 = tpu.memref_slice %arg6[%dma_wait3A_1351, %dma_wait3A_1352] : memref<2x40xi32, #tpu.memory_space<vmem>> -> memref<1x40xi32, #tpu.memory_space<vmem>>
      %dma_wait3A_1354 = tpu.memref_squeeze %dma_wait3A_1353 : memref<1x40xi32, #tpu.memory_space<vmem>> -> memref<40xi32, #tpu.memory_space<vmem>>
      %dma_wait3A_1355 = arith.constant 0 : i32
      %dma_wait3A_1356 = arith.constant 0 : i32
      %dma_wait3A_1357 = tpu.memref_slice %arg2[%dma_wait3A_1355, %dma_wait3A_1356] : memref<10000x128xf32, #tpu.memory_space<hbm>> -> memref<10000x128xf32, #tpu.memory_space<hbm>>
      tpu.wait_indirect_dma semaphore(%arg28 : memref<!tpu.dma_semaphore, #tpu.memory_space<semaphore_mem>>) src(%dma_wait3A_1357 : memref<10000x128xf32, #tpu.memory_space<hbm>>) dst(%arg14 : memref<40x128xf32, #tpu.memory_space<vmem>>)
      %dma_wait3A_1358 = arith.constant 0 : i32
      %dma_wait3A_1359 = arith.constant 0 : i32
      %dma_wait3A_1360 = tpu.memref_slice %arg3[%dma_wait3A_1358, %dma_wait3A_1359] : memref<320000x64xi32, #tpu.memory_space<hbm>> -> memref<40x64xi32, #tpu.memory_space<hbm>>
      %dma_wait3A_1361 = arith.constant 0 : i32
      %dma_wait3A_1362 = arith.constant 0 : i32
      %dma_wait3A_1363 = tpu.memref_slice %arg3[%dma_wait3A_1361, %dma_wait3A_1362] : memref<320000x64xi32, #tpu.memory_space<hbm>> -> memref<40x64xi32, #tpu.memory_space<hbm>>
      tpu.wait_dma2 semaphore(%arg24 : memref<!tpu.dma_semaphore, #tpu.memory_space<semaphore_mem>>) src(%dma_wait3A_1363 : memref<40x64xi32, #tpu.memory_space<hbm>>) dst(%arg10 : memref<40x64xi32, #tpu.memory_space<vmem>>)
      %scan3A_1364 = arith.constant 0 : i32
      %scan3A_1365 = arith.constant 0 : i32
      %scan3A_1366 = arith.constant 40 : i32
      %scan3A_1367 = arith.addi %scan3A_1365, %scan3A_1366 : i32
      %scan3A_1368 = arith.constant 1 : i32
      %scan3A_1369 = scf.for %scan3A_1546 = %scan3A_1365 to %scan3A_1367 step %scan3A_1368 iter_args(%scan3A_1547 = %scan3A_1364) -> (i32)  : i32 {
        %get3A = arith.index_cast %scan3A_1546 : i32 to index
        %get3A_1548 = arith.constant 0 : index
        %get3A_1549 = tpu.vector_load %arg10[%get3A, %get3A_1548] {strides = array<i32>} : memref<40x64xi32, #tpu.memory_space<vmem>>, vector<1x16xi32>,
        %get3A_1550 = vector.shape_cast %get3A_1549 : vector<1x16xi32> to vector<16xi32>
        %shift_left3A = arith.constant 16 : i32
        %shift_left3A_1551 = vector.broadcast %shift_left3A : i32 to vector<16xi32>
        %shift_left3A_1552 = arith.shli %get3A_1550, %shift_left3A_1551 : vector<16xi32>
        %bitcast_convert_type3A = tpu.bitcast %shift_left3A_1552 : vector<16xi32> -> vector<16xf32>
        %and3A = arith.constant -65536 : i32
        %and3A_1553 = vector.broadcast %and3A : i32 to vector<16xi32>
        %and3A_1554 = arith.andi %get3A_1550, %and3A_1553 : vector<16xi32>
        %bitcast_convert_type3A_1555 = tpu.bitcast %and3A_1554 : vector<16xi32> -> vector<16xf32>
        %get3A_1556 = arith.index_cast %scan3A_1546 : i32 to index
        %get3A_1557 = arith.constant 0 : index
        %get3A_1558 = tpu.vector_load %arg14[%get3A_1556, %get3A_1557] {strides = array<i32>} : memref<40x128xf32, #tpu.memory_space<vmem>>, vector<1x16xf32>,
        %get3A_1559 = vector.shape_cast %get3A_1558 : vector<1x16xf32> to vector<16xf32>
        %mul3A_1560 = arith.mulf %get3A_1559, %bitcast_convert_type3A : vector<16xf32>
        %swap3A_1561 = arith.index_cast %scan3A_1546 : i32 to index
        %swap3A_1562 = arith.constant 0 : index
        %swap3A_1563 = tpu.vector_load %arg14[%swap3A_1561, %swap3A_1562] {strides = array<i32>} : memref<40x128xf32, #tpu.memory_space<vmem>>, vector<1x16xf32>,
        %swap3A_1564 = vector.shape_cast %swap3A_1563 : vector<1x16xf32> to vector<16xf32>
        %swap3A_1565 = vector.shape_cast %mul3A_1560 : vector<16xf32> to vector<1x16xf32>
        tpu.vector_store %arg14[%swap3A_1561, %swap3A_1562], %swap3A_1565 {strides = array<i32>} : memref<40x128xf32, #tpu.memory_space<vmem>>, vector<1x16xf32>,
        %get3A_1566 = arith.index_cast %scan3A_1546 : i32 to index
        %get3A_1567 = arith.constant 16 : index
        %get3A_1568 = tpu.vector_load %arg14[%get3A_1566, %get3A_1567] {strides = array<i32>} : memref<40x128xf32, #tpu.memory_space<vmem>>, vector<1x16xf32>,
        %get3A_1569 = vector.shape_cast %get3A_1568 : vector<1x16xf32> to vector<16xf32>
        %mul3A_1570 = arith.mulf %get3A_1569, %bitcast_convert_type3A_1555 : vector<16xf32>
        %swap3A_1571 = arith.index_cast %scan3A_1546 : i32 to index
        %swap3A_1572 = arith.constant 16 : index
        %swap3A_1573 = tpu.vector_load %arg14[%swap3A_1571, %swap3A_1572] {strides = array<i32>} : memref<40x128xf32, #tpu.memory_space<vmem>>, vector<1x16xf32>,
        %swap3A_1574 = vector.shape_cast %swap3A_1573 : vector<1x16xf32> to vector<16xf32>
        %swap3A_1575 = vector.shape_cast %mul3A_1570 : vector<16xf32> to vector<1x16xf32>
        tpu.vector_store %arg14[%swap3A_1571, %swap3A_1572], %swap3A_1575 {strides = array<i32>} : memref<40x128xf32, #tpu.memory_space<vmem>>, vector<1x16xf32>,
        %get3A_1576 = arith.index_cast %scan3A_1546 : i32 to index
        %get3A_1577 = arith.constant 16 : index
        %get3A_1578 = tpu.vector_load %arg10[%get3A_1576, %get3A_1577] {strides = array<i32>} : memref<40x64xi32, #tpu.memory_space<vmem>>, vector<1x16xi32>,
        %get3A_1579 = vector.shape_cast %get3A_1578 : vector<1x16xi32> to vector<16xi32>
        %shift_left3A_1580 = arith.constant 16 : i32
        %shift_left3A_1581 = vector.broadcast %shift_left3A_1580 : i32 to vector<16xi32>
        %shift_left3A_1582 = arith.shli %get3A_1579, %shift_left3A_1581 : vector<16xi32>
        %bitcast_convert_type3A_1583 = tpu.bitcast %shift_left3A_1582 : vector<16xi32> -> vector<16xf32>
        %and3A_1584 = arith.constant -65536 : i32
        %and3A_1585 = vector.broadcast %and3A_1584 : i32 to vector<16xi32>
        %and3A_1586 = arith.andi %get3A_1579, %and3A_1585 : vector<16xi32>
        %bitcast_convert_type3A_1587 = tpu.bitcast %and3A_1586 : vector<16xi32> -> vector<16xf32>
        %get3A_1588 = arith.index_cast %scan3A_1546 : i32 to index
        %get3A_1589 = arith.constant 32 : index
        %get3A_1590 = tpu.vector_load %arg14[%get3A_1588, %get3A_1589] {strides = array<i32>} : memref<40x128xf32, #tpu.memory_space<vmem>>, vector<1x16xf32>,
        %get3A_1591 = vector.shape_cast %get3A_1590 : vector<1x16xf32> to vector<16xf32>
        %mul3A_1592 = arith.mulf %get3A_1591, %bitcast_convert_type3A_1583 : vector<16xf32>
        %swap3A_1593 = arith.index_cast %scan3A_1546 : i32 to index
        %swap3A_1594 = arith.constant 32 : index
        %swap3A_1595 = tpu.vector_load %arg14[%swap3A_1593, %swap3A_1594] {strides = array<i32>} : memref<40x128xf32, #tpu.memory_space<vmem>>, vector<1x16xf32>,
        %swap3A_1596 = vector.shape_cast %swap3A_1595 : vector<1x16xf32> to vector<16xf32>
        %swap3A_1597 = vector.shape_cast %mul3A_1592 : vector<16xf32> to vector<1x16xf32>
        tpu.vector_store %arg14[%swap3A_1593, %swap3A_1594], %swap3A_1597 {strides = array<i32>} : memref<40x128xf32, #tpu.memory_space<vmem>>, vector<1x16xf32>,
        %get3A_1598 = arith.index_cast %scan3A_1546 : i32 to index
        %get3A_1599 = arith.constant 48 : index
        %get3A_1600 = tpu.vector_load %arg14[%get3A_1598, %get3A_1599] {strides = array<i32>} : memref<40x128xf32, #tpu.memory_space<vmem>>, vector<1x16xf32>,
        %get3A_1601 = vector.shape_cast %get3A_1600 : vector<1x16xf32> to vector<16xf32>
        %mul3A_1602 = arith.mulf %get3A_1601, %bitcast_convert_type3A_1587 : vector<16xf32>
        %swap3A_1603 = arith.index_cast %scan3A_1546 : i32 to index
        %swap3A_1604 = arith.constant 48 : index
        %swap3A_1605 = tpu.vector_load %arg14[%swap3A_1603, %swap3A_1604] {strides = array<i32>} : memref<40x128xf32, #tpu.memory_space<vmem>>, vector<1x16xf32>,
        %swap3A_1606 = vector.shape_cast %swap3A_1605 : vector<1x16xf32> to vector<16xf32>
        %swap3A_1607 = vector.shape_cast %mul3A_1602 : vector<16xf32> to vector<1x16xf32>
        tpu.vector_store %arg14[%swap3A_1603, %swap3A_1604], %swap3A_1607 {strides = array<i32>} : memref<40x128xf32, #tpu.memory_space<vmem>>, vector<1x16xf32>,
        %get3A_1608 = arith.index_cast %scan3A_1546 : i32 to index
        %get3A_1609 = arith.constant 32 : index
        %get3A_1610 = tpu.vector_load %arg10[%get3A_1608, %get3A_1609] {strides = array<i32>} : memref<40x64xi32, #tpu.memory_space<vmem>>, vector<1x16xi32>,
        %get3A_1611 = vector.shape_cast %get3A_1610 : vector<1x16xi32> to vector<16xi32>
        %shift_left3A_1612 = arith.constant 16 : i32
        %shift_left3A_1613 = vector.broadcast %shift_left3A_1612 : i32 to vector<16xi32>
        %shift_left3A_1614 = arith.shli %get3A_1611, %shift_left3A_1613 : vector<16xi32>
        %bitcast_convert_type3A_1615 = tpu.bitcast %shift_left3A_1614 : vector<16xi32> -> vector<16xf32>
        %and3A_1616 = arith.constant -65536 : i32
        %and3A_1617 = vector.broadcast %and3A_1616 : i32 to vector<16xi32>
        %and3A_1618 = arith.andi %get3A_1611, %and3A_1617 : vector<16xi32>
        %bitcast_convert_type3A_1619 = tpu.bitcast %and3A_1618 : vector<16xi32> -> vector<16xf32>
        %get3A_1620 = arith.index_cast %scan3A_1546 : i32 to index
        %get3A_1621 = arith.constant 64 : index
        %get3A_1622 = tpu.vector_load %arg14[%get3A_1620, %get3A_1621] {strides = array<i32>} : memref<40x128xf32, #tpu.memory_space<vmem>>, vector<1x16xf32>,
        %get3A_1623 = vector.shape_cast %get3A_1622 : vector<1x16xf32> to vector<16xf32>
        %mul3A_1624 = arith.mulf %get3A_1623, %bitcast_convert_type3A_1615 : vector<16xf32>
        %swap3A_1625 = arith.index_cast %scan3A_1546 : i32 to index
        %swap3A_1626 = arith.constant 64 : index
        %swap3A_1627 = tpu.vector_load %arg14[%swap3A_1625, %swap3A_1626] {strides = array<i32>} : memref<40x128xf32, #tpu.memory_space<vmem>>, vector<1x16xf32>,
        %swap3A_1628 = vector.shape_cast %swap3A_1627 : vector<1x16xf32> to vector<16xf32>
        %swap3A_1629 = vector.shape_cast %mul3A_1624 : vector<16xf32> to vector<1x16xf32>
        tpu.vector_store %arg14[%swap3A_1625, %swap3A_1626], %swap3A_1629 {strides = array<i32>} : memref<40x128xf32, #tpu.memory_space<vmem>>, vector<1x16xf32>,
        %get3A_1630 = arith.index_cast %scan3A_1546 : i32 to index
        %get3A_1631 = arith.constant 80 : index
        %get3A_1632 = tpu.vector_load %arg14[%get3A_1630, %get3A_1631] {strides = array<i32>} : memref<40x128xf32, #tpu.memory_space<vmem>>, vector<1x16xf32>,
        %get3A_1633 = vector.shape_cast %get3A_1632 : vector<1x16xf32> to vector<16xf32>
        %mul3A_1634 = arith.mulf %get3A_1633, %bitcast_convert_type3A_1619 : vector<16xf32>
        %swap3A_1635 = arith.index_cast %scan3A_1546 : i32 to index
        %swap3A_1636 = arith.constant 80 : index
        %swap3A_1637 = tpu.vector_load %arg14[%swap3A_1635, %swap3A_1636] {strides = array<i32>} : memref<40x128xf32, #tpu.memory_space<vmem>>, vector<1x16xf32>,
        %swap3A_1638 = vector.shape_cast %swap3A_1637 : vector<1x16xf32> to vector<16xf32>
        %swap3A_1639 = vector.shape_cast %mul3A_1634 : vector<16xf32> to vector<1x16xf32>
        tpu.vector_store %arg14[%swap3A_1635, %swap3A_1636], %swap3A_1639 {strides = array<i32>} : memref<40x128xf32, #tpu.memory_space<vmem>>, vector<1x16xf32>,
        %get3A_1640 = arith.index_cast %scan3A_1546 : i32 to index
        %get3A_1641 = arith.constant 48 : index
        %get3A_1642 = tpu.vector_load %arg10[%get3A_1640, %get3A_1641] {strides = array<i32>} : memref<40x64xi32, #tpu.memory_space<vmem>>, vector<1x16xi32>,
        %get3A_1643 = vector.shape_cast %get3A_1642 : vector<1x16xi32> to vector<16xi32>
        %shift_left3A_1644 = arith.constant 16 : i32
        %shift_left3A_1645 = vector.broadcast %shift_left3A_1644 : i32 to vector<16xi32>
        %shift_left3A_1646 = arith.shli %get3A_1643, %shift_left3A_1645 : vector<16xi32>
        %bitcast_convert_type3A_1647 = tpu.bitcast %shift_left3A_1646 : vector<16xi32> -> vector<16xf32>
        %and3A_1648 = arith.constant -65536 : i32
        %and3A_1649 = vector.broadcast %and3A_1648 : i32 to vector<16xi32>
        %and3A_1650 = arith.andi %get3A_1643, %and3A_1649 : vector<16xi32>
        %bitcast_convert_type3A_1651 = tpu.bitcast %and3A_1650 : vector<16xi32> -> vector<16xf32>
        %get3A_1652 = arith.index_cast %scan3A_1546 : i32 to index
        %get3A_1653 = arith.constant 96 : index
        %get3A_1654 = tpu.vector_load %arg14[%get3A_1652, %get3A_1653] {strides = array<i32>} : memref<40x128xf32, #tpu.memory_space<vmem>>, vector<1x16xf32>,
        %get3A_1655 = vector.shape_cast %get3A_1654 : vector<1x16xf32> to vector<16xf32>
        %mul3A_1656 = arith.mulf %get3A_1655, %bitcast_convert_type3A_1647 : vector<16xf32>
        %swap3A_1657 = arith.index_cast %scan3A_1546 : i32 to index
        %swap3A_1658 = arith.constant 96 : index
        %swap3A_1659 = tpu.vector_load %arg14[%swap3A_1657, %swap3A_1658] {strides = array<i32>} : memref<40x128xf32, #tpu.memory_space<vmem>>, vector<1x16xf32>,
        %swap3A_1660 = vector.shape_cast %swap3A_1659 : vector<1x16xf32> to vector<16xf32>
        %swap3A_1661 = vector.shape_cast %mul3A_1656 : vector<16xf32> to vector<1x16xf32>
        tpu.vector_store %arg14[%swap3A_1657, %swap3A_1658], %swap3A_1661 {strides = array<i32>} : memref<40x128xf32, #tpu.memory_space<vmem>>, vector<1x16xf32>,
        %get3A_1662 = arith.index_cast %scan3A_1546 : i32 to index
        %get3A_1663 = arith.constant 112 : index
        %get3A_1664 = tpu.vector_load %arg14[%get3A_1662, %get3A_1663] {strides = array<i32>} : memref<40x128xf32, #tpu.memory_space<vmem>>, vector<1x16xf32>,
        %get3A_1665 = vector.shape_cast %get3A_1664 : vector<1x16xf32> to vector<16xf32>
        %mul3A_1666 = arith.mulf %get3A_1665, %bitcast_convert_type3A_1651 : vector<16xf32>
        %swap3A_1667 = arith.index_cast %scan3A_1546 : i32 to index
        %swap3A_1668 = arith.constant 112 : index
        %swap3A_1669 = tpu.vector_load %arg14[%swap3A_1667, %swap3A_1668] {strides = array<i32>} : memref<40x128xf32, #tpu.memory_space<vmem>>, vector<1x16xf32>,
        %swap3A_1670 = vector.shape_cast %swap3A_1669 : vector<1x16xf32> to vector<16xf32>
        %swap3A_1671 = vector.shape_cast %mul3A_1666 : vector<16xf32> to vector<1x16xf32>
        tpu.vector_store %arg14[%swap3A_1667, %swap3A_1668], %swap3A_1671 {strides = array<i32>} : memref<40x128xf32, #tpu.memory_space<vmem>>, vector<1x16xf32>,
        %scan3A_1672 = arith.constant 0 : i32
        scf.yield %scan3A_1672 : i32
      }
      %scan3A_1370 = arith.constant 40 : i32
      %gt3A = arith.constant 0 : i32
      %gt3A_1371 = arith.cmpi sgt, %add3A_1350, %gt3A : i32
      %convert_element_type3A_1372 = arith.extui %gt3A_1371 : i1 to i32
      %cond3A_1373 = arith.constant 0 : i32
      %cond3A_1374 = arith.cmpi ne, %convert_element_type3A_1372, %cond3A_1373 : i32
      scf.if %cond3A_1374 {
        %dma_wait3A_1546 = arith.constant 1 : i32
        %dma_wait3A_1547 = arith.constant 0 : i32
        %dma_wait3A_1548 = tpu.memref_slice %arg9[%dma_wait3A_1546, %dma_wait3A_1547] : memref<2x40xi32, #tpu.memory_space<vmem>> -> memref<1x40xi32, #tpu.memory_space<vmem>>
        %dma_wait3A_1549 = tpu.memref_squeeze %dma_wait3A_1548 : memref<1x40xi32, #tpu.memory_space<vmem>> -> memref<40xi32, #tpu.memory_space<vmem>>
        %dma_wait3A_1550 = arith.constant 0 : i32
        %dma_wait3A_1551 = arith.constant 0 : i32
        %dma_wait3A_1552 = tpu.memref_slice %arg19[%dma_wait3A_1550, %dma_wait3A_1551] : memref<10000x128xf32, #tpu.memory_space<vmem_shared>> -> memref<10000x128xf32, #tpu.memory_space<vmem_shared>>
        tpu.wait_indirect_dma semaphore(%arg32 : memref<!tpu.dma_semaphore, #tpu.memory_space<semaphore_mem>>) src(%arg17 : memref<40x128xf32, #tpu.memory_space<vmem>>) dst(%dma_wait3A_1552 : memref<10000x128xf32, #tpu.memory_space<vmem_shared>>)
      } else {
      }
      %dma_start3A_1375 = arith.constant 1 : i32
      %dma_start3A_1376 = arith.constant 0 : i32
      %dma_start3A_1377 = tpu.memref_slice %arg6[%dma_start3A_1375, %dma_start3A_1376] : memref<2x40xi32, #tpu.memory_space<vmem>> -> memref<1x40xi32, #tpu.memory_space<vmem>>
      %dma_start3A_1378 = tpu.memref_squeeze %dma_start3A_1377 : memref<1x40xi32, #tpu.memory_space<vmem>> -> memref<40xi32, #tpu.memory_space<vmem>>
      %dma_start3A_1379 = arith.constant 0 : i32
      %dma_start3A_1380 = arith.constant 0 : i32
      %dma_start3A_1381 = tpu.memref_slice %arg19[%dma_start3A_1379, %dma_start3A_1380] : memref<10000x128xf32, #tpu.memory_space<vmem_shared>> -> memref<10000x128xf32, #tpu.memory_space<vmem_shared>>
      tpu.enqueue_indirect_dma source(%arg14 : memref<40x128xf32, #tpu.memory_space<vmem>>) target(%dma_start3A_1381 : memref<10000x128xf32, #tpu.memory_space<vmem_shared>>) offsets(%dma_start3A_1378 : memref<40xi32, #tpu.memory_space<vmem>>) semaphore(%arg32 : memref<!tpu.dma_semaphore, #tpu.memory_space<semaphore_mem>>) {add = true}
      %add3A_1382 = arith.constant 3 : i32
      %add3A_1383 = arith.addi %add3A_1350, %add3A_1382 : i32
      %lt3A = arith.constant 250 : i32
      %lt3A_1384 = arith.cmpi slt, %add3A_1383, %lt3A : i32
      %convert_element_type3A_1385 = arith.extui %lt3A_1384 : i1 to i32
      %cond3A_1386 = arith.constant 0 : i32
      %cond3A_1387 = arith.cmpi ne, %convert_element_type3A_1385, %cond3A_1386 : i32
      scf.if %cond3A_1387 {
        %add3A_1546 = arith.constant 3 : i32
        %add3A_1547 = arith.addi %add3A_1350, %add3A_1546 : i32
        %dma_start3A_1548 = arith.constant 0 : i32
        %dma_start3A_1549 = arith.constant 0 : i32
        %dma_start3A_1550 = tpu.memref_slice %arg4[%add3A, %add3A_1547, %dma_start3A_1548, %dma_start3A_1549] : memref<32x250x2x40xi32, #tpu.memory_space<hbm>> -> memref<1x1x2x40xi32, #tpu.memory_space<hbm>>
        %dma_start3A_1551 = tpu.memref_squeeze %dma_start3A_1550 : memref<1x1x2x40xi32, #tpu.memory_space<hbm>> -> memref<2x40xi32, #tpu.memory_space<hbm>>
        %dma_start3A_1552 = arith.constant 0 : i32
        %dma_start3A_1553 = arith.constant 0 : i32
        %dma_start3A_1554 = tpu.memref_slice %arg4[%add3A, %add3A_1547, %dma_start3A_1552, %dma_start3A_1553] : memref<32x250x2x40xi32, #tpu.memory_space<hbm>> -> memref<1x1x2x40xi32, #tpu.memory_space<hbm>>
        %dma_start3A_1555 = tpu.memref_squeeze %dma_start3A_1554 : memref<1x1x2x40xi32, #tpu.memory_space<hbm>> -> memref<2x40xi32, #tpu.memory_space<hbm>>
        tpu.enqueue_dma source(%dma_start3A_1555 : memref<2x40xi32, #tpu.memory_space<hbm>>) target(%arg9 : memref<2x40xi32, #tpu.memory_space<vmem>>) target_semaphore(%arg23 : memref<!tpu.dma_semaphore, #tpu.memory_space<semaphore_mem>>)
      } else {
      }
      %add3A_1388 = arith.constant 2 : i32
      %add3A_1389 = arith.addi %add3A_1350, %add3A_1388 : i32
      %lt3A_1390 = arith.constant 250 : i32
      %lt3A_1391 = arith.cmpi slt, %add3A_1389, %lt3A_1390 : i32
      %convert_element_type3A_1392 = arith.extui %lt3A_1391 : i1 to i32
      %cond3A_1393 = arith.constant 0 : i32
      %cond3A_1394 = arith.cmpi ne, %convert_element_type3A_1392, %cond3A_1393 : i32
      scf.if %cond3A_1394 {
        %dma_wait3A_1546 = arith.constant 0 : i32
        %dma_wait3A_1547 = arith.constant 0 : i32
        %dma_wait3A_1548 = arith.constant 0 : i32
        %dma_wait3A_1549 = tpu.memref_slice %arg4[%add3A, %dma_wait3A_1546, %dma_wait3A_1547, %dma_wait3A_1548] : memref<32x250x2x40xi32, #tpu.memory_space<hbm>> -> memref<1x1x2x40xi32, #tpu.memory_space<hbm>>
        %dma_wait3A_1550 = tpu.memref_squeeze %dma_wait3A_1549 : memref<1x1x2x40xi32, #tpu.memory_space<hbm>> -> memref<2x40xi32, #tpu.memory_space<hbm>>
        %dma_wait3A_1551 = arith.constant 0 : i32
        %dma_wait3A_1552 = arith.constant 0 : i32
        %dma_wait3A_1553 = tpu.memref_slice %arg4[%add3A, %dma_wait3A_1546, %dma_wait3A_1551, %dma_wait3A_1552] : memref<32x250x2x40xi32, #tpu.memory_space<hbm>> -> memref<1x1x2x40xi32, #tpu.memory_space<hbm>>
        %dma_wait3A_1554 = tpu.memref_squeeze %dma_wait3A_1553 : memref<1x1x2x40xi32, #tpu.memory_space<hbm>> -> memref<2x40xi32, #tpu.memory_space<hbm>>
        tpu.wait_dma2 semaphore(%arg22 : memref<!tpu.dma_semaphore, #tpu.memory_space<semaphore_mem>>) src(%dma_wait3A_1554 : memref<2x40xi32, #tpu.memory_space<hbm>>) dst(%arg8 : memref<2x40xi32, #tpu.memory_space<vmem>>)
        %dma_start3A_1555 = arith.constant 0 : i32
        %dma_start3A_1556 = arith.constant 0 : i32
        %dma_start3A_1557 = tpu.memref_slice %arg8[%dma_start3A_1555, %dma_start3A_1556] : memref<2x40xi32, #tpu.memory_space<vmem>> -> memref<1x40xi32, #tpu.memory_space<vmem>>
        %dma_start3A_1558 = tpu.memref_squeeze %dma_start3A_1557 : memref<1x40xi32, #tpu.memory_space<vmem>> -> memref<40xi32, #tpu.memory_space<vmem>>
        %dma_start3A_1559 = arith.constant 0 : i32
        %dma_start3A_1560 = arith.constant 0 : i32
        %dma_start3A_1561 = tpu.memref_slice %arg2[%dma_start3A_1559, %dma_start3A_1560] : memref<10000x128xf32, #tpu.memory_space<hbm>> -> memref<10000x128xf32, #tpu.memory_space<hbm>>
        tpu.enqueue_indirect_dma source(%dma_start3A_1561 : memref<10000x128xf32, #tpu.memory_space<hbm>>) target(%arg16 : memref<40x128xf32, #tpu.memory_space<vmem>>) offsets(%dma_start3A_1558 : memref<40xi32, #tpu.memory_space<vmem>>) semaphore(%arg30 : memref<!tpu.dma_semaphore, #tpu.memory_space<semaphore_mem>>)
        %add3A_1562 = arith.constant 2 : i32
        %add3A_1563 = arith.addi %add3A_1350, %add3A_1562 : i32
        %mul3A_1564 = arith.constant 10000 : i32
        %mul3A_1565 = arith.muli %add3A, %mul3A_1564 : i32
        %mul3A_1566 = arith.constant 40 : i32
        %mul3A_1567 = arith.muli %add3A_1563, %mul3A_1566 : i32
        %add3A_1568 = arith.addi %mul3A_1565, %mul3A_1567 : i32
        %dma_start3A_1569 = arith.constant 0 : i32
        %dma_start3A_1570 = tpu.memref_slice %arg3[%add3A_1568, %dma_start3A_1569] : memref<320000x64xi32, #tpu.memory_space<hbm>> -> memref<40x64xi32, #tpu.memory_space<hbm>>
        %dma_start3A_1571 = arith.constant 0 : i32
        %dma_start3A_1572 = tpu.memref_slice %arg3[%add3A_1568, %dma_start3A_1571] : memref<320000x64xi32, #tpu.memory_space<hbm>> -> memref<40x64xi32, #tpu.memory_space<hbm>>
        tpu.enqueue_dma source(%dma_start3A_1572 : memref<40x64xi32, #tpu.memory_space<hbm>>) target(%arg12 : memref<40x64xi32, #tpu.memory_space<vmem>>) target_semaphore(%arg26 : memref<!tpu.dma_semaphore, #tpu.memory_space<semaphore_mem>>)
      } else {
      }
      %mul3A_1395 = arith.constant 4 : i32
      %mul3A_1396 = arith.muli %mul3A_1395, %scan3A_1345 : i32
      %add3A_1397 = arith.constant 1 : i32
      %add3A_1398 = arith.addi %mul3A_1396, %add3A_1397 : i32
      %dma_wait3A_1399 = arith.constant 0 : i32
      %dma_wait3A_1400 = arith.constant 0 : i32
      %dma_wait3A_1401 = tpu.memref_slice %arg7[%dma_wait3A_1399, %dma_wait3A_1400] : memref<2x40xi32, #tpu.memory_space<vmem>> -> memref<1x40xi32, #tpu.memory_space<vmem>>
      %dma_wait3A_1402 = tpu.memref_squeeze %dma_wait3A_1401 : memref<1x40xi32, #tpu.memory_space<vmem>> -> memref<40xi32, #tpu.memory_space<vmem>>
      %dma_wait3A_1403 = arith.constant 0 : i32
      %dma_wait3A_1404 = arith.constant 0 : i32
      %dma_wait3A_1405 = tpu.memref_slice %arg2[%dma_wait3A_1403, %dma_wait3A_1404] : memref<10000x128xf32, #tpu.memory_space<hbm>> -> memref<10000x128xf32, #tpu.memory_space<hbm>>
      tpu.wait_indirect_dma semaphore(%arg29 : memref<!tpu.dma_semaphore, #tpu.memory_space<semaphore_mem>>) src(%dma_wait3A_1405 : memref<10000x128xf32, #tpu.memory_space<hbm>>) dst(%arg15 : memref<40x128xf32, #tpu.memory_space<vmem>>)
      %dma_wait3A_1406 = arith.constant 0 : i32
      %dma_wait3A_1407 = arith.constant 0 : i32
      %dma_wait3A_1408 = tpu.memref_slice %arg3[%dma_wait3A_1406, %dma_wait3A_1407] : memref<320000x64xi32, #tpu.memory_space<hbm>> -> memref<40x64xi32, #tpu.memory_space<hbm>>
      %dma_wait3A_1409 = arith.constant 0 : i32
      %dma_wait3A_1410 = arith.constant 0 : i32
      %dma_wait3A_1411 = tpu.memref_slice %arg3[%dma_wait3A_1409, %dma_wait3A_1410] : memref<320000x64xi32, #tpu.memory_space<hbm>> -> memref<40x64xi32, #tpu.memory_space<hbm>>
      tpu.wait_dma2 semaphore(%arg25 : memref<!tpu.dma_semaphore, #tpu.memory_space<semaphore_mem>>) src(%dma_wait3A_1411 : memref<40x64xi32, #tpu.memory_space<hbm>>) dst(%arg11 : memref<40x64xi32, #tpu.memory_space<vmem>>)
      %scan3A_1412 = arith.constant 0 : i32
      %scan3A_1413 = arith.constant 0 : i32
      %scan3A_1414 = arith.constant 40 : i32
      %scan3A_1415 = arith.addi %scan3A_1413, %scan3A_1414 : i32
      %scan3A_1416 = arith.constant 1 : i32
      %scan3A_1417 = scf.for %scan3A_1546 = %scan3A_1413 to %scan3A_1415 step %scan3A_1416 iter_args(%scan3A_1547 = %scan3A_1412) -> (i32)  : i32 {
        %get3A = arith.index_cast %scan3A_1546 : i32 to index
        %get3A_1548 = arith.constant 0 : index
        %get3A_1549 = tpu.vector_load %arg11[%get3A, %get3A_1548] {strides = array<i32>} : memref<40x64xi32, #tpu.memory_space<vmem>>, vector<1x16xi32>,
        %get3A_1550 = vector.shape_cast %get3A_1549 : vector<1x16xi32> to vector<16xi32>
        %shift_left3A = arith.constant 16 : i32
        %shift_left3A_1551 = vector.broadcast %shift_left3A : i32 to vector<16xi32>
        %shift_left3A_1552 = arith.shli %get3A_1550, %shift_left3A_1551 : vector<16xi32>
        %bitcast_convert_type3A = tpu.bitcast %shift_left3A_1552 : vector<16xi32> -> vector<16xf32>
        %and3A = arith.constant -65536 : i32
        %and3A_1553 = vector.broadcast %and3A : i32 to vector<16xi32>
        %and3A_1554 = arith.andi %get3A_1550, %and3A_1553 : vector<16xi32>
        %bitcast_convert_type3A_1555 = tpu.bitcast %and3A_1554 : vector<16xi32> -> vector<16xf32>
        %get3A_1556 = arith.index_cast %scan3A_1546 : i32 to index
        %get3A_1557 = arith.constant 0 : index
        %get3A_1558 = tpu.vector_load %arg15[%get3A_1556, %get3A_1557] {strides = array<i32>} : memref<40x128xf32, #tpu.memory_space<vmem>>, vector<1x16xf32>,
        %get3A_1559 = vector.shape_cast %get3A_1558 : vector<1x16xf32> to vector<16xf32>
        %mul3A_1560 = arith.mulf %get3A_1559, %bitcast_convert_type3A : vector<16xf32>
        %swap3A_1561 = arith.index_cast %scan3A_1546 : i32 to index
        %swap3A_1562 = arith.constant 0 : index
        %swap3A_1563 = tpu.vector_load %arg15[%swap3A_1561, %swap3A_1562] {strides = array<i32>} : memref<40x128xf32, #tpu.memory_space<vmem>>, vector<1x16xf32>,
        %swap3A_1564 = vector.shape_cast %swap3A_1563 : vector<1x16xf32> to vector<16xf32>
        %swap3A_1565 = vector.shape_cast %mul3A_1560 : vector<16xf32> to vector<1x16xf32>
        tpu.vector_store %arg15[%swap3A_1561, %swap3A_1562], %swap3A_1565 {strides = array<i32>} : memref<40x128xf32, #tpu.memory_space<vmem>>, vector<1x16xf32>,
        %get3A_1566 = arith.index_cast %scan3A_1546 : i32 to index
        %get3A_1567 = arith.constant 16 : index
        %get3A_1568 = tpu.vector_load %arg15[%get3A_1566, %get3A_1567] {strides = array<i32>} : memref<40x128xf32, #tpu.memory_space<vmem>>, vector<1x16xf32>,
        %get3A_1569 = vector.shape_cast %get3A_1568 : vector<1x16xf32> to vector<16xf32>
        %mul3A_1570 = arith.mulf %get3A_1569, %bitcast_convert_type3A_1555 : vector<16xf32>
        %swap3A_1571 = arith.index_cast %scan3A_1546 : i32 to index
        %swap3A_1572 = arith.constant 16 : index
        %swap3A_1573 = tpu.vector_load %arg15[%swap3A_1571, %swap3A_1572] {strides = array<i32>} : memref<40x128xf32, #tpu.memory_space<vmem>>, vector<1x16xf32>,
        %swap3A_1574 = vector.shape_cast %swap3A_1573 : vector<1x16xf32> to vector<16xf32>
        %swap3A_1575 = vector.shape_cast %mul3A_1570 : vector<16xf32> to vector<1x16xf32>
        tpu.vector_store %arg15[%swap3A_1571, %swap3A_1572], %swap3A_1575 {strides = array<i32>} : memref<40x128xf32, #tpu.memory_space<vmem>>, vector<1x16xf32>,
        %get3A_1576 = arith.index_cast %scan3A_1546 : i32 to index
        %get3A_1577 = arith.constant 16 : index
        %get3A_1578 = tpu.vector_load %arg11[%get3A_1576, %get3A_1577] {strides = array<i32>} : memref<40x64xi32, #tpu.memory_space<vmem>>, vector<1x16xi32>,
        %get3A_1579 = vector.shape_cast %get3A_1578 : vector<1x16xi32> to vector<16xi32>
        %shift_left3A_1580 = arith.constant 16 : i32
        %shift_left3A_1581 = vector.broadcast %shift_left3A_1580 : i32 to vector<16xi32>
        %shift_left3A_1582 = arith.shli %get3A_1579, %shift_left3A_1581 : vector<16xi32>
        %bitcast_convert_type3A_1583 = tpu.bitcast %shift_left3A_1582 : vector<16xi32> -> vector<16xf32>
        %and3A_1584 = arith.constant -65536 : i32
        %and3A_1585 = vector.broadcast %and3A_1584 : i32 to vector<16xi32>
        %and3A_1586 = arith.andi %get3A_1579, %and3A_1585 : vector<16xi32>
        %bitcast_convert_type3A_1587 = tpu.bitcast %and3A_1586 : vector<16xi32> -> vector<16xf32>
        %get3A_1588 = arith.index_cast %scan3A_1546 : i32 to index
        %get3A_1589 = arith.constant 32 : index
        %get3A_1590 = tpu.vector_load %arg15[%get3A_1588, %get3A_1589] {strides = array<i32>} : memref<40x128xf32, #tpu.memory_space<vmem>>, vector<1x16xf32>,
        %get3A_1591 = vector.shape_cast %get3A_1590 : vector<1x16xf32> to vector<16xf32>
        %mul3A_1592 = arith.mulf %get3A_1591, %bitcast_convert_type3A_1583 : vector<16xf32>
        %swap3A_1593 = arith.index_cast %scan3A_1546 : i32 to index
        %swap3A_1594 = arith.constant 32 : index
        %swap3A_1595 = tpu.vector_load %arg15[%swap3A_1593, %swap3A_1594] {strides = array<i32>} : memref<40x128xf32, #tpu.memory_space<vmem>>, vector<1x16xf32>,
        %swap3A_1596 = vector.shape_cast %swap3A_1595 : vector<1x16xf32> to vector<16xf32>
        %swap3A_1597 = vector.shape_cast %mul3A_1592 : vector<16xf32> to vector<1x16xf32>
        tpu.vector_store %arg15[%swap3A_1593, %swap3A_1594], %swap3A_1597 {strides = array<i32>} : memref<40x128xf32, #tpu.memory_space<vmem>>, vector<1x16xf32>,
        %get3A_1598 = arith.index_cast %scan3A_1546 : i32 to index
        %get3A_1599 = arith.constant 48 : index
        %get3A_1600 = tpu.vector_load %arg15[%get3A_1598, %get3A_1599] {strides = array<i32>} : memref<40x128xf32, #tpu.memory_space<vmem>>, vector<1x16xf32>,
        %get3A_1601 = vector.shape_cast %get3A_1600 : vector<1x16xf32> to vector<16xf32>
        %mul3A_1602 = arith.mulf %get3A_1601, %bitcast_convert_type3A_1587 : vector<16xf32>
        %swap3A_1603 = arith.index_cast %scan3A_1546 : i32 to index
        %swap3A_1604 = arith.constant 48 : index
        %swap3A_1605 = tpu.vector_load %arg15[%swap3A_1603, %swap3A_1604] {strides = array<i32>} : memref<40x128xf32, #tpu.memory_space<vmem>>, vector<1x16xf32>,
        %swap3A_1606 = vector.shape_cast %swap3A_1605 : vector<1x16xf32> to vector<16xf32>
        %swap3A_1607 = vector.shape_cast %mul3A_1602 : vector<16xf32> to vector<1x16xf32>
        tpu.vector_store %arg15[%swap3A_1603, %swap3A_1604], %swap3A_1607 {strides = array<i32>} : memref<40x128xf32, #tpu.memory_space<vmem>>, vector<1x16xf32>,
        %get3A_1608 = arith.index_cast %scan3A_1546 : i32 to index
        %get3A_1609 = arith.constant 32 : index
        %get3A_1610 = tpu.vector_load %arg11[%get3A_1608, %get3A_1609] {strides = array<i32>} : memref<40x64xi32, #tpu.memory_space<vmem>>, vector<1x16xi32>,
        %get3A_1611 = vector.shape_cast %get3A_1610 : vector<1x16xi32> to vector<16xi32>
        %shift_left3A_1612 = arith.constant 16 : i32
        %shift_left3A_1613 = vector.broadcast %shift_left3A_1612 : i32 to vector<16xi32>
        %shift_left3A_1614 = arith.shli %get3A_1611, %shift_left3A_1613 : vector<16xi32>
        %bitcast_convert_type3A_1615 = tpu.bitcast %shift_left3A_1614 : vector<16xi32> -> vector<16xf32>
        %and3A_1616 = arith.constant -65536 : i32
        %and3A_1617 = vector.broadcast %and3A_1616 : i32 to vector<16xi32>
        %and3A_1618 = arith.andi %get3A_1611, %and3A_1617 : vector<16xi32>
        %bitcast_convert_type3A_1619 = tpu.bitcast %and3A_1618 : vector<16xi32> -> vector<16xf32>
        %get3A_1620 = arith.index_cast %scan3A_1546 : i32 to index
        %get3A_1621 = arith.constant 64 : index
        %get3A_1622 = tpu.vector_load %arg15[%get3A_1620, %get3A_1621] {strides = array<i32>} : memref<40x128xf32, #tpu.memory_space<vmem>>, vector<1x16xf32>,
        %get3A_1623 = vector.shape_cast %get3A_1622 : vector<1x16xf32> to vector<16xf32>
        %mul3A_1624 = arith.mulf %get3A_1623, %bitcast_convert_type3A_1615 : vector<16xf32>
        %swap3A_1625 = arith.index_cast %scan3A_1546 : i32 to index
        %swap3A_1626 = arith.constant 64 : index
        %swap3A_1627 = tpu.vector_load %arg15[%swap3A_1625, %swap3A_1626] {strides = array<i32>} : memref<40x128xf32, #tpu.memory_space<vmem>>, vector<1x16xf32>,
        %swap3A_1628 = vector.shape_cast %swap3A_1627 : vector<1x16xf32> to vector<16xf32>
        %swap3A_1629 = vector.shape_cast %mul3A_1624 : vector<16xf32> to vector<1x16xf32>
        tpu.vector_store %arg15[%swap3A_1625, %swap3A_1626], %swap3A_1629 {strides = array<i32>} : memref<40x128xf32, #tpu.memory_space<vmem>>, vector<1x16xf32>,
        %get3A_1630 = arith.index_cast %scan3A_1546 : i32 to index
        %get3A_1631 = arith.constant 80 : index
        %get3A_1632 = tpu.vector_load %arg15[%get3A_1630, %get3A_1631] {strides = array<i32>} : memref<40x128xf32, #tpu.memory_space<vmem>>, vector<1x16xf32>,
        %get3A_1633 = vector.shape_cast %get3A_1632 : vector<1x16xf32> to vector<16xf32>
        %mul3A_1634 = arith.mulf %get3A_1633, %bitcast_convert_type3A_1619 : vector<16xf32>
        %swap3A_1635 = arith.index_cast %scan3A_1546 : i32 to index
        %swap3A_1636 = arith.constant 80 : index
        %swap3A_1637 = tpu.vector_load %arg15[%swap3A_1635, %swap3A_1636] {strides = array<i32>} : memref<40x128xf32, #tpu.memory_space<vmem>>, vector<1x16xf32>,
        %swap3A_1638 = vector.shape_cast %swap3A_1637 : vector<1x16xf32> to vector<16xf32>
        %swap3A_1639 = vector.shape_cast %mul3A_1634 : vector<16xf32> to vector<1x16xf32>
        tpu.vector_store %arg15[%swap3A_1635, %swap3A_1636], %swap3A_1639 {strides = array<i32>} : memref<40x128xf32, #tpu.memory_space<vmem>>, vector<1x16xf32>,
        %get3A_1640 = arith.index_cast %scan3A_1546 : i32 to index
        %get3A_1641 = arith.constant 48 : index
        %get3A_1642 = tpu.vector_load %arg11[%get3A_1640, %get3A_1641] {strides = array<i32>} : memref<40x64xi32, #tpu.memory_space<vmem>>, vector<1x16xi32>,
        %get3A_1643 = vector.shape_cast %get3A_1642 : vector<1x16xi32> to vector<16xi32>
        %shift_left3A_1644 = arith.constant 16 : i32
        %shift_left3A_1645 = vector.broadcast %shift_left3A_1644 : i32 to vector<16xi32>
        %shift_left3A_1646 = arith.shli %get3A_1643, %shift_left3A_1645 : vector<16xi32>
        %bitcast_convert_type3A_1647 = tpu.bitcast %shift_left3A_1646 : vector<16xi32> -> vector<16xf32>
        %and3A_1648 = arith.constant -65536 : i32
        %and3A_1649 = vector.broadcast %and3A_1648 : i32 to vector<16xi32>
        %and3A_1650 = arith.andi %get3A_1643, %and3A_1649 : vector<16xi32>
        %bitcast_convert_type3A_1651 = tpu.bitcast %and3A_1650 : vector<16xi32> -> vector<16xf32>
        %get3A_1652 = arith.index_cast %scan3A_1546 : i32 to index
        %get3A_1653 = arith.constant 96 : index
        %get3A_1654 = tpu.vector_load %arg15[%get3A_1652, %get3A_1653] {strides = array<i32>} : memref<40x128xf32, #tpu.memory_space<vmem>>, vector<1x16xf32>,
        %get3A_1655 = vector.shape_cast %get3A_1654 : vector<1x16xf32> to vector<16xf32>
        %mul3A_1656 = arith.mulf %get3A_1655, %bitcast_convert_type3A_1647 : vector<16xf32>
        %swap3A_1657 = arith.index_cast %scan3A_1546 : i32 to index
        %swap3A_1658 = arith.constant 96 : index
        %swap3A_1659 = tpu.vector_load %arg15[%swap3A_1657, %swap3A_1658] {strides = array<i32>} : memref<40x128xf32, #tpu.memory_space<vmem>>, vector<1x16xf32>,
        %swap3A_1660 = vector.shape_cast %swap3A_1659 : vector<1x16xf32> to vector<16xf32>
        %swap3A_1661 = vector.shape_cast %mul3A_1656 : vector<16xf32> to vector<1x16xf32>
        tpu.vector_store %arg15[%swap3A_1657, %swap3A_1658], %swap3A_1661 {strides = array<i32>} : memref<40x128xf32, #tpu.memory_space<vmem>>, vector<1x16xf32>,
        %get3A_1662 = arith.index_cast %scan3A_1546 : i32 to index
        %get3A_1663 = arith.constant 112 : index
        %get3A_1664 = tpu.vector_load %arg15[%get3A_1662, %get3A_1663] {strides = array<i32>} : memref<40x128xf32, #tpu.memory_space<vmem>>, vector<1x16xf32>,
        %get3A_1665 = vector.shape_cast %get3A_1664 : vector<1x16xf32> to vector<16xf32>
        %mul3A_1666 = arith.mulf %get3A_1665, %bitcast_convert_type3A_1651 : vector<16xf32>
        %swap3A_1667 = arith.index_cast %scan3A_1546 : i32 to index
        %swap3A_1668 = arith.constant 112 : index
        %swap3A_1669 = tpu.vector_load %arg15[%swap3A_1667, %swap3A_1668] {strides = array<i32>} : memref<40x128xf32, #tpu.memory_space<vmem>>, vector<1x16xf32>,
        %swap3A_1670 = vector.shape_cast %swap3A_1669 : vector<1x16xf32> to vector<16xf32>
        %swap3A_1671 = vector.shape_cast %mul3A_1666 : vector<16xf32> to vector<1x16xf32>
        tpu.vector_store %arg15[%swap3A_1667, %swap3A_1668], %swap3A_1671 {strides = array<i32>} : memref<40x128xf32, #tpu.memory_space<vmem>>, vector<1x16xf32>,
        %scan3A_1672 = arith.constant 0 : i32
        scf.yield %scan3A_1672 : i32
      }
      %scan3A_1418 = arith.constant 40 : i32
      %gt3A_1419 = arith.constant 0 : i32
      %gt3A_1420 = arith.cmpi sgt, %add3A_1398, %gt3A_1419 : i32
      %convert_element_type3A_1421 = arith.extui %gt3A_1420 : i1 to i32
      %cond3A_1422 = arith.constant 0 : i32
      %cond3A_1423 = arith.cmpi ne, %convert_element_type3A_1421, %cond3A_1422 : i32
      scf.if %cond3A_1423 {
        %dma_wait3A_1546 = arith.constant 1 : i32
        %dma_wait3A_1547 = arith.constant 0 : i32
        %dma_wait3A_1548 = tpu.memref_slice %arg6[%dma_wait3A_1546, %dma_wait3A_1547] : memref<2x40xi32, #tpu.memory_space<vmem>> -> memref<1x40xi32, #tpu.memory_space<vmem>>
        %dma_wait3A_1549 = tpu.memref_squeeze %dma_wait3A_1548 : memref<1x40xi32, #tpu.memory_space<vmem>> -> memref<40xi32, #tpu.memory_space<vmem>>
        %dma_wait3A_1550 = arith.constant 0 : i32
        %dma_wait3A_1551 = arith.constant 0 : i32
        %dma_wait3A_1552 = tpu.memref_slice %arg19[%dma_wait3A_1550, %dma_wait3A_1551] : memref<10000x128xf32, #tpu.memory_space<vmem_shared>> -> memref<10000x128xf32, #tpu.memory_space<vmem_shared>>
        tpu.wait_indirect_dma semaphore(%arg32 : memref<!tpu.dma_semaphore, #tpu.memory_space<semaphore_mem>>) src(%arg14 : memref<40x128xf32, #tpu.memory_space<vmem>>) dst(%dma_wait3A_1552 : memref<10000x128xf32, #tpu.memory_space<vmem_shared>>)
      } else {
      }
      %dma_start3A_1424 = arith.constant 1 : i32
      %dma_start3A_1425 = arith.constant 0 : i32
      %dma_start3A_1426 = tpu.memref_slice %arg7[%dma_start3A_1424, %dma_start3A_1425] : memref<2x40xi32, #tpu.memory_space<vmem>> -> memref<1x40xi32, #tpu.memory_space<vmem>>
      %dma_start3A_1427 = tpu.memref_squeeze %dma_start3A_1426 : memref<1x40xi32, #tpu.memory_space<vmem>> -> memref<40xi32, #tpu.memory_space<vmem>>
      %dma_start3A_1428 = arith.constant 0 : i32
      %dma_start3A_1429 = arith.constant 0 : i32
      %dma_start3A_1430 = tpu.memref_slice %arg19[%dma_start3A_1428, %dma_start3A_1429] : memref<10000x128xf32, #tpu.memory_space<vmem_shared>> -> memref<10000x128xf32, #tpu.memory_space<vmem_shared>>
      tpu.enqueue_indirect_dma source(%arg15 : memref<40x128xf32, #tpu.memory_space<vmem>>) target(%dma_start3A_1430 : memref<10000x128xf32, #tpu.memory_space<vmem_shared>>) offsets(%dma_start3A_1427 : memref<40xi32, #tpu.memory_space<vmem>>) semaphore(%arg32 : memref<!tpu.dma_semaphore, #tpu.memory_space<semaphore_mem>>) {add = true}
      %add3A_1431 = arith.constant 3 : i32
      %add3A_1432 = arith.addi %add3A_1398, %add3A_1431 : i32
      %lt3A_1433 = arith.constant 250 : i32
      %lt3A_1434 = arith.cmpi slt, %add3A_1432, %lt3A_1433 : i32
      %convert_element_type3A_1435 = arith.extui %lt3A_1434 : i1 to i32
      %cond3A_1436 = arith.constant 0 : i32
      %cond3A_1437 = arith.cmpi ne, %convert_element_type3A_1435, %cond3A_1436 : i32
      scf.if %cond3A_1437 {
        %add3A_1546 = arith.constant 3 : i32
        %add3A_1547 = arith.addi %add3A_1398, %add3A_1546 : i32
        %dma_start3A_1548 = arith.constant 0 : i32
        %dma_start3A_1549 = arith.constant 0 : i32
        %dma_start3A_1550 = tpu.memref_slice %arg4[%add3A, %add3A_1547, %dma_start3A_1548, %dma_start3A_1549] : memref<32x250x2x40xi32, #tpu.memory_space<hbm>> -> memref<1x1x2x40xi32, #tpu.memory_space<hbm>>
        %dma_start3A_1551 = tpu.memref_squeeze %dma_start3A_1550 : memref<1x1x2x40xi32, #tpu.memory_space<hbm>> -> memref<2x40xi32, #tpu.memory_space<hbm>>
        %dma_start3A_1552 = arith.constant 0 : i32
        %dma_start3A_1553 = arith.constant 0 : i32
        %dma_start3A_1554 = tpu.memref_slice %arg4[%add3A, %add3A_1547, %dma_start3A_1552, %dma_start3A_1553] : memref<32x250x2x40xi32, #tpu.memory_space<hbm>> -> memref<1x1x2x40xi32, #tpu.memory_space<hbm>>
        %dma_start3A_1555 = tpu.memref_squeeze %dma_start3A_1554 : memref<1x1x2x40xi32, #tpu.memory_space<hbm>> -> memref<2x40xi32, #tpu.memory_space<hbm>>
        tpu.enqueue_dma source(%dma_start3A_1555 : memref<2x40xi32, #tpu.memory_space<hbm>>) target(%arg6 : memref<2x40xi32, #tpu.memory_space<vmem>>) target_semaphore(%arg20 : memref<!tpu.dma_semaphore, #tpu.memory_space<semaphore_mem>>)
      } else {
      }
      %add3A_1438 = arith.constant 2 : i32
      %add3A_1439 = arith.addi %add3A_1398, %add3A_1438 : i32
      %lt3A_1440 = arith.constant 250 : i32
      %lt3A_1441 = arith.cmpi slt, %add3A_1439, %lt3A_1440 : i32
      %convert_element_type3A_1442 = arith.extui %lt3A_1441 : i1 to i32
      %cond3A_1443 = arith.constant 0 : i32
      %cond3A_1444 = arith.cmpi ne, %convert_element_type3A_1442, %cond3A_1443 : i32
      scf.if %cond3A_1444 {
        %dma_wait3A_1546 = arith.constant 0 : i32
        %dma_wait3A_1547 = arith.constant 0 : i32
        %dma_wait3A_1548 = arith.constant 0 : i32
        %dma_wait3A_1549 = tpu.memref_slice %arg4[%add3A, %dma_wait3A_1546, %dma_wait3A_1547, %dma_wait3A_1548] : memref<32x250x2x40xi32, #tpu.memory_space<hbm>> -> memref<1x1x2x40xi32, #tpu.memory_space<hbm>>
        %dma_wait3A_1550 = tpu.memref_squeeze %dma_wait3A_1549 : memref<1x1x2x40xi32, #tpu.memory_space<hbm>> -> memref<2x40xi32, #tpu.memory_space<hbm>>
        %dma_wait3A_1551 = arith.constant 0 : i32
        %dma_wait3A_1552 = arith.constant 0 : i32
        %dma_wait3A_1553 = tpu.memref_slice %arg4[%add3A, %dma_wait3A_1546, %dma_wait3A_1551, %dma_wait3A_1552] : memref<32x250x2x40xi32, #tpu.memory_space<hbm>> -> memref<1x1x2x40xi32, #tpu.memory_space<hbm>>
        %dma_wait3A_1554 = tpu.memref_squeeze %dma_wait3A_1553 : memref<1x1x2x40xi32, #tpu.memory_space<hbm>> -> memref<2x40xi32, #tpu.memory_space<hbm>>
        tpu.wait_dma2 semaphore(%arg23 : memref<!tpu.dma_semaphore, #tpu.memory_space<semaphore_mem>>) src(%dma_wait3A_1554 : memref<2x40xi32, #tpu.memory_space<hbm>>) dst(%arg9 : memref<2x40xi32, #tpu.memory_space<vmem>>)
        %dma_start3A_1555 = arith.constant 0 : i32
        %dma_start3A_1556 = arith.constant 0 : i32
        %dma_start3A_1557 = tpu.memref_slice %arg9[%dma_start3A_1555, %dma_start3A_1556] : memref<2x40xi32, #tpu.memory_space<vmem>> -> memref<1x40xi32, #tpu.memory_space<vmem>>
        %dma_start3A_1558 = tpu.memref_squeeze %dma_start3A_1557 : memref<1x40xi32, #tpu.memory_space<vmem>> -> memref<40xi32, #tpu.memory_space<vmem>>
        %dma_start3A_1559 = arith.constant 0 : i32
        %dma_start3A_1560 = arith.constant 0 : i32
        %dma_start3A_1561 = tpu.memref_slice %arg2[%dma_start3A_1559, %dma_start3A_1560] : memref<10000x128xf32, #tpu.memory_space<hbm>> -> memref<10000x128xf32, #tpu.memory_space<hbm>>
        tpu.enqueue_indirect_dma source(%dma_start3A_1561 : memref<10000x128xf32, #tpu.memory_space<hbm>>) target(%arg17 : memref<40x128xf32, #tpu.memory_space<vmem>>) offsets(%dma_start3A_1558 : memref<40xi32, #tpu.memory_space<vmem>>) semaphore(%arg31 : memref<!tpu.dma_semaphore, #tpu.memory_space<semaphore_mem>>)
        %add3A_1562 = arith.constant 2 : i32
        %add3A_1563 = arith.addi %add3A_1398, %add3A_1562 : i32
        %mul3A_1564 = arith.constant 10000 : i32
        %mul3A_1565 = arith.muli %add3A, %mul3A_1564 : i32
        %mul3A_1566 = arith.constant 40 : i32
        %mul3A_1567 = arith.muli %add3A_1563, %mul3A_1566 : i32
        %add3A_1568 = arith.addi %mul3A_1565, %mul3A_1567 : i32
        %dma_start3A_1569 = arith.constant 0 : i32
        %dma_start3A_1570 = tpu.memref_slice %arg3[%add3A_1568, %dma_start3A_1569] : memref<320000x64xi32, #tpu.memory_space<hbm>> -> memref<40x64xi32, #tpu.memory_space<hbm>>
        %dma_start3A_1571 = arith.constant 0 : i32
        %dma_start3A_1572 = tpu.memref_slice %arg3[%add3A_1568, %dma_start3A_1571] : memref<320000x64xi32, #tpu.memory_space<hbm>> -> memref<40x64xi32, #tpu.memory_space<hbm>>
        tpu.enqueue_dma source(%dma_start3A_1572 : memref<40x64xi32, #tpu.memory_space<hbm>>) target(%arg13 : memref<40x64xi32, #tpu.memory_space<vmem>>) target_semaphore(%arg27 : memref<!tpu.dma_semaphore, #tpu.memory_space<semaphore_mem>>)
      } else {
      }
      %mul3A_1445 = arith.constant 4 : i32
      %mul3A_1446 = arith.muli %mul3A_1445, %scan3A_1345 : i32
      %add3A_1447 = arith.constant 2 : i32
      %add3A_1448 = arith.addi %mul3A_1446, %add3A_1447 : i32
      %dma_wait3A_1449 = arith.constant 0 : i32
      %dma_wait3A_1450 = arith.constant 0 : i32
      %dma_wait3A_1451 = tpu.memref_slice %arg8[%dma_wait3A_1449, %dma_wait3A_1450] : memref<2x40xi32, #tpu.memory_space<vmem>> -> memref<1x40xi32, #tpu.memory_space<vmem>>
      %dma_wait3A_1452 = tpu.memref_squeeze %dma_wait3A_1451 : memref<1x40xi32, #tpu.memory_space<vmem>> -> memref<40xi32, #tpu.memory_space<vmem>>
      %dma_wait3A_1453 = arith.constant 0 : i32
      %dma_wait3A_1454 = arith.constant 0 : i32
      %dma_wait3A_1455 = tpu.memref_slice %arg2[%dma_wait3A_1453, %dma_wait3A_1454] : memref<10000x128xf32, #tpu.memory_space<hbm>> -> memref<10000x128xf32, #tpu.memory_space<hbm>>
      tpu.wait_indirect_dma semaphore(%arg30 : memref<!tpu.dma_semaphore, #tpu.memory_space<semaphore_mem>>) src(%dma_wait3A_1455 : memref<10000x128xf32, #tpu.memory_space<hbm>>) dst(%arg16 : memref<40x128xf32, #tpu.memory_space<vmem>>)
      %dma_wait3A_1456 = arith.constant 0 : i32
      %dma_wait3A_1457 = arith.constant 0 : i32
      %dma_wait3A_1458 = tpu.memref_slice %arg3[%dma_wait3A_1456, %dma_wait3A_1457] : memref<320000x64xi32, #tpu.memory_space<hbm>> -> memref<40x64xi32, #tpu.memory_space<hbm>>
      %dma_wait3A_1459 = arith.constant 0 : i32
      %dma_wait3A_1460 = arith.constant 0 : i32
      %dma_wait3A_1461 = tpu.memref_slice %arg3[%dma_wait3A_1459, %dma_wait3A_1460] : memref<320000x64xi32, #tpu.memory_space<hbm>> -> memref<40x64xi32, #tpu.memory_space<hbm>>
      tpu.wait_dma2 semaphore(%arg26 : memref<!tpu.dma_semaphore, #tpu.memory_space<semaphore_mem>>) src(%dma_wait3A_1461 : memref<40x64xi32, #tpu.memory_space<hbm>>) dst(%arg12 : memref<40x64xi32, #tpu.memory_space<vmem>>)
      %scan3A_1462 = arith.constant 0 : i32
      %scan3A_1463 = arith.constant 0 : i32
      %scan3A_1464 = arith.constant 40 : i32
      %scan3A_1465 = arith.addi %scan3A_1463, %scan3A_1464 : i32
      %scan3A_1466 = arith.constant 1 : i32
      %scan3A_1467 = scf.for %scan3A_1546 = %scan3A_1463 to %scan3A_1465 step %scan3A_1466 iter_args(%scan3A_1547 = %scan3A_1462) -> (i32)  : i32 {
        %get3A = arith.index_cast %scan3A_1546 : i32 to index
        %get3A_1548 = arith.constant 0 : index
        %get3A_1549 = tpu.vector_load %arg12[%get3A, %get3A_1548] {strides = array<i32>} : memref<40x64xi32, #tpu.memory_space<vmem>>, vector<1x16xi32>,
        %get3A_1550 = vector.shape_cast %get3A_1549 : vector<1x16xi32> to vector<16xi32>
        %shift_left3A = arith.constant 16 : i32
        %shift_left3A_1551 = vector.broadcast %shift_left3A : i32 to vector<16xi32>
        %shift_left3A_1552 = arith.shli %get3A_1550, %shift_left3A_1551 : vector<16xi32>
        %bitcast_convert_type3A = tpu.bitcast %shift_left3A_1552 : vector<16xi32> -> vector<16xf32>
        %and3A = arith.constant -65536 : i32
        %and3A_1553 = vector.broadcast %and3A : i32 to vector<16xi32>
        %and3A_1554 = arith.andi %get3A_1550, %and3A_1553 : vector<16xi32>
        %bitcast_convert_type3A_1555 = tpu.bitcast %and3A_1554 : vector<16xi32> -> vector<16xf32>
        %get3A_1556 = arith.index_cast %scan3A_1546 : i32 to index
        %get3A_1557 = arith.constant 0 : index
        %get3A_1558 = tpu.vector_load %arg16[%get3A_1556, %get3A_1557] {strides = array<i32>} : memref<40x128xf32, #tpu.memory_space<vmem>>, vector<1x16xf32>,
        %get3A_1559 = vector.shape_cast %get3A_1558 : vector<1x16xf32> to vector<16xf32>
        %mul3A_1560 = arith.mulf %get3A_1559, %bitcast_convert_type3A : vector<16xf32>
        %swap3A_1561 = arith.index_cast %scan3A_1546 : i32 to index
        %swap3A_1562 = arith.constant 0 : index
        %swap3A_1563 = tpu.vector_load %arg16[%swap3A_1561, %swap3A_1562] {strides = array<i32>} : memref<40x128xf32, #tpu.memory_space<vmem>>, vector<1x16xf32>,
        %swap3A_1564 = vector.shape_cast %swap3A_1563 : vector<1x16xf32> to vector<16xf32>
        %swap3A_1565 = vector.shape_cast %mul3A_1560 : vector<16xf32> to vector<1x16xf32>
        tpu.vector_store %arg16[%swap3A_1561, %swap3A_1562], %swap3A_1565 {strides = array<i32>} : memref<40x128xf32, #tpu.memory_space<vmem>>, vector<1x16xf32>,
        %get3A_1566 = arith.index_cast %scan3A_1546 : i32 to index
        %get3A_1567 = arith.constant 16 : index
        %get3A_1568 = tpu.vector_load %arg16[%get3A_1566, %get3A_1567] {strides = array<i32>} : memref<40x128xf32, #tpu.memory_space<vmem>>, vector<1x16xf32>,
        %get3A_1569 = vector.shape_cast %get3A_1568 : vector<1x16xf32> to vector<16xf32>
        %mul3A_1570 = arith.mulf %get3A_1569, %bitcast_convert_type3A_1555 : vector<16xf32>
        %swap3A_1571 = arith.index_cast %scan3A_1546 : i32 to index
        %swap3A_1572 = arith.constant 16 : index
        %swap3A_1573 = tpu.vector_load %arg16[%swap3A_1571, %swap3A_1572] {strides = array<i32>} : memref<40x128xf32, #tpu.memory_space<vmem>>, vector<1x16xf32>,
        %swap3A_1574 = vector.shape_cast %swap3A_1573 : vector<1x16xf32> to vector<16xf32>
        %swap3A_1575 = vector.shape_cast %mul3A_1570 : vector<16xf32> to vector<1x16xf32>
        tpu.vector_store %arg16[%swap3A_1571, %swap3A_1572], %swap3A_1575 {strides = array<i32>} : memref<40x128xf32, #tpu.memory_space<vmem>>, vector<1x16xf32>,
        %get3A_1576 = arith.index_cast %scan3A_1546 : i32 to index
        %get3A_1577 = arith.constant 16 : index
        %get3A_1578 = tpu.vector_load %arg12[%get3A_1576, %get3A_1577] {strides = array<i32>} : memref<40x64xi32, #tpu.memory_space<vmem>>, vector<1x16xi32>,
        %get3A_1579 = vector.shape_cast %get3A_1578 : vector<1x16xi32> to vector<16xi32>
        %shift_left3A_1580 = arith.constant 16 : i32
        %shift_left3A_1581 = vector.broadcast %shift_left3A_1580 : i32 to vector<16xi32>
        %shift_left3A_1582 = arith.shli %get3A_1579, %shift_left3A_1581 : vector<16xi32>
        %bitcast_convert_type3A_1583 = tpu.bitcast %shift_left3A_1582 : vector<16xi32> -> vector<16xf32>
        %and3A_1584 = arith.constant -65536 : i32
        %and3A_1585 = vector.broadcast %and3A_1584 : i32 to vector<16xi32>
        %and3A_1586 = arith.andi %get3A_1579, %and3A_1585 : vector<16xi32>
        %bitcast_convert_type3A_1587 = tpu.bitcast %and3A_1586 : vector<16xi32> -> vector<16xf32>
        %get3A_1588 = arith.index_cast %scan3A_1546 : i32 to index
        %get3A_1589 = arith.constant 32 : index
        %get3A_1590 = tpu.vector_load %arg16[%get3A_1588, %get3A_1589] {strides = array<i32>} : memref<40x128xf32, #tpu.memory_space<vmem>>, vector<1x16xf32>,
        %get3A_1591 = vector.shape_cast %get3A_1590 : vector<1x16xf32> to vector<16xf32>
        %mul3A_1592 = arith.mulf %get3A_1591, %bitcast_convert_type3A_1583 : vector<16xf32>
        %swap3A_1593 = arith.index_cast %scan3A_1546 : i32 to index
        %swap3A_1594 = arith.constant 32 : index
        %swap3A_1595 = tpu.vector_load %arg16[%swap3A_1593, %swap3A_1594] {strides = array<i32>} : memref<40x128xf32, #tpu.memory_space<vmem>>, vector<1x16xf32>,
        %swap3A_1596 = vector.shape_cast %swap3A_1595 : vector<1x16xf32> to vector<16xf32>
        %swap3A_1597 = vector.shape_cast %mul3A_1592 : vector<16xf32> to vector<1x16xf32>
        tpu.vector_store %arg16[%swap3A_1593, %swap3A_1594], %swap3A_1597 {strides = array<i32>} : memref<40x128xf32, #tpu.memory_space<vmem>>, vector<1x16xf32>,
        %get3A_1598 = arith.index_cast %scan3A_1546 : i32 to index
        %get3A_1599 = arith.constant 48 : index
        %get3A_1600 = tpu.vector_load %arg16[%get3A_1598, %get3A_1599] {strides = array<i32>} : memref<40x128xf32, #tpu.memory_space<vmem>>, vector<1x16xf32>,
        %get3A_1601 = vector.shape_cast %get3A_1600 : vector<1x16xf32> to vector<16xf32>
        %mul3A_1602 = arith.mulf %get3A_1601, %bitcast_convert_type3A_1587 : vector<16xf32>
        %swap3A_1603 = arith.index_cast %scan3A_1546 : i32 to index
        %swap3A_1604 = arith.constant 48 : index
        %swap3A_1605 = tpu.vector_load %arg16[%swap3A_1603, %swap3A_1604] {strides = array<i32>} : memref<40x128xf32, #tpu.memory_space<vmem>>, vector<1x16xf32>,
        %swap3A_1606 = vector.shape_cast %swap3A_1605 : vector<1x16xf32> to vector<16xf32>
        %swap3A_1607 = vector.shape_cast %mul3A_1602 : vector<16xf32> to vector<1x16xf32>
        tpu.vector_store %arg16[%swap3A_1603, %swap3A_1604], %swap3A_1607 {strides = array<i32>} : memref<40x128xf32, #tpu.memory_space<vmem>>, vector<1x16xf32>,
        %get3A_1608 = arith.index_cast %scan3A_1546 : i32 to index
        %get3A_1609 = arith.constant 32 : index
        %get3A_1610 = tpu.vector_load %arg12[%get3A_1608, %get3A_1609] {strides = array<i32>} : memref<40x64xi32, #tpu.memory_space<vmem>>, vector<1x16xi32>,
        %get3A_1611 = vector.shape_cast %get3A_1610 : vector<1x16xi32> to vector<16xi32>
        %shift_left3A_1612 = arith.constant 16 : i32
        %shift_left3A_1613 = vector.broadcast %shift_left3A_1612 : i32 to vector<16xi32>
        %shift_left3A_1614 = arith.shli %get3A_1611, %shift_left3A_1613 : vector<16xi32>
        %bitcast_convert_type3A_1615 = tpu.bitcast %shift_left3A_1614 : vector<16xi32> -> vector<16xf32>
        %and3A_1616 = arith.constant -65536 : i32
        %and3A_1617 = vector.broadcast %and3A_1616 : i32 to vector<16xi32>
        %and3A_1618 = arith.andi %get3A_1611, %and3A_1617 : vector<16xi32>
        %bitcast_convert_type3A_1619 = tpu.bitcast %and3A_1618 : vector<16xi32> -> vector<16xf32>
        %get3A_1620 = arith.index_cast %scan3A_1546 : i32 to index
        %get3A_1621 = arith.constant 64 : index
        %get3A_1622 = tpu.vector_load %arg16[%get3A_1620, %get3A_1621] {strides = array<i32>} : memref<40x128xf32, #tpu.memory_space<vmem>>, vector<1x16xf32>,
        %get3A_1623 = vector.shape_cast %get3A_1622 : vector<1x16xf32> to vector<16xf32>
        %mul3A_1624 = arith.mulf %get3A_1623, %bitcast_convert_type3A_1615 : vector<16xf32>
        %swap3A_1625 = arith.index_cast %scan3A_1546 : i32 to index
        %swap3A_1626 = arith.constant 64 : index
        %swap3A_1627 = tpu.vector_load %arg16[%swap3A_1625, %swap3A_1626] {strides = array<i32>} : memref<40x128xf32, #tpu.memory_space<vmem>>, vector<1x16xf32>,
        %swap3A_1628 = vector.shape_cast %swap3A_1627 : vector<1x16xf32> to vector<16xf32>
        %swap3A_1629 = vector.shape_cast %mul3A_1624 : vector<16xf32> to vector<1x16xf32>
        tpu.vector_store %arg16[%swap3A_1625, %swap3A_1626], %swap3A_1629 {strides = array<i32>} : memref<40x128xf32, #tpu.memory_space<vmem>>, vector<1x16xf32>,
        %get3A_1630 = arith.index_cast %scan3A_1546 : i32 to index
        %get3A_1631 = arith.constant 80 : index
        %get3A_1632 = tpu.vector_load %arg16[%get3A_1630, %get3A_1631] {strides = array<i32>} : memref<40x128xf32, #tpu.memory_space<vmem>>, vector<1x16xf32>,
        %get3A_1633 = vector.shape_cast %get3A_1632 : vector<1x16xf32> to vector<16xf32>
        %mul3A_1634 = arith.mulf %get3A_1633, %bitcast_convert_type3A_1619 : vector<16xf32>
        %swap3A_1635 = arith.index_cast %scan3A_1546 : i32 to index
        %swap3A_1636 = arith.constant 80 : index
        %swap3A_1637 = tpu.vector_load %arg16[%swap3A_1635, %swap3A_1636] {strides = array<i32>} : memref<40x128xf32, #tpu.memory_space<vmem>>, vector<1x16xf32>,
        %swap3A_1638 = vector.shape_cast %swap3A_1637 : vector<1x16xf32> to vector<16xf32>
        %swap3A_1639 = vector.shape_cast %mul3A_1634 : vector<16xf32> to vector<1x16xf32>
        tpu.vector_store %arg16[%swap3A_1635, %swap3A_1636], %swap3A_1639 {strides = array<i32>} : memref<40x128xf32, #tpu.memory_space<vmem>>, vector<1x16xf32>,
        %get3A_1640 = arith.index_cast %scan3A_1546 : i32 to index
        %get3A_1641 = arith.constant 48 : index
        %get3A_1642 = tpu.vector_load %arg12[%get3A_1640, %get3A_1641] {strides = array<i32>} : memref<40x64xi32, #tpu.memory_space<vmem>>, vector<1x16xi32>,
        %get3A_1643 = vector.shape_cast %get3A_1642 : vector<1x16xi32> to vector<16xi32>
        %shift_left3A_1644 = arith.constant 16 : i32
        %shift_left3A_1645 = vector.broadcast %shift_left3A_1644 : i32 to vector<16xi32>
        %shift_left3A_1646 = arith.shli %get3A_1643, %shift_left3A_1645 : vector<16xi32>
        %bitcast_convert_type3A_1647 = tpu.bitcast %shift_left3A_1646 : vector<16xi32> -> vector<16xf32>
        %and3A_1648 = arith.constant -65536 : i32
        %and3A_1649 = vector.broadcast %and3A_1648 : i32 to vector<16xi32>
        %and3A_1650 = arith.andi %get3A_1643, %and3A_1649 : vector<16xi32>
        %bitcast_convert_type3A_1651 = tpu.bitcast %and3A_1650 : vector<16xi32> -> vector<16xf32>
        %get3A_1652 = arith.index_cast %scan3A_1546 : i32 to index
        %get3A_1653 = arith.constant 96 : index
        %get3A_1654 = tpu.vector_load %arg16[%get3A_1652, %get3A_1653] {strides = array<i32>} : memref<40x128xf32, #tpu.memory_space<vmem>>, vector<1x16xf32>,
        %get3A_1655 = vector.shape_cast %get3A_1654 : vector<1x16xf32> to vector<16xf32>
        %mul3A_1656 = arith.mulf %get3A_1655, %bitcast_convert_type3A_1647 : vector<16xf32>
        %swap3A_1657 = arith.index_cast %scan3A_1546 : i32 to index
        %swap3A_1658 = arith.constant 96 : index
        %swap3A_1659 = tpu.vector_load %arg16[%swap3A_1657, %swap3A_1658] {strides = array<i32>} : memref<40x128xf32, #tpu.memory_space<vmem>>, vector<1x16xf32>,
        %swap3A_1660 = vector.shape_cast %swap3A_1659 : vector<1x16xf32> to vector<16xf32>
        %swap3A_1661 = vector.shape_cast %mul3A_1656 : vector<16xf32> to vector<1x16xf32>
        tpu.vector_store %arg16[%swap3A_1657, %swap3A_1658], %swap3A_1661 {strides = array<i32>} : memref<40x128xf32, #tpu.memory_space<vmem>>, vector<1x16xf32>,
        %get3A_1662 = arith.index_cast %scan3A_1546 : i32 to index
        %get3A_1663 = arith.constant 112 : index
        %get3A_1664 = tpu.vector_load %arg16[%get3A_1662, %get3A_1663] {strides = array<i32>} : memref<40x128xf32, #tpu.memory_space<vmem>>, vector<1x16xf32>,
        %get3A_1665 = vector.shape_cast %get3A_1664 : vector<1x16xf32> to vector<16xf32>
        %mul3A_1666 = arith.mulf %get3A_1665, %bitcast_convert_type3A_1651 : vector<16xf32>
        %swap3A_1667 = arith.index_cast %scan3A_1546 : i32 to index
        %swap3A_1668 = arith.constant 112 : index
        %swap3A_1669 = tpu.vector_load %arg16[%swap3A_1667, %swap3A_1668] {strides = array<i32>} : memref<40x128xf32, #tpu.memory_space<vmem>>, vector<1x16xf32>,
        %swap3A_1670 = vector.shape_cast %swap3A_1669 : vector<1x16xf32> to vector<16xf32>
        %swap3A_1671 = vector.shape_cast %mul3A_1666 : vector<16xf32> to vector<1x16xf32>
        tpu.vector_store %arg16[%swap3A_1667, %swap3A_1668], %swap3A_1671 {strides = array<i32>} : memref<40x128xf32, #tpu.memory_space<vmem>>, vector<1x16xf32>,
        %scan3A_1672 = arith.constant 0 : i32
        scf.yield %scan3A_1672 : i32
      }
      %scan3A_1468 = arith.constant 40 : i32
      %gt3A_1469 = arith.constant 0 : i32
      %gt3A_1470 = arith.cmpi sgt, %add3A_1448, %gt3A_1469 : i32
      %convert_element_type3A_1471 = arith.extui %gt3A_1470 : i1 to i32
      %cond3A_1472 = arith.constant 0 : i32
      %cond3A_1473 = arith.cmpi ne, %convert_element_type3A_1471, %cond3A_1472 : i32
      scf.if %cond3A_1473 {
        %dma_wait3A_1546 = arith.constant 1 : i32
        %dma_wait3A_1547 = arith.constant 0 : i32
        %dma_wait3A_1548 = tpu.memref_slice %arg7[%dma_wait3A_1546, %dma_wait3A_1547] : memref<2x40xi32, #tpu.memory_space<vmem>> -> memref<1x40xi32, #tpu.memory_space<vmem>>
        %dma_wait3A_1549 = tpu.memref_squeeze %dma_wait3A_1548 : memref<1x40xi32, #tpu.memory_space<vmem>> -> memref<40xi32, #tpu.memory_space<vmem>>
        %dma_wait3A_1550 = arith.constant 0 : i32
        %dma_wait3A_1551 = arith.constant 0 : i32
        %dma_wait3A_1552 = tpu.memref_slice %arg19[%dma_wait3A_1550, %dma_wait3A_1551] : memref<10000x128xf32, #tpu.memory_space<vmem_shared>> -> memref<10000x128xf32, #tpu.memory_space<vmem_shared>>
        tpu.wait_indirect_dma semaphore(%arg32 : memref<!tpu.dma_semaphore, #tpu.memory_space<semaphore_mem>>) src(%arg15 : memref<40x128xf32, #tpu.memory_space<vmem>>) dst(%dma_wait3A_1552 : memref<10000x128xf32, #tpu.memory_space<vmem_shared>>)
      } else {
      }
      %dma_start3A_1474 = arith.constant 1 : i32
      %dma_start3A_1475 = arith.constant 0 : i32
      %dma_start3A_1476 = tpu.memref_slice %arg8[%dma_start3A_1474, %dma_start3A_1475] : memref<2x40xi32, #tpu.memory_space<vmem>> -> memref<1x40xi32, #tpu.memory_space<vmem>>
      %dma_start3A_1477 = tpu.memref_squeeze %dma_start3A_1476 : memref<1x40xi32, #tpu.memory_space<vmem>> -> memref<40xi32, #tpu.memory_space<vmem>>
      %dma_start3A_1478 = arith.constant 0 : i32
      %dma_start3A_1479 = arith.constant 0 : i32
      %dma_start3A_1480 = tpu.memref_slice %arg19[%dma_start3A_1478, %dma_start3A_1479] : memref<10000x128xf32, #tpu.memory_space<vmem_shared>> -> memref<10000x128xf32, #tpu.memory_space<vmem_shared>>
      tpu.enqueue_indirect_dma source(%arg16 : memref<40x128xf32, #tpu.memory_space<vmem>>) target(%dma_start3A_1480 : memref<10000x128xf32, #tpu.memory_space<vmem_shared>>) offsets(%dma_start3A_1477 : memref<40xi32, #tpu.memory_space<vmem>>) semaphore(%arg32 : memref<!tpu.dma_semaphore, #tpu.memory_space<semaphore_mem>>) {add = true}
      %add3A_1481 = arith.constant 3 : i32
      %add3A_1482 = arith.addi %add3A_1448, %add3A_1481 : i32
      %lt3A_1483 = arith.constant 250 : i32
      %lt3A_1484 = arith.cmpi slt, %add3A_1482, %lt3A_1483 : i32
      %convert_element_type3A_1485 = arith.extui %lt3A_1484 : i1 to i32
      %cond3A_1486 = arith.constant 0 : i32
      %cond3A_1487 = arith.cmpi ne, %convert_element_type3A_1485, %cond3A_1486 : i32
      scf.if %cond3A_1487 {
        %add3A_1546 = arith.constant 3 : i32
        %add3A_1547 = arith.addi %add3A_1448, %add3A_1546 : i32
        %dma_start3A_1548 = arith.constant 0 : i32
        %dma_start3A_1549 = arith.constant 0 : i32
        %dma_start3A_1550 = tpu.memref_slice %arg4[%add3A, %add3A_1547, %dma_start3A_1548, %dma_start3A_1549] : memref<32x250x2x40xi32, #tpu.memory_space<hbm>> -> memref<1x1x2x40xi32, #tpu.memory_space<hbm>>
        %dma_start3A_1551 = tpu.memref_squeeze %dma_start3A_1550 : memref<1x1x2x40xi32, #tpu.memory_space<hbm>> -> memref<2x40xi32, #tpu.memory_space<hbm>>
        %dma_start3A_1552 = arith.constant 0 : i32
        %dma_start3A_1553 = arith.constant 0 : i32
        %dma_start3A_1554 = tpu.memref_slice %arg4[%add3A, %add3A_1547, %dma_start3A_1552, %dma_start3A_1553] : memref<32x250x2x40xi32, #tpu.memory_space<hbm>> -> memref<1x1x2x40xi32, #tpu.memory_space<hbm>>
        %dma_start3A_1555 = tpu.memref_squeeze %dma_start3A_1554 : memref<1x1x2x40xi32, #tpu.memory_space<hbm>> -> memref<2x40xi32, #tpu.memory_space<hbm>>
        tpu.enqueue_dma source(%dma_start3A_1555 : memref<2x40xi32, #tpu.memory_space<hbm>>) target(%arg7 : memref<2x40xi32, #tpu.memory_space<vmem>>) target_semaphore(%arg21 : memref<!tpu.dma_semaphore, #tpu.memory_space<semaphore_mem>>)
      } else {
      }
      %add3A_1488 = arith.constant 2 : i32
      %add3A_1489 = arith.addi %add3A_1448, %add3A_1488 : i32
      %lt3A_1490 = arith.constant 250 : i32
      %lt3A_1491 = arith.cmpi slt, %add3A_1489, %lt3A_1490 : i32
      %convert_element_type3A_1492 = arith.extui %lt3A_1491 : i1 to i32
      %cond3A_1493 = arith.constant 0 : i32
      %cond3A_1494 = arith.cmpi ne, %convert_element_type3A_1492, %cond3A_1493 : i32
      scf.if %cond3A_1494 {
        %dma_wait3A_1546 = arith.constant 0 : i32
        %dma_wait3A_1547 = arith.constant 0 : i32
        %dma_wait3A_1548 = arith.constant 0 : i32
        %dma_wait3A_1549 = tpu.memref_slice %arg4[%add3A, %dma_wait3A_1546, %dma_wait3A_1547, %dma_wait3A_1548] : memref<32x250x2x40xi32, #tpu.memory_space<hbm>> -> memref<1x1x2x40xi32, #tpu.memory_space<hbm>>
        %dma_wait3A_1550 = tpu.memref_squeeze %dma_wait3A_1549 : memref<1x1x2x40xi32, #tpu.memory_space<hbm>> -> memref<2x40xi32, #tpu.memory_space<hbm>>
        %dma_wait3A_1551 = arith.constant 0 : i32
        %dma_wait3A_1552 = arith.constant 0 : i32
        %dma_wait3A_1553 = tpu.memref_slice %arg4[%add3A, %dma_wait3A_1546, %dma_wait3A_1551, %dma_wait3A_1552] : memref<32x250x2x40xi32, #tpu.memory_space<hbm>> -> memref<1x1x2x40xi32, #tpu.memory_space<hbm>>
        %dma_wait3A_1554 = tpu.memref_squeeze %dma_wait3A_1553 : memref<1x1x2x40xi32, #tpu.memory_space<hbm>> -> memref<2x40xi32, #tpu.memory_space<hbm>>
        tpu.wait_dma2 semaphore(%arg20 : memref<!tpu.dma_semaphore, #tpu.memory_space<semaphore_mem>>) src(%dma_wait3A_1554 : memref<2x40xi32, #tpu.memory_space<hbm>>) dst(%arg6 : memref<2x40xi32, #tpu.memory_space<vmem>>)
        %dma_start3A_1555 = arith.constant 0 : i32
        %dma_start3A_1556 = arith.constant 0 : i32
        %dma_start3A_1557 = tpu.memref_slice %arg6[%dma_start3A_1555, %dma_start3A_1556] : memref<2x40xi32, #tpu.memory_space<vmem>> -> memref<1x40xi32, #tpu.memory_space<vmem>>
        %dma_start3A_1558 = tpu.memref_squeeze %dma_start3A_1557 : memref<1x40xi32, #tpu.memory_space<vmem>> -> memref<40xi32, #tpu.memory_space<vmem>>
        %dma_start3A_1559 = arith.constant 0 : i32
        %dma_start3A_1560 = arith.constant 0 : i32
        %dma_start3A_1561 = tpu.memref_slice %arg2[%dma_start3A_1559, %dma_start3A_1560] : memref<10000x128xf32, #tpu.memory_space<hbm>> -> memref<10000x128xf32, #tpu.memory_space<hbm>>
        tpu.enqueue_indirect_dma source(%dma_start3A_1561 : memref<10000x128xf32, #tpu.memory_space<hbm>>) target(%arg14 : memref<40x128xf32, #tpu.memory_space<vmem>>) offsets(%dma_start3A_1558 : memref<40xi32, #tpu.memory_space<vmem>>) semaphore(%arg28 : memref<!tpu.dma_semaphore, #tpu.memory_space<semaphore_mem>>)
        %add3A_1562 = arith.constant 2 : i32
        %add3A_1563 = arith.addi %add3A_1448, %add3A_1562 : i32
        %mul3A_1564 = arith.constant 10000 : i32
        %mul3A_1565 = arith.muli %add3A, %mul3A_1564 : i32
        %mul3A_1566 = arith.constant 40 : i32
        %mul3A_1567 = arith.muli %add3A_1563, %mul3A_1566 : i32
        %add3A_1568 = arith.addi %mul3A_1565, %mul3A_1567 : i32
        %dma_start3A_1569 = arith.constant 0 : i32
        %dma_start3A_1570 = tpu.memref_slice %arg3[%add3A_1568, %dma_start3A_1569] : memref<320000x64xi32, #tpu.memory_space<hbm>> -> memref<40x64xi32, #tpu.memory_space<hbm>>
        %dma_start3A_1571 = arith.constant 0 : i32
        %dma_start3A_1572 = tpu.memref_slice %arg3[%add3A_1568, %dma_start3A_1571] : memref<320000x64xi32, #tpu.memory_space<hbm>> -> memref<40x64xi32, #tpu.memory_space<hbm>>
        tpu.enqueue_dma source(%dma_start3A_1572 : memref<40x64xi32, #tpu.memory_space<hbm>>) target(%arg10 : memref<40x64xi32, #tpu.memory_space<vmem>>) target_semaphore(%arg24 : memref<!tpu.dma_semaphore, #tpu.memory_space<semaphore_mem>>)
      } else {
      }
      %mul3A_1495 = arith.constant 4 : i32
      %mul3A_1496 = arith.muli %mul3A_1495, %scan3A_1345 : i32
      %add3A_1497 = arith.constant 3 : i32
      %add3A_1498 = arith.addi %mul3A_1496, %add3A_1497 : i32
      %dma_wait3A_1499 = arith.constant 0 : i32
      %dma_wait3A_1500 = arith.constant 0 : i32
      %dma_wait3A_1501 = tpu.memref_slice %arg9[%dma_wait3A_1499, %dma_wait3A_1500] : memref<2x40xi32, #tpu.memory_space<vmem>> -> memref<1x40xi32, #tpu.memory_space<vmem>>
      %dma_wait3A_1502 = tpu.memref_squeeze %dma_wait3A_1501 : memref<1x40xi32, #tpu.memory_space<vmem>> -> memref<40xi32, #tpu.memory_space<vmem>>
      %dma_wait3A_1503 = arith.constant 0 : i32
      %dma_wait3A_1504 = arith.constant 0 : i32
      %dma_wait3A_1505 = tpu.memref_slice %arg2[%dma_wait3A_1503, %dma_wait3A_1504] : memref<10000x128xf32, #tpu.memory_space<hbm>> -> memref<10000x128xf32, #tpu.memory_space<hbm>>
      tpu.wait_indirect_dma semaphore(%arg31 : memref<!tpu.dma_semaphore, #tpu.memory_space<semaphore_mem>>) src(%dma_wait3A_1505 : memref<10000x128xf32, #tpu.memory_space<hbm>>) dst(%arg17 : memref<40x128xf32, #tpu.memory_space<vmem>>)
      %dma_wait3A_1506 = arith.constant 0 : i32
      %dma_wait3A_1507 = arith.constant 0 : i32
      %dma_wait3A_1508 = tpu.memref_slice %arg3[%dma_wait3A_1506, %dma_wait3A_1507] : memref<320000x64xi32, #tpu.memory_space<hbm>> -> memref<40x64xi32, #tpu.memory_space<hbm>>
      %dma_wait3A_1509 = arith.constant 0 : i32
      %dma_wait3A_1510 = arith.constant 0 : i32
      %dma_wait3A_1511 = tpu.memref_slice %arg3[%dma_wait3A_1509, %dma_wait3A_1510] : memref<320000x64xi32, #tpu.memory_space<hbm>> -> memref<40x64xi32, #tpu.memory_space<hbm>>
      tpu.wait_dma2 semaphore(%arg27 : memref<!tpu.dma_semaphore, #tpu.memory_space<semaphore_mem>>) src(%dma_wait3A_1511 : memref<40x64xi32, #tpu.memory_space<hbm>>) dst(%arg13 : memref<40x64xi32, #tpu.memory_space<vmem>>)
      %scan3A_1512 = arith.constant 0 : i32
      %scan3A_1513 = arith.constant 0 : i32
      %scan3A_1514 = arith.constant 40 : i32
      %scan3A_1515 = arith.addi %scan3A_1513, %scan3A_1514 : i32
      %scan3A_1516 = arith.constant 1 : i32
      %scan3A_1517 = scf.for %scan3A_1546 = %scan3A_1513 to %scan3A_1515 step %scan3A_1516 iter_args(%scan3A_1547 = %scan3A_1512) -> (i32)  : i32 {
        %get3A = arith.index_cast %scan3A_1546 : i32 to index
        %get3A_1548 = arith.constant 0 : index
        %get3A_1549 = tpu.vector_load %arg13[%get3A, %get3A_1548] {strides = array<i32>} : memref<40x64xi32, #tpu.memory_space<vmem>>, vector<1x16xi32>,
        %get3A_1550 = vector.shape_cast %get3A_1549 : vector<1x16xi32> to vector<16xi32>
        %shift_left3A = arith.constant 16 : i32
        %shift_left3A_1551 = vector.broadcast %shift_left3A : i32 to vector<16xi32>
        %shift_left3A_1552 = arith.shli %get3A_1550, %shift_left3A_1551 : vector<16xi32>
        %bitcast_convert_type3A = tpu.bitcast %shift_left3A_1552 : vector<16xi32> -> vector<16xf32>
        %and3A = arith.constant -65536 : i32
        %and3A_1553 = vector.broadcast %and3A : i32 to vector<16xi32>
        %and3A_1554 = arith.andi %get3A_1550, %and3A_1553 : vector<16xi32>
        %bitcast_convert_type3A_1555 = tpu.bitcast %and3A_1554 : vector<16xi32> -> vector<16xf32>
        %get3A_1556 = arith.index_cast %scan3A_1546 : i32 to index
        %get3A_1557 = arith.constant 0 : index
        %get3A_1558 = tpu.vector_load %arg17[%get3A_1556, %get3A_1557] {strides = array<i32>} : memref<40x128xf32, #tpu.memory_space<vmem>>, vector<1x16xf32>,
        %get3A_1559 = vector.shape_cast %get3A_1558 : vector<1x16xf32> to vector<16xf32>
        %mul3A_1560 = arith.mulf %get3A_1559, %bitcast_convert_type3A : vector<16xf32>
        %swap3A_1561 = arith.index_cast %scan3A_1546 : i32 to index
        %swap3A_1562 = arith.constant 0 : index
        %swap3A_1563 = tpu.vector_load %arg17[%swap3A_1561, %swap3A_1562] {strides = array<i32>} : memref<40x128xf32, #tpu.memory_space<vmem>>, vector<1x16xf32>,
        %swap3A_1564 = vector.shape_cast %swap3A_1563 : vector<1x16xf32> to vector<16xf32>
        %swap3A_1565 = vector.shape_cast %mul3A_1560 : vector<16xf32> to vector<1x16xf32>
        tpu.vector_store %arg17[%swap3A_1561, %swap3A_1562], %swap3A_1565 {strides = array<i32>} : memref<40x128xf32, #tpu.memory_space<vmem>>, vector<1x16xf32>,
        %get3A_1566 = arith.index_cast %scan3A_1546 : i32 to index
        %get3A_1567 = arith.constant 16 : index
        %get3A_1568 = tpu.vector_load %arg17[%get3A_1566, %get3A_1567] {strides = array<i32>} : memref<40x128xf32, #tpu.memory_space<vmem>>, vector<1x16xf32>,
        %get3A_1569 = vector.shape_cast %get3A_1568 : vector<1x16xf32> to vector<16xf32>
        %mul3A_1570 = arith.mulf %get3A_1569, %bitcast_convert_type3A_1555 : vector<16xf32>
        %swap3A_1571 = arith.index_cast %scan3A_1546 : i32 to index
        %swap3A_1572 = arith.constant 16 : index
        %swap3A_1573 = tpu.vector_load %arg17[%swap3A_1571, %swap3A_1572] {strides = array<i32>} : memref<40x128xf32, #tpu.memory_space<vmem>>, vector<1x16xf32>,
        %swap3A_1574 = vector.shape_cast %swap3A_1573 : vector<1x16xf32> to vector<16xf32>
        %swap3A_1575 = vector.shape_cast %mul3A_1570 : vector<16xf32> to vector<1x16xf32>
        tpu.vector_store %arg17[%swap3A_1571, %swap3A_1572], %swap3A_1575 {strides = array<i32>} : memref<40x128xf32, #tpu.memory_space<vmem>>, vector<1x16xf32>,
        %get3A_1576 = arith.index_cast %scan3A_1546 : i32 to index
        %get3A_1577 = arith.constant 16 : index
        %get3A_1578 = tpu.vector_load %arg13[%get3A_1576, %get3A_1577] {strides = array<i32>} : memref<40x64xi32, #tpu.memory_space<vmem>>, vector<1x16xi32>,
        %get3A_1579 = vector.shape_cast %get3A_1578 : vector<1x16xi32> to vector<16xi32>
        %shift_left3A_1580 = arith.constant 16 : i32
        %shift_left3A_1581 = vector.broadcast %shift_left3A_1580 : i32 to vector<16xi32>
        %shift_left3A_1582 = arith.shli %get3A_1579, %shift_left3A_1581 : vector<16xi32>
        %bitcast_convert_type3A_1583 = tpu.bitcast %shift_left3A_1582 : vector<16xi32> -> vector<16xf32>
        %and3A_1584 = arith.constant -65536 : i32
        %and3A_1585 = vector.broadcast %and3A_1584 : i32 to vector<16xi32>
        %and3A_1586 = arith.andi %get3A_1579, %and3A_1585 : vector<16xi32>
        %bitcast_convert_type3A_1587 = tpu.bitcast %and3A_1586 : vector<16xi32> -> vector<16xf32>
        %get3A_1588 = arith.index_cast %scan3A_1546 : i32 to index
        %get3A_1589 = arith.constant 32 : index
        %get3A_1590 = tpu.vector_load %arg17[%get3A_1588, %get3A_1589] {strides = array<i32>} : memref<40x128xf32, #tpu.memory_space<vmem>>, vector<1x16xf32>,
        %get3A_1591 = vector.shape_cast %get3A_1590 : vector<1x16xf32> to vector<16xf32>
        %mul3A_1592 = arith.mulf %get3A_1591, %bitcast_convert_type3A_1583 : vector<16xf32>
        %swap3A_1593 = arith.index_cast %scan3A_1546 : i32 to index
        %swap3A_1594 = arith.constant 32 : index
        %swap3A_1595 = tpu.vector_load %arg17[%swap3A_1593, %swap3A_1594] {strides = array<i32>} : memref<40x128xf32, #tpu.memory_space<vmem>>, vector<1x16xf32>,
        %swap3A_1596 = vector.shape_cast %swap3A_1595 : vector<1x16xf32> to vector<16xf32>
        %swap3A_1597 = vector.shape_cast %mul3A_1592 : vector<16xf32> to vector<1x16xf32>
        tpu.vector_store %arg17[%swap3A_1593, %swap3A_1594], %swap3A_1597 {strides = array<i32>} : memref<40x128xf32, #tpu.memory_space<vmem>>, vector<1x16xf32>,
        %get3A_1598 = arith.index_cast %scan3A_1546 : i32 to index
        %get3A_1599 = arith.constant 48 : index
        %get3A_1600 = tpu.vector_load %arg17[%get3A_1598, %get3A_1599] {strides = array<i32>} : memref<40x128xf32, #tpu.memory_space<vmem>>, vector<1x16xf32>,
        %get3A_1601 = vector.shape_cast %get3A_1600 : vector<1x16xf32> to vector<16xf32>
        %mul3A_1602 = arith.mulf %get3A_1601, %bitcast_convert_type3A_1587 : vector<16xf32>
        %swap3A_1603 = arith.index_cast %scan3A_1546 : i32 to index
        %swap3A_1604 = arith.constant 48 : index
        %swap3A_1605 = tpu.vector_load %arg17[%swap3A_1603, %swap3A_1604] {strides = array<i32>} : memref<40x128xf32, #tpu.memory_space<vmem>>, vector<1x16xf32>,
        %swap3A_1606 = vector.shape_cast %swap3A_1605 : vector<1x16xf32> to vector<16xf32>
        %swap3A_1607 = vector.shape_cast %mul3A_1602 : vector<16xf32> to vector<1x16xf32>
        tpu.vector_store %arg17[%swap3A_1603, %swap3A_1604], %swap3A_1607 {strides = array<i32>} : memref<40x128xf32, #tpu.memory_space<vmem>>, vector<1x16xf32>,
        %get3A_1608 = arith.index_cast %scan3A_1546 : i32 to index
        %get3A_1609 = arith.constant 32 : index
        %get3A_1610 = tpu.vector_load %arg13[%get3A_1608, %get3A_1609] {strides = array<i32>} : memref<40x64xi32, #tpu.memory_space<vmem>>, vector<1x16xi32>,
        %get3A_1611 = vector.shape_cast %get3A_1610 : vector<1x16xi32> to vector<16xi32>
        %shift_left3A_1612 = arith.constant 16 : i32
        %shift_left3A_1613 = vector.broadcast %shift_left3A_1612 : i32 to vector<16xi32>
        %shift_left3A_1614 = arith.shli %get3A_1611, %shift_left3A_1613 : vector<16xi32>
        %bitcast_convert_type3A_1615 = tpu.bitcast %shift_left3A_1614 : vector<16xi32> -> vector<16xf32>
        %and3A_1616 = arith.constant -65536 : i32
        %and3A_1617 = vector.broadcast %and3A_1616 : i32 to vector<16xi32>
        %and3A_1618 = arith.andi %get3A_1611, %and3A_1617 : vector<16xi32>
        %bitcast_convert_type3A_1619 = tpu.bitcast %and3A_1618 : vector<16xi32> -> vector<16xf32>
        %get3A_1620 = arith.index_cast %scan3A_1546 : i32 to index
        %get3A_1621 = arith.constant 64 : index
        %get3A_1622 = tpu.vector_load %arg17[%get3A_1620, %get3A_1621] {strides = array<i32>} : memref<40x128xf32, #tpu.memory_space<vmem>>, vector<1x16xf32>,
        %get3A_1623 = vector.shape_cast %get3A_1622 : vector<1x16xf32> to vector<16xf32>
        %mul3A_1624 = arith.mulf %get3A_1623, %bitcast_convert_type3A_1615 : vector<16xf32>
        %swap3A_1625 = arith.index_cast %scan3A_1546 : i32 to index
        %swap3A_1626 = arith.constant 64 : index
        %swap3A_1627 = tpu.vector_load %arg17[%swap3A_1625, %swap3A_1626] {strides = array<i32>} : memref<40x128xf32, #tpu.memory_space<vmem>>, vector<1x16xf32>,
        %swap3A_1628 = vector.shape_cast %swap3A_1627 : vector<1x16xf32> to vector<16xf32>
        %swap3A_1629 = vector.shape_cast %mul3A_1624 : vector<16xf32> to vector<1x16xf32>
        tpu.vector_store %arg17[%swap3A_1625, %swap3A_1626], %swap3A_1629 {strides = array<i32>} : memref<40x128xf32, #tpu.memory_space<vmem>>, vector<1x16xf32>,
        %get3A_1630 = arith.index_cast %scan3A_1546 : i32 to index
        %get3A_1631 = arith.constant 80 : index
        %get3A_1632 = tpu.vector_load %arg17[%get3A_1630, %get3A_1631] {strides = array<i32>} : memref<40x128xf32, #tpu.memory_space<vmem>>, vector<1x16xf32>,
        %get3A_1633 = vector.shape_cast %get3A_1632 : vector<1x16xf32> to vector<16xf32>
        %mul3A_1634 = arith.mulf %get3A_1633, %bitcast_convert_type3A_1619 : vector<16xf32>
        %swap3A_1635 = arith.index_cast %scan3A_1546 : i32 to index
        %swap3A_1636 = arith.constant 80 : index
        %swap3A_1637 = tpu.vector_load %arg17[%swap3A_1635, %swap3A_1636] {strides = array<i32>} : memref<40x128xf32, #tpu.memory_space<vmem>>, vector<1x16xf32>,
        %swap3A_1638 = vector.shape_cast %swap3A_1637 : vector<1x16xf32> to vector<16xf32>
        %swap3A_1639 = vector.shape_cast %mul3A_1634 : vector<16xf32> to vector<1x16xf32>
        tpu.vector_store %arg17[%swap3A_1635, %swap3A_1636], %swap3A_1639 {strides = array<i32>} : memref<40x128xf32, #tpu.memory_space<vmem>>, vector<1x16xf32>,
        %get3A_1640 = arith.index_cast %scan3A_1546 : i32 to index
        %get3A_1641 = arith.constant 48 : index
        %get3A_1642 = tpu.vector_load %arg13[%get3A_1640, %get3A_1641] {strides = array<i32>} : memref<40x64xi32, #tpu.memory_space<vmem>>, vector<1x16xi32>,
        %get3A_1643 = vector.shape_cast %get3A_1642 : vector<1x16xi32> to vector<16xi32>
        %shift_left3A_1644 = arith.constant 16 : i32
        %shift_left3A_1645 = vector.broadcast %shift_left3A_1644 : i32 to vector<16xi32>
        %shift_left3A_1646 = arith.shli %get3A_1643, %shift_left3A_1645 : vector<16xi32>
        %bitcast_convert_type3A_1647 = tpu.bitcast %shift_left3A_1646 : vector<16xi32> -> vector<16xf32>
        %and3A_1648 = arith.constant -65536 : i32
        %and3A_1649 = vector.broadcast %and3A_1648 : i32 to vector<16xi32>
        %and3A_1650 = arith.andi %get3A_1643, %and3A_1649 : vector<16xi32>
        %bitcast_convert_type3A_1651 = tpu.bitcast %and3A_1650 : vector<16xi32> -> vector<16xf32>
        %get3A_1652 = arith.index_cast %scan3A_1546 : i32 to index
        %get3A_1653 = arith.constant 96 : index
        %get3A_1654 = tpu.vector_load %arg17[%get3A_1652, %get3A_1653] {strides = array<i32>} : memref<40x128xf32, #tpu.memory_space<vmem>>, vector<1x16xf32>,
        %get3A_1655 = vector.shape_cast %get3A_1654 : vector<1x16xf32> to vector<16xf32>
        %mul3A_1656 = arith.mulf %get3A_1655, %bitcast_convert_type3A_1647 : vector<16xf32>
        %swap3A_1657 = arith.index_cast %scan3A_1546 : i32 to index
        %swap3A_1658 = arith.constant 96 : index
        %swap3A_1659 = tpu.vector_load %arg17[%swap3A_1657, %swap3A_1658] {strides = array<i32>} : memref<40x128xf32, #tpu.memory_space<vmem>>, vector<1x16xf32>,
        %swap3A_1660 = vector.shape_cast %swap3A_1659 : vector<1x16xf32> to vector<16xf32>
        %swap3A_1661 = vector.shape_cast %mul3A_1656 : vector<16xf32> to vector<1x16xf32>
        tpu.vector_store %arg17[%swap3A_1657, %swap3A_1658], %swap3A_1661 {strides = array<i32>} : memref<40x128xf32, #tpu.memory_space<vmem>>, vector<1x16xf32>,
        %get3A_1662 = arith.index_cast %scan3A_1546 : i32 to index
        %get3A_1663 = arith.constant 112 : index
        %get3A_1664 = tpu.vector_load %arg17[%get3A_1662, %get3A_1663] {strides = array<i32>} : memref<40x128xf32, #tpu.memory_space<vmem>>, vector<1x16xf32>,
        %get3A_1665 = vector.shape_cast %get3A_1664 : vector<1x16xf32> to vector<16xf32>
        %mul3A_1666 = arith.mulf %get3A_1665, %bitcast_convert_type3A_1651 : vector<16xf32>
        %swap3A_1667 = arith.index_cast %scan3A_1546 : i32 to index
        %swap3A_1668 = arith.constant 112 : index
        %swap3A_1669 = tpu.vector_load %arg17[%swap3A_1667, %swap3A_1668] {strides = array<i32>} : memref<40x128xf32, #tpu.memory_space<vmem>>, vector<1x16xf32>,
        %swap3A_1670 = vector.shape_cast %swap3A_1669 : vector<1x16xf32> to vector<16xf32>
        %swap3A_1671 = vector.shape_cast %mul3A_1666 : vector<16xf32> to vector<1x16xf32>
        tpu.vector_store %arg17[%swap3A_1667, %swap3A_1668], %swap3A_1671 {strides = array<i32>} : memref<40x128xf32, #tpu.memory_space<vmem>>, vector<1x16xf32>,
        %scan3A_1672 = arith.constant 0 : i32
        scf.yield %scan3A_1672 : i32
      }
      %scan3A_1518 = arith.constant 40 : i32
      %gt3A_1519 = arith.constant 0 : i32
      %gt3A_1520 = arith.cmpi sgt, %add3A_1498, %gt3A_1519 : i32
      %convert_element_type3A_1521 = arith.extui %gt3A_1520 : i1 to i32
      %cond3A_1522 = arith.constant 0 : i32
      %cond3A_1523 = arith.cmpi ne, %convert_element_type3A_1521, %cond3A_1522 : i32
      scf.if %cond3A_1523 {
        %dma_wait3A_1546 = arith.constant 1 : i32
        %dma_wait3A_1547 = arith.constant 0 : i32
        %dma_wait3A_1548 = tpu.memref_slice %arg8[%dma_wait3A_1546, %dma_wait3A_1547] : memref<2x40xi32, #tpu.memory_space<vmem>> -> memref<1x40xi32, #tpu.memory_space<vmem>>
        %dma_wait3A_1549 = tpu.memref_squeeze %dma_wait3A_1548 : memref<1x40xi32, #tpu.memory_space<vmem>> -> memref<40xi32, #tpu.memory_space<vmem>>
        %dma_wait3A_1550 = arith.constant 0 : i32
        %dma_wait3A_1551 = arith.constant 0 : i32
        %dma_wait3A_1552 = tpu.memref_slice %arg19[%dma_wait3A_1550, %dma_wait3A_1551] : memref<10000x128xf32, #tpu.memory_space<vmem_shared>> -> memref<10000x128xf32, #tpu.memory_space<vmem_shared>>
        tpu.wait_indirect_dma semaphore(%arg32 : memref<!tpu.dma_semaphore, #tpu.memory_space<semaphore_mem>>) src(%arg16 : memref<40x128xf32, #tpu.memory_space<vmem>>) dst(%dma_wait3A_1552 : memref<10000x128xf32, #tpu.memory_space<vmem_shared>>)
      } else {
      }
      %dma_start3A_1524 = arith.constant 1 : i32
      %dma_start3A_1525 = arith.constant 0 : i32
      %dma_start3A_1526 = tpu.memref_slice %arg9[%dma_start3A_1524, %dma_start3A_1525] : memref<2x40xi32, #tpu.memory_space<vmem>> -> memref<1x40xi32, #tpu.memory_space<vmem>>
      %dma_start3A_1527 = tpu.memref_squeeze %dma_start3A_1526 : memref<1x40xi32, #tpu.memory_space<vmem>> -> memref<40xi32, #tpu.memory_space<vmem>>
      %dma_start3A_1528 = arith.constant 0 : i32
      %dma_start3A_1529 = arith.constant 0 : i32
      %dma_start3A_1530 = tpu.memref_slice %arg19[%dma_start3A_1528, %dma_start3A_1529] : memref<10000x128xf32, #tpu.memory_space<vmem_shared>> -> memref<10000x128xf32, #tpu.memory_space<vmem_shared>>
      tpu.enqueue_indirect_dma source(%arg17 : memref<40x128xf32, #tpu.memory_space<vmem>>) target(%dma_start3A_1530 : memref<10000x128xf32, #tpu.memory_space<vmem_shared>>) offsets(%dma_start3A_1527 : memref<40xi32, #tpu.memory_space<vmem>>) semaphore(%arg32 : memref<!tpu.dma_semaphore, #tpu.memory_space<semaphore_mem>>) {add = true}
      %add3A_1531 = arith.constant 3 : i32
      %add3A_1532 = arith.addi %add3A_1498, %add3A_1531 : i32
      %lt3A_1533 = arith.constant 250 : i32
      %lt3A_1534 = arith.cmpi slt, %add3A_1532, %lt3A_1533 : i32
      %convert_element_type3A_1535 = arith.extui %lt3A_1534 : i1 to i32
      %cond3A_1536 = arith.constant 0 : i32
      %cond3A_1537 = arith.cmpi ne, %convert_element_type3A_1535, %cond3A_1536 : i32
      scf.if %cond3A_1537 {
        %add3A_1546 = arith.constant 3 : i32
        %add3A_1547 = arith.addi %add3A_1498, %add3A_1546 : i32
        %dma_start3A_1548 = arith.constant 0 : i32
        %dma_start3A_1549 = arith.constant 0 : i32
        %dma_start3A_1550 = tpu.memref_slice %arg4[%add3A, %add3A_1547, %dma_start3A_1548, %dma_start3A_1549] : memref<32x250x2x40xi32, #tpu.memory_space<hbm>> -> memref<1x1x2x40xi32, #tpu.memory_space<hbm>>
        %dma_start3A_1551 = tpu.memref_squeeze %dma_start3A_1550 : memref<1x1x2x40xi32, #tpu.memory_space<hbm>> -> memref<2x40xi32, #tpu.memory_space<hbm>>
        %dma_start3A_1552 = arith.constant 0 : i32
        %dma_start3A_1553 = arith.constant 0 : i32
        %dma_start3A_1554 = tpu.memref_slice %arg4[%add3A, %add3A_1547, %dma_start3A_1552, %dma_start3A_1553] : memref<32x250x2x40xi32, #tpu.memory_space<hbm>> -> memref<1x1x2x40xi32, #tpu.memory_space<hbm>>
        %dma_start3A_1555 = tpu.memref_squeeze %dma_start3A_1554 : memref<1x1x2x40xi32, #tpu.memory_space<hbm>> -> memref<2x40xi32, #tpu.memory_space<hbm>>
        tpu.enqueue_dma source(%dma_start3A_1555 : memref<2x40xi32, #tpu.memory_space<hbm>>) target(%arg8 : memref<2x40xi32, #tpu.memory_space<vmem>>) target_semaphore(%arg22 : memref<!tpu.dma_semaphore, #tpu.memory_space<semaphore_mem>>)
      } else {
      }
      %add3A_1538 = arith.constant 2 : i32
      %add3A_1539 = arith.addi %add3A_1498, %add3A_1538 : i32
      %lt3A_1540 = arith.constant 250 : i32
      %lt3A_1541 = arith.cmpi slt, %add3A_1539, %lt3A_1540 : i32
      %convert_element_type3A_1542 = arith.extui %lt3A_1541 : i1 to i32
      %cond3A_1543 = arith.constant 0 : i32
      %cond3A_1544 = arith.cmpi ne, %convert_element_type3A_1542, %cond3A_1543 : i32
      scf.if %cond3A_1544 {
        %dma_wait3A_1546 = arith.constant 0 : i32
        %dma_wait3A_1547 = arith.constant 0 : i32
        %dma_wait3A_1548 = arith.constant 0 : i32
        %dma_wait3A_1549 = tpu.memref_slice %arg4[%add3A, %dma_wait3A_1546, %dma_wait3A_1547, %dma_wait3A_1548] : memref<32x250x2x40xi32, #tpu.memory_space<hbm>> -> memref<1x1x2x40xi32, #tpu.memory_space<hbm>>
        %dma_wait3A_1550 = tpu.memref_squeeze %dma_wait3A_1549 : memref<1x1x2x40xi32, #tpu.memory_space<hbm>> -> memref<2x40xi32, #tpu.memory_space<hbm>>
        %dma_wait3A_1551 = arith.constant 0 : i32
        %dma_wait3A_1552 = arith.constant 0 : i32
        %dma_wait3A_1553 = tpu.memref_slice %arg4[%add3A, %dma_wait3A_1546, %dma_wait3A_1551, %dma_wait3A_1552] : memref<32x250x2x40xi32, #tpu.memory_space<hbm>> -> memref<1x1x2x40xi32, #tpu.memory_space<hbm>>
        %dma_wait3A_1554 = tpu.memref_squeeze %dma_wait3A_1553 : memref<1x1x2x40xi32, #tpu.memory_space<hbm>> -> memref<2x40xi32, #tpu.memory_space<hbm>>
        tpu.wait_dma2 semaphore(%arg21 : memref<!tpu.dma_semaphore, #tpu.memory_space<semaphore_mem>>) src(%dma_wait3A_1554 : memref<2x40xi32, #tpu.memory_space<hbm>>) dst(%arg7 : memref<2x40xi32, #tpu.memory_space<vmem>>)
        %dma_start3A_1555 = arith.constant 0 : i32
        %dma_start3A_1556 = arith.constant 0 : i32
        %dma_start3A_1557 = tpu.memref_slice %arg7[%dma_start3A_1555, %dma_start3A_1556] : memref<2x40xi32, #tpu.memory_space<vmem>> -> memref<1x40xi32, #tpu.memory_space<vmem>>
        %dma_start3A_1558 = tpu.memref_squeeze %dma_start3A_1557 : memref<1x40xi32, #tpu.memory_space<vmem>> -> memref<40xi32, #tpu.memory_space<vmem>>
        %dma_start3A_1559 = arith.constant 0 : i32
        %dma_start3A_1560 = arith.constant 0 : i32
        %dma_start3A_1561 = tpu.memref_slice %arg2[%dma_start3A_1559, %dma_start3A_1560] : memref<10000x128xf32, #tpu.memory_space<hbm>> -> memref<10000x128xf32, #tpu.memory_space<hbm>>
        tpu.enqueue_indirect_dma source(%dma_start3A_1561 : memref<10000x128xf32, #tpu.memory_space<hbm>>) target(%arg15 : memref<40x128xf32, #tpu.memory_space<vmem>>) offsets(%dma_start3A_1558 : memref<40xi32, #tpu.memory_space<vmem>>) semaphore(%arg29 : memref<!tpu.dma_semaphore, #tpu.memory_space<semaphore_mem>>)
        %add3A_1562 = arith.constant 2 : i32
        %add3A_1563 = arith.addi %add3A_1498, %add3A_1562 : i32
        %mul3A_1564 = arith.constant 10000 : i32
        %mul3A_1565 = arith.muli %add3A, %mul3A_1564 : i32
        %mul3A_1566 = arith.constant 40 : i32
        %mul3A_1567 = arith.muli %add3A_1563, %mul3A_1566 : i32
        %add3A_1568 = arith.addi %mul3A_1565, %mul3A_1567 : i32
        %dma_start3A_1569 = arith.constant 0 : i32
        %dma_start3A_1570 = tpu.memref_slice %arg3[%add3A_1568, %dma_start3A_1569] : memref<320000x64xi32, #tpu.memory_space<hbm>> -> memref<40x64xi32, #tpu.memory_space<hbm>>
        %dma_start3A_1571 = arith.constant 0 : i32
        %dma_start3A_1572 = tpu.memref_slice %arg3[%add3A_1568, %dma_start3A_1571] : memref<320000x64xi32, #tpu.memory_space<hbm>> -> memref<40x64xi32, #tpu.memory_space<hbm>>
        tpu.enqueue_dma source(%dma_start3A_1572 : memref<40x64xi32, #tpu.memory_space<hbm>>) target(%arg11 : memref<40x64xi32, #tpu.memory_space<vmem>>) target_semaphore(%arg25 : memref<!tpu.dma_semaphore, #tpu.memory_space<semaphore_mem>>)
      } else {
      }
      %scan3A_1545 = arith.constant 0 : i32
      scf.yield %scan3A_1545 : i32
    }
    %scan3A_1259 = arith.constant 62 : i32
    %dma_wait3A_1260 = arith.constant 0 : i32
    %dma_wait3A_1261 = arith.constant 0 : i32
    %dma_wait3A_1262 = tpu.memref_slice %arg6[%dma_wait3A_1260, %dma_wait3A_1261] : memref<2x40xi32, #tpu.memory_space<vmem>> -> memref<1x40xi32, #tpu.memory_space<vmem>>
    %dma_wait3A_1263 = tpu.memref_squeeze %dma_wait3A_1262 : memref<1x40xi32, #tpu.memory_space<vmem>> -> memref<40xi32, #tpu.memory_space<vmem>>
    %dma_wait3A_1264 = arith.constant 0 : i32
    %dma_wait3A_1265 = arith.constant 0 : i32
    %dma_wait3A_1266 = tpu.memref_slice %arg2[%dma_wait3A_1264, %dma_wait3A_1265] : memref<10000x128xf32, #tpu.memory_space<hbm>> -> memref<10000x128xf32, #tpu.memory_space<hbm>>
    tpu.wait_indirect_dma semaphore(%arg28 : memref<!tpu.dma_semaphore, #tpu.memory_space<semaphore_mem>>) src(%dma_wait3A_1266 : memref<10000x128xf32, #tpu.memory_space<hbm>>) dst(%arg14 : memref<40x128xf32, #tpu.memory_space<vmem>>)
    %dma_wait3A_1267 = arith.constant 0 : i32
    %dma_wait3A_1268 = arith.constant 0 : i32
    %dma_wait3A_1269 = tpu.memref_slice %arg3[%dma_wait3A_1267, %dma_wait3A_1268] : memref<320000x64xi32, #tpu.memory_space<hbm>> -> memref<40x64xi32, #tpu.memory_space<hbm>>
    %dma_wait3A_1270 = arith.constant 0 : i32
    %dma_wait3A_1271 = arith.constant 0 : i32
    %dma_wait3A_1272 = tpu.memref_slice %arg3[%dma_wait3A_1270, %dma_wait3A_1271] : memref<320000x64xi32, #tpu.memory_space<hbm>> -> memref<40x64xi32, #tpu.memory_space<hbm>>
    tpu.wait_dma2 semaphore(%arg24 : memref<!tpu.dma_semaphore, #tpu.memory_space<semaphore_mem>>) src(%dma_wait3A_1272 : memref<40x64xi32, #tpu.memory_space<hbm>>) dst(%arg10 : memref<40x64xi32, #tpu.memory_space<vmem>>)
    %scan3A_1273 = arith.constant 0 : i32
    %scan3A_1274 = arith.constant 0 : i32
    %scan3A_1275 = arith.constant 40 : i32
    %scan3A_1276 = arith.addi %scan3A_1274, %scan3A_1275 : i32
    %scan3A_1277 = arith.constant 1 : i32
    %scan3A_1278 = scf.for %scan3A_1345 = %scan3A_1274 to %scan3A_1276 step %scan3A_1277 iter_args(%scan3A_1346 = %scan3A_1273) -> (i32)  : i32 {
      %get3A = arith.index_cast %scan3A_1345 : i32 to index
      %get3A_1347 = arith.constant 0 : index
      %get3A_1348 = tpu.vector_load %arg10[%get3A, %get3A_1347] {strides = array<i32>} : memref<40x64xi32, #tpu.memory_space<vmem>>, vector<1x16xi32>,
      %get3A_1349 = vector.shape_cast %get3A_1348 : vector<1x16xi32> to vector<16xi32>
      %shift_left3A = arith.constant 16 : i32
      %shift_left3A_1350 = vector.broadcast %shift_left3A : i32 to vector<16xi32>
      %shift_left3A_1351 = arith.shli %get3A_1349, %shift_left3A_1350 : vector<16xi32>
      %bitcast_convert_type3A = tpu.bitcast %shift_left3A_1351 : vector<16xi32> -> vector<16xf32>
      %and3A = arith.constant -65536 : i32
      %and3A_1352 = vector.broadcast %and3A : i32 to vector<16xi32>
      %and3A_1353 = arith.andi %get3A_1349, %and3A_1352 : vector<16xi32>
      %bitcast_convert_type3A_1354 = tpu.bitcast %and3A_1353 : vector<16xi32> -> vector<16xf32>
      %get3A_1355 = arith.index_cast %scan3A_1345 : i32 to index
      %get3A_1356 = arith.constant 0 : index
      %get3A_1357 = tpu.vector_load %arg14[%get3A_1355, %get3A_1356] {strides = array<i32>} : memref<40x128xf32, #tpu.memory_space<vmem>>, vector<1x16xf32>,
      %get3A_1358 = vector.shape_cast %get3A_1357 : vector<1x16xf32> to vector<16xf32>
      %mul3A_1359 = arith.mulf %get3A_1358, %bitcast_convert_type3A : vector<16xf32>
      %swap3A_1360 = arith.index_cast %scan3A_1345 : i32 to index
      %swap3A_1361 = arith.constant 0 : index
      %swap3A_1362 = tpu.vector_load %arg14[%swap3A_1360, %swap3A_1361] {strides = array<i32>} : memref<40x128xf32, #tpu.memory_space<vmem>>, vector<1x16xf32>,
      %swap3A_1363 = vector.shape_cast %swap3A_1362 : vector<1x16xf32> to vector<16xf32>
      %swap3A_1364 = vector.shape_cast %mul3A_1359 : vector<16xf32> to vector<1x16xf32>
      tpu.vector_store %arg14[%swap3A_1360, %swap3A_1361], %swap3A_1364 {strides = array<i32>} : memref<40x128xf32, #tpu.memory_space<vmem>>, vector<1x16xf32>,
      %get3A_1365 = arith.index_cast %scan3A_1345 : i32 to index
      %get3A_1366 = arith.constant 16 : index
      %get3A_1367 = tpu.vector_load %arg14[%get3A_1365, %get3A_1366] {strides = array<i32>} : memref<40x128xf32, #tpu.memory_space<vmem>>, vector<1x16xf32>,
      %get3A_1368 = vector.shape_cast %get3A_1367 : vector<1x16xf32> to vector<16xf32>
      %mul3A_1369 = arith.mulf %get3A_1368, %bitcast_convert_type3A_1354 : vector<16xf32>
      %swap3A_1370 = arith.index_cast %scan3A_1345 : i32 to index
      %swap3A_1371 = arith.constant 16 : index
      %swap3A_1372 = tpu.vector_load %arg14[%swap3A_1370, %swap3A_1371] {strides = array<i32>} : memref<40x128xf32, #tpu.memory_space<vmem>>, vector<1x16xf32>,
      %swap3A_1373 = vector.shape_cast %swap3A_1372 : vector<1x16xf32> to vector<16xf32>
      %swap3A_1374 = vector.shape_cast %mul3A_1369 : vector<16xf32> to vector<1x16xf32>
      tpu.vector_store %arg14[%swap3A_1370, %swap3A_1371], %swap3A_1374 {strides = array<i32>} : memref<40x128xf32, #tpu.memory_space<vmem>>, vector<1x16xf32>,
      %get3A_1375 = arith.index_cast %scan3A_1345 : i32 to index
      %get3A_1376 = arith.constant 16 : index
      %get3A_1377 = tpu.vector_load %arg10[%get3A_1375, %get3A_1376] {strides = array<i32>} : memref<40x64xi32, #tpu.memory_space<vmem>>, vector<1x16xi32>,
      %get3A_1378 = vector.shape_cast %get3A_1377 : vector<1x16xi32> to vector<16xi32>
      %shift_left3A_1379 = arith.constant 16 : i32
      %shift_left3A_1380 = vector.broadcast %shift_left3A_1379 : i32 to vector<16xi32>
      %shift_left3A_1381 = arith.shli %get3A_1378, %shift_left3A_1380 : vector<16xi32>
      %bitcast_convert_type3A_1382 = tpu.bitcast %shift_left3A_1381 : vector<16xi32> -> vector<16xf32>
      %and3A_1383 = arith.constant -65536 : i32
      %and3A_1384 = vector.broadcast %and3A_1383 : i32 to vector<16xi32>
      %and3A_1385 = arith.andi %get3A_1378, %and3A_1384 : vector<16xi32>
      %bitcast_convert_type3A_1386 = tpu.bitcast %and3A_1385 : vector<16xi32> -> vector<16xf32>
      %get3A_1387 = arith.index_cast %scan3A_1345 : i32 to index
      %get3A_1388 = arith.constant 32 : index
      %get3A_1389 = tpu.vector_load %arg14[%get3A_1387, %get3A_1388] {strides = array<i32>} : memref<40x128xf32, #tpu.memory_space<vmem>>, vector<1x16xf32>,
      %get3A_1390 = vector.shape_cast %get3A_1389 : vector<1x16xf32> to vector<16xf32>
      %mul3A_1391 = arith.mulf %get3A_1390, %bitcast_convert_type3A_1382 : vector<16xf32>
      %swap3A_1392 = arith.index_cast %scan3A_1345 : i32 to index
      %swap3A_1393 = arith.constant 32 : index
      %swap3A_1394 = tpu.vector_load %arg14[%swap3A_1392, %swap3A_1393] {strides = array<i32>} : memref<40x128xf32, #tpu.memory_space<vmem>>, vector<1x16xf32>,
      %swap3A_1395 = vector.shape_cast %swap3A_1394 : vector<1x16xf32> to vector<16xf32>
      %swap3A_1396 = vector.shape_cast %mul3A_1391 : vector<16xf32> to vector<1x16xf32>
      tpu.vector_store %arg14[%swap3A_1392, %swap3A_1393], %swap3A_1396 {strides = array<i32>} : memref<40x128xf32, #tpu.memory_space<vmem>>, vector<1x16xf32>,
      %get3A_1397 = arith.index_cast %scan3A_1345 : i32 to index
      %get3A_1398 = arith.constant 48 : index
      %get3A_1399 = tpu.vector_load %arg14[%get3A_1397, %get3A_1398] {strides = array<i32>} : memref<40x128xf32, #tpu.memory_space<vmem>>, vector<1x16xf32>,
      %get3A_1400 = vector.shape_cast %get3A_1399 : vector<1x16xf32> to vector<16xf32>
      %mul3A_1401 = arith.mulf %get3A_1400, %bitcast_convert_type3A_1386 : vector<16xf32>
      %swap3A_1402 = arith.index_cast %scan3A_1345 : i32 to index
      %swap3A_1403 = arith.constant 48 : index
      %swap3A_1404 = tpu.vector_load %arg14[%swap3A_1402, %swap3A_1403] {strides = array<i32>} : memref<40x128xf32, #tpu.memory_space<vmem>>, vector<1x16xf32>,
      %swap3A_1405 = vector.shape_cast %swap3A_1404 : vector<1x16xf32> to vector<16xf32>
      %swap3A_1406 = vector.shape_cast %mul3A_1401 : vector<16xf32> to vector<1x16xf32>
      tpu.vector_store %arg14[%swap3A_1402, %swap3A_1403], %swap3A_1406 {strides = array<i32>} : memref<40x128xf32, #tpu.memory_space<vmem>>, vector<1x16xf32>,
      %get3A_1407 = arith.index_cast %scan3A_1345 : i32 to index
      %get3A_1408 = arith.constant 32 : index
      %get3A_1409 = tpu.vector_load %arg10[%get3A_1407, %get3A_1408] {strides = array<i32>} : memref<40x64xi32, #tpu.memory_space<vmem>>, vector<1x16xi32>,
      %get3A_1410 = vector.shape_cast %get3A_1409 : vector<1x16xi32> to vector<16xi32>
      %shift_left3A_1411 = arith.constant 16 : i32
      %shift_left3A_1412 = vector.broadcast %shift_left3A_1411 : i32 to vector<16xi32>
      %shift_left3A_1413 = arith.shli %get3A_1410, %shift_left3A_1412 : vector<16xi32>
      %bitcast_convert_type3A_1414 = tpu.bitcast %shift_left3A_1413 : vector<16xi32> -> vector<16xf32>
      %and3A_1415 = arith.constant -65536 : i32
      %and3A_1416 = vector.broadcast %and3A_1415 : i32 to vector<16xi32>
      %and3A_1417 = arith.andi %get3A_1410, %and3A_1416 : vector<16xi32>
      %bitcast_convert_type3A_1418 = tpu.bitcast %and3A_1417 : vector<16xi32> -> vector<16xf32>
      %get3A_1419 = arith.index_cast %scan3A_1345 : i32 to index
      %get3A_1420 = arith.constant 64 : index
      %get3A_1421 = tpu.vector_load %arg14[%get3A_1419, %get3A_1420] {strides = array<i32>} : memref<40x128xf32, #tpu.memory_space<vmem>>, vector<1x16xf32>,
      %get3A_1422 = vector.shape_cast %get3A_1421 : vector<1x16xf32> to vector<16xf32>
      %mul3A_1423 = arith.mulf %get3A_1422, %bitcast_convert_type3A_1414 : vector<16xf32>
      %swap3A_1424 = arith.index_cast %scan3A_1345 : i32 to index
      %swap3A_1425 = arith.constant 64 : index
      %swap3A_1426 = tpu.vector_load %arg14[%swap3A_1424, %swap3A_1425] {strides = array<i32>} : memref<40x128xf32, #tpu.memory_space<vmem>>, vector<1x16xf32>,
      %swap3A_1427 = vector.shape_cast %swap3A_1426 : vector<1x16xf32> to vector<16xf32>
      %swap3A_1428 = vector.shape_cast %mul3A_1423 : vector<16xf32> to vector<1x16xf32>
      tpu.vector_store %arg14[%swap3A_1424, %swap3A_1425], %swap3A_1428 {strides = array<i32>} : memref<40x128xf32, #tpu.memory_space<vmem>>, vector<1x16xf32>,
      %get3A_1429 = arith.index_cast %scan3A_1345 : i32 to index
      %get3A_1430 = arith.constant 80 : index
      %get3A_1431 = tpu.vector_load %arg14[%get3A_1429, %get3A_1430] {strides = array<i32>} : memref<40x128xf32, #tpu.memory_space<vmem>>, vector<1x16xf32>,
      %get3A_1432 = vector.shape_cast %get3A_1431 : vector<1x16xf32> to vector<16xf32>
      %mul3A_1433 = arith.mulf %get3A_1432, %bitcast_convert_type3A_1418 : vector<16xf32>
      %swap3A_1434 = arith.index_cast %scan3A_1345 : i32 to index
      %swap3A_1435 = arith.constant 80 : index
      %swap3A_1436 = tpu.vector_load %arg14[%swap3A_1434, %swap3A_1435] {strides = array<i32>} : memref<40x128xf32, #tpu.memory_space<vmem>>, vector<1x16xf32>,
      %swap3A_1437 = vector.shape_cast %swap3A_1436 : vector<1x16xf32> to vector<16xf32>
      %swap3A_1438 = vector.shape_cast %mul3A_1433 : vector<16xf32> to vector<1x16xf32>
      tpu.vector_store %arg14[%swap3A_1434, %swap3A_1435], %swap3A_1438 {strides = array<i32>} : memref<40x128xf32, #tpu.memory_space<vmem>>, vector<1x16xf32>,
      %get3A_1439 = arith.index_cast %scan3A_1345 : i32 to index
      %get3A_1440 = arith.constant 48 : index
      %get3A_1441 = tpu.vector_load %arg10[%get3A_1439, %get3A_1440] {strides = array<i32>} : memref<40x64xi32, #tpu.memory_space<vmem>>, vector<1x16xi32>,
      %get3A_1442 = vector.shape_cast %get3A_1441 : vector<1x16xi32> to vector<16xi32>
      %shift_left3A_1443 = arith.constant 16 : i32
      %shift_left3A_1444 = vector.broadcast %shift_left3A_1443 : i32 to vector<16xi32>
      %shift_left3A_1445 = arith.shli %get3A_1442, %shift_left3A_1444 : vector<16xi32>
      %bitcast_convert_type3A_1446 = tpu.bitcast %shift_left3A_1445 : vector<16xi32> -> vector<16xf32>
      %and3A_1447 = arith.constant -65536 : i32
      %and3A_1448 = vector.broadcast %and3A_1447 : i32 to vector<16xi32>
      %and3A_1449 = arith.andi %get3A_1442, %and3A_1448 : vector<16xi32>
      %bitcast_convert_type3A_1450 = tpu.bitcast %and3A_1449 : vector<16xi32> -> vector<16xf32>
      %get3A_1451 = arith.index_cast %scan3A_1345 : i32 to index
      %get3A_1452 = arith.constant 96 : index
      %get3A_1453 = tpu.vector_load %arg14[%get3A_1451, %get3A_1452] {strides = array<i32>} : memref<40x128xf32, #tpu.memory_space<vmem>>, vector<1x16xf32>,
      %get3A_1454 = vector.shape_cast %get3A_1453 : vector<1x16xf32> to vector<16xf32>
      %mul3A_1455 = arith.mulf %get3A_1454, %bitcast_convert_type3A_1446 : vector<16xf32>
      %swap3A_1456 = arith.index_cast %scan3A_1345 : i32 to index
      %swap3A_1457 = arith.constant 96 : index
      %swap3A_1458 = tpu.vector_load %arg14[%swap3A_1456, %swap3A_1457] {strides = array<i32>} : memref<40x128xf32, #tpu.memory_space<vmem>>, vector<1x16xf32>,
      %swap3A_1459 = vector.shape_cast %swap3A_1458 : vector<1x16xf32> to vector<16xf32>
      %swap3A_1460 = vector.shape_cast %mul3A_1455 : vector<16xf32> to vector<1x16xf32>
      tpu.vector_store %arg14[%swap3A_1456, %swap3A_1457], %swap3A_1460 {strides = array<i32>} : memref<40x128xf32, #tpu.memory_space<vmem>>, vector<1x16xf32>,
      %get3A_1461 = arith.index_cast %scan3A_1345 : i32 to index
      %get3A_1462 = arith.constant 112 : index
      %get3A_1463 = tpu.vector_load %arg14[%get3A_1461, %get3A_1462] {strides = array<i32>} : memref<40x128xf32, #tpu.memory_space<vmem>>, vector<1x16xf32>,
      %get3A_1464 = vector.shape_cast %get3A_1463 : vector<1x16xf32> to vector<16xf32>
      %mul3A_1465 = arith.mulf %get3A_1464, %bitcast_convert_type3A_1450 : vector<16xf32>
      %swap3A_1466 = arith.index_cast %scan3A_1345 : i32 to index
      %swap3A_1467 = arith.constant 112 : index
      %swap3A_1468 = tpu.vector_load %arg14[%swap3A_1466, %swap3A_1467] {strides = array<i32>} : memref<40x128xf32, #tpu.memory_space<vmem>>, vector<1x16xf32>,
      %swap3A_1469 = vector.shape_cast %swap3A_1468 : vector<1x16xf32> to vector<16xf32>
      %swap3A_1470 = vector.shape_cast %mul3A_1465 : vector<16xf32> to vector<1x16xf32>
      tpu.vector_store %arg14[%swap3A_1466, %swap3A_1467], %swap3A_1470 {strides = array<i32>} : memref<40x128xf32, #tpu.memory_space<vmem>>, vector<1x16xf32>,
      %scan3A_1471 = arith.constant 0 : i32
      scf.yield %scan3A_1471 : i32
    }
    %scan3A_1279 = arith.constant 40 : i32
    %dma_wait3A_1280 = arith.constant 1 : i32
    %dma_wait3A_1281 = arith.constant 0 : i32
    %dma_wait3A_1282 = tpu.memref_slice %arg9[%dma_wait3A_1280, %dma_wait3A_1281] : memref<2x40xi32, #tpu.memory_space<vmem>> -> memref<1x40xi32, #tpu.memory_space<vmem>>
    %dma_wait3A_1283 = tpu.memref_squeeze %dma_wait3A_1282 : memref<1x40xi32, #tpu.memory_space<vmem>> -> memref<40xi32, #tpu.memory_space<vmem>>
    %dma_wait3A_1284 = arith.constant 0 : i32
    %dma_wait3A_1285 = arith.constant 0 : i32
    %dma_wait3A_1286 = tpu.memref_slice %arg19[%dma_wait3A_1284, %dma_wait3A_1285] : memref<10000x128xf32, #tpu.memory_space<vmem_shared>> -> memref<10000x128xf32, #tpu.memory_space<vmem_shared>>
    tpu.wait_indirect_dma semaphore(%arg32 : memref<!tpu.dma_semaphore, #tpu.memory_space<semaphore_mem>>) src(%arg17 : memref<40x128xf32, #tpu.memory_space<vmem>>) dst(%dma_wait3A_1286 : memref<10000x128xf32, #tpu.memory_space<vmem_shared>>)
    %dma_start3A_1287 = arith.constant 1 : i32
    %dma_start3A_1288 = arith.constant 0 : i32
    %dma_start3A_1289 = tpu.memref_slice %arg6[%dma_start3A_1287, %dma_start3A_1288] : memref<2x40xi32, #tpu.memory_space<vmem>> -> memref<1x40xi32, #tpu.memory_space<vmem>>
    %dma_start3A_1290 = tpu.memref_squeeze %dma_start3A_1289 : memref<1x40xi32, #tpu.memory_space<vmem>> -> memref<40xi32, #tpu.memory_space<vmem>>
    %dma_start3A_1291 = arith.constant 0 : i32
    %dma_start3A_1292 = arith.constant 0 : i32
    %dma_start3A_1293 = tpu.memref_slice %arg19[%dma_start3A_1291, %dma_start3A_1292] : memref<10000x128xf32, #tpu.memory_space<vmem_shared>> -> memref<10000x128xf32, #tpu.memory_space<vmem_shared>>
    tpu.enqueue_indirect_dma source(%arg14 : memref<40x128xf32, #tpu.memory_space<vmem>>) target(%dma_start3A_1293 : memref<10000x128xf32, #tpu.memory_space<vmem_shared>>) offsets(%dma_start3A_1290 : memref<40xi32, #tpu.memory_space<vmem>>) semaphore(%arg32 : memref<!tpu.dma_semaphore, #tpu.memory_space<semaphore_mem>>) {add = true}
    %dma_wait3A_1294 = arith.constant 0 : i32
    %dma_wait3A_1295 = arith.constant 0 : i32
    %dma_wait3A_1296 = tpu.memref_slice %arg7[%dma_wait3A_1294, %dma_wait3A_1295] : memref<2x40xi32, #tpu.memory_space<vmem>> -> memref<1x40xi32, #tpu.memory_space<vmem>>
    %dma_wait3A_1297 = tpu.memref_squeeze %dma_wait3A_1296 : memref<1x40xi32, #tpu.memory_space<vmem>> -> memref<40xi32, #tpu.memory_space<vmem>>
    %dma_wait3A_1298 = arith.constant 0 : i32
    %dma_wait3A_1299 = arith.constant 0 : i32
    %dma_wait3A_1300 = tpu.memref_slice %arg2[%dma_wait3A_1298, %dma_wait3A_1299] : memref<10000x128xf32, #tpu.memory_space<hbm>> -> memref<10000x128xf32, #tpu.memory_space<hbm>>
    tpu.wait_indirect_dma semaphore(%arg29 : memref<!tpu.dma_semaphore, #tpu.memory_space<semaphore_mem>>) src(%dma_wait3A_1300 : memref<10000x128xf32, #tpu.memory_space<hbm>>) dst(%arg15 : memref<40x128xf32, #tpu.memory_space<vmem>>)
    %dma_wait3A_1301 = arith.constant 0 : i32
    %dma_wait3A_1302 = arith.constant 0 : i32
    %dma_wait3A_1303 = tpu.memref_slice %arg3[%dma_wait3A_1301, %dma_wait3A_1302] : memref<320000x64xi32, #tpu.memory_space<hbm>> -> memref<40x64xi32, #tpu.memory_space<hbm>>
    %dma_wait3A_1304 = arith.constant 0 : i32
    %dma_wait3A_1305 = arith.constant 0 : i32
    %dma_wait3A_1306 = tpu.memref_slice %arg3[%dma_wait3A_1304, %dma_wait3A_1305] : memref<320000x64xi32, #tpu.memory_space<hbm>> -> memref<40x64xi32, #tpu.memory_space<hbm>>
    tpu.wait_dma2 semaphore(%arg25 : memref<!tpu.dma_semaphore, #tpu.memory_space<semaphore_mem>>) src(%dma_wait3A_1306 : memref<40x64xi32, #tpu.memory_space<hbm>>) dst(%arg11 : memref<40x64xi32, #tpu.memory_space<vmem>>)
    %scan3A_1307 = arith.constant 0 : i32
    %scan3A_1308 = arith.constant 0 : i32
    %scan3A_1309 = arith.constant 40 : i32
    %scan3A_1310 = arith.addi %scan3A_1308, %scan3A_1309 : i32
    %scan3A_1311 = arith.constant 1 : i32
    %scan3A_1312 = scf.for %scan3A_1345 = %scan3A_1308 to %scan3A_1310 step %scan3A_1311 iter_args(%scan3A_1346 = %scan3A_1307) -> (i32)  : i32 {
      %get3A = arith.index_cast %scan3A_1345 : i32 to index
      %get3A_1347 = arith.constant 0 : index
      %get3A_1348 = tpu.vector_load %arg11[%get3A, %get3A_1347] {strides = array<i32>} : memref<40x64xi32, #tpu.memory_space<vmem>>, vector<1x16xi32>,
      %get3A_1349 = vector.shape_cast %get3A_1348 : vector<1x16xi32> to vector<16xi32>
      %shift_left3A = arith.constant 16 : i32
      %shift_left3A_1350 = vector.broadcast %shift_left3A : i32 to vector<16xi32>
      %shift_left3A_1351 = arith.shli %get3A_1349, %shift_left3A_1350 : vector<16xi32>
      %bitcast_convert_type3A = tpu.bitcast %shift_left3A_1351 : vector<16xi32> -> vector<16xf32>
      %and3A = arith.constant -65536 : i32
      %and3A_1352 = vector.broadcast %and3A : i32 to vector<16xi32>
      %and3A_1353 = arith.andi %get3A_1349, %and3A_1352 : vector<16xi32>
      %bitcast_convert_type3A_1354 = tpu.bitcast %and3A_1353 : vector<16xi32> -> vector<16xf32>
      %get3A_1355 = arith.index_cast %scan3A_1345 : i32 to index
      %get3A_1356 = arith.constant 0 : index
      %get3A_1357 = tpu.vector_load %arg15[%get3A_1355, %get3A_1356] {strides = array<i32>} : memref<40x128xf32, #tpu.memory_space<vmem>>, vector<1x16xf32>,
      %get3A_1358 = vector.shape_cast %get3A_1357 : vector<1x16xf32> to vector<16xf32>
      %mul3A_1359 = arith.mulf %get3A_1358, %bitcast_convert_type3A : vector<16xf32>
      %swap3A_1360 = arith.index_cast %scan3A_1345 : i32 to index
      %swap3A_1361 = arith.constant 0 : index
      %swap3A_1362 = tpu.vector_load %arg15[%swap3A_1360, %swap3A_1361] {strides = array<i32>} : memref<40x128xf32, #tpu.memory_space<vmem>>, vector<1x16xf32>,
      %swap3A_1363 = vector.shape_cast %swap3A_1362 : vector<1x16xf32> to vector<16xf32>
      %swap3A_1364 = vector.shape_cast %mul3A_1359 : vector<16xf32> to vector<1x16xf32>
      tpu.vector_store %arg15[%swap3A_1360, %swap3A_1361], %swap3A_1364 {strides = array<i32>} : memref<40x128xf32, #tpu.memory_space<vmem>>, vector<1x16xf32>,
      %get3A_1365 = arith.index_cast %scan3A_1345 : i32 to index
      %get3A_1366 = arith.constant 16 : index
      %get3A_1367 = tpu.vector_load %arg15[%get3A_1365, %get3A_1366] {strides = array<i32>} : memref<40x128xf32, #tpu.memory_space<vmem>>, vector<1x16xf32>,
      %get3A_1368 = vector.shape_cast %get3A_1367 : vector<1x16xf32> to vector<16xf32>
      %mul3A_1369 = arith.mulf %get3A_1368, %bitcast_convert_type3A_1354 : vector<16xf32>
      %swap3A_1370 = arith.index_cast %scan3A_1345 : i32 to index
      %swap3A_1371 = arith.constant 16 : index
      %swap3A_1372 = tpu.vector_load %arg15[%swap3A_1370, %swap3A_1371] {strides = array<i32>} : memref<40x128xf32, #tpu.memory_space<vmem>>, vector<1x16xf32>,
      %swap3A_1373 = vector.shape_cast %swap3A_1372 : vector<1x16xf32> to vector<16xf32>
      %swap3A_1374 = vector.shape_cast %mul3A_1369 : vector<16xf32> to vector<1x16xf32>
      tpu.vector_store %arg15[%swap3A_1370, %swap3A_1371], %swap3A_1374 {strides = array<i32>} : memref<40x128xf32, #tpu.memory_space<vmem>>, vector<1x16xf32>,
      %get3A_1375 = arith.index_cast %scan3A_1345 : i32 to index
      %get3A_1376 = arith.constant 16 : index
      %get3A_1377 = tpu.vector_load %arg11[%get3A_1375, %get3A_1376] {strides = array<i32>} : memref<40x64xi32, #tpu.memory_space<vmem>>, vector<1x16xi32>,
      %get3A_1378 = vector.shape_cast %get3A_1377 : vector<1x16xi32> to vector<16xi32>
      %shift_left3A_1379 = arith.constant 16 : i32
      %shift_left3A_1380 = vector.broadcast %shift_left3A_1379 : i32 to vector<16xi32>
      %shift_left3A_1381 = arith.shli %get3A_1378, %shift_left3A_1380 : vector<16xi32>
      %bitcast_convert_type3A_1382 = tpu.bitcast %shift_left3A_1381 : vector<16xi32> -> vector<16xf32>
      %and3A_1383 = arith.constant -65536 : i32
      %and3A_1384 = vector.broadcast %and3A_1383 : i32 to vector<16xi32>
      %and3A_1385 = arith.andi %get3A_1378, %and3A_1384 : vector<16xi32>
      %bitcast_convert_type3A_1386 = tpu.bitcast %and3A_1385 : vector<16xi32> -> vector<16xf32>
      %get3A_1387 = arith.index_cast %scan3A_1345 : i32 to index
      %get3A_1388 = arith.constant 32 : index
      %get3A_1389 = tpu.vector_load %arg15[%get3A_1387, %get3A_1388] {strides = array<i32>} : memref<40x128xf32, #tpu.memory_space<vmem>>, vector<1x16xf32>,
      %get3A_1390 = vector.shape_cast %get3A_1389 : vector<1x16xf32> to vector<16xf32>
      %mul3A_1391 = arith.mulf %get3A_1390, %bitcast_convert_type3A_1382 : vector<16xf32>
      %swap3A_1392 = arith.index_cast %scan3A_1345 : i32 to index
      %swap3A_1393 = arith.constant 32 : index
      %swap3A_1394 = tpu.vector_load %arg15[%swap3A_1392, %swap3A_1393] {strides = array<i32>} : memref<40x128xf32, #tpu.memory_space<vmem>>, vector<1x16xf32>,
      %swap3A_1395 = vector.shape_cast %swap3A_1394 : vector<1x16xf32> to vector<16xf32>
      %swap3A_1396 = vector.shape_cast %mul3A_1391 : vector<16xf32> to vector<1x16xf32>
      tpu.vector_store %arg15[%swap3A_1392, %swap3A_1393], %swap3A_1396 {strides = array<i32>} : memref<40x128xf32, #tpu.memory_space<vmem>>, vector<1x16xf32>,
      %get3A_1397 = arith.index_cast %scan3A_1345 : i32 to index
      %get3A_1398 = arith.constant 48 : index
      %get3A_1399 = tpu.vector_load %arg15[%get3A_1397, %get3A_1398] {strides = array<i32>} : memref<40x128xf32, #tpu.memory_space<vmem>>, vector<1x16xf32>,
      %get3A_1400 = vector.shape_cast %get3A_1399 : vector<1x16xf32> to vector<16xf32>
      %mul3A_1401 = arith.mulf %get3A_1400, %bitcast_convert_type3A_1386 : vector<16xf32>
      %swap3A_1402 = arith.index_cast %scan3A_1345 : i32 to index
      %swap3A_1403 = arith.constant 48 : index
      %swap3A_1404 = tpu.vector_load %arg15[%swap3A_1402, %swap3A_1403] {strides = array<i32>} : memref<40x128xf32, #tpu.memory_space<vmem>>, vector<1x16xf32>,
      %swap3A_1405 = vector.shape_cast %swap3A_1404 : vector<1x16xf32> to vector<16xf32>
      %swap3A_1406 = vector.shape_cast %mul3A_1401 : vector<16xf32> to vector<1x16xf32>
      tpu.vector_store %arg15[%swap3A_1402, %swap3A_1403], %swap3A_1406 {strides = array<i32>} : memref<40x128xf32, #tpu.memory_space<vmem>>, vector<1x16xf32>,
      %get3A_1407 = arith.index_cast %scan3A_1345 : i32 to index
      %get3A_1408 = arith.constant 32 : index
      %get3A_1409 = tpu.vector_load %arg11[%get3A_1407, %get3A_1408] {strides = array<i32>} : memref<40x64xi32, #tpu.memory_space<vmem>>, vector<1x16xi32>,
      %get3A_1410 = vector.shape_cast %get3A_1409 : vector<1x16xi32> to vector<16xi32>
      %shift_left3A_1411 = arith.constant 16 : i32
      %shift_left3A_1412 = vector.broadcast %shift_left3A_1411 : i32 to vector<16xi32>
      %shift_left3A_1413 = arith.shli %get3A_1410, %shift_left3A_1412 : vector<16xi32>
      %bitcast_convert_type3A_1414 = tpu.bitcast %shift_left3A_1413 : vector<16xi32> -> vector<16xf32>
      %and3A_1415 = arith.constant -65536 : i32
      %and3A_1416 = vector.broadcast %and3A_1415 : i32 to vector<16xi32>
      %and3A_1417 = arith.andi %get3A_1410, %and3A_1416 : vector<16xi32>
      %bitcast_convert_type3A_1418 = tpu.bitcast %and3A_1417 : vector<16xi32> -> vector<16xf32>
      %get3A_1419 = arith.index_cast %scan3A_1345 : i32 to index
      %get3A_1420 = arith.constant 64 : index
      %get3A_1421 = tpu.vector_load %arg15[%get3A_1419, %get3A_1420] {strides = array<i32>} : memref<40x128xf32, #tpu.memory_space<vmem>>, vector<1x16xf32>,
      %get3A_1422 = vector.shape_cast %get3A_1421 : vector<1x16xf32> to vector<16xf32>
      %mul3A_1423 = arith.mulf %get3A_1422, %bitcast_convert_type3A_1414 : vector<16xf32>
      %swap3A_1424 = arith.index_cast %scan3A_1345 : i32 to index
      %swap3A_1425 = arith.constant 64 : index
      %swap3A_1426 = tpu.vector_load %arg15[%swap3A_1424, %swap3A_1425] {strides = array<i32>} : memref<40x128xf32, #tpu.memory_space<vmem>>, vector<1x16xf32>,
      %swap3A_1427 = vector.shape_cast %swap3A_1426 : vector<1x16xf32> to vector<16xf32>
      %swap3A_1428 = vector.shape_cast %mul3A_1423 : vector<16xf32> to vector<1x16xf32>
      tpu.vector_store %arg15[%swap3A_1424, %swap3A_1425], %swap3A_1428 {strides = array<i32>} : memref<40x128xf32, #tpu.memory_space<vmem>>, vector<1x16xf32>,
      %get3A_1429 = arith.index_cast %scan3A_1345 : i32 to index
      %get3A_1430 = arith.constant 80 : index
      %get3A_1431 = tpu.vector_load %arg15[%get3A_1429, %get3A_1430] {strides = array<i32>} : memref<40x128xf32, #tpu.memory_space<vmem>>, vector<1x16xf32>,
      %get3A_1432 = vector.shape_cast %get3A_1431 : vector<1x16xf32> to vector<16xf32>
      %mul3A_1433 = arith.mulf %get3A_1432, %bitcast_convert_type3A_1418 : vector<16xf32>
      %swap3A_1434 = arith.index_cast %scan3A_1345 : i32 to index
      %swap3A_1435 = arith.constant 80 : index
      %swap3A_1436 = tpu.vector_load %arg15[%swap3A_1434, %swap3A_1435] {strides = array<i32>} : memref<40x128xf32, #tpu.memory_space<vmem>>, vector<1x16xf32>,
      %swap3A_1437 = vector.shape_cast %swap3A_1436 : vector<1x16xf32> to vector<16xf32>
      %swap3A_1438 = vector.shape_cast %mul3A_1433 : vector<16xf32> to vector<1x16xf32>
      tpu.vector_store %arg15[%swap3A_1434, %swap3A_1435], %swap3A_1438 {strides = array<i32>} : memref<40x128xf32, #tpu.memory_space<vmem>>, vector<1x16xf32>,
      %get3A_1439 = arith.index_cast %scan3A_1345 : i32 to index
      %get3A_1440 = arith.constant 48 : index
      %get3A_1441 = tpu.vector_load %arg11[%get3A_1439, %get3A_1440] {strides = array<i32>} : memref<40x64xi32, #tpu.memory_space<vmem>>, vector<1x16xi32>,
      %get3A_1442 = vector.shape_cast %get3A_1441 : vector<1x16xi32> to vector<16xi32>
      %shift_left3A_1443 = arith.constant 16 : i32
      %shift_left3A_1444 = vector.broadcast %shift_left3A_1443 : i32 to vector<16xi32>
      %shift_left3A_1445 = arith.shli %get3A_1442, %shift_left3A_1444 : vector<16xi32>
      %bitcast_convert_type3A_1446 = tpu.bitcast %shift_left3A_1445 : vector<16xi32> -> vector<16xf32>
      %and3A_1447 = arith.constant -65536 : i32
      %and3A_1448 = vector.broadcast %and3A_1447 : i32 to vector<16xi32>
      %and3A_1449 = arith.andi %get3A_1442, %and3A_1448 : vector<16xi32>
      %bitcast_convert_type3A_1450 = tpu.bitcast %and3A_1449 : vector<16xi32> -> vector<16xf32>
      %get3A_1451 = arith.index_cast %scan3A_1345 : i32 to index
      %get3A_1452 = arith.constant 96 : index
      %get3A_1453 = tpu.vector_load %arg15[%get3A_1451, %get3A_1452] {strides = array<i32>} : memref<40x128xf32, #tpu.memory_space<vmem>>, vector<1x16xf32>,
      %get3A_1454 = vector.shape_cast %get3A_1453 : vector<1x16xf32> to vector<16xf32>
      %mul3A_1455 = arith.mulf %get3A_1454, %bitcast_convert_type3A_1446 : vector<16xf32>
      %swap3A_1456 = arith.index_cast %scan3A_1345 : i32 to index
      %swap3A_1457 = arith.constant 96 : index
      %swap3A_1458 = tpu.vector_load %arg15[%swap3A_1456, %swap3A_1457] {strides = array<i32>} : memref<40x128xf32, #tpu.memory_space<vmem>>, vector<1x16xf32>,
      %swap3A_1459 = vector.shape_cast %swap3A_1458 : vector<1x16xf32> to vector<16xf32>
      %swap3A_1460 = vector.shape_cast %mul3A_1455 : vector<16xf32> to vector<1x16xf32>
      tpu.vector_store %arg15[%swap3A_1456, %swap3A_1457], %swap3A_1460 {strides = array<i32>} : memref<40x128xf32, #tpu.memory_space<vmem>>, vector<1x16xf32>,
      %get3A_1461 = arith.index_cast %scan3A_1345 : i32 to index
      %get3A_1462 = arith.constant 112 : index
      %get3A_1463 = tpu.vector_load %arg15[%get3A_1461, %get3A_1462] {strides = array<i32>} : memref<40x128xf32, #tpu.memory_space<vmem>>, vector<1x16xf32>,
      %get3A_1464 = vector.shape_cast %get3A_1463 : vector<1x16xf32> to vector<16xf32>
      %mul3A_1465 = arith.mulf %get3A_1464, %bitcast_convert_type3A_1450 : vector<16xf32>
      %swap3A_1466 = arith.index_cast %scan3A_1345 : i32 to index
      %swap3A_1467 = arith.constant 112 : index
      %swap3A_1468 = tpu.vector_load %arg15[%swap3A_1466, %swap3A_1467] {strides = array<i32>} : memref<40x128xf32, #tpu.memory_space<vmem>>, vector<1x16xf32>,
      %swap3A_1469 = vector.shape_cast %swap3A_1468 : vector<1x16xf32> to vector<16xf32>
      %swap3A_1470 = vector.shape_cast %mul3A_1465 : vector<16xf32> to vector<1x16xf32>
      tpu.vector_store %arg15[%swap3A_1466, %swap3A_1467], %swap3A_1470 {strides = array<i32>} : memref<40x128xf32, #tpu.memory_space<vmem>>, vector<1x16xf32>,
      %scan3A_1471 = arith.constant 0 : i32
      scf.yield %scan3A_1471 : i32
    }
    %scan3A_1313 = arith.constant 40 : i32
    %dma_wait3A_1314 = arith.constant 1 : i32
    %dma_wait3A_1315 = arith.constant 0 : i32
    %dma_wait3A_1316 = tpu.memref_slice %arg6[%dma_wait3A_1314, %dma_wait3A_1315] : memref<2x40xi32, #tpu.memory_space<vmem>> -> memref<1x40xi32, #tpu.memory_space<vmem>>
    %dma_wait3A_1317 = tpu.memref_squeeze %dma_wait3A_1316 : memref<1x40xi32, #tpu.memory_space<vmem>> -> memref<40xi32, #tpu.memory_space<vmem>>
    %dma_wait3A_1318 = arith.constant 0 : i32
    %dma_wait3A_1319 = arith.constant 0 : i32
    %dma_wait3A_1320 = tpu.memref_slice %arg19[%dma_wait3A_1318, %dma_wait3A_1319] : memref<10000x128xf32, #tpu.memory_space<vmem_shared>> -> memref<10000x128xf32, #tpu.memory_space<vmem_shared>>
    tpu.wait_indirect_dma semaphore(%arg32 : memref<!tpu.dma_semaphore, #tpu.memory_space<semaphore_mem>>) src(%arg14 : memref<40x128xf32, #tpu.memory_space<vmem>>) dst(%dma_wait3A_1320 : memref<10000x128xf32, #tpu.memory_space<vmem_shared>>)
    %dma_start3A_1321 = arith.constant 1 : i32
    %dma_start3A_1322 = arith.constant 0 : i32
    %dma_start3A_1323 = tpu.memref_slice %arg7[%dma_start3A_1321, %dma_start3A_1322] : memref<2x40xi32, #tpu.memory_space<vmem>> -> memref<1x40xi32, #tpu.memory_space<vmem>>
    %dma_start3A_1324 = tpu.memref_squeeze %dma_start3A_1323 : memref<1x40xi32, #tpu.memory_space<vmem>> -> memref<40xi32, #tpu.memory_space<vmem>>
    %dma_start3A_1325 = arith.constant 0 : i32
    %dma_start3A_1326 = arith.constant 0 : i32
    %dma_start3A_1327 = tpu.memref_slice %arg19[%dma_start3A_1325, %dma_start3A_1326] : memref<10000x128xf32, #tpu.memory_space<vmem_shared>> -> memref<10000x128xf32, #tpu.memory_space<vmem_shared>>
    tpu.enqueue_indirect_dma source(%arg15 : memref<40x128xf32, #tpu.memory_space<vmem>>) target(%dma_start3A_1327 : memref<10000x128xf32, #tpu.memory_space<vmem_shared>>) offsets(%dma_start3A_1324 : memref<40xi32, #tpu.memory_space<vmem>>) semaphore(%arg32 : memref<!tpu.dma_semaphore, #tpu.memory_space<semaphore_mem>>) {add = true}
    %dma_wait3A_1328 = arith.constant 1 : i32
    %dma_wait3A_1329 = arith.constant 0 : i32
    %dma_wait3A_1330 = tpu.memref_slice %arg7[%dma_wait3A_1328, %dma_wait3A_1329] : memref<2x40xi32, #tpu.memory_space<vmem>> -> memref<1x40xi32, #tpu.memory_space<vmem>>
    %dma_wait3A_1331 = tpu.memref_squeeze %dma_wait3A_1330 : memref<1x40xi32, #tpu.memory_space<vmem>> -> memref<40xi32, #tpu.memory_space<vmem>>
    %dma_wait3A_1332 = arith.constant 0 : i32
    %dma_wait3A_1333 = arith.constant 0 : i32
    %dma_wait3A_1334 = tpu.memref_slice %arg19[%dma_wait3A_1332, %dma_wait3A_1333] : memref<10000x128xf32, #tpu.memory_space<vmem_shared>> -> memref<10000x128xf32, #tpu.memory_space<vmem_shared>>
    tpu.wait_indirect_dma semaphore(%arg32 : memref<!tpu.dma_semaphore, #tpu.memory_space<semaphore_mem>>) src(%arg15 : memref<40x128xf32, #tpu.memory_space<vmem>>) dst(%dma_wait3A_1334 : memref<10000x128xf32, #tpu.memory_space<vmem_shared>>)
    %barrier3A_1335 = arith.constant 0 : index
    tpu.barrier barrier_id(%barrier3A_1335)
    %mul3A_1336 = arith.constant 624 : i32
    %mul3A_1337 = arith.muli %arg1, %mul3A_1336 : i32
    %mul3A_1338 = arith.constant 624 : i32
    %mul3A_1339 = arith.muli %arg1, %mul3A_1338 : i32
    "tpu.region"() ({
      %run_scoped3A = tpu.sem_alloc : memref<!tpu.dma_semaphore, #tpu.memory_space<semaphore_mem>>
      %dma_start3A_1345 = arith.constant 0 : i32
      %dma_start3A_1346 = tpu.memref_slice %arg5[%arg0, %mul3A_1339, %dma_start3A_1345] : memref<2x10000x128xf32, #tpu.memory_space<hbm>> -> memref<1x624x128xf32, #tpu.memory_space<hbm>>
      %dma_start3A_1347 = tpu.memref_squeeze %dma_start3A_1346 : memref<1x624x128xf32, #tpu.memory_space<hbm>> -> memref<624x128xf32, #tpu.memory_space<hbm>>
      %dma_start3A_1348 = arith.constant 0 : i32
      %dma_start3A_1349 = tpu.memref_slice %arg19[%mul3A_1337, %dma_start3A_1348] : memref<10000x128xf32, #tpu.memory_space<vmem_shared>> -> memref<624x128xf32, #tpu.memory_space<vmem_shared>>
      tpu.enqueue_dma source(%dma_start3A_1349 : memref<624x128xf32, #tpu.memory_space<vmem_shared>>) target(%dma_start3A_1347 : memref<624x128xf32, #tpu.memory_space<hbm>>) target_semaphore(%run_scoped3A : memref<!tpu.dma_semaphore, #tpu.memory_space<semaphore_mem>>)
      %dma_wait3A_1350 = arith.constant 0 : i32
      %dma_wait3A_1351 = tpu.memref_slice %arg5[%arg0, %mul3A_1339, %dma_wait3A_1350] : memref<2x10000x128xf32, #tpu.memory_space<hbm>> -> memref<1x624x128xf32, #tpu.memory_space<hbm>>
      %dma_wait3A_1352 = tpu.memref_squeeze %dma_wait3A_1351 : memref<1x624x128xf32, #tpu.memory_space<hbm>> -> memref<624x128xf32, #tpu.memory_space<hbm>>
      %dma_wait3A_1353 = arith.constant 0 : i32
      %dma_wait3A_1354 = tpu.memref_slice %arg19[%mul3A_1337, %dma_wait3A_1353] : memref<10000x128xf32, #tpu.memory_space<vmem_shared>> -> memref<624x128xf32, #tpu.memory_space<vmem_shared>>
      tpu.wait_dma2 semaphore(%run_scoped3A : memref<!tpu.dma_semaphore, #tpu.memory_space<semaphore_mem>>) src(%dma_wait3A_1354 : memref<624x128xf32, #tpu.memory_space<vmem_shared>>) dst(%dma_wait3A_1352 : memref<624x128xf32, #tpu.memory_space<hbm>>)
      tpu.yield
    }) : () -> ()
    %eq3A_1340 = arith.constant 15 : i32
    %eq3A_1341 = arith.cmpi eq, %arg1, %eq3A_1340 : i32
    %convert_element_type3A_1342 = arith.extui %eq3A_1341 : i1 to i32
    %cond3A_1343 = arith.constant 0 : i32
    %cond3A_1344 = arith.cmpi ne, %convert_element_type3A_1342, %cond3A_1343 : i32
    scf.if %cond3A_1344 {
      "tpu.region"() ({
        %run_scoped3A = tpu.sem_alloc : memref<!tpu.dma_semaphore, #tpu.memory_space<semaphore_mem>>
        %dma_start3A_1345 = arith.constant 9984 : i32
        %dma_start3A_1346 = arith.constant 0 : i32
        %dma_start3A_1347 = tpu.memref_slice %arg5[%arg0, %dma_start3A_1345, %dma_start3A_1346] : memref<2x10000x128xf32, #tpu.memory_space<hbm>> -> memref<1x16x128xf32, #tpu.memory_space<hbm>>
        %dma_start3A_1348 = tpu.memref_squeeze %dma_start3A_1347 : memref<1x16x128xf32, #tpu.memory_space<hbm>> -> memref<16x128xf32, #tpu.memory_space<hbm>>
        %dma_start3A_1349 = arith.constant 9984 : i32
        %dma_start3A_1350 = arith.constant 0 : i32
        %dma_start3A_1351 = tpu.memref_slice %arg19[%dma_start3A_1349, %dma_start3A_1350] : memref<10000x128xf32, #tpu.memory_space<vmem_shared>> -> memref<16x128xf32, #tpu.memory_space<vmem_shared>>
        tpu.enqueue_dma source(%dma_start3A_1351 : memref<16x128xf32, #tpu.memory_space<vmem_shared>>) target(%dma_start3A_1348 : memref<16x128xf32, #tpu.memory_space<hbm>>) target_semaphore(%run_scoped3A : memref<!tpu.dma_semaphore, #tpu.memory_space<semaphore_mem>>)
        %dma_wait3A_1352 = arith.constant 9984 : i32
        %dma_wait3A_1353 = arith.constant 0 : i32
        %dma_wait3A_1354 = tpu.memref_slice %arg5[%arg0, %dma_wait3A_1352, %dma_wait3A_1353] : memref<2x10000x128xf32, #tpu.memory_space<hbm>> -> memref<1x16x128xf32, #tpu.memory_space<hbm>>
        %dma_wait3A_1355 = tpu.memref_squeeze %dma_wait3A_1354 : memref<1x16x128xf32, #tpu.memory_space<hbm>> -> memref<16x128xf32, #tpu.memory_space<hbm>>
        %dma_wait3A_1356 = arith.constant 9984 : i32
        %dma_wait3A_1357 = arith.constant 0 : i32
        %dma_wait3A_1358 = tpu.memref_slice %arg19[%dma_wait3A_1356, %dma_wait3A_1357] : memref<10000x128xf32, #tpu.memory_space<vmem_shared>> -> memref<16x128xf32, #tpu.memory_space<vmem_shared>>
        tpu.wait_dma2 semaphore(%run_scoped3A : memref<!tpu.dma_semaphore, #tpu.memory_space<semaphore_mem>>) src(%dma_wait3A_1358 : memref<16x128xf32, #tpu.memory_space<vmem_shared>>) dst(%dma_wait3A_1355 : memref<16x128xf32, #tpu.memory_space<hbm>>)
        tpu.yield
      }) : () -> ()
    } else {
    }
    return
  }
}

module attributes {stable_mosaic.version = 14 : i64} {
  func.func @_radial_body(%arg0: i32, %arg1: memref<1x1x2560xf32, #tpu.memory_space<vmem>>, %arg2: memref<1x1x2560xf32, #tpu.memory_space<vmem>>, %arg3: memref<16x64xbf16, #tpu.memory_space<vmem>>, %arg4: memref<64x1xf32, #tpu.memory_space<vmem>>, %arg5: memref<65x128xbf16, #tpu.memory_space<vmem>>, %arg6: memref<2560x64xi32, #tpu.memory_space<vmem>>) attributes {dimension_semantics = [#tpu.dimension_semantics<arbitrary>], iteration_bounds = array<i64: 125>, scalar_prefetch = 0 : i64, scratch_operands = 0 : i64, tpu.core_type = #tpu.core_type<tc>, window_params = [{transform_indices = @transform_0, window_bounds = array<i64: 1, 1, 2560>}, {transform_indices = @transform_1, window_bounds = array<i64: 1, 1, 2560>}, {pipeline_mode = #tpu.pipeline_mode<synchronous>, transform_indices = @transform_2, window_bounds = array<i64: 16, 64>}, {pipeline_mode = #tpu.pipeline_mode<synchronous>, transform_indices = @transform_3, window_bounds = array<i64: 64, 1>}, {pipeline_mode = #tpu.pipeline_mode<synchronous>, transform_indices = @transform_4, window_bounds = array<i64: 65, 128>}, {transform_indices = @transform_5, window_bounds = array<i64: 2560, 64>}]} {
    %get3A = arith.constant 0 : index
    %get3A_0 = arith.constant 0 : index
    %get3A_1 = arith.constant 0 : index
    %get3A_2 = vector.load %arg1[%get3A, %get3A_0, %get3A_1] : memref<1x1x2560xf32, #tpu.memory_space<vmem>>, vector<1x1x2560xf32>
    %get3A_3 = vector.shape_cast %get3A_2 : vector<1x1x2560xf32> to vector<1x2560xf32>
    %get3A_4 = arith.constant 0 : index
    %get3A_5 = arith.constant 0 : index
    %get3A_6 = arith.constant 0 : index
    %get3A_7 = vector.load %arg2[%get3A_4, %get3A_5, %get3A_6] : memref<1x1x2560xf32, #tpu.memory_space<vmem>>, vector<1x1x2560xf32>
    %get3A_8 = vector.shape_cast %get3A_7 : vector<1x1x2560xf32> to vector<1x2560xf32>
    %iota3A = tpu.iota {dimensions = array<i32: 0>} : vector<16x1xi32>
    %convert_element_type3A = arith.sitofp %iota3A : vector<16x1xi32> to vector<16x1xf32>
    %mul3A = arith.constant 0.0666666701 : f32
    %mul3A_9 = vector.broadcast %mul3A : f32 to vector<16x1xf32>
    %mul3A_10 = arith.mulf %convert_element_type3A, %mul3A_9 : vector<16x1xf32>
    %sub3A = vector.broadcast %get3A_3 : vector<1x2560xf32> to vector<16x2560xf32>
    %sub3A_11 = vector.broadcast %mul3A_10 : vector<16x1xf32> to vector<16x2560xf32>
    %sub3A_12 = arith.subf %sub3A, %sub3A_11 : vector<16x2560xf32>
    %mul3A_13 = arith.mulf %sub3A_12, %sub3A_12 : vector<16x2560xf32>
    %neg3A = arith.constant 0.000000e+00 : f32
    %neg3A_14 = vector.broadcast %neg3A : f32 to vector<16x2560xf32>
    %neg3A_15 = arith.subf %neg3A_14, %mul3A_13 : vector<16x2560xf32>
    %mul3A_16 = arith.constant 1.280000e+02 : f32
    %mul3A_17 = vector.broadcast %mul3A_16 : f32 to vector<16x2560xf32>
    %mul3A_18 = arith.mulf %neg3A_15, %mul3A_17 : vector<16x2560xf32>
    %exp3A = math.exp %mul3A_18 : vector<16x2560xf32>
    %get3A_19 = arith.constant 0 : index
    %get3A_20 = arith.constant 0 : index
    %get3A_21 = vector.load %arg3[%get3A_19, %get3A_20] : memref<16x64xbf16, #tpu.memory_space<vmem>>, vector<16x64xbf16>
    %convert_element_type3A_22 = arith.truncf %exp3A : vector<16x2560xf32> to vector<16x2560xbf16>
    %dot_general3A = arith.constant dense<0.000000e+00> : vector<64x2560xf32>
    %dot_general3A_23 = tpu.matmul %get3A_21, %convert_element_type3A_22, %dot_general3A {dimension_numbers = #tpu.dot_dimension_numbers<[0], [0], [1], [1], [0, 1, 1, 1], [], []>, transpose_lhs_hint = false} : vector<16x64xbf16>, vector<16x2560xbf16>, vector<64x2560xf32> -> vector<64x2560xf32>
    %get3A_24 = arith.constant 0 : index
    %get3A_25 = arith.constant 0 : index
    %get3A_26 = vector.load %arg4[%get3A_24, %get3A_25] : memref<64x1xf32, #tpu.memory_space<vmem>>, vector<64x1xf32>
    %add3A = vector.broadcast %get3A_26 : vector<64x1xf32> to vector<64x2560xf32>
    %add3A_27 = arith.addf %dot_general3A_23, %add3A : vector<64x2560xf32>
    %logistic3A = arith.negf %add3A_27 : vector<64x2560xf32>
    %logistic3A_28 = math.exp %logistic3A : vector<64x2560xf32>
    %logistic3A_29 = arith.constant 1.000000e+00 : f32
    %logistic3A_30 = vector.broadcast %logistic3A_29 : f32 to vector<64x2560xf32>
    %logistic3A_31 = arith.addf %logistic3A_30, %logistic3A_28 : vector<64x2560xf32>
    %logistic3A_32 = arith.divf %logistic3A_30, %logistic3A_31 : vector<64x2560xf32>
    %mul3A_33 = arith.mulf %add3A_27, %logistic3A_32 : vector<64x2560xf32>
    %mul3A_34 = vector.broadcast %get3A_8 : vector<1x2560xf32> to vector<64x2560xf32>
    %mul3A_35 = arith.mulf %mul3A_33, %mul3A_34 : vector<64x2560xf32>
    %concatenate3A = tpu.concatenate %mul3A_35, %get3A_8 in 0 : vector<64x2560xf32>, vector<1x2560xf32> -> vector<65x2560xf32>
    %convert_element_type3A_36 = arith.truncf %concatenate3A : vector<65x2560xf32> to vector<65x2560xbf16>
    %get3A_37 = arith.constant 0 : index
    %get3A_38 = arith.constant 0 : index
    %get3A_39 = vector.load %arg5[%get3A_37, %get3A_38] : memref<65x128xbf16, #tpu.memory_space<vmem>>, vector<65x128xbf16>
    %dot_general3A_40 = arith.constant dense<0.000000e+00> : vector<2560x128xf32>
    %dot_general3A_41 = tpu.matmul %convert_element_type3A_36, %get3A_39, %dot_general3A_40 {dimension_numbers = #tpu.dot_dimension_numbers<[0], [0], [1], [1], [0, 1, 1, 1], [], []>, transpose_lhs_hint = false} : vector<65x2560xbf16>, vector<65x128xbf16>, vector<2560x128xf32> -> vector<2560x128xf32>
    %slice3A = vector.extract_strided_slice %dot_general3A_41 {offsets = [0, 0], sizes = [2560, 64], strides = [1, 1]} : vector<2560x128xf32> to vector<2560x64xf32>
    %bitcast_convert_type3A = tpu.bitcast %slice3A : vector<2560x64xf32> -> vector<2560x64xi32>
    %add3A_42 = arith.constant 32768 : i32
    %add3A_43 = vector.broadcast %add3A_42 : i32 to vector<2560x64xi32>
    %add3A_44 = arith.addi %bitcast_convert_type3A, %add3A_43 : vector<2560x64xi32>
    %shift_right_logical3A = arith.constant 16 : i32
    %shift_right_logical3A_45 = vector.broadcast %shift_right_logical3A : i32 to vector<2560x64xi32>
    %shift_right_logical3A_46 = arith.shrui %add3A_44, %shift_right_logical3A_45 : vector<2560x64xi32>
    %slice3A_47 = vector.extract_strided_slice %dot_general3A_41 {offsets = [0, 64], sizes = [2560, 64], strides = [1, 1]} : vector<2560x128xf32> to vector<2560x64xf32>
    %bitcast_convert_type3A_48 = tpu.bitcast %slice3A_47 : vector<2560x64xf32> -> vector<2560x64xi32>
    %add3A_49 = arith.constant 32768 : i32
    %add3A_50 = vector.broadcast %add3A_49 : i32 to vector<2560x64xi32>
    %add3A_51 = arith.addi %bitcast_convert_type3A_48, %add3A_50 : vector<2560x64xi32>
    %and3A = arith.constant -65536 : i32
    %and3A_52 = vector.broadcast %and3A : i32 to vector<2560x64xi32>
    %and3A_53 = arith.andi %add3A_51, %and3A_52 : vector<2560x64xi32>
    %or3A = arith.ori %shift_right_logical3A_46, %and3A_53 : vector<2560x64xi32>
    %swap3A = arith.constant 0 : index
    %swap3A_54 = arith.constant 0 : index
    %swap3A_55 = vector.load %arg6[%swap3A, %swap3A_54] : memref<2560x64xi32, #tpu.memory_space<vmem>>, vector<2560x64xi32>
    tpu.vector_store %arg6[%swap3A, %swap3A_54], %or3A {strides = array<i32>} : memref<2560x64xi32, #tpu.memory_space<vmem>>, vector<2560x64xi32>,
    return
  }
  func.func @transform_0(%arg0: i32) -> (i32, i32, i32) {
    %c0_i32 = arith.constant 0 : i32
    %c0_i32_0 = arith.constant 0 : i32
    %c0_i32_1 = arith.constant 0 : i32
    return %arg0, %c0_i32, %c0_i32_0 : i32, i32, i32
  }
  func.func @transform_1(%arg0: i32) -> (i32, i32, i32) {
    %c0_i32 = arith.constant 0 : i32
    %c0_i32_0 = arith.constant 0 : i32
    %c0_i32_1 = arith.constant 0 : i32
    return %arg0, %c0_i32, %c0_i32_0 : i32, i32, i32
  }
  func.func @transform_2(%arg0: i32) -> (i32, i32) {
    %c0_i32 = arith.constant 0 : i32
    %c0_i32_0 = arith.constant 0 : i32
    %c0_i32_1 = arith.constant 0 : i32
    return %c0_i32, %c0_i32_0 : i32, i32
  }
  func.func @transform_3(%arg0: i32) -> (i32, i32) {
    %c0_i32 = arith.constant 0 : i32
    %c0_i32_0 = arith.constant 0 : i32
    %c0_i32_1 = arith.constant 0 : i32
    return %c0_i32, %c0_i32_0 : i32, i32
  }
  func.func @transform_4(%arg0: i32) -> (i32, i32) {
    %c0_i32 = arith.constant 0 : i32
    %c0_i32_0 = arith.constant 0 : i32
    %c0_i32_1 = arith.constant 0 : i32
    return %c0_i32, %c0_i32_0 : i32, i32
  }
  func.func @transform_5(%arg0: i32) -> (i32, i32) {
    %c0_i32 = arith.constant 0 : i32
    %c0_i32_0 = arith.constant 0 : i32
    return %arg0, %c0_i32 : i32, i32
  }
}

module attributes {stable_mosaic.version = 14 : i64} {
  func.func @_head_body(%arg0: i32, %arg1: memref<2x2000x128xf32, #tpu.memory_space<vmem>>, %arg2: memref<1x1x2000xi32, #tpu.memory_space<vmem>>, %arg3: memref<128x128xf32, #tpu.memory_space<vmem>>, %arg4: memref<1x128xf32, #tpu.memory_space<vmem>>, %arg5: memref<128x1xf32, #tpu.memory_space<vmem>>, %arg6: memref<256x1xf32, #tpu.memory_space<vmem>>, %arg7: memref<256x128xf32, #tpu.memory_space<vmem>>, %arg8: memref<256x1xf32, #tpu.memory_space<vmem>>) attributes {dimension_semantics = [#tpu.dimension_semantics<arbitrary>], iteration_bounds = array<i64: 5>, scalar_prefetch = 0 : i64, scratch_operands = 2 : i64, tpu.core_type = #tpu.core_type<tc>, window_params = [{transform_indices = @transform_0, window_bounds = array<i64: 2, 2000, 128>}, {transform_indices = @transform_1, window_bounds = array<i64: 1, 1, 2000>}, {pipeline_mode = #tpu.pipeline_mode<synchronous>, transform_indices = @transform_2, window_bounds = array<i64: 128, 128>}, {pipeline_mode = #tpu.pipeline_mode<synchronous>, transform_indices = @transform_3, window_bounds = array<i64: 1, 128>}, {pipeline_mode = #tpu.pipeline_mode<synchronous>, transform_indices = @transform_4, window_bounds = array<i64: 128, 1>}, {pipeline_mode = #tpu.pipeline_mode<synchronous>, transform_indices = @transform_5, window_bounds = array<i64: 256, 1>}]} {
    %eq3A = arith.constant 0 : i32
    %eq3A_0 = arith.cmpi eq, %arg0, %eq3A : i32
    %convert_element_type3A = arith.extui %eq3A_0 : i1 to i32
    %cond3A = arith.constant 0 : i32
    %cond3A_1 = arith.cmpi ne, %convert_element_type3A, %cond3A : i32
    scf.if %cond3A_1 {
      %broadcast_in_dim3A_46 = arith.constant 0.000000e+00 : f32
      %broadcast_in_dim3A_47 = vector.broadcast %broadcast_in_dim3A_46 : f32 to vector<256x128xf32>
      %swap3A_48 = arith.constant 0 : index
      %swap3A_49 = arith.constant 0 : index
      %swap3A_50 = vector.load %arg7[%swap3A_48, %swap3A_49] : memref<256x128xf32, #tpu.memory_space<vmem>>, vector<256x128xf32>
      tpu.vector_store %arg7[%swap3A_48, %swap3A_49], %broadcast_in_dim3A_47 {strides = array<i32>} : memref<256x128xf32, #tpu.memory_space<vmem>>, vector<256x128xf32>,
      %broadcast_in_dim3A_51 = arith.constant 0.000000e+00 : f32
      %broadcast_in_dim3A_52 = vector.broadcast %broadcast_in_dim3A_51 : f32 to vector<256x1xf32>
      %swap3A_53 = arith.constant 0 : index
      %swap3A_54 = arith.constant 0 : index
      %swap3A_55 = vector.load %arg8[%swap3A_53, %swap3A_54] : memref<256x1xf32, #tpu.memory_space<vmem>>, vector<256x1xf32>
      tpu.vector_store %arg8[%swap3A_53, %swap3A_54], %broadcast_in_dim3A_52 {strides = array<i32>} : memref<256x1xf32, #tpu.memory_space<vmem>>, vector<256x1xf32>,
    } else {
    }
    %get3A = arith.constant 0 : index
    %get3A_2 = arith.constant 0 : index
    %get3A_3 = arith.constant 0 : index
    %get3A_4 = vector.load %arg1[%get3A, %get3A_2, %get3A_3] : memref<2x2000x128xf32, #tpu.memory_space<vmem>>, vector<1x2000x128xf32>
    %get3A_5 = vector.shape_cast %get3A_4 : vector<1x2000x128xf32> to vector<2000x128xf32>
    %get3A_6 = arith.constant 1 : index
    %get3A_7 = arith.constant 0 : index
    %get3A_8 = arith.constant 0 : index
    %get3A_9 = vector.load %arg1[%get3A_6, %get3A_7, %get3A_8] : memref<2x2000x128xf32, #tpu.memory_space<vmem>>, vector<1x2000x128xf32>
    %get3A_10 = vector.shape_cast %get3A_9 : vector<1x2000x128xf32> to vector<2000x128xf32>
    %add3A = arith.addf %get3A_5, %get3A_10 : vector<2000x128xf32>
    %logistic3A = arith.negf %add3A : vector<2000x128xf32>
    %logistic3A_11 = math.exp %logistic3A : vector<2000x128xf32>
    %logistic3A_12 = arith.constant 1.000000e+00 : f32
    %logistic3A_13 = vector.broadcast %logistic3A_12 : f32 to vector<2000x128xf32>
    %logistic3A_14 = arith.addf %logistic3A_13, %logistic3A_11 : vector<2000x128xf32>
    %logistic3A_15 = arith.divf %logistic3A_13, %logistic3A_14 : vector<2000x128xf32>
    %mul3A = arith.mulf %add3A, %logistic3A_15 : vector<2000x128xf32>
    %get3A_16 = arith.constant 0 : index
    %get3A_17 = arith.constant 0 : index
    %get3A_18 = arith.constant 0 : index
    %get3A_19 = vector.load %arg2[%get3A_16, %get3A_17, %get3A_18] : memref<1x1x2000xi32, #tpu.memory_space<vmem>>, vector<1x1x2000xi32>
    %get3A_20 = vector.shape_cast %get3A_19 : vector<1x1x2000xi32> to vector<1x2000xi32>
    %iota3A = tpu.iota {dimensions = array<i32: 0>} : vector<256x1xi32>
    %eq3A_21 = vector.broadcast %get3A_20 : vector<1x2000xi32> to vector<256x2000xi32>
    %eq3A_22 = vector.broadcast %iota3A : vector<256x1xi32> to vector<256x2000xi32>
    %eq3A_23 = arith.cmpi eq, %eq3A_21, %eq3A_22 : vector<256x2000xi32>
    %convert_element_type3A_24 = arith.extui %eq3A_23 : vector<256x2000xi1> to vector<256x2000xi32>
    %convert_element_type3A_25 = arith.sitofp %convert_element_type3A_24 : vector<256x2000xi32> to vector<256x2000xf32>
    %get3A_26 = arith.constant 0 : index
    %get3A_27 = arith.constant 0 : index
    %get3A_28 = vector.load %arg7[%get3A_26, %get3A_27] : memref<256x128xf32, #tpu.memory_space<vmem>>, vector<256x128xf32>
    %dot_general3A = arith.constant dense<0.000000e+00> : vector<256x128xf32>
    %dot_general3A_29 = tpu.matmul %convert_element_type3A_25, %mul3A, %dot_general3A {dimension_numbers = #tpu.dot_dimension_numbers<[1], [0], [0], [1], [0, 0, 1, 1], [], []>, transpose_lhs_hint = false} : vector<256x2000xf32>, vector<2000x128xf32>, vector<256x128xf32> -> vector<256x128xf32>
    %add3A_30 = arith.addf %get3A_28, %dot_general3A_29 : vector<256x128xf32>
    %swap3A = arith.constant 0 : index
    %swap3A_31 = arith.constant 0 : index
    %swap3A_32 = vector.load %arg7[%swap3A, %swap3A_31] : memref<256x128xf32, #tpu.memory_space<vmem>>, vector<256x128xf32>
    tpu.vector_store %arg7[%swap3A, %swap3A_31], %add3A_30 {strides = array<i32>} : memref<256x128xf32, #tpu.memory_space<vmem>>, vector<256x128xf32>,
    %get3A_33 = arith.constant 0 : index
    %get3A_34 = arith.constant 0 : index
    %get3A_35 = vector.load %arg8[%get3A_33, %get3A_34] : memref<256x1xf32, #tpu.memory_space<vmem>>, vector<256x1xf32>
    %reduce_sum3A = arith.constant dense<0.000000e+00> : vector<256xf32>
    %reduce_sum3A_36 = vector.multi_reduction <add>, %convert_element_type3A_25, %reduce_sum3A [1] : vector<256x2000xf32> to vector<256xf32>
    %broadcast_in_dim3A = vector.shape_cast %reduce_sum3A_36 : vector<256xf32> to vector<256x1xf32>
    %add3A_37 = arith.addf %get3A_35, %broadcast_in_dim3A : vector<256x1xf32>
    %swap3A_38 = arith.constant 0 : index
    %swap3A_39 = arith.constant 0 : index
    %swap3A_40 = vector.load %arg8[%swap3A_38, %swap3A_39] : memref<256x1xf32, #tpu.memory_space<vmem>>, vector<256x1xf32>
    tpu.vector_store %arg8[%swap3A_38, %swap3A_39], %add3A_37 {strides = array<i32>} : memref<256x1xf32, #tpu.memory_space<vmem>>, vector<256x1xf32>,
    %eq3A_41 = arith.constant 4 : i32
    %eq3A_42 = arith.cmpi eq, %arg0, %eq3A_41 : i32
    %convert_element_type3A_43 = arith.extui %eq3A_42 : i1 to i32
    %cond3A_44 = arith.constant 0 : i32
    %cond3A_45 = arith.cmpi ne, %convert_element_type3A_43, %cond3A_44 : i32
    scf.if %cond3A_45 {
      %get3A_46 = arith.constant 0 : index
      %get3A_47 = arith.constant 0 : index
      %get3A_48 = vector.load %arg7[%get3A_46, %get3A_47] : memref<256x128xf32, #tpu.memory_space<vmem>>, vector<256x128xf32>
      %get3A_49 = arith.constant 0 : index
      %get3A_50 = arith.constant 0 : index
      %get3A_51 = vector.load %arg8[%get3A_49, %get3A_50] : memref<256x1xf32, #tpu.memory_space<vmem>>, vector<256x1xf32>
      %max3A = arith.constant 1.000000e+00 : f32
      %max3A_52 = vector.broadcast %max3A : f32 to vector<256x1xf32>
      %max3A_53 = arith.maximumf %get3A_51, %max3A_52 : vector<256x1xf32>
      %div3A = vector.broadcast %max3A_53 : vector<256x1xf32> to vector<256x128xf32>
      %div3A_54 = arith.divf %get3A_48, %div3A : vector<256x128xf32>
      %get3A_55 = arith.constant 0 : index
      %get3A_56 = arith.constant 0 : index
      %get3A_57 = vector.load %arg3[%get3A_55, %get3A_56] : memref<128x128xf32, #tpu.memory_space<vmem>>, vector<128x128xf32>
      %dot_general3A_58 = arith.constant dense<0.000000e+00> : vector<256x128xf32>
      %dot_general3A_59 = tpu.matmul %div3A_54, %get3A_57, %dot_general3A_58 {dimension_numbers = #tpu.dot_dimension_numbers<[1], [0], [0], [1], [0, 0, 1, 1], [], []>, transpose_lhs_hint = false} : vector<256x128xf32>, vector<128x128xf32>, vector<256x128xf32> -> vector<256x128xf32>
      %get3A_60 = arith.constant 0 : index
      %get3A_61 = arith.constant 0 : index
      %get3A_62 = vector.load %arg4[%get3A_60, %get3A_61] : memref<1x128xf32, #tpu.memory_space<vmem>>, vector<1x128xf32>
      %add3A_63 = vector.broadcast %get3A_62 : vector<1x128xf32> to vector<256x128xf32>
      %add3A_64 = arith.addf %dot_general3A_59, %add3A_63 : vector<256x128xf32>
      %max3A_65 = arith.constant 0.000000e+00 : f32
      %max3A_66 = vector.broadcast %max3A_65 : f32 to vector<256x128xf32>
      %max3A_67 = arith.maximumf %add3A_64, %max3A_66 : vector<256x128xf32>
      %get3A_68 = arith.constant 0 : index
      %get3A_69 = arith.constant 0 : index
      %get3A_70 = vector.load %arg5[%get3A_68, %get3A_69] : memref<128x1xf32, #tpu.memory_space<vmem>>, vector<128x1xf32>
      %dot_general3A_71 = arith.constant dense<0.000000e+00> : vector<256x1xf32>
      %dot_general3A_72 = tpu.matmul %max3A_67, %get3A_70, %dot_general3A_71 {dimension_numbers = #tpu.dot_dimension_numbers<[1], [0], [0], [1], [0, 0, 1, 1], [], []>, transpose_lhs_hint = false} : vector<256x128xf32>, vector<128x1xf32>, vector<256x1xf32> -> vector<256x1xf32>
      %swap3A_73 = arith.constant 0 : index
      %swap3A_74 = arith.constant 0 : index
      %swap3A_75 = vector.load %arg6[%swap3A_73, %swap3A_74] : memref<256x1xf32, #tpu.memory_space<vmem>>, vector<256x1xf32>
      tpu.vector_store %arg6[%swap3A_73, %swap3A_74], %dot_general3A_72 {strides = array<i32>} : memref<256x1xf32, #tpu.memory_space<vmem>>, vector<256x1xf32>,
    } else {
    }
    return
  }
  func.func @transform_0(%arg0: i32) -> (i32, i32, i32) {
    %c0_i32 = arith.constant 0 : i32
    %c0_i32_0 = arith.constant 0 : i32
    %c0_i32_1 = arith.constant 0 : i32
    return %c0_i32, %arg0, %c0_i32_0 : i32, i32, i32
  }
  func.func @transform_1(%arg0: i32) -> (i32, i32, i32) {
    %c0_i32 = arith.constant 0 : i32
    %c0_i32_0 = arith.constant 0 : i32
    %c0_i32_1 = arith.constant 0 : i32
    return %arg0, %c0_i32, %c0_i32_0 : i32, i32, i32
  }
  func.func @transform_2(%arg0: i32) -> (i32, i32) {
    %c0_i32 = arith.constant 0 : i32
    %c0_i32_0 = arith.constant 0 : i32
    %c0_i32_1 = arith.constant 0 : i32
    return %c0_i32, %c0_i32_0 : i32, i32
  }
  func.func @transform_3(%arg0: i32) -> (i32, i32) {
    %c0_i32 = arith.constant 0 : i32
    %c0_i32_0 = arith.constant 0 : i32
    %c0_i32_1 = arith.constant 0 : i32
    return %c0_i32, %c0_i32_0 : i32, i32
  }
  func.func @transform_4(%arg0: i32) -> (i32, i32) {
    %c0_i32 = arith.constant 0 : i32
    %c0_i32_0 = arith.constant 0 : i32
    %c0_i32_1 = arith.constant 0 : i32
    return %c0_i32, %c0_i32_0 : i32, i32
  }
  func.func @transform_5(%arg0: i32) -> (i32, i32) {
    %c0_i32 = arith.constant 0 : i32
    %c0_i32_0 = arith.constant 0 : i32
    %c0_i32_1 = arith.constant 0 : i32
    return %c0_i32, %c0_i32_0 : i32, i32
  }
}

</mosaic_0001>

<sc_bundles>
// kernel: kernel.6.cloned.1.call-start
scs
__scs_entry_jumppad:
0x0: {  	(pc) =	sbr.rel $0x88, $3  }
0x1: {  	(tag) =	ssettag $0x0;
	lr =	simm.s32 $0x1  }
0x2: {  	[smem:$0x3F93] =	sst lr;
	_ =	strace $0xD0000000  }
0x3: {  	_ = 	snop  }
0x4: {  	_ = 	snop  }
0x5: {  	_ = 	snop  }
0x6: {  	_ = 	snop  }
0x7: {  	_ = 	snop  }
__scs_overlays_trampoline_lowered:
0x8: {  	[smem:$0x3FA2] =	sst s0  }
0x9: {  	[smem:$0x3FA3] =	sst s1  }
0xa: {  	[smem:$0x3FA4] =	sst s2  }
0xb: {  	[smem:$0x3FA5] =	sst s3  }
0xc: {  	[smem:$0x3FA6] =	sst s4  }
0xd: {  	[smem:$0x3FA7] =	sst s5  }
0xe: {  	[smem:$0x3FA8] =	sst s6  }
0xf: {  	[smem:$0x3FA9] =	sst s7  }
0x10: {  	[smem:$0x3FAA] =	sst s8  }
0x11: {  	[smem:$0x3FAB] =	sst s9;
	s0 =	simm.s32 @!p0 $0x0  }
0x12: {  	s1 =	sld [smem:$0x3F91];
	s0 =	simm.s32 @p0 $0x1  }
0x13: {  	[smem:$0x3FAC] =	sst s0;
	s0 =	simm.s32 @!p1 $0x0  }
0x14: {  	s2 =	sld [smem:$0x3F90];
	s0 =	simm.s32 @p1 $0x1  }
0x15: {  	[smem:$0x3FAD] =	sst s0;
	s0 =	simm.s32 @!p2 $0x0  }
0x16: {  	s3 =	sld [smem:$0x3FDB];
	s0 =	simm.s32 @p2 $0x1  }
0x17: {  	s4 =	simm.s32 $0x1BF5;
	[smem:$0x3FAF] =	sst s0  }
0x18: {  	s0 =	sld [smem:$0x3F92];
	_ =	swait.ge [sflag:s4], $0x0  }
0x19: {  	s7 =	sld [smem:$0x3F93]  }
0x1a: {  	s8 =	sadd.s32 $0xFFFFE003, lr  }
0x1b: {  	s9 =	sadd.s32 $0xFFFFFEF7, lr;
	s5 =	simm.s32 $0xFFFFFFFF;
	p2 =	slt.u32 s8, $0xFFFFF086  }
0x1c: {  	p1 =	slt.u32 s9, $0xF7A;
	s5 =	simm.s32 @!p2 $0x0  }
0x1d: {  	s5 =	simm.s32 @p1 $0x1;
	p0 =	seq.s32 s7, s2  }
0x1e: {  	s7 =	smul.u32 @!p0 $0xF7A, s2;
	p2 =	seq.s32 @!p0 s5, $0x0  }
0x1f: {  	s9 =	smul.u32 $0xF7A, s1;
	s8 =	simm.s32 @!p0 $0x1BF5;
	p2 =	por !p2, p0  }
0x20: {  	[sflag:s8] =	ssyncset.s32 @!p0 $0xFFFFF086;
	s6 =	sadd.s32 @!p0 s3, s7;
	s7 =	simm.s32 @!p0 $0x108  }
0x21: {  	s3 =	sadd.s32 s3, s9;
	s6 =	sadd.s32 @!p0 $0x88, s6;
	s7 =	simm.s32 @p2 $0x1082  }
0x22: {  	[simem:s7], [sflag:s8] =	dma.local @!p0 [hbm:s6], $0xF7A  }
0x23: {  	s9 =	sor.u32 $0xD0000000, s2;
	s6 =	simm.s32 $0x108;
	_ =	swait.ge @!p0 [sflag:s8], $0x0  }
0x24: {  	s3 =	sadd.s32 $0x88, s3;
	s6 =	simm.s32 @!p1 $0x1082;
	[sflag:s4] =	ssyncset.s32 $0xFFFFF086  }
0x25: {  	[simem:s6], [sflag:s4] =	dma.local [hbm:s3], $0xF7A  }
0x26: {  	[smem:$0x3F93] =	sst s1;
	(tag) =	ssettag s2;
	_ =	strace s9  }
0x27: {  	s1 =	sld [smem:$0x3FA3]  }
0x28: {  	s2 =	sld [smem:$0x3FA4]  }
0x29: {  	s4 =	sld [smem:$0x3FA6]  }
0x2a: {  	p0 =	seq.s32 s5, $0x0;
	s5 =	sld [smem:$0x3FA7]  }
0x2b: {  	s6 =	sld [smem:$0x3FA8]  }
0x2c: {  	s7 =	sld [smem:$0x3FA9]  }
0x2d: {  	s3 =	simm.s32 $0x108;
	s8 =	sld [smem:$0x3FAA]  }
0x2e: {  	s3 =	simm.s32 @!p0 $0x1082;
	s9 =	sld [smem:$0x3FAB]  }
0x2f: {  	lr =	sadd.s32 s0, s3;
	s0 =	sld [smem:$0x3FA2]  }
0x30: {  	s3 =	sld [smem:$0x3FA5]  }
0x31: {  	[smem:$0x3FAE] =	sst s10  }
0x32: {  	s10 =	sld [smem:$0x3FAC];
	_ =	sdelay $0x3  }
0x33: {  	p0 =	seq.s32 s10, $0x1;
	s10 =	sld [smem:$0x3FAE];
	_ =	sdelay $0x3  }
0x34: {  	[smem:$0x3FAE] =	sst s10  }
0x35: {  	s10 =	sld [smem:$0x3FAD];
	_ =	sdelay $0x3  }
0x36: {  	p1 =	seq.s32 s10, $0x1;
	s10 =	sld [smem:$0x3FAE];
	_ =	sdelay $0x3  }
0x37: {  	[smem:$0x3FAE] =	sst s10  }
0x38: {  	s10 =	sld [smem:$0x3FAF]  }
0x39: {  	_ = 	snop;
	(pc) =	sbr.ind lr, $3  }
0x3a: {  	_ = 	snop  }
0x3b: {  	_ = 	snop  }
0x3c: {  	p2 =	seq.s32 s10, $0x1;
	s10 =	sld [smem:$0x3FAE]  }
0x3d: {  	_ =	shalt  }
0x3e: {  	_ =	shalt  }
0x3f: {  	_ =	shalt  }
0x40: {  	_ =	shalt  }
0x41: {  	_ =	shalt  }
0x42: {  	_ =	shalt  }
0x43: {  	_ =	shalt  }
0x44: {  	_ =	shalt  }
0x45: {  	_ =	shalt  }
0x46: {  	_ =	shalt  }
0x47: {  	_ =	shalt  }
0x48: {  	_ =	shalt  }
0x49: {  	_ =	shalt  }
0x4a: {  	_ =	shalt  }
0x4b: {  	_ =	shalt  }
0x4c: {  	_ =	shalt  }
0x4d: {  	_ =	shalt  }
0x4e: {  	_ =	shalt  }
0x4f: {  	_ =	shalt  }
0x50: {  	_ =	shalt  }
0x51: {  	_ =	shalt  }
0x52: {  	_ =	shalt  }
0x53: {  	_ =	shalt  }
0x54: {  	_ =	shalt  }
0x55: {  	_ =	shalt  }
0x56: {  	_ =	shalt  }
0x57: {  	_ =	shalt  }
0x58: {  	_ =	shalt  }
0x59: {  	_ =	shalt  }
0x5a: {  	_ =	shalt  }
0x5b: {  	_ =	shalt  }
0x5c: {  	_ =	shalt  }
0x5d: {  	_ =	shalt  }
0x5e: {  	_ =	shalt  }
0x5f: {  	_ =	shalt  }
0x60: {  	_ =	shalt  }
0x61: {  	_ =	shalt  }
0x62: {  	_ =	shalt  }
0x63: {  	_ =	shalt  }
0x64: {  	_ =	shalt  }
0x65: {  	_ =	shalt  }
0x66: {  	_ =	shalt  }
0x67: {  	_ =	shalt  }
0x68: {  	_ =	shalt  }
0x69: {  	_ =	shalt  }
0x6a: {  	_ =	shalt  }
0x6b: {  	_ =	shalt  }
0x6c: {  	_ =	shalt  }
0x6d: {  	_ =	shalt  }
0x6e: {  	_ =	shalt  }
0x6f: {  	_ =	shalt  }
0x70: {  	_ =	shalt  }
0x71: {  	_ =	shalt  }
0x72: {  	_ =	shalt  }
0x73: {  	_ =	shalt  }
0x74: {  	_ =	shalt  }
0x75: {  	_ =	shalt  }
0x76: {  	_ =	shalt  }
0x77: {  	_ =	shalt  }
0x78: {  	_ =	shalt  }
0x79: {  	_ =	shalt  }
0x7a: {  	_ =	shalt  }
0x7b: {  	_ =	shalt  }
0x7c: {  	_ =	shalt  }
0x7d: {  	_ =	shalt  }
0x7e: {  	_ =	shalt  }
0x7f: {  	_ =	shalt  }
0x80: {  	_ =	shalt  }
0x81: {  	_ =	shalt  }
0x82: {  	_ =	shalt  }
0x83: {  	_ =	shalt  }
0x84: {  	_ =	shalt  }
0x85: {  	_ =	shalt  }
0x86: {  	_ =	shalt  }
0x87: {  	_ =	shalt  }
.Lfunc_end0:
.L_simem_size_0:
called_computation_lowered:
.L_overlay_start_0:
0x88: {  	s2 =	sld [smem:$0x3FD9]  }
0x89: {  	s3 =	sld [smem:$0x3FFE];
	_ =	sdelay $0x1  }
0x8a: {  	s1 =	srdreg.scid  }
0x8b: {  	s0 =	sand.u32 $0x1, s1  }
0x8c: {  	s17 =	sshll.u32 s0, $0xA;
	s2 =	sadd.s32 s3, s2  }
0x8d: {  	s2 =	sadd.s32 s2, s17  }
0x8e: {  	[smem:$0x3FBA] =	sst s2  }
0x8f: {  	_ = 	snop  }
0x90: {  	s2 =	sld [smem:$0x3FC4];
	(tm) =	ssettm $0x1  }
0x91: {  	s18 =	sld [smem:$0x3FFB];
	_ =	sdelay $0x3  }
0x92: {  	_ =	strace s18  }
0x93: {  	s3 =	sld [smem:$0x3FFC];
	_ =	sdelay $0x3  }
0x94: {  	_ =	strace s3  }
0x95: {  	s3 =	sld [smem:$0x3FFD];
	_ =	sdelay $0x3  }
0x96: {  	_ =	strace s3  }
0x97: {  	_ =	strace $0x8FFFFFFF  }
0x98: {  	s19 =	sld [smem:$0x3FDB];
	_ =	sdelay $0x1  }
0x99: {  	s4 =	simm.s32 $_scs_section_size  }
0x9a: {  	s5 =	simm.s32 $_size__tile_overlayer_lowered;
	s6 =	simm.s32 $_tile_overlayer_lowered  }
0x9b: {  	s22 =	simm.s32 $0x1BFF;
	s21 =	sshll.u32 s6, $0x1;
	s3 =	sadd.s32 s4, s19  }
0x9c: {  	s7 =	simm.s32 $0x0;
	s20 =	sshll.u32 s5, $0x1;
	s5 =	sadd.s32 s21, s3  }
0x9d: {  	[timem:s7], [sflag:s22] =	dma.local [hbm:s5], s20  }
0x9e: {  	_ =	swait.ge [sflag:s22], s20  }
0x9f: {  	s4 =	ssub.s32 $0x0, s20;
	[sflag:s22] =	ssyncset.done $0x0  }
0xa0: {  	[sflag:s22] =	ssyncadd.s32 s4;
	_ =	sdelay $0x1  }
0xa1: {  	s23 =	simm.s32 $0x1B8B  }
0xa2: {  	_ =	swait.ge [sflag:s23], $0x1  }
0xa3: {  	[sflag:s23] =	ssyncset.done $0x0  }
0xa4: {  	s25 =	simm.s32 $0x1B8E;
	s24 =	sld [smem:$0x3FFE];
	[sflag:s23] =	ssyncadd.s32 $0xFFFFFFFF  }
0xa5: {  	s26 =	simm.s32 $execute0_lowered;
	[smem:$0x3FD2] =	sst s25  }
0xa6: {  	s5 =	sshll.u32 s26, $0x1;
	_ =	strace $0x80000046;
	[dreg:$0x1] =	wrdreg $0xFFFFFFFF  }
0xa7: {  	s28 =	simm.s32 $_size_execute0_lowered;
	s3 =	sadd.s32 s3, s5;
	[dreg:$0x0] =	wrdreg $0x0  }
0xa8: {  	s5 =	sshll.u32 s28, $0x1;
	[dreg:$0x2] =	wrdreg s3  }
0xa9: {  	[dreg:$0x3] =	wrdreg s5  }
0xaa: {  	[dreg:$0x4] =	wrdreg $0xC0  }
0xab: {  	_ =	task [dreg:s7], $0x5FFFF  }
0xac: {  	[dreg:$0x1] =	wrdreg $0xFFFFFFFF  }
0xad: {  	[dreg:$0x0] =	wrdreg $0x60  }
0xae: {  	[dreg:$0x2] =	wrdreg s2  }
0xaf: {  	[dreg:$0x3] =	wrdreg s24  }
0xb0: {  	[dreg:$0x4] =	wrdreg $0x9  }
0xb1: {  	_ =	task.clear_ibuf [dreg:s7], $0x5FFFF;
	_ =	strace $0x90000046  }
0xb2: {  	s29 =	simm.s32 $0x9;
	_ =	strace $0x80000048  }
0xb3: {  	_ =	swait.ge [sflag:s29], $0x1  }
0xb4: {  	[sflag:s29] =	ssyncadd.s32 $0xFFFFFFFF  }
0xb5: {  	_ =	strace $0x90000048  }
0xb6: {  	_ =	sfence  }
0xb7: {  	s30 =	sld [smem:$0x0];
	_ =	sdelay $0x2  }
0xb8: {  	s31 =	sshll.u32 s1, $0xD;
	s1 =	sshrl.u32 s1, $0x2  }
0xb9: {  	s3 =	sand.u32 $0x4000, s31;
	s1 =	sadd.s32 s1, s30  }
0xba: {  	s0 =	sor.u32 s3, s0;
	s1 =	sshll.u32 s1, $0x11  }
0xbb: {  	s0 =	sor.u32 s1, s0  }
0xbc: {  	s0 =	sadd.s32 $0x8F2B, s0  }
0xbd: {  	[sflag:s0] =	ssyncadd.remote.s32 $0x1  }
0xbe: {  	_ =	sfence.sel $0xFFFF  }
0xbf: {  	[dreg:$0x0] =	wrdreg $0xFFFFFFFF;
	(pc) =	sbr.abs _section_cstart, $3  }
0xc0: {  	[dreg:$0x1] =	wrdreg $0xFFFFFFFF  }
0xc1: {  	_ =	task.clear_ibuf [dreg:s7], $0x2FFFF;
	_ =	strace $0x9FFFFFFF  }
0xc2: {  	(tm) =	ssettm $0x7FFFFFFF  }
0xc3: {  	_ =	shalt  }
tec
execute0_lowered:
.L_overlay_start_1:
0x0: {  	(tag) =	ssettag $0x1  }
0x1: {  	s2 =	rddreg [dreg:$0x0];
	s0 =	srdreg.scid  }
0x2: {  	s9 =	rddreg [dreg:$0x1];
	s1 =	stileid.u32;
	s0 =	sand.u32 $0x1, s0  }
0x3: {  	s3 =	simm.s32 $0x0;
	s25 =	sshll.u32 s1, $0xA;
	s4 =	sshll.u32 s0, $0x9  }
0x4: {  	[smem:$0x7FF] =	sst s3;
	s24 =	sadd.s32 $0x1A00, s9;
	s4 =	sor.u32 s4, s25  }
0x5: {  	s5 =	sshll.u32 s1, $0x1;
	_ =	strace $0x80000047;
	s4 =	sshrl.u32 s4, $0x3  }
0x6: {  	s23 =	sor.u32 s0, s5;
	s5 =	simm.s32 $0x2;
	s4 =	sadd.s32 s24, s4  }
0x7: {  	[tilespmem:s3], [sflag:$0x2] =	stream.linear.gather [hbm4b:s4+s3], $0x80, $0x38;
	[tilespmem:$0x2880] =	vst v63  }
0x8: {  	_ =	swait.ge [sflag:s5], $0x80  }
0x9: {  	s6 =	simm.s32 $0x50;
	s7 =	simm.s32 $0x80;
	[sflag:s5] =	ssyncset.done $0x0  }
0xa: {  	s8 =	simm.s32 $0x1;
	s13 =	sshll.u32 s23, $0x2;
	[sflag:s5] =	ssyncadd.s32 $0xFFFFFF80  }
0xb: {  	[tilespmem:s7], [sflag:$0x1] =	stream.indirect.gather [hbm4b:s2+s6], $0x80, s3, s6, $0xb8;
	[tilespmem:$0x2880] =	vst v63  }
0xc: {  	s10 =	smul.u32 $0x1400, s23;
	s16 =	sor.u32 $0x1, s13;
	_ =	swait.ge [sflag:s8], $0x2800  }
0xd: {  	s29 =	sadd.s32 $0x2200, s9;
	s11 =	sshll.u32 s16, $0x7;
	[sflag:s8] =	ssyncset.done $0x0  }
0xe: {  	s9 =	sadd.s32 s29, s10;
	s11 =	sand.u32 $0x280, s11;
	[sflag:s8] =	ssyncadd.s32 $0xFFFFD800  }
0xf: {  	[hbm4b:s9+s3] =	stream.linear.scatter [tilespmem:s7], [sflag:$0x2], $0x2800, $0x38;
	[tilespmem:$0x2880] =	vst v63  }
0x10: {  	p0 =	seq.s32 s23, $0x1F;
	s26 =	sor.u32 s25, s11;
	_ =	swait.ge [sflag:s5], $0x2800  }
0x11: {  	s12 =	simm.s32 @!p0 $0x2;
	s10 =	sshrl.u32 s26, $0x3;
	[sflag:s5] =	ssyncset.done $0x0  }
0x12: {  	s11 =	simm.s32 @!p0 $0x0;
	s10 =	sadd.s32 s24, s10;
	[sflag:s5] =	ssyncadd.s32 $0xFFFFD800  }
0x13: {  	[tilespmem:s11], [sflag:$0x2] =	stream.linear.gather @!p0 [hbm4b:s10+s11], $0x80, $0x38;
	[tilespmem:$0x2880] =	vst v63  }
0x14: {  	s14 =	simm.s32 @!p0 $0x50;
	_ =	swait.ge @!p0 [sflag:s12], $0x80  }
0x15: {  	s15 =	simm.s32 @!p0 $0x80;
	s16 =	smul.u32 $0x500, s16;
	[sflag:s12] =	ssyncset.done @!p0 $0x0  }
0x16: {  	s26 =	sor.u32 $0x2, s13;
	s13 =	simm.s32 @!p0 $0x1;
	[sflag:s12] =	ssyncadd.s32 @!p0 $0xFFFFFF80  }
0x17: {  	[tilespmem:s15], [sflag:$0x1] =	stream.indirect.gather @!p0 [hbm4b:s2+s14], $0x80, s11, s14, $0xb8;
	[tilespmem:$0x2880] =	vst v63  }
0x18: {  	_ =	swait.ge @!p0 [sflag:s13], $0x2800  }
0x19: {  	s16 =	sadd.s32 s29, s16;
	s17 =	sshll.u32 s26, $0x7;
	[sflag:s13] =	ssyncset.done @!p0 $0x0  }
0x1a: {  	s17 =	sand.u32 $0x300, s17;
	[dreg:$0x3] =	wrdreg s29;
	[sflag:s13] =	ssyncadd.s32 @!p0 $0xFFFFD800  }
0x1b: {  	[hbm4b:s16+s11] =	stream.linear.scatter @!p0 [tilespmem:s15], [sflag:$0x2], $0x2800, $0x38;
	[tilespmem:$0x2880] =	vst v63  }
0x1c: {  	p1 =	sgt.u32 s26, $0x7C;
	s17 =	sor.u32 s25, s17;
	_ =	swait.ge @!p0 [sflag:s12], $0x2800  }
0x1d: {  	s18 =	simm.s32 @!p1 $0x0;
	s17 =	sshrl.u32 s17, $0x3;
	[sflag:s12] =	ssyncset.done @!p0 $0x0  }
0x1e: {  	s19 =	simm.s32 @!p1 $0x2;
	s17 =	sadd.s32 s24, s17;
	[sflag:s12] =	ssyncadd.s32 @!p0 $0xFFFFD800  }
0x1f: {  	[tilespmem:s18], [sflag:$0x2] =	stream.linear.gather @!p1 [hbm4b:s17+s18], $0x80, $0x38;
	[tilespmem:$0x2880] =	vst v63  }
0x20: {  	s0 =	ssub.s32 $0x2, s0;
	_ =	swait.ge @!p1 [sflag:s19], $0x80  }
0x21: {  	s1 =	sshllo.u32 s23, $0x2;
	s20 =	simm.s32 @!p1 $0x50;
	[sflag:s19] =	ssyncset.done @!p1 $0x0  }
0x22: {  	s21 =	simm.s32 @!p1 $0x80;
	s22 =	simm.s32 @!p1 $0x1;
	[sflag:s19] =	ssyncadd.s32 @!p1 $0xFFFFFF80  }
0x23: {  	[tilespmem:s21], [sflag:$0x1] =	stream.indirect.gather @!p1 [hbm4b:s2+s20], $0x80, s18, s20, $0xb8;
	[tilespmem:$0x2880] =	vst v63  }
0x24: {  	s31 =	sshrl.u32 s0, $0x1;
	s26 =	smul.u32 $0x500, s26;
	_ =	swait.ge @!p1 [sflag:s22], $0x2800  }
0x25: {  	s28 =	sshll.u32 s1, $0x7;
	p2 =	sgt.u32 s1, $0x7C;
	[sflag:s22] =	ssyncset.done @!p1 $0x0  }
0x26: {  	s23 =	sadd.s32 s29, s26;
	s26 =	sand.u32 $0x380, s28;
	[sflag:s22] =	ssyncadd.s32 @!p1 $0xFFFFD800  }
0x27: {  	[hbm4b:s23+s18] =	stream.linear.scatter @!p1 [tilespmem:s21], [sflag:$0x2], $0x2800, $0x38;
	[tilespmem:$0x2880] =	vst v63  }
0x28: {  	s0 =	ssub.s32 s0, s31;
	s25 =	sor.u32 s25, s26;
	_ =	swait.ge @!p1 [sflag:s19], $0x2800  }
0x29: {  	s26 =	simm.s32 @!p2 $0x0;
	s25 =	sshrl.u32 s25, $0x3;
	[sflag:s19] =	ssyncset.done @!p1 $0x0  }
0x2a: {  	s25 =	sadd.s32 s24, s25;
	s24 =	simm.s32 @!p2 $0x2;
	[sflag:s19] =	ssyncadd.s32 @!p1 $0xFFFFD800  }
0x2b: {  	[tilespmem:s26], [sflag:$0x2] =	stream.linear.gather @!p2 [hbm4b:s25+s26], $0x80, $0x38;
	[tilespmem:$0x2880] =	vst v63  }
0x2c: {  	s0 =	smax.u32 s0, $0x1;
	_ =	swait.ge @!p2 [sflag:s24], $0x80  }
0x2d: {  	s30 =	simm.s32 @!p2 $0x1;
	s0 =	sadd.s32 $0xFFFFFFFF, s0;
	[sflag:s24] =	ssyncset.done @!p2 $0x0  }
0x2e: {  	s28 =	simm.s32 @!p2 $0x50;
	s29 =	simm.s32 @!p2 $0x80;
	[sflag:s24] =	ssyncadd.s32 @!p2 $0xFFFFFF80  }
0x2f: {  	[tilespmem:s29], [sflag:$0x1] =	stream.indirect.gather @!p2 [hbm4b:s2+s28], $0x80, s26, s28, $0xb8;
	[tilespmem:$0x2880] =	vst v63  }
0x30: {  	s1 =	smul.u32 $0x500, s1;
	p3 =	sne.s32 s0, $0x0;
	_ =	swait.ge @!p2 [sflag:s30], $0x2800  }
.Ltmp0:
0x31: {  	[sflag:s30] =	ssyncset.done @!p2 $0x0;
	s31 =	rddreg [dreg:$0x3];
	(pc) =	sbr.rel @!p3 .LBB2_2-.Ltmp0, $4  }
0x32: {  	s31 =	sadd.s32 s31, s1;
	[sflag:s30] =	ssyncadd.s32 @!p2 $0xFFFFD800  }
0x33: {  	[hbm4b:s31+s26] =	stream.linear.scatter @!p2 [tilespmem:s29], [sflag:$0x2], $0x2800, $0x38;
	[tilespmem:$0x2880] =	vst v63  }
0x34: {  	_ =	swait.ge @!p2 [sflag:s24], $0x2800  }
0x35: {  	[sflag:s24] =	ssyncset.done @!p2 $0x0  }
.LBB2_1:
0x36: {  	s0 =	sadd.s32 $0xFFFFFFFF, s0;
	[sflag:s24] =	ssyncadd.s32 @!p2 $0xFFFFD800  }
0x37: {  	[tilespmem:s3], [sflag:$0x2] =	stream.linear.gather [hbm4b:s4+s3], $0x80, $0x38;
	[tilespmem:$0x2880] =	vst v63  }
0x38: {  	p3 =	sne.s32 s0, $0x0;
	_ =	swait.ge [sflag:s5], $0x80  }
0x39: {  	[sflag:s5] =	ssyncset.done $0x0  }
0x3a: {  	[sflag:s5] =	ssyncadd.s32 $0xFFFFFF80  }
0x3b: {  	[tilespmem:s7], [sflag:$0x1] =	stream.indirect.gather [hbm4b:s2+s6], $0x80, s3, s6, $0xb8;
	[tilespmem:$0x2880] =	vst v63  }
0x3c: {  	_ =	swait.ge [sflag:s8], $0x2800  }
0x3d: {  	[sflag:s8] =	ssyncset.done $0x0  }
0x3e: {  	[sflag:s8] =	ssyncadd.s32 $0xFFFFD800  }
0x3f: {  	[hbm4b:s9+s3] =	stream.linear.scatter [tilespmem:s7], [sflag:$0x2], $0x2800, $0x38;
	[tilespmem:$0x2880] =	vst v63  }
0x40: {  	_ =	swait.ge [sflag:s5], $0x2800  }
0x41: {  	[sflag:s5] =	ssyncset.done $0x0  }
0x42: {  	[sflag:s5] =	ssyncadd.s32 $0xFFFFD800  }
0x43: {  	[tilespmem:s11], [sflag:$0x2] =	stream.linear.gather @!p0 [hbm4b:s10+s11], $0x80, $0x38;
	[tilespmem:$0x2880] =	vst v63  }
0x44: {  	_ =	swait.ge @!p0 [sflag:s12], $0x80  }
0x45: {  	[sflag:s12] =	ssyncset.done @!p0 $0x0  }
0x46: {  	[sflag:s12] =	ssyncadd.s32 @!p0 $0xFFFFFF80  }
0x47: {  	[tilespmem:s15], [sflag:$0x1] =	stream.indirect.gather @!p0 [hbm4b:s2+s14], $0x80, s11, s14, $0xb8;
	[tilespmem:$0x2880] =	vst v63  }
0x48: {  	_ =	swait.ge @!p0 [sflag:s13], $0x2800  }
0x49: {  	[sflag:s13] =	ssyncset.done @!p0 $0x0  }
0x4a: {  	[sflag:s13] =	ssyncadd.s32 @!p0 $0xFFFFD800  }
0x4b: {  	[hbm4b:s16+s11] =	stream.linear.scatter @!p0 [tilespmem:s15], [sflag:$0x2], $0x2800, $0x38;
	[tilespmem:$0x2880] =	vst v63  }
0x4c: {  	_ =	swait.ge @!p0 [sflag:s12], $0x2800  }
0x4d: {  	[sflag:s12] =	ssyncset.done @!p0 $0x0  }
0x4e: {  	[sflag:s12] =	ssyncadd.s32 @!p0 $0xFFFFD800  }
0x4f: {  	[tilespmem:s18], [sflag:$0x2] =	stream.linear.gather @!p1 [hbm4b:s17+s18], $0x80, $0x38;
	[tilespmem:$0x2880] =	vst v63  }
0x50: {  	_ =	swait.ge @!p1 [sflag:s19], $0x80  }
0x51: {  	[sflag:s19] =	ssyncset.done @!p1 $0x0  }
0x52: {  	[sflag:s19] =	ssyncadd.s32 @!p1 $0xFFFFFF80  }
0x53: {  	[tilespmem:s21], [sflag:$0x1] =	stream.indirect.gather @!p1 [hbm4b:s2+s20], $0x80, s18, s20, $0xb8;
	[tilespmem:$0x2880] =	vst v63  }
0x54: {  	_ =	swait.ge @!p1 [sflag:s22], $0x2800  }
0x55: {  	[sflag:s22] =	ssyncset.done @!p1 $0x0  }
0x56: {  	[sflag:s22] =	ssyncadd.s32 @!p1 $0xFFFFD800  }
0x57: {  	[hbm4b:s23+s18] =	stream.linear.scatter @!p1 [tilespmem:s21], [sflag:$0x2], $0x2800, $0x38;
	[tilespmem:$0x2880] =	vst v63  }
0x58: {  	_ =	swait.ge @!p1 [sflag:s19], $0x2800  }
0x59: {  	[sflag:s19] =	ssyncset.done @!p1 $0x0  }
0x5a: {  	[sflag:s19] =	ssyncadd.s32 @!p1 $0xFFFFD800  }
0x5b: {  	[tilespmem:s26], [sflag:$0x2] =	stream.linear.gather @!p2 [hbm4b:s25+s26], $0x80, $0x38;
	[tilespmem:$0x2880] =	vst v63  }
0x5c: {  	_ =	swait.ge @!p2 [sflag:s24], $0x80  }
0x5d: {  	[sflag:s24] =	ssyncset.done @!p2 $0x0  }
0x5e: {  	[sflag:s24] =	ssyncadd.s32 @!p2 $0xFFFFFF80  }
0x5f: {  	[tilespmem:s29], [sflag:$0x1] =	stream.indirect.gather @!p2 [hbm4b:s2+s28], $0x80, s26, s28, $0xb8;
	[tilespmem:$0x2880] =	vst v63  }
0x60: {  	_ =	swait.ge @!p2 [sflag:s30], $0x2800  }
.Ltmp1:
0x61: {  	[sflag:s30] =	ssyncset.done @!p2 $0x0;
	(pc) =	sbr.rel @p3 .LBB2_1-.Ltmp1, $4  }
0x62: {  	[sflag:s30] =	ssyncadd.s32 @!p2 $0xFFFFD800  }
0x63: {  	[hbm4b:s31+s26] =	stream.linear.scatter @!p2 [tilespmem:s29], [sflag:$0x2], $0x2800, $0x38;
	[tilespmem:$0x2880] =	vst v63  }
0x64: {  	_ =	swait.ge @!p2 [sflag:s24], $0x2800  }
0x65: {  	[sflag:s24] =	ssyncset.done @!p2 $0x0  }
.LBB2_2:
0x66: {  	[sflag:s24] =	ssyncadd.s32 @!p2 $0xFFFFD800  }
0x67: {  	_ =	sfence.sel $0x180000  }
0x68: {  	[bflag:$0x0] =	sbarrier.arrive $0xFFFF  }
0x69: {  	_ =	strace $0x90000047  }
0x6a: {  	s0 =	stileid.u32;
	[bflag:$0x2] =	sbarrier.arrive $0xFFFF  }
0x6b: {  	p0 =	sne.s32 s0, $0x0;
	s0 =	rddreg [dreg:$0x2]  }
0x6c: {  	s0 =	sadd.s32 @!p0 $0x100000, s0  }
0x6d: {  	[sflag:s0] =	ssyncadd.tile.s32 @!p0 $0x1;
	_ =	shalt  }
.Lfunc_end2:
_tile_overlayer_lowered:
.L_overlay_start_2:
0x6e: {  	(tag) =	ssettag $0x2  }
0x6f: {  	s0 =	rddreg [dreg:$0x0];
	s2 =	stileid.u32  }
0x70: {  	s1 =	rddreg [dreg:$0x1];
	p0 =	sne.s32 s2, $0x0  }
0x71: {  	s3 =	rddreg [dreg:$0x2];
	[bflag:$0x3] =	sbarrier.arrive $0xFFFF;
	s2 =	simm.s32 @!p0 $0x1C02  }
0x72: {  	[timem:s3], [sflag:s2] =	dma.local @!p0 [hbm:s0], s1  }
0x73: {  	s0 =	simm.s32 @!p0 $0x2  }
0x74: {  	_ =	swait.ge @!p0 [sflag:s0], s1  }
0x75: {  	s1 =	ssub.s32 @!p0 $0x0, s1;
	[sflag:s0] =	ssyncset.done @!p0 $0x0  }
0x76: {  	[sflag:s0] =	ssyncadd.s32 @!p0 s1  }
0x77: {  	[bflag:$0x3] =	sbarrier.arrive $0xFFFF  }
0x78: {  	_ =	shalt  }

// kernel: kernel.9.cloned.1.call-start
scs
__scs_entry_jumppad:
0x0: {  	(pc) =	sbr.rel $0x88, $3  }
0x1: {  	(tag) =	ssettag $0x0;
	lr =	simm.s32 $0x1  }
0x2: {  	[smem:$0x3F93] =	sst lr;
	_ =	strace $0xD0000000  }
0x3: {  	_ = 	snop  }
0x4: {  	_ = 	snop  }
0x5: {  	_ = 	snop  }
0x6: {  	_ = 	snop  }
0x7: {  	_ = 	snop  }
__scs_overlays_trampoline_lowered:
0x8: {  	[smem:$0x3FA2] =	sst s0  }
0x9: {  	[smem:$0x3FA3] =	sst s1  }
0xa: {  	[smem:$0x3FA4] =	sst s2  }
0xb: {  	[smem:$0x3FA5] =	sst s3  }
0xc: {  	[smem:$0x3FA6] =	sst s4  }
0xd: {  	[smem:$0x3FA7] =	sst s5  }
0xe: {  	[smem:$0x3FA8] =	sst s6  }
0xf: {  	[smem:$0x3FA9] =	sst s7  }
0x10: {  	[smem:$0x3FAA] =	sst s8  }
0x11: {  	[smem:$0x3FAB] =	sst s9;
	s0 =	simm.s32 @!p0 $0x0  }
0x12: {  	s1 =	sld [smem:$0x3F91];
	s0 =	simm.s32 @p0 $0x1  }
0x13: {  	[smem:$0x3FAC] =	sst s0;
	s0 =	simm.s32 @!p1 $0x0  }
0x14: {  	s2 =	sld [smem:$0x3F90];
	s0 =	simm.s32 @p1 $0x1  }
0x15: {  	[smem:$0x3FAD] =	sst s0;
	s0 =	simm.s32 @!p2 $0x0  }
0x16: {  	s3 =	sld [smem:$0x3FDB];
	s0 =	simm.s32 @p2 $0x1  }
0x17: {  	s4 =	simm.s32 $0x1BF5;
	[smem:$0x3FAF] =	sst s0  }
0x18: {  	s0 =	sld [smem:$0x3F92];
	_ =	swait.ge [sflag:s4], $0x0  }
0x19: {  	s7 =	sld [smem:$0x3F93]  }
0x1a: {  	s8 =	sadd.s32 $0xFFFFE003, lr  }
0x1b: {  	s9 =	sadd.s32 $0xFFFFFEF7, lr;
	s5 =	simm.s32 $0xFFFFFFFF;
	p2 =	slt.u32 s8, $0xFFFFF086  }
0x1c: {  	p1 =	slt.u32 s9, $0xF7A;
	s5 =	simm.s32 @!p2 $0x0  }
0x1d: {  	s5 =	simm.s32 @p1 $0x1;
	p0 =	seq.s32 s7, s2  }
0x1e: {  	s7 =	smul.u32 @!p0 $0xF7A, s2;
	p2 =	seq.s32 @!p0 s5, $0x0  }
0x1f: {  	s9 =	smul.u32 $0xF7A, s1;
	s8 =	simm.s32 @!p0 $0x1BF5;
	p2 =	por !p2, p0  }
0x20: {  	[sflag:s8] =	ssyncset.s32 @!p0 $0xFFFFF086;
	s6 =	sadd.s32 @!p0 s3, s7;
	s7 =	simm.s32 @!p0 $0x108  }
0x21: {  	s3 =	sadd.s32 s3, s9;
	s6 =	sadd.s32 @!p0 $0x88, s6;
	s7 =	simm.s32 @p2 $0x1082  }
0x22: {  	[simem:s7], [sflag:s8] =	dma.local @!p0 [hbm:s6], $0xF7A  }
0x23: {  	s9 =	sor.u32 $0xD0000000, s2;
	s6 =	simm.s32 $0x108;
	_ =	swait.ge @!p0 [sflag:s8], $0x0  }
0x24: {  	s3 =	sadd.s32 $0x88, s3;
	s6 =	simm.s32 @!p1 $0x1082;
	[sflag:s4] =	ssyncset.s32 $0xFFFFF086  }
0x25: {  	[simem:s6], [sflag:s4] =	dma.local [hbm:s3], $0xF7A  }
0x26: {  	[smem:$0x3F93] =	sst s1;
	(tag) =	ssettag s2;
	_ =	strace s9  }
0x27: {  	s1 =	sld [smem:$0x3FA3]  }
0x28: {  	s2 =	sld [smem:$0x3FA4]  }
0x29: {  	s4 =	sld [smem:$0x3FA6]  }
0x2a: {  	p0 =	seq.s32 s5, $0x0;
	s5 =	sld [smem:$0x3FA7]  }
0x2b: {  	s6 =	sld [smem:$0x3FA8]  }
0x2c: {  	s7 =	sld [smem:$0x3FA9]  }
0x2d: {  	s3 =	simm.s32 $0x108;
	s8 =	sld [smem:$0x3FAA]  }
0x2e: {  	s3 =	simm.s32 @!p0 $0x1082;
	s9 =	sld [smem:$0x3FAB]  }
0x2f: {  	lr =	sadd.s32 s0, s3;
	s0 =	sld [smem:$0x3FA2]  }
0x30: {  	s3 =	sld [smem:$0x3FA5]  }
0x31: {  	[smem:$0x3FAE] =	sst s10  }
0x32: {  	s10 =	sld [smem:$0x3FAC];
	_ =	sdelay $0x3  }
0x33: {  	p0 =	seq.s32 s10, $0x1;
	s10 =	sld [smem:$0x3FAE];
	_ =	sdelay $0x3  }
0x34: {  	[smem:$0x3FAE] =	sst s10  }
0x35: {  	s10 =	sld [smem:$0x3FAD];
	_ =	sdelay $0x3  }
0x36: {  	p1 =	seq.s32 s10, $0x1;
	s10 =	sld [smem:$0x3FAE];
	_ =	sdelay $0x3  }
0x37: {  	[smem:$0x3FAE] =	sst s10  }
0x38: {  	s10 =	sld [smem:$0x3FAF]  }
0x39: {  	_ = 	snop;
	(pc) =	sbr.ind lr, $3  }
0x3a: {  	_ = 	snop  }
0x3b: {  	_ = 	snop  }
0x3c: {  	p2 =	seq.s32 s10, $0x1;
	s10 =	sld [smem:$0x3FAE]  }
0x3d: {  	_ =	shalt  }
0x3e: {  	_ =	shalt  }
0x3f: {  	_ =	shalt  }
0x40: {  	_ =	shalt  }
0x41: {  	_ =	shalt  }
0x42: {  	_ =	shalt  }
0x43: {  	_ =	shalt  }
0x44: {  	_ =	shalt  }
0x45: {  	_ =	shalt  }
0x46: {  	_ =	shalt  }
0x47: {  	_ =	shalt  }
0x48: {  	_ =	shalt  }
0x49: {  	_ =	shalt  }
0x4a: {  	_ =	shalt  }
0x4b: {  	_ =	shalt  }
0x4c: {  	_ =	shalt  }
0x4d: {  	_ =	shalt  }
0x4e: {  	_ =	shalt  }
0x4f: {  	_ =	shalt  }
0x50: {  	_ =	shalt  }
0x51: {  	_ =	shalt  }
0x52: {  	_ =	shalt  }
0x53: {  	_ =	shalt  }
0x54: {  	_ =	shalt  }
0x55: {  	_ =	shalt  }
0x56: {  	_ =	shalt  }
0x57: {  	_ =	shalt  }
0x58: {  	_ =	shalt  }
0x59: {  	_ =	shalt  }
0x5a: {  	_ =	shalt  }
0x5b: {  	_ =	shalt  }
0x5c: {  	_ =	shalt  }
0x5d: {  	_ =	shalt  }
0x5e: {  	_ =	shalt  }
0x5f: {  	_ =	shalt  }
0x60: {  	_ =	shalt  }
0x61: {  	_ =	shalt  }
0x62: {  	_ =	shalt  }
0x63: {  	_ =	shalt  }
0x64: {  	_ =	shalt  }
0x65: {  	_ =	shalt  }
0x66: {  	_ =	shalt  }
0x67: {  	_ =	shalt  }
0x68: {  	_ =	shalt  }
0x69: {  	_ =	shalt  }
0x6a: {  	_ =	shalt  }
0x6b: {  	_ =	shalt  }
0x6c: {  	_ =	shalt  }
0x6d: {  	_ =	shalt  }
0x6e: {  	_ =	shalt  }
0x6f: {  	_ =	shalt  }
0x70: {  	_ =	shalt  }
0x71: {  	_ =	shalt  }
0x72: {  	_ =	shalt  }
0x73: {  	_ =	shalt  }
0x74: {  	_ =	shalt  }
0x75: {  	_ =	shalt  }
0x76: {  	_ =	shalt  }
0x77: {  	_ =	shalt  }
0x78: {  	_ =	shalt  }
0x79: {  	_ =	shalt  }
0x7a: {  	_ =	shalt  }
0x7b: {  	_ =	shalt  }
0x7c: {  	_ =	shalt  }
0x7d: {  	_ =	shalt  }
0x7e: {  	_ =	shalt  }
0x7f: {  	_ =	shalt  }
0x80: {  	_ =	shalt  }
0x81: {  	_ =	shalt  }
0x82: {  	_ =	shalt  }
0x83: {  	_ =	shalt  }
0x84: {  	_ =	shalt  }
0x85: {  	_ =	shalt  }
0x86: {  	_ =	shalt  }
0x87: {  	_ =	shalt  }
.Lfunc_end0:
.L_simem_size_0:
called_computation.1_lowered:
.L_overlay_start_0:
0x88: {  	s2 =	sld [smem:$0x3FD9]  }
0x89: {  	s3 =	sld [smem:$0x3FFE];
	_ =	sdelay $0x1  }
0x8a: {  	s1 =	srdreg.scid  }
0x8b: {  	s0 =	sand.u32 $0x1, s1  }
0x8c: {  	s16 =	sshll.u32 s0, $0xA;
	s2 =	sadd.s32 s3, s2  }
0x8d: {  	s2 =	sadd.s32 s2, s16  }
0x8e: {  	[smem:$0x3FBA] =	sst s2  }
0x8f: {  	_ = 	snop  }
0x90: {  	(tm) =	ssettm $0x1  }
0x91: {  	s17 =	sld [smem:$0x3FFB];
	_ =	sdelay $0x3  }
0x92: {  	_ =	strace s17  }
0x93: {  	s2 =	sld [smem:$0x3FFC];
	_ =	sdelay $0x3  }
0x94: {  	_ =	strace s2  }
0x95: {  	s2 =	sld [smem:$0x3FFD];
	_ =	sdelay $0x3  }
0x96: {  	_ =	strace s2  }
0x97: {  	_ =	strace $0x8FFFFFFF  }
0x98: {  	s18 =	sld [smem:$0x3FDB];
	_ =	sdelay $0x1  }
0x99: {  	s19 =	simm.s32 $_scs_section_size  }
0x9a: {  	s4 =	simm.s32 $_size__tile_overlayer_lowered;
	s5 =	simm.s32 $_tile_overlayer_lowered  }
0x9b: {  	s22 =	simm.s32 $0x1BFF;
	s21 =	sshll.u32 s5, $0x1;
	s2 =	sadd.s32 s19, s18  }
0x9c: {  	s6 =	simm.s32 $0x0;
	s20 =	sshll.u32 s4, $0x1;
	s4 =	sadd.s32 s21, s2  }
0x9d: {  	[timem:s6], [sflag:s22] =	dma.local [hbm:s4], s20  }
0x9e: {  	_ =	swait.ge [sflag:s22], s20  }
0x9f: {  	s3 =	ssub.s32 $0x0, s20;
	[sflag:s22] =	ssyncset.done $0x0  }
0xa0: {  	[sflag:s22] =	ssyncadd.s32 s3;
	_ =	sdelay $0x1  }
0xa1: {  	s23 =	simm.s32 $0x1B8B  }
0xa2: {  	_ =	swait.ge [sflag:s23], $0x1  }
0xa3: {  	[sflag:s23] =	ssyncset.done $0x0  }
0xa4: {  	s25 =	simm.s32 $0x1B8E;
	s24 =	sld [smem:$0x3FFE];
	[sflag:s23] =	ssyncadd.s32 $0xFFFFFFFF  }
0xa5: {  	s26 =	simm.s32 $execute0_lowered;
	[smem:$0x3FD2] =	sst s25  }
0xa6: {  	s4 =	sshll.u32 s26, $0x1;
	_ =	strace $0x80000049;
	[dreg:$0x1] =	wrdreg $0xFFFFFFFF  }
0xa7: {  	s28 =	simm.s32 $_size_execute0_lowered;
	s2 =	sadd.s32 s2, s4;
	[dreg:$0x0] =	wrdreg $0x0  }
0xa8: {  	s4 =	sshll.u32 s28, $0x1;
	[dreg:$0x2] =	wrdreg s2  }
0xa9: {  	[dreg:$0x3] =	wrdreg s4  }
0xaa: {  	[dreg:$0x4] =	wrdreg $0xC0  }
0xab: {  	_ =	task [dreg:s6], $0x5FFFF  }
0xac: {  	[dreg:$0x1] =	wrdreg $0xFFFFFFFF  }
0xad: {  	[dreg:$0x0] =	wrdreg $0x60  }
0xae: {  	[dreg:$0x2] =	wrdreg s24  }
0xaf: {  	[dreg:$0x3] =	wrdreg $0xAC000  }
0xb0: {  	[dreg:$0x4] =	wrdreg $0x9  }
0xb1: {  	_ =	task.clear_ibuf [dreg:s6], $0x5FFFF;
	_ =	strace $0x90000049  }
0xb2: {  	s29 =	simm.s32 $0x9;
	_ =	strace $0x8000004B  }
0xb3: {  	_ =	swait.ge [sflag:s29], $0x1  }
0xb4: {  	[sflag:s29] =	ssyncadd.s32 $0xFFFFFFFF  }
0xb5: {  	_ =	strace $0x9000004B  }
0xb6: {  	_ =	sfence  }
0xb7: {  	s30 =	sld [smem:$0x0];
	_ =	sdelay $0x2  }
0xb8: {  	s31 =	sshll.u32 s1, $0xD;
	s1 =	sshrl.u32 s1, $0x2  }
0xb9: {  	s3 =	sand.u32 $0x4000, s31;
	s1 =	sadd.s32 s1, s30  }
0xba: {  	s0 =	sor.u32 s3, s0;
	s1 =	sshll.u32 s1, $0x11  }
0xbb: {  	s0 =	sor.u32 s1, s0  }
0xbc: {  	s0 =	sadd.s32 $0x8F2B, s0  }
0xbd: {  	[sflag:s0] =	ssyncadd.remote.s32 $0x1  }
0xbe: {  	_ =	sfence.sel $0xFFFF  }
0xbf: {  	[dreg:$0x0] =	wrdreg $0xFFFFFFFF;
	(pc) =	sbr.abs _section_cstart, $3  }
0xc0: {  	[dreg:$0x1] =	wrdreg $0xFFFFFFFF  }
0xc1: {  	_ =	task.clear_ibuf [dreg:s6], $0x2FFFF;
	_ =	strace $0x9FFFFFFF  }
0xc2: {  	(tm) =	ssettm $0x7FFFFFFF  }
0xc3: {  	_ =	shalt  }
tec
execute0_lowered:
.L_overlay_start_1:
0x0: {  	(tag) =	ssettag $0x1  }
0x1: {  	s0 =	rddreg [dreg:$0x0]  }
0x2: {  	s2 =	rddreg [dreg:$0x1]  }
0x3: {  	s1 =	srdreg.scid;
	s13 =	stileid.u32  }
0x4: {  	s3 =	simm.s32 $0x0;
	s1 =	sand.u32 $0x1, s1;
	s16 =	sshll.u32 s13, $0x1  }
0x5: {  	[smem:$0x7FF] =	sst s3;
	s18 =	smul.u32 $0x4E000, s13;
	s3 =	sor.u32 s1, s16  }
0x6: {  	s5 =	sadd.s32 $0x29400, s0;
	s8 =	ssub.s32 $0x2, s1;
	s12 =	smul.u32 $0x27100, s3  }
0x7: {  	s7 =	sadd.s32 $0x50B400, s0;
	s6 =	smul.u32 $0xFA00, s3;
	s9 =	sshrl.u32 s8, $0x1  }
0x8: {  	_ =	strace $0x8000004A;
	s8 =	ssub.s32 s8, s9;
	s19 =	sadd.s32 s5, s12  }
0x9: {  	s10 =	sshrl.u32 s6, $0x3;
	s14 =	smax.u32 s8, $0x1;
	[dreg:$0x6] =	wrdreg s19  }
0xa: {  	s21 =	sshrl.u32 s18, $0x2;
	s10 =	sadd.s32 s7, s10;
	[dreg:$0x13] =	wrdreg s14  }
0xb: {  	s19 =	sadd.s32 s21, s2;
	[dreg:$0x3] =	wrdreg s10  }
0xc: {  	s11 =	sadd.s32 $0x20, s10;
	[dreg:$0x8] =	wrdreg s19  }
0xd: {  	s10 =	sadd.s32 $0x40, s10;
	[dreg:$0x4] =	wrdreg s11  }
0xe: {  	s9 =	sadd.s32 $0x800, s19;
	[dreg:$0x5] =	wrdreg s10  }
0xf: {  	s23 =	sadd.s32 $0x1000, s19;
	[dreg:$0x9] =	wrdreg s9  }
0x10: {  	s24 =	sadd.s32 $0x1800, s19;
	[dreg:$0xa] =	wrdreg s23  }
0x11: {  	s25 =	sadd.s32 $0x2000, s19;
	[dreg:$0xb] =	wrdreg s24  }
0x12: {  	s26 =	sadd.s32 $0x2800, s19;
	[dreg:$0xc] =	wrdreg s25  }
0x13: {  	s29 =	sadd.s32 $0x3000, s19;
	[dreg:$0xd] =	wrdreg s26  }
0x14: {  	s12 =	sadd.s32 $0x4000, s19;
	[dreg:$0xe] =	wrdreg s29  }
0x15: {  	s17 =	smul.u32 $0x138800, s3;
	s15 =	sadd.s32 $0x4800, s19;
	[dreg:$0x11] =	wrdreg s12  }
0x16: {  	s16 =	sadd.s32 $0x5000, s19;
	[dreg:$0x14] =	wrdreg s15  }
0x17: {  	s20 =	sshrl.u32 s17, $0x3;
	s17 =	sadd.s32 $0x5800, s19;
	[dreg:$0x15] =	wrdreg s16  }
0x18: {  	s18 =	sadd.s32 $0x6000, s19;
	[dreg:$0x16] =	wrdreg s17  }
0x19: {  	s21 =	sadd.s32 $0x7000, s19;
	[dreg:$0x17] =	wrdreg s18  }
0x1a: {  	s22 =	smul.u32 $0x13800, s13;
	s8 =	sadd.s32 $0xB800, s19;
	[dreg:$0x19] =	wrdreg s21  }
0x1b: {  	p0 =	sne.s32 s13, $0xF;
	s13 =	sadd.s32 $0xD800, s19;
	[smem:$0x7EB] =	sst s8  }
0x1c: {  	s14 =	sadd.s32 $0xE000, s19;
	[smem:$0x7EF] =	sst s13  }
0x1d: {  	s11 =	smul.u32 $0x2710, s3;
	s10 =	sadd.s32 $0x3800, s19;
	[smem:$0x7F0] =	sst s14  }
0x1e: {  	s3 =	sadd.s32 s5, s20;
	s20 =	sadd.s32 $0x6800, s19;
	[dreg:$0xf] =	wrdreg s10  }
0x1f: {  	s23 =	sadd.s32 $0x8000, s19;
	[dreg:$0x18] =	wrdreg s20  }
0x20: {  	s24 =	sadd.s32 $0x8800, s19;
	[dreg:$0x1b] =	wrdreg s23  }
0x21: {  	s28 =	simm.s32 $0x5;
	s25 =	sadd.s32 $0x9000, s19;
	[dreg:$0x1c] =	wrdreg s24  }
0x22: {  	s30 =	simm.s32 $0x3;
	s26 =	sadd.s32 $0x9800, s19;
	[dreg:$0x1d] =	wrdreg s25  }
0x23: {  	s31 =	simm.s32 $0x7C00;
	s29 =	sadd.s32 $0xA000, s19;
	[dreg:$0x1e] =	wrdreg s26  }
0x24: {  	s4 =	sadd.s32 $0x2200, s0;
	s9 =	sadd.s32 $0xC000, s19;
	[dreg:$0x1f] =	wrdreg s29  }
0x25: {  	s0 =	sadd.s32 $0x549C00, s0;
	s12 =	sadd.s32 $0xD000, s19;
	[smem:$0x7EC] =	sst s9  }
0x26: {  	s1 =	smul.u32 $0x138800, s1;
	s15 =	sadd.s32 $0xE800, s19;
	[smem:$0x7EE] =	sst s12  }
0x27: {  	s16 =	sadd.s32 $0xF000, s19;
	s17 =	sadd.s32 $0xF800, s19;
	[smem:$0x7F1] =	sst s15  }
0x28: {  	s18 =	sadd.s32 $0x10000, s19;
	s21 =	sadd.s32 $0x11000, s19;
	[smem:$0x7F2] =	sst s16  }
0x29: {  	s8 =	simm.s32 $0xD;
	s14 =	simm.s32 $0x4;
	[smem:$0x7F3] =	sst s17  }
0x2a: {  	s13 =	simm.s32 $0x0;
	s3 =	sadd.s32 $0x280, s3;
	[smem:$0x7F4] =	sst s18  }
0x2b: {  	s10 =	sadd.s32 $0xC800, s19;
	s20 =	sadd.s32 $0x10800, s19;
	[smem:$0x7F6] =	sst s21  }
0x2c: {  	s23 =	sadd.s32 $0x12000, s19;
	s24 =	sadd.s32 $0x12800, s19;
	[dreg:$0x7] =	wrdreg s3  }
0x2d: {  	s25 =	sadd.s32 $0x13000, s19;
	s26 =	sadd.s32 $0x600, s6;
	[smem:$0x7ED] =	sst s10  }
0x2e: {  	s15 =	simm.s32 $0x100;
	s17 =	simm.s32 $0x1;
	[smem:$0x7F5] =	sst s20  }
0x2f: {  	s18 =	simm.s32 $0x28;
	s21 =	simm.s32 $0x2;
	[smem:$0x7F8] =	sst s23  }
0x30: {  	s9 =	simm.s32 $0x6;
	s16 =	simm.s32 $0xB;
	[smem:$0x7F9] =	sst s24  }
0x31: {  	s3 =	sadd.s32 s22, s1;
	s1 =	sshrl.u32 s1, $0x3;
	[smem:$0x7FA] =	sst s25  }
0x32: {  	s22 =	sadd.s32 $0x7800, s19;
	s24 =	sadd.s32 $0x138000, s2;
	[smem:$0x7FB] =	sst s26  }
0x33: {  	s29 =	sadd.s32 $0x50, s11;
	s25 =	simm.s32 $0xE;
	[dreg:$0x1a] =	wrdreg s22  }
0x34: {  	s26 =	simm.s32 $0x9;
	s20 =	simm.s32 $0x7;
	[smem:$0x7FC] =	sst s29  }
0x35: {  	s3 =	sshrl.u32 s3, $0x3;
	s22 =	sadd.s32 $0x11800, s19;
	[smem:$0x7FD] =	sst s24  }
0x36: {  	s23 =	simm.s32 $0xC;
	s3 =	sadd.s32 s0, s3;
	[smem:$0x7F7] =	sst s22  }
0x37: {  	s0 =	sadd.s32 s0, s1;
	s1 =	sadd.s32 $0xA800, s19;
	[dreg:$0x10] =	wrdreg s3  }
0x38: {  	s10 =	simm.s32 $0x8;
	s0 =	sadd.s32 $0x27000, s0;
	[smem:$0x7E9] =	sst s1  }
0x39: {  	s22 =	simm.s32 $0x6800;
	s3 =	sadd.s32 $0xB000, s19;
	[dreg:$0x12] =	wrdreg s0  }
0x3a: {  	v0 =	vimm.f32 $0.0e+00;
	s1 =	simm.s32 $0xA;
	[smem:$0x7EA] =	sst s3;
	s0 =	simm.s32 $0x9000  }
.LBB2_1:
0x3b: {  	[smem:$0x7E8] =	sst s13  }
0x3c: {  	s3 =	simm.s32 $0x0;
	s12 =	rddreg [dreg:$0x3]  }
0x3d: {  	[tilespmem:s3], [sflag:$0x1] =	stream.linear.gather [hbm4b:s12+s3], $0x100, $0x38;
	[tilespmem:$0x1E480] =	vst v63  }
0x3e: {  	s29 =	rddreg [dreg:$0x4]  }
0x3f: {  	[tilespmem:s15], [sflag:$0x2] =	stream.linear.gather [hbm4b:s29+s3], $0x100, $0x38;
	[tilespmem:$0x1E480] =	vst v63  }
0x40: {  	s13 =	rddreg [dreg:$0x5];
	s29 =	simm.s32 $0x200  }
0x41: {  	[tilespmem:s29], [sflag:$0x3] =	stream.linear.gather [hbm4b:s13+s3], $0x100, $0x38;
	[tilespmem:$0x1E480] =	vst v63  }
0x42: {  	_ =	swait.ge [sflag:s17], $0x100  }
0x43: {  	[sflag:s17] =	ssyncset.done $0x0  }
0x44: {  	s29 =	simm.s32 $0x5400;
	[sflag:s17] =	ssyncadd.s32 $0xFFFFFF00  }
0x45: {  	[tilespmem:s29], [sflag:$0x9] =	stream.indirect.gather [hbm4b:s4+s18], $0x80, s3, s18, $0xb8;
	[tilespmem:$0x1E480] =	vst v63  }
0x46: {  	s13 =	rddreg [dreg:$0x6];
	s29 =	simm.s32 $0x400  }
0x47: {  	[tilespmem:s29], [sflag:$0x5] =	stream.linear.gather [hbm4b:s13+s3], $0x1400, $0x38;
	[tilespmem:$0x1E480] =	vst v63  }
0x48: {  	_ =	swait.ge [sflag:s21], $0x100  }
0x49: {  	[sflag:s21] =	ssyncset.done $0x0  }
0x4a: {  	[sflag:s21] =	ssyncadd.s32 $0xFFFFFF00  }
0x4b: {  	[tilespmem:s22], [sflag:$0xA] =	stream.indirect.gather [hbm4b:s4+s18], $0x80, s15, s18, $0xb8;
	[tilespmem:$0x1E480] =	vst v63  }
0x4c: {  	s29 =	simm.s32 $0x1800;
	s13 =	rddreg [dreg:$0x7]  }
0x4d: {  	[tilespmem:s29], [sflag:$0x6] =	stream.linear.gather [hbm4b:s13+s3], $0x1400, $0x38;
	[tilespmem:$0x1E480] =	vst v63  }
0x4e: {  	[tilespmem:$0xA400] =	vst v0  }
0x4f: {  	[tilespmem:$0xA410] =	vst v0  }
0x50: {  	[tilespmem:$0xA420] =	vst v0  }
0x51: {  	[tilespmem:$0xA430] =	vst v0  }
0x52: {  	[tilespmem:$0xA440] =	vst v0  }
0x53: {  	[tilespmem:$0xA450] =	vst v0  }
0x54: {  	[tilespmem:$0xA460] =	vst v0  }
0x55: {  	[tilespmem:$0xA470] =	vst v0  }
0x56: {  	[tilespmem:$0xA480] =	vst v0  }
0x57: {  	[tilespmem:$0xA490] =	vst v0  }
0x58: {  	[tilespmem:$0xA4A0] =	vst v0  }
0x59: {  	[tilespmem:$0xA4B0] =	vst v0  }
0x5a: {  	[tilespmem:$0xA4C0] =	vst v0  }
0x5b: {  	[tilespmem:$0xA4D0] =	vst v0  }
0x5c: {  	[tilespmem:$0xA4E0] =	vst v0  }
0x5d: {  	[tilespmem:$0xA4F0] =	vst v0  }
0x5e: {  	[tilespmem:$0xA500] =	vst v0  }
0x5f: {  	[tilespmem:$0xA510] =	vst v0  }
0x60: {  	[tilespmem:$0xA520] =	vst v0  }
0x61: {  	[tilespmem:$0xA530] =	vst v0  }
0x62: {  	[tilespmem:$0xA540] =	vst v0  }
0x63: {  	[tilespmem:$0xA550] =	vst v0  }
0x64: {  	[tilespmem:$0xA560] =	vst v0  }
0x65: {  	[tilespmem:$0xA570] =	vst v0  }
0x66: {  	[tilespmem:$0xA580] =	vst v0  }
0x67: {  	[tilespmem:$0xA590] =	vst v0  }
0x68: {  	[tilespmem:$0xA5A0] =	vst v0  }
0x69: {  	[tilespmem:$0xA5B0] =	vst v0  }
0x6a: {  	[tilespmem:$0xA5C0] =	vst v0  }
0x6b: {  	[tilespmem:$0xA5D0] =	vst v0  }
0x6c: {  	[tilespmem:$0xA5E0] =	vst v0  }
0x6d: {  	[tilespmem:$0xA5F0] =	vst v0  }
0x6e: {  	[tilespmem:$0xA600] =	vst v0  }
0x6f: {  	[tilespmem:$0xA610] =	vst v0  }
0x70: {  	[tilespmem:$0xA620] =	vst v0  }
0x71: {  	[tilespmem:$0xA630] =	vst v0  }
0x72: {  	[tilespmem:$0xA640] =	vst v0  }
0x73: {  	[tilespmem:$0xA650] =	vst v0  }
0x74: {  	[tilespmem:$0xA660] =	vst v0  }
0x75: {  	[tilespmem:$0xA670] =	vst v0  }
0x76: {  	[tilespmem:$0xA680] =	vst v0  }
0x77: {  	[tilespmem:$0xA690] =	vst v0  }
0x78: {  	[tilespmem:$0xA6A0] =	vst v0  }
0x79: {  	[tilespmem:$0xA6B0] =	vst v0  }
0x7a: {  	[tilespmem:$0xA6C0] =	vst v0  }
0x7b: {  	[tilespmem:$0xA6D0] =	vst v0  }
0x7c: {  	[tilespmem:$0xA6E0] =	vst v0  }
0x7d: {  	[tilespmem:$0xA6F0] =	vst v0  }
0x7e: {  	[tilespmem:$0xA700] =	vst v0  }
0x7f: {  	[tilespmem:$0xA710] =	vst v0  }
0x80: {  	[tilespmem:$0xA720] =	vst v0  }
0x81: {  	[tilespmem:$0xA730] =	vst v0  }
0x82: {  	[tilespmem:$0xA740] =	vst v0  }
0x83: {  	[tilespmem:$0xA750] =	vst v0  }
0x84: {  	[tilespmem:$0xA760] =	vst v0  }
0x85: {  	[tilespmem:$0xA770] =	vst v0  }
0x86: {  	[tilespmem:$0xA780] =	vst v0  }
0x87: {  	[tilespmem:$0xA790] =	vst v0  }
0x88: {  	[tilespmem:$0xA7A0] =	vst v0  }
0x89: {  	[tilespmem:$0xA7B0] =	vst v0  }
0x8a: {  	[tilespmem:$0xA7C0] =	vst v0  }
0x8b: {  	[tilespmem:$0xA7D0] =	vst v0  }
0x8c: {  	[tilespmem:$0xA7E0] =	vst v0  }
0x8d: {  	[tilespmem:$0xA7F0] =	vst v0  }
0x8e: {  	[tilespmem:$0xA800] =	vst v0  }
0x8f: {  	[tilespmem:$0xA810] =	vst v0  }
0x90: {  	[tilespmem:$0xA820] =	vst v0  }
0x91: {  	[tilespmem:$0xA830] =	vst v0  }
0x92: {  	[tilespmem:$0xA840] =	vst v0  }
0x93: {  	[tilespmem:$0xA850] =	vst v0  }
0x94: {  	[tilespmem:$0xA860] =	vst v0  }
0x95: {  	[tilespmem:$0xA870] =	vst v0  }
0x96: {  	[tilespmem:$0xA880] =	vst v0  }
0x97: {  	[tilespmem:$0xA890] =	vst v0  }
0x98: {  	[tilespmem:$0xA8A0] =	vst v0  }
0x99: {  	[tilespmem:$0xA8B0] =	vst v0  }
0x9a: {  	[tilespmem:$0xA8C0] =	vst v0  }
0x9b: {  	[tilespmem:$0xA8D0] =	vst v0  }
0x9c: {  	[tilespmem:$0xA8E0] =	vst v0  }
0x9d: {  	[tilespmem:$0xA8F0] =	vst v0  }
0x9e: {  	[tilespmem:$0xA900] =	vst v0  }
0x9f: {  	[tilespmem:$0xA910] =	vst v0  }
0xa0: {  	[tilespmem:$0xA920] =	vst v0  }
0xa1: {  	[tilespmem:$0xA930] =	vst v0  }
0xa2: {  	[tilespmem:$0xA940] =	vst v0  }
0xa3: {  	[tilespmem:$0xA950] =	vst v0  }
0xa4: {  	[tilespmem:$0xA960] =	vst v0  }
0xa5: {  	[tilespmem:$0xA970] =	vst v0  }
0xa6: {  	[tilespmem:$0xA980] =	vst v0  }
0xa7: {  	[tilespmem:$0xA990] =	vst v0  }
0xa8: {  	[tilespmem:$0xA9A0] =	vst v0  }
0xa9: {  	[tilespmem:$0xA9B0] =	vst v0  }
0xaa: {  	[tilespmem:$0xA9C0] =	vst v0  }
0xab: {  	[tilespmem:$0xA9D0] =	vst v0  }
0xac: {  	[tilespmem:$0xA9E0] =	vst v0  }
0xad: {  	[tilespmem:$0xA9F0] =	vst v0  }
0xae: {  	[tilespmem:$0xAA00] =	vst v0  }
0xaf: {  	[tilespmem:$0xAA10] =	vst v0  }
0xb0: {  	[tilespmem:$0xAA20] =	vst v0  }
0xb1: {  	[tilespmem:$0xAA30] =	vst v0  }
0xb2: {  	[tilespmem:$0xAA40] =	vst v0  }
0xb3: {  	[tilespmem:$0xAA50] =	vst v0  }
0xb4: {  	[tilespmem:$0xAA60] =	vst v0  }
0xb5: {  	[tilespmem:$0xAA70] =	vst v0  }
0xb6: {  	[tilespmem:$0xAA80] =	vst v0  }
0xb7: {  	[tilespmem:$0xAA90] =	vst v0  }
0xb8: {  	[tilespmem:$0xAAA0] =	vst v0  }
0xb9: {  	[tilespmem:$0xAAB0] =	vst v0  }
0xba: {  	[tilespmem:$0xAAC0] =	vst v0  }
0xbb: {  	[tilespmem:$0xAAD0] =	vst v0  }
0xbc: {  	[tilespmem:$0xAAE0] =	vst v0  }
0xbd: {  	[tilespmem:$0xAAF0] =	vst v0  }
0xbe: {  	[tilespmem:$0xAB00] =	vst v0  }
0xbf: {  	[tilespmem:$0xAB10] =	vst v0  }
0xc0: {  	[tilespmem:$0xAB20] =	vst v0  }
0xc1: {  	[tilespmem:$0xAB30] =	vst v0  }
0xc2: {  	[tilespmem:$0xAB40] =	vst v0  }
0xc3: {  	[tilespmem:$0xAB50] =	vst v0  }
0xc4: {  	[tilespmem:$0xAB60] =	vst v0  }
0xc5: {  	[tilespmem:$0xAB70] =	vst v0  }
0xc6: {  	[tilespmem:$0xAB80] =	vst v0  }
0xc7: {  	[tilespmem:$0xAB90] =	vst v0  }
0xc8: {  	[tilespmem:$0xABA0] =	vst v0  }
0xc9: {  	[tilespmem:$0xABB0] =	vst v0  }
0xca: {  	[tilespmem:$0xABC0] =	vst v0  }
0xcb: {  	[tilespmem:$0xABD0] =	vst v0  }
0xcc: {  	[tilespmem:$0xABE0] =	vst v0  }
0xcd: {  	s12 =	simm.s32 $0xA400;
	[tilespmem:$0xABF0] =	vst v0  }
0xce: {  	[spmem:s19] =	stream.linear.scatter [tilespmem:s12], [sflag:$0xE], $0x800, $0x38;
	[tilespmem:$0x1E480] =	vst v63  }
0xcf: {  	_ =	swait.ge [sflag:s25], $0x800  }
0xd0: {  	[sflag:s25] =	ssyncset.done $0x0  }
0xd1: {  	s19 =	rddreg [dreg:$0x9];
	[sflag:s25] =	ssyncadd.s32 $0xFFFFF800  }
0xd2: {  	[spmem:s19] =	stream.linear.scatter [tilespmem:s12], [sflag:$0xE], $0x800, $0x38;
	[tilespmem:$0x1E480] =	vst v63  }
0xd3: {  	_ =	swait.ge [sflag:s25], $0x800  }
0xd4: {  	[sflag:s25] =	ssyncset.done $0x0  }
0xd5: {  	s29 =	rddreg [dreg:$0xa];
	[sflag:s25] =	ssyncadd.s32 $0xFFFFF800  }
0xd6: {  	[spmem:s29] =	stream.linear.scatter [tilespmem:s12], [sflag:$0xE], $0x800, $0x38;
	[tilespmem:$0x1E480] =	vst v63  }
0xd7: {  	_ =	swait.ge [sflag:s25], $0x800  }
0xd8: {  	[sflag:s25] =	ssyncset.done $0x0  }
0xd9: {  	s13 =	rddreg [dreg:$0xb];
	[sflag:s25] =	ssyncadd.s32 $0xFFFFF800  }
0xda: {  	[spmem:s13] =	stream.linear.scatter [tilespmem:s12], [sflag:$0xE], $0x800, $0x38;
	[tilespmem:$0x1E480] =	vst v63  }
0xdb: {  	_ =	swait.ge [sflag:s25], $0x800  }
0xdc: {  	[sflag:s25] =	ssyncset.done $0x0  }
0xdd: {  	s19 =	rddreg [dreg:$0xc];
	[sflag:s25] =	ssyncadd.s32 $0xFFFFF800  }
0xde: {  	[spmem:s19] =	stream.linear.scatter [tilespmem:s12], [sflag:$0xE], $0x800, $0x38;
	[tilespmem:$0x1E480] =	vst v63  }
0xdf: {  	_ =	swait.ge [sflag:s25], $0x800  }
0xe0: {  	[sflag:s25] =	ssyncset.done $0x0  }
0xe1: {  	s29 =	rddreg [dreg:$0xd];
	[sflag:s25] =	ssyncadd.s32 $0xFFFFF800  }
0xe2: {  	[spmem:s29] =	stream.linear.scatter [tilespmem:s12], [sflag:$0xE], $0x800, $0x38;
	[tilespmem:$0x1E480] =	vst v63  }
0xe3: {  	_ =	swait.ge [sflag:s25], $0x800  }
0xe4: {  	[sflag:s25] =	ssyncset.done $0x0  }
0xe5: {  	s13 =	rddreg [dreg:$0xe];
	[sflag:s25] =	ssyncadd.s32 $0xFFFFF800  }
0xe6: {  	[spmem:s13] =	stream.linear.scatter [tilespmem:s12], [sflag:$0xE], $0x800, $0x38;
	[tilespmem:$0x1E480] =	vst v63  }
0xe7: {  	_ =	swait.ge [sflag:s25], $0x800  }
0xe8: {  	[sflag:s25] =	ssyncset.done $0x0  }
0xe9: {  	s19 =	rddreg [dreg:$0xf];
	[sflag:s25] =	ssyncadd.s32 $0xFFFFF800  }
0xea: {  	[spmem:s19] =	stream.linear.scatter [tilespmem:s12], [sflag:$0xE], $0x800, $0x38;
	[tilespmem:$0x1E480] =	vst v63  }
0xeb: {  	_ =	swait.ge [sflag:s25], $0x800  }
0xec: {  	[sflag:s25] =	ssyncset.done $0x0  }
0xed: {  	s29 =	rddreg [dreg:$0x11];
	[sflag:s25] =	ssyncadd.s32 $0xFFFFF800  }
0xee: {  	[spmem:s29] =	stream.linear.scatter [tilespmem:s12], [sflag:$0xE], $0x800, $0x38;
	[tilespmem:$0x1E480] =	vst v63  }
0xef: {  	_ =	swait.ge [sflag:s25], $0x800  }
0xf0: {  	[sflag:s25] =	ssyncset.done $0x0  }
0xf1: {  	s13 =	rddreg [dreg:$0x14];
	[sflag:s25] =	ssyncadd.s32 $0xFFFFF800  }
0xf2: {  	[spmem:s13] =	stream.linear.scatter [tilespmem:s12], [sflag:$0xE], $0x800, $0x38;
	[tilespmem:$0x1E480] =	vst v63  }
0xf3: {  	_ =	swait.ge [sflag:s25], $0x800  }
0xf4: {  	[sflag:s25] =	ssyncset.done $0x0  }
0xf5: {  	s19 =	rddreg [dreg:$0x15];
	[sflag:s25] =	ssyncadd.s32 $0xFFFFF800  }
0xf6: {  	[spmem:s19] =	stream.linear.scatter [tilespmem:s12], [sflag:$0xE], $0x800, $0x38;
	[tilespmem:$0x1E480] =	vst v63  }
0xf7: {  	_ =	swait.ge [sflag:s25], $0x800  }
0xf8: {  	[sflag:s25] =	ssyncset.done $0x0  }
0xf9: {  	s29 =	rddreg [dreg:$0x16];
	[sflag:s25] =	ssyncadd.s32 $0xFFFFF800  }
0xfa: {  	[spmem:s29] =	stream.linear.scatter [tilespmem:s12], [sflag:$0xE], $0x800, $0x38;
	[tilespmem:$0x1E480] =	vst v63  }
0xfb: {  	_ =	swait.ge [sflag:s25], $0x800  }
0xfc: {  	[sflag:s25] =	ssyncset.done $0x0  }
0xfd: {  	s13 =	rddreg [dreg:$0x17];
	[sflag:s25] =	ssyncadd.s32 $0xFFFFF800  }
0xfe: {  	[spmem:s13] =	stream.linear.scatter [tilespmem:s12], [sflag:$0xE], $0x800, $0x38;
	[tilespmem:$0x1E480] =	vst v63  }
0xff: {  	_ =	swait.ge [sflag:s25], $0x800  }
0x100: {  	[sflag:s25] =	ssyncset.done $0x0  }
0x101: {  	s19 =	rddreg [dreg:$0x18];
	[sflag:s25] =	ssyncadd.s32 $0xFFFFF800  }
0x102: {  	[spmem:s19] =	stream.linear.scatter [tilespmem:s12], [sflag:$0xE], $0x800, $0x38;
	[tilespmem:$0x1E480] =	vst v63  }
0x103: {  	_ =	swait.ge [sflag:s25], $0x800  }
0x104: {  	[sflag:s25] =	ssyncset.done $0x0  }
0x105: {  	s29 =	rddreg [dreg:$0x19];
	[sflag:s25] =	ssyncadd.s32 $0xFFFFF800  }
0x106: {  	[spmem:s29] =	stream.linear.scatter [tilespmem:s12], [sflag:$0xE], $0x800, $0x38;
	[tilespmem:$0x1E480] =	vst v63  }
0x107: {  	_ =	swait.ge [sflag:s25], $0x800  }
0x108: {  	[sflag:s25] =	ssyncset.done $0x0  }
0x109: {  	s13 =	rddreg [dreg:$0x1a];
	[sflag:s25] =	ssyncadd.s32 $0xFFFFF800  }
0x10a: {  	[spmem:s13] =	stream.linear.scatter [tilespmem:s12], [sflag:$0xE], $0x800, $0x38;
	[tilespmem:$0x1E480] =	vst v63  }
0x10b: {  	_ =	swait.ge [sflag:s25], $0x800  }
0x10c: {  	[sflag:s25] =	ssyncset.done $0x0  }
0x10d: {  	s19 =	rddreg [dreg:$0x1b];
	[sflag:s25] =	ssyncadd.s32 $0xFFFFF800  }
0x10e: {  	[spmem:s19] =	stream.linear.scatter [tilespmem:s12], [sflag:$0xE], $0x800, $0x38;
	[tilespmem:$0x1E480] =	vst v63  }
0x10f: {  	_ =	swait.ge [sflag:s25], $0x800  }
0x110: {  	[sflag:s25] =	ssyncset.done $0x0  }
0x111: {  	s29 =	rddreg [dreg:$0x1c];
	[sflag:s25] =	ssyncadd.s32 $0xFFFFF800  }
0x112: {  	[spmem:s29] =	stream.linear.scatter [tilespmem:s12], [sflag:$0xE], $0x800, $0x38;
	[tilespmem:$0x1E480] =	vst v63  }
0x113: {  	_ =	swait.ge [sflag:s25], $0x800  }
0x114: {  	[sflag:s25] =	ssyncset.done $0x0  }
0x115: {  	s13 =	rddreg [dreg:$0x1d];
	[sflag:s25] =	ssyncadd.s32 $0xFFFFF800  }
0x116: {  	[spmem:s13] =	stream.linear.scatter [tilespmem:s12], [sflag:$0xE], $0x800, $0x38;
	[tilespmem:$0x1E480] =	vst v63  }
0x117: {  	_ =	swait.ge [sflag:s25], $0x800  }
0x118: {  	[sflag:s25] =	ssyncset.done $0x0  }
0x119: {  	s19 =	rddreg [dreg:$0x1e];
	[sflag:s25] =	ssyncadd.s32 $0xFFFFF800  }
0x11a: {  	[spmem:s19] =	stream.linear.scatter [tilespmem:s12], [sflag:$0xE], $0x800, $0x38;
	[tilespmem:$0x1E480] =	vst v63  }
0x11b: {  	_ =	swait.ge [sflag:s25], $0x800  }
0x11c: {  	[sflag:s25] =	ssyncset.done $0x0  }
0x11d: {  	s29 =	rddreg [dreg:$0x1f];
	[sflag:s25] =	ssyncadd.s32 $0xFFFFF800  }
0x11e: {  	[spmem:s29] =	stream.linear.scatter [tilespmem:s12], [sflag:$0xE], $0x800, $0x38;
	[tilespmem:$0x1E480] =	vst v63  }
0x11f: {  	_ =	swait.ge [sflag:s25], $0x800  }
0x120: {  	s13 =	sld [smem:$0x7E9]  }
0x121: {  	[sflag:s25] =	ssyncset.done $0x0  }
0x122: {  	[sflag:s25] =	ssyncadd.s32 $0xFFFFF800  }
0x123: {  	[spmem:s13] =	stream.linear.scatter [tilespmem:s12], [sflag:$0xE], $0x800, $0x38;
	[tilespmem:$0x1E480] =	vst v63  }
0x124: {  	_ =	swait.ge [sflag:s25], $0x800  }
0x125: {  	s19 =	sld [smem:$0x7EA]  }
0x126: {  	[sflag:s25] =	ssyncset.done $0x0  }
0x127: {  	[sflag:s25] =	ssyncadd.s32 $0xFFFFF800  }
0x128: {  	[spmem:s19] =	stream.linear.scatter [tilespmem:s12], [sflag:$0xE], $0x800, $0x38;
	[tilespmem:$0x1E480] =	vst v63  }
0x129: {  	_ =	swait.ge [sflag:s25], $0x800  }
0x12a: {  	s29 =	sld [smem:$0x7EB]  }
0x12b: {  	[sflag:s25] =	ssyncset.done $0x0  }
0x12c: {  	[sflag:s25] =	ssyncadd.s32 $0xFFFFF800  }
0x12d: {  	[spmem:s29] =	stream.linear.scatter [tilespmem:s12], [sflag:$0xE], $0x800, $0x38;
	[tilespmem:$0x1E480] =	vst v63  }
0x12e: {  	_ =	swait.ge [sflag:s25], $0x800  }
0x12f: {  	s13 =	sld [smem:$0x7EC]  }
0x130: {  	[sflag:s25] =	ssyncset.done $0x0  }
0x131: {  	[sflag:s25] =	ssyncadd.s32 $0xFFFFF800  }
0x132: {  	[spmem:s13] =	stream.linear.scatter [tilespmem:s12], [sflag:$0xE], $0x800, $0x38;
	[tilespmem:$0x1E480] =	vst v63  }
0x133: {  	_ =	swait.ge [sflag:s25], $0x800  }
0x134: {  	s19 =	sld [smem:$0x7ED]  }
0x135: {  	[sflag:s25] =	ssyncset.done $0x0  }
0x136: {  	[sflag:s25] =	ssyncadd.s32 $0xFFFFF800  }
0x137: {  	[spmem:s19] =	stream.linear.scatter [tilespmem:s12], [sflag:$0xE], $0x800, $0x38;
	[tilespmem:$0x1E480] =	vst v63  }
0x138: {  	_ =	swait.ge [sflag:s25], $0x800  }
0x139: {  	s29 =	sld [smem:$0x7EE]  }
0x13a: {  	[sflag:s25] =	ssyncset.done $0x0  }
0x13b: {  	[sflag:s25] =	ssyncadd.s32 $0xFFFFF800  }
0x13c: {  	[spmem:s29] =	stream.linear.scatter [tilespmem:s12], [sflag:$0xE], $0x800, $0x38;
	[tilespmem:$0x1E480] =	vst v63  }
0x13d: {  	_ =	swait.ge [sflag:s25], $0x800  }
0x13e: {  	s13 =	sld [smem:$0x7EF]  }
0x13f: {  	[sflag:s25] =	ssyncset.done $0x0  }
0x140: {  	[sflag:s25] =	ssyncadd.s32 $0xFFFFF800  }
0x141: {  	[spmem:s13] =	stream.linear.scatter [tilespmem:s12], [sflag:$0xE], $0x800, $0x38;
	[tilespmem:$0x1E480] =	vst v63  }
0x142: {  	_ =	swait.ge [sflag:s25], $0x800  }
0x143: {  	s19 =	sld [smem:$0x7F0]  }
0x144: {  	[sflag:s25] =	ssyncset.done $0x0  }
0x145: {  	[sflag:s25] =	ssyncadd.s32 $0xFFFFF800  }
0x146: {  	[spmem:s19] =	stream.linear.scatter [tilespmem:s12], [sflag:$0xE], $0x800, $0x38;
	[tilespmem:$0x1E480] =	vst v63  }
0x147: {  	_ =	swait.ge [sflag:s25], $0x800  }
0x148: {  	s29 =	sld [smem:$0x7F1]  }
0x149: {  	[sflag:s25] =	ssyncset.done $0x0  }
0x14a: {  	[sflag:s25] =	ssyncadd.s32 $0xFFFFF800  }
0x14b: {  	[spmem:s29] =	stream.linear.scatter [tilespmem:s12], [sflag:$0xE], $0x800, $0x38;
	[tilespmem:$0x1E480] =	vst v63  }
0x14c: {  	_ =	swait.ge [sflag:s25], $0x800  }
0x14d: {  	s13 =	sld [smem:$0x7F2]  }
0x14e: {  	[sflag:s25] =	ssyncset.done $0x0  }
0x14f: {  	[sflag:s25] =	ssyncadd.s32 $0xFFFFF800  }
0x150: {  	[spmem:s13] =	stream.linear.scatter [tilespmem:s12], [sflag:$0xE], $0x800, $0x38;
	[tilespmem:$0x1E480] =	vst v63  }
0x151: {  	_ =	swait.ge [sflag:s25], $0x800  }
0x152: {  	s19 =	sld [smem:$0x7F3]  }
0x153: {  	[sflag:s25] =	ssyncset.done $0x0  }
0x154: {  	[sflag:s25] =	ssyncadd.s32 $0xFFFFF800  }
0x155: {  	[spmem:s19] =	stream.linear.scatter [tilespmem:s12], [sflag:$0xE], $0x800, $0x38;
	[tilespmem:$0x1E480] =	vst v63  }
0x156: {  	_ =	swait.ge [sflag:s25], $0x800  }
0x157: {  	s29 =	sld [smem:$0x7F4]  }
0x158: {  	[sflag:s25] =	ssyncset.done $0x0  }
0x159: {  	[sflag:s25] =	ssyncadd.s32 $0xFFFFF800  }
0x15a: {  	[spmem:s29] =	stream.linear.scatter [tilespmem:s12], [sflag:$0xE], $0x800, $0x38;
	[tilespmem:$0x1E480] =	vst v63  }
0x15b: {  	_ =	swait.ge [sflag:s25], $0x800  }
0x15c: {  	s13 =	sld [smem:$0x7F5]  }
0x15d: {  	[sflag:s25] =	ssyncset.done $0x0  }
0x15e: {  	[sflag:s25] =	ssyncadd.s32 $0xFFFFF800  }
0x15f: {  	[spmem:s13] =	stream.linear.scatter [tilespmem:s12], [sflag:$0xE], $0x800, $0x38;
	[tilespmem:$0x1E480] =	vst v63  }
0x160: {  	_ =	swait.ge [sflag:s25], $0x800  }
0x161: {  	s19 =	sld [smem:$0x7F6]  }
0x162: {  	[sflag:s25] =	ssyncset.done $0x0  }
0x163: {  	[sflag:s25] =	ssyncadd.s32 $0xFFFFF800  }
0x164: {  	[spmem:s19] =	stream.linear.scatter [tilespmem:s12], [sflag:$0xE], $0x800, $0x38;
	[tilespmem:$0x1E480] =	vst v63  }
0x165: {  	_ =	swait.ge [sflag:s25], $0x800  }
0x166: {  	s29 =	sld [smem:$0x7F7]  }
0x167: {  	[sflag:s25] =	ssyncset.done $0x0  }
0x168: {  	[sflag:s25] =	ssyncadd.s32 $0xFFFFF800  }
0x169: {  	[spmem:s29] =	stream.linear.scatter [tilespmem:s12], [sflag:$0xE], $0x800, $0x38;
	[tilespmem:$0x1E480] =	vst v63  }
0x16a: {  	_ =	swait.ge [sflag:s25], $0x800  }
0x16b: {  	s13 =	sld [smem:$0x7F8]  }
0x16c: {  	[sflag:s25] =	ssyncset.done $0x0  }
0x16d: {  	[sflag:s25] =	ssyncadd.s32 $0xFFFFF800  }
0x16e: {  	[spmem:s13] =	stream.linear.scatter [tilespmem:s12], [sflag:$0xE], $0x800, $0x38;
	[tilespmem:$0x1E480] =	vst v63  }
0x16f: {  	_ =	swait.ge [sflag:s25], $0x800  }
0x170: {  	s19 =	sld [smem:$0x7F9]  }
0x171: {  	[sflag:s25] =	ssyncset.done $0x0  }
0x172: {  	[sflag:s25] =	ssyncadd.s32 $0xFFFFF800  }
0x173: {  	[spmem:s19] =	stream.linear.scatter [tilespmem:s12], [sflag:$0xE], $0x800, $0x38;
	[tilespmem:$0x1E480] =	vst v63  }
0x174: {  	_ =	swait.ge [sflag:s25], $0x800  }
0x175: {  	s29 =	sld [smem:$0x7FA]  }
0x176: {  	[sflag:s25] =	ssyncset.done $0x0  }
0x177: {  	[sflag:s25] =	ssyncadd.s32 $0xFFFFF800  }
0x178: {  	[spmem:s29] =	stream.linear.scatter [tilespmem:s12], [sflag:$0xE], $0x800, $0x38;
	[tilespmem:$0x1E480] =	vst v63  }
0x179: {  	_ =	swait.ge [sflag:s25], $0x800  }
0x17a: {  	[sflag:s25] =	ssyncset.done $0x0  }
0x17b: {  	s3 =	simm.s32 @!p0 $0xA400;
	[sflag:s25] =	ssyncadd.s32 $0xFFFFF800  }
0x17c: {  	[spmem:s24] =	stream.linear.scatter @!p0 [tilespmem:s3], [sflag:$0xE], $0x800, $0x38;
	[tilespmem:$0x1E480] =	vst v63  }
0x17d: {  	s3 =	simm.s32 @!p0 $0xE  }
0x17e: {  	_ =	swait.ge @!p0 [sflag:s3], $0x800  }
0x17f: {  	[sflag:s3] =	ssyncset.done @!p0 $0x0  }
0x180: {  	[sflag:s3] =	ssyncadd.s32 @!p0 $0xFFFFF800  }
0x181: {  	s19 =	simm.s32 $0x0;
	[bflag:$0x0] =	sbarrier.arrive $0xFFFF  }
.LBB2_2:
0x182: {  	_ =	swait.ge [sflag:s26], $0x1400  }
0x183: {  	[sflag:s26] =	ssyncset.done $0x0  }
0x184: {  	[sflag:s26] =	ssyncadd.s32 $0xFFFFEC00  }
0x185: {  	_ =	swait.ge [sflag:s28], $0x1400  }
0x186: {  	[sflag:s28] =	ssyncset.done $0x0  }
0x187: {  	s3 =	simm.s32 $0x0;
	[sflag:s28] =	ssyncadd.s32 $0xFFFFEC00  }
0x188: {  	v5 =	vld [tilespmem:s3+$0x400]  }
0x189: {  	v3 =	vld [tilespmem:s3+$0x410]  }
0x18a: {  	v2 =	vld [tilespmem:s3+$0x420]  }
0x18b: {  	v1 =	vld [tilespmem:s3+$0x430]  }
0x18c: {  	v9 =	vld [tilespmem:s3+$0x5400]  }
0x18d: {  	v8 =	vld [tilespmem:s3+$0x5410]  }
0x18e: {  	v7 =	vld [tilespmem:s3+$0x5420]  }
0x18f: {  	v6 =	vld [tilespmem:s3+$0x5430]  }
0x190: {  	v4 =	vld [tilespmem:s3+$0x5440];
	v11 =	vshll.u32 v5, $0x10  }
0x191: {  	s12 =	simm.s32 $0x200;
	v10 =	vand.u32 $0xFFFF0000, v5;
	v5 =	vld [tilespmem:s3+$0x5450];
	v9 =	vmul.f32 v11, v9  }
.LBB2_3:
0x192: {  	p1 =	sne.s32 s12, $0x4E00;
	v8 =	vmul.f32 v10, v8;
	v10 =	vshll.u32 v3, $0x10;
	v11 =	vld [tilespmem:s3+$0x5460]  }
0x193: {  	s13 =	sshra.s32 s12, $0x2;
	v3 =	vand.u32 $0xFFFF0000, v3;
	[tilespmem:s3+$0x5400] =	vst v9;
	v7 =	vmul.f32 v10, v7;
	v9 =	vld [tilespmem:s3+$0x5470]  }
0x194: {  	v10 =	vld [tilespmem:s13+$0x400];
	[tilespmem:s3+$0x5410] =	vst v8;
	v6 =	vmul.f32 v3, v6;
	v8 =	vshll.u32 v2, $0x10  }
0x195: {  	v3 =	vld [tilespmem:s13+$0x410];
	[tilespmem:s3+$0x5420] =	vst v7;
	v7 =	vand.u32 $0xFFFF0000, v2;
	v4 =	vmul.f32 v8, v4  }
0x196: {  	v2 =	vld [tilespmem:s13+$0x420];
	[tilespmem:s3+$0x5430] =	vst v6;
	v5 =	vmul.f32 v7, v5;
	v6 =	vshll.u32 v1, $0x10  }
0x197: {  	[tilespmem:s3+$0x5440] =	vst v4;
	v4 =	vand.u32 $0xFFFF0000, v1;
	v1 =	vld [tilespmem:s13+$0x430];
	v6 =	vmul.f32 v6, v11  }
0x198: {  	v11 =	vld [tilespmem:s13+$0x5400];
	[tilespmem:s3+$0x5450] =	vst v5;
	v4 =	vmul.f32 v4, v9  }
.Ltmp0:
0x199: {  	v8 =	vld [tilespmem:s13+$0x5410];
	[tilespmem:s3+$0x5460] =	vst v6;
	(pc) =	sbr.rel @p1 .LBB2_3-.Ltmp0, $4  }
0x19a: {  	v7 =	vld [tilespmem:s13+$0x5420];
	[tilespmem:s3+$0x5470] =	vst v4;
	s3 =	smov.u32 s13  }
0x19b: {  	v6 =	vld [tilespmem:s3+$0x5430]  }
0x19c: {  	v5 =	vshll.u32 v10, $0x10;
	v4 =	vld [tilespmem:s3+$0x5440]  }
0x19d: {  	s12 =	sadd.s32 $0x200, s12;
	v10 =	vand.u32 $0xFFFF0000, v10;
	v9 =	vmul.f32 v5, v11;
	v5 =	vld [tilespmem:s3+$0x5450]  }
0x19e: {  	v11 =	vld [tilespmem:s3+$0x5460];
	v8 =	vmul.f32 v10, v8;
	v10 =	vshll.u32 v3, $0x10  }
0x19f: {  	v3 =	vand.u32 $0xFFFF0000, v3;
	[tilespmem:s3+$0x5400] =	vst v9;
	v7 =	vmul.f32 v10, v7;
	v9 =	vld [tilespmem:s3+$0x5470]  }
0x1a0: {  	[tilespmem:s3+$0x5410] =	vst v8;
	v3 =	vmul.f32 v3, v6;
	v6 =	vshll.u32 v2, $0x10  }
0x1a1: {  	v2 =	vand.u32 $0xFFFF0000, v2;
	[tilespmem:s3+$0x5420] =	vst v7;
	v4 =	vmul.f32 v6, v4  }
0x1a2: {  	[tilespmem:s3+$0x5430] =	vst v3;
	v2 =	vmul.f32 v2, v5;
	v3 =	vshll.u32 v1, $0x10  }
0x1a3: {  	v1 =	vand.u32 $0xFFFF0000, v1;
	[tilespmem:s3+$0x5440] =	vst v4;
	v3 =	vmul.f32 v3, v11  }
0x1a4: {  	[tilespmem:s3+$0x5450] =	vst v2;
	v1 =	vmul.f32 v1, v9  }
0x1a5: {  	p1 =	sne.s32 s19, $0x0;
	[tilespmem:s3+$0x5460] =	vst v3  }
0x1a6: {  	s12 =	simm.s32 @p1 $0xD;
	[tilespmem:s3+$0x5470] =	vst v1  }
0x1a7: {  	_ =	swait.ge @p1 [sflag:s12], $0x1400  }
0x1a8: {  	s13 =	simm.s32 @p1 $0x80;
	s24 =	simm.s32 @p1 $0x5400;
	[sflag:s12] =	ssyncset.done @p1 $0x0  }
0x1a9: {  	s3 =	sshll.u32 s19, $0x2;
	[sflag:s12] =	ssyncadd.s32 @p1 $0xFFFFEC00;
	s12 =	simm.s32 @p1 $0x28  }
0x1aa: {  	[spmem:s2] =	stream.indirect.scatter.add.f32 @p1 [tilespmem:s24], [sflag:$0xD], $0x80, s13, s12, $0xb8;
	[tilespmem:$0x1E480] =	vst v63  }
0x1ab: {  	s29 =	simm.s32 @!p1 $0x5400;
	s24 =	sor.u32 @p1 $0x3, s3  }
0x1ac: {  	s12 =	simm.s32 @!p1 $0x28;
	s13 =	simm.s32 @!p1 $0x80;
	s24 =	simm.s32 @!p1 $0x3  }
0x1ad: {  	[spmem:s2] =	stream.indirect.scatter.add.f32 @!p1 [tilespmem:s29], [sflag:$0xD], $0x80, s13, s12, $0xb8;
	[tilespmem:$0x1E480] =	vst v63  }
0x1ae: {  	s29 =	sshll.u32 s24, $0x8  }
0x1af: {  	s12 =	sadd.s32 s6, s29  }
0x1b0: {  	s12 =	sshrl.u32 s12, $0x3  }
0x1b1: {  	s13 =	simm.s32 $0x0;
	s29 =	simm.s32 $0x300;
	s12 =	sadd.s32 s7, s12  }
0x1b2: {  	[tilespmem:s29], [sflag:$0x4] =	stream.linear.gather [hbm4b:s12+s13], $0x100, $0x38;
	[tilespmem:$0x1E480] =	vst v63  }
0x1b3: {  	_ =	swait.ge [sflag:s30], $0x100  }
0x1b4: {  	[sflag:s30] =	ssyncset.done $0x0  }
0x1b5: {  	s29 =	simm.s32 $0x200;
	[sflag:s30] =	ssyncadd.s32 $0xFFFFFF00  }
0x1b6: {  	[tilespmem:s31], [sflag:$0xB] =	stream.indirect.gather [hbm4b:s4+s18], $0x80, s29, s18, $0xb8;
	[tilespmem:$0x1E480] =	vst v63  }
0x1b7: {  	s29 =	sld [smem:$0x7FC]  }
0x1b8: {  	s12 =	smul.u32 $0xA0, s19;
	_ =	sdelay $0x1  }
0x1b9: {  	s12 =	sadd.s32 s29, s12  }
0x1ba: {  	s12 =	sshll.u32 s12, $0x4  }
0x1bb: {  	s29 =	simm.s32 $0x2C00;
	s12 =	sadd.s32 s5, s12  }
0x1bc: {  	[tilespmem:s29], [sflag:$0x7] =	stream.linear.gather [hbm4b:s12+s13], $0x1400, $0x38;
	[tilespmem:$0x1E480] =	vst v63  }
0x1bd: {  	_ =	swait.ge [sflag:s1], $0x1400  }
0x1be: {  	[sflag:s1] =	ssyncset.done $0x0  }
0x1bf: {  	[sflag:s1] =	ssyncadd.s32 $0xFFFFEC00  }
0x1c0: {  	_ =	swait.ge [sflag:s9], $0x1400  }
0x1c1: {  	[sflag:s9] =	ssyncset.done $0x0  }
0x1c2: {  	s12 =	simm.s32 $0x0;
	[sflag:s9] =	ssyncadd.s32 $0xFFFFEC00  }
0x1c3: {  	v5 =	vld [tilespmem:s12+$0x1800]  }
0x1c4: {  	v3 =	vld [tilespmem:s12+$0x1810]  }
0x1c5: {  	v2 =	vld [tilespmem:s12+$0x1820]  }
0x1c6: {  	v1 =	vld [tilespmem:s12+$0x1830]  }
0x1c7: {  	v9 =	vld [tilespmem:s12+$0x6800]  }
0x1c8: {  	v8 =	vld [tilespmem:s12+$0x6810]  }
0x1c9: {  	v7 =	vld [tilespmem:s12+$0x6820]  }
0x1ca: {  	v6 =	vld [tilespmem:s12+$0x6830]  }
0x1cb: {  	v4 =	vld [tilespmem:s12+$0x6840];
	v11 =	vshll.u32 v5, $0x10  }
0x1cc: {  	s13 =	simm.s32 $0x200;
	v10 =	vand.u32 $0xFFFF0000, v5;
	v5 =	vld [tilespmem:s12+$0x6850];
	v9 =	vmul.f32 v11, v9  }
.LBB2_5:
0x1cd: {  	p1 =	sne.s32 s13, $0x4E00;
	v8 =	vmul.f32 v10, v8;
	v10 =	vshll.u32 v3, $0x10;
	v11 =	vld [tilespmem:s12+$0x6860]  }
0x1ce: {  	s29 =	sshra.s32 s13, $0x2;
	v3 =	vand.u32 $0xFFFF0000, v3;
	[tilespmem:s12+$0x6800] =	vst v9;
	v7 =	vmul.f32 v10, v7;
	v9 =	vld [tilespmem:s12+$0x6870]  }
0x1cf: {  	v10 =	vld [tilespmem:s29+$0x1800];
	[tilespmem:s12+$0x6810] =	vst v8;
	v6 =	vmul.f32 v3, v6;
	v8 =	vshll.u32 v2, $0x10  }
0x1d0: {  	v3 =	vld [tilespmem:s29+$0x1810];
	[tilespmem:s12+$0x6820] =	vst v7;
	v7 =	vand.u32 $0xFFFF0000, v2;
	v4 =	vmul.f32 v8, v4  }
0x1d1: {  	v2 =	vld [tilespmem:s29+$0x1820];
	[tilespmem:s12+$0x6830] =	vst v6;
	v5 =	vmul.f32 v7, v5;
	v6 =	vshll.u32 v1, $0x10  }
0x1d2: {  	[tilespmem:s12+$0x6840] =	vst v4;
	v4 =	vand.u32 $0xFFFF0000, v1;
	v1 =	vld [tilespmem:s29+$0x1830];
	v6 =	vmul.f32 v6, v11  }
0x1d3: {  	v11 =	vld [tilespmem:s29+$0x6800];
	[tilespmem:s12+$0x6850] =	vst v5;
	v4 =	vmul.f32 v4, v9  }
.Ltmp1:
0x1d4: {  	v8 =	vld [tilespmem:s29+$0x6810];
	[tilespmem:s12+$0x6860] =	vst v6;
	(pc) =	sbr.rel @p1 .LBB2_5-.Ltmp1, $4  }
0x1d5: {  	v7 =	vld [tilespmem:s29+$0x6820];
	[tilespmem:s12+$0x6870] =	vst v4;
	s12 =	smov.u32 s29  }
0x1d6: {  	v6 =	vld [tilespmem:s12+$0x6830]  }
0x1d7: {  	v5 =	vshll.u32 v10, $0x10;
	v4 =	vld [tilespmem:s12+$0x6840]  }
0x1d8: {  	s13 =	sadd.s32 $0x200, s13;
	v10 =	vand.u32 $0xFFFF0000, v10;
	v9 =	vmul.f32 v5, v11;
	v5 =	vld [tilespmem:s12+$0x6850]  }
0x1d9: {  	v11 =	vld [tilespmem:s12+$0x6860];
	v8 =	vmul.f32 v10, v8;
	v10 =	vshll.u32 v3, $0x10  }
0x1da: {  	v3 =	vand.u32 $0xFFFF0000, v3;
	[tilespmem:s12+$0x6800] =	vst v9;
	v7 =	vmul.f32 v10, v7;
	v9 =	vld [tilespmem:s12+$0x6870]  }
0x1db: {  	[tilespmem:s12+$0x6810] =	vst v8;
	v3 =	vmul.f32 v3, v6;
	v6 =	vshll.u32 v2, $0x10  }
0x1dc: {  	v2 =	vand.u32 $0xFFFF0000, v2;
	[tilespmem:s12+$0x6820] =	vst v7;
	v4 =	vmul.f32 v6, v4  }
0x1dd: {  	[tilespmem:s12+$0x6830] =	vst v3;
	v2 =	vmul.f32 v2, v5;
	v3 =	vshll.u32 v1, $0x10  }
0x1de: {  	v1 =	vand.u32 $0xFFFF0000, v1;
	[tilespmem:s12+$0x6840] =	vst v4;
	v3 =	vmul.f32 v3, v11  }
0x1df: {  	[tilespmem:s12+$0x6850] =	vst v2;
	v1 =	vmul.f32 v1, v9  }
0x1e0: {  	[tilespmem:s12+$0x6860] =	vst v3  }
0x1e1: {  	[tilespmem:s12+$0x6870] =	vst v1;
	s12 =	sadd.s32 $0x4, s3  }
0x1e2: {  	_ =	swait.ge [sflag:s8], $0x1400;
	s13 =	sshll.u32 s12, $0x8  }
0x1e3: {  	[sflag:s8] =	ssyncset.done $0x0;
	s13 =	sadd.s32 s6, s13  }
0x1e4: {  	s29 =	simm.s32 $0x180;
	[sflag:s8] =	ssyncadd.s32 $0xFFFFEC00;
	s13 =	sshrl.u32 s13, $0x3  }
0x1e5: {  	[spmem:s2] =	stream.indirect.scatter.add.f32 [tilespmem:s22], [sflag:$0xD], $0x80, s29, s18, $0xb8;
	[tilespmem:$0x1E480] =	vst v63  }
0x1e6: {  	s13 =	sadd.s32 s7, s13;
	s29 =	simm.s32 $0x0  }
0x1e7: {  	[tilespmem:s29], [sflag:$0x1] =	stream.linear.gather [hbm4b:s13+s29], $0x100, $0x38;
	[tilespmem:$0x1E480] =	vst v63  }
0x1e8: {  	s13 =	smul.u32 $0x28, s24  }
0x1e9: {  	_ =	swait.ge [sflag:s14], $0x100  }
0x1ea: {  	[sflag:s14] =	ssyncset.done $0x0;
	s13 =	sadd.s32 s11, s13  }
0x1eb: {  	s24 =	simm.s32 $0x300;
	[sflag:s14] =	ssyncadd.s32 $0xFFFFFF00;
	s13 =	sshll.u32 s13, $0x4  }
0x1ec: {  	[tilespmem:s0], [sflag:$0xC] =	stream.indirect.gather [hbm4b:s4+s18], $0x80, s24, s18, $0xb8;
	[tilespmem:$0x1E480] =	vst v63  }
0x1ed: {  	s13 =	sadd.s32 s5, s13;
	s24 =	simm.s32 $0x4000  }
0x1ee: {  	[tilespmem:s24], [sflag:$0x8] =	stream.linear.gather [hbm4b:s13+s29], $0x1400, $0x38;
	[tilespmem:$0x1E480] =	vst v63  }
0x1ef: {  	_ =	swait.ge [sflag:s16], $0x1400  }
0x1f0: {  	[sflag:s16] =	ssyncset.done $0x0  }
0x1f1: {  	[sflag:s16] =	ssyncadd.s32 $0xFFFFEC00  }
0x1f2: {  	_ =	swait.ge [sflag:s20], $0x1400  }
0x1f3: {  	[sflag:s20] =	ssyncset.done $0x0  }
0x1f4: {  	s24 =	simm.s32 $0x0;
	[sflag:s20] =	ssyncadd.s32 $0xFFFFEC00  }
0x1f5: {  	v5 =	vld [tilespmem:s24+$0x2C00]  }
0x1f6: {  	v3 =	vld [tilespmem:s24+$0x2C10]  }
0x1f7: {  	v2 =	vld [tilespmem:s24+$0x2C20]  }
0x1f8: {  	v1 =	vld [tilespmem:s24+$0x2C30]  }
0x1f9: {  	v9 =	vld [tilespmem:s24+$0x7C00]  }
0x1fa: {  	v8 =	vld [tilespmem:s24+$0x7C10]  }
0x1fb: {  	v7 =	vld [tilespmem:s24+$0x7C20]  }
0x1fc: {  	v6 =	vld [tilespmem:s24+$0x7C30]  }
0x1fd: {  	v4 =	vld [tilespmem:s24+$0x7C40];
	v11 =	vshll.u32 v5, $0x10  }
0x1fe: {  	s13 =	simm.s32 $0x200;
	v10 =	vand.u32 $0xFFFF0000, v5;
	v5 =	vld [tilespmem:s24+$0x7C50];
	v9 =	vmul.f32 v11, v9  }
.LBB2_7:
0x1ff: {  	p1 =	sne.s32 s13, $0x4E00;
	v8 =	vmul.f32 v10, v8;
	v10 =	vshll.u32 v3, $0x10;
	v11 =	vld [tilespmem:s24+$0x7C60]  }
0x200: {  	s29 =	sshra.s32 s13, $0x2;
	v3 =	vand.u32 $0xFFFF0000, v3;
	[tilespmem:s24+$0x7C00] =	vst v9;
	v7 =	vmul.f32 v10, v7;
	v9 =	vld [tilespmem:s24+$0x7C70]  }
0x201: {  	v10 =	vld [tilespmem:s29+$0x2C00];
	[tilespmem:s24+$0x7C10] =	vst v8;
	v6 =	vmul.f32 v3, v6;
	v8 =	vshll.u32 v2, $0x10  }
0x202: {  	v3 =	vld [tilespmem:s29+$0x2C10];
	[tilespmem:s24+$0x7C20] =	vst v7;
	v7 =	vand.u32 $0xFFFF0000, v2;
	v4 =	vmul.f32 v8, v4  }
0x203: {  	v2 =	vld [tilespmem:s29+$0x2C20];
	[tilespmem:s24+$0x7C30] =	vst v6;
	v5 =	vmul.f32 v7, v5;
	v6 =	vshll.u32 v1, $0x10  }
0x204: {  	[tilespmem:s24+$0x7C40] =	vst v4;
	v4 =	vand.u32 $0xFFFF0000, v1;
	v1 =	vld [tilespmem:s29+$0x2C30];
	v6 =	vmul.f32 v6, v11  }
0x205: {  	v11 =	vld [tilespmem:s29+$0x7C00];
	[tilespmem:s24+$0x7C50] =	vst v5;
	v4 =	vmul.f32 v4, v9  }
.Ltmp2:
0x206: {  	v8 =	vld [tilespmem:s29+$0x7C10];
	[tilespmem:s24+$0x7C60] =	vst v6;
	(pc) =	sbr.rel @p1 .LBB2_7-.Ltmp2, $4  }
0x207: {  	v7 =	vld [tilespmem:s29+$0x7C20];
	[tilespmem:s24+$0x7C70] =	vst v4;
	s24 =	smov.u32 s29  }
0x208: {  	v6 =	vld [tilespmem:s24+$0x7C30]  }
0x209: {  	v5 =	vshll.u32 v10, $0x10;
	v4 =	vld [tilespmem:s24+$0x7C40]  }
0x20a: {  	s13 =	sadd.s32 $0x200, s13;
	v10 =	vand.u32 $0xFFFF0000, v10;
	v9 =	vmul.f32 v5, v11;
	v5 =	vld [tilespmem:s24+$0x7C50]  }
0x20b: {  	v11 =	vld [tilespmem:s24+$0x7C60];
	v8 =	vmul.f32 v10, v8;
	v10 =	vshll.u32 v3, $0x10  }
0x20c: {  	v3 =	vand.u32 $0xFFFF0000, v3;
	[tilespmem:s24+$0x7C00] =	vst v9;
	v7 =	vmul.f32 v10, v7;
	v9 =	vld [tilespmem:s24+$0x7C70]  }
0x20d: {  	[tilespmem:s24+$0x7C10] =	vst v8;
	v3 =	vmul.f32 v3, v6;
	v6 =	vshll.u32 v2, $0x10  }
0x20e: {  	v2 =	vand.u32 $0xFFFF0000, v2;
	[tilespmem:s24+$0x7C20] =	vst v7;
	v4 =	vmul.f32 v6, v4  }
0x20f: {  	[tilespmem:s24+$0x7C30] =	vst v3;
	v2 =	vmul.f32 v2, v5;
	v3 =	vshll.u32 v1, $0x10  }
0x210: {  	v1 =	vand.u32 $0xFFFF0000, v1;
	[tilespmem:s24+$0x7C40] =	vst v4;
	v3 =	vmul.f32 v3, v11  }
0x211: {  	[tilespmem:s24+$0x7C50] =	vst v2;
	v1 =	vmul.f32 v1, v9  }
0x212: {  	[tilespmem:s24+$0x7C60] =	vst v3  }
0x213: {  	[tilespmem:s24+$0x7C70] =	vst v1  }
0x214: {  	_ =	swait.ge [sflag:s8], $0x1400  }
0x215: {  	s3 =	sadd.s32 $0x5, s3;
	[sflag:s8] =	ssyncset.done $0x0  }
0x216: {  	s13 =	simm.s32 $0x280;
	s24 =	sshll.u32 s3, $0x8;
	[sflag:s8] =	ssyncadd.s32 $0xFFFFEC00  }
0x217: {  	[spmem:s2] =	stream.indirect.scatter.add.f32 [tilespmem:s31], [sflag:$0xD], $0x80, s13, s18, $0xb8;
	[tilespmem:$0x1E480] =	vst v63  }
0x218: {  	s13 =	sadd.s32 s6, s24  }
0x219: {  	s13 =	sshrl.u32 s13, $0x3  }
0x21a: {  	s12 =	smul.u32 $0x28, s12;
	s24 =	simm.s32 $0x0;
	s13 =	sadd.s32 s7, s13  }
0x21b: {  	[tilespmem:s15], [sflag:$0x2] =	stream.linear.gather [hbm4b:s13+s24], $0x100, $0x38;
	[tilespmem:$0x1E480] =	vst v63  }
0x21c: {  	_ =	swait.ge [sflag:s17], $0x100  }
0x21d: {  	s12 =	sadd.s32 s11, s12;
	[sflag:s17] =	ssyncset.done $0x0  }
0x21e: {  	s29 =	simm.s32 $0x5400;
	s12 =	sshll.u32 s12, $0x4;
	[sflag:s17] =	ssyncadd.s32 $0xFFFFFF00  }
0x21f: {  	[tilespmem:s29], [sflag:$0x9] =	stream.indirect.gather [hbm4b:s4+s18], $0x80, s24, s18, $0xb8;
	[tilespmem:$0x1E480] =	vst v63  }
0x220: {  	s12 =	sadd.s32 s5, s12;
	s29 =	simm.s32 $0x400  }
0x221: {  	[tilespmem:s29], [sflag:$0x5] =	stream.linear.gather [hbm4b:s12+s24], $0x1400, $0x38;
	[tilespmem:$0x1E480] =	vst v63  }
0x222: {  	_ =	swait.ge [sflag:s23], $0x1400  }
0x223: {  	[sflag:s23] =	ssyncset.done $0x0  }
0x224: {  	[sflag:s23] =	ssyncadd.s32 $0xFFFFEC00  }
0x225: {  	_ =	swait.ge [sflag:s10], $0x1400  }
0x226: {  	[sflag:s10] =	ssyncset.done $0x0  }
0x227: {  	s12 =	simm.s32 $0x0;
	[sflag:s10] =	ssyncadd.s32 $0xFFFFEC00  }
0x228: {  	v5 =	vld [tilespmem:s12+$0x4000]  }
0x229: {  	v3 =	vld [tilespmem:s12+$0x4010]  }
0x22a: {  	v2 =	vld [tilespmem:s12+$0x4020]  }
0x22b: {  	v1 =	vld [tilespmem:s12+$0x4030]  }
0x22c: {  	v9 =	vld [tilespmem:s12+$0x9000]  }
0x22d: {  	v8 =	vld [tilespmem:s12+$0x9010]  }
0x22e: {  	v7 =	vld [tilespmem:s12+$0x9020]  }
0x22f: {  	v6 =	vld [tilespmem:s12+$0x9030]  }
0x230: {  	v4 =	vld [tilespmem:s12+$0x9040];
	v11 =	vshll.u32 v5, $0x10  }
0x231: {  	s13 =	simm.s32 $0x200;
	v10 =	vand.u32 $0xFFFF0000, v5;
	v5 =	vld [tilespmem:s12+$0x9050];
	v9 =	vmul.f32 v11, v9  }
.LBB2_9:
0x232: {  	p1 =	sne.s32 s13, $0x4E00;
	v8 =	vmul.f32 v10, v8;
	v10 =	vshll.u32 v3, $0x10;
	v11 =	vld [tilespmem:s12+$0x9060]  }
0x233: {  	s24 =	sshra.s32 s13, $0x2;
	v3 =	vand.u32 $0xFFFF0000, v3;
	[tilespmem:s12+$0x9000] =	vst v9;
	v7 =	vmul.f32 v10, v7;
	v9 =	vld [tilespmem:s12+$0x9070]  }
0x234: {  	v10 =	vld [tilespmem:s24+$0x4000];
	[tilespmem:s12+$0x9010] =	vst v8;
	v6 =	vmul.f32 v3, v6;
	v8 =	vshll.u32 v2, $0x10  }
0x235: {  	v3 =	vld [tilespmem:s24+$0x4010];
	[tilespmem:s12+$0x9020] =	vst v7;
	v7 =	vand.u32 $0xFFFF0000, v2;
	v4 =	vmul.f32 v8, v4  }
0x236: {  	v2 =	vld [tilespmem:s24+$0x4020];
	[tilespmem:s12+$0x9030] =	vst v6;
	v5 =	vmul.f32 v7, v5;
	v6 =	vshll.u32 v1, $0x10  }
0x237: {  	[tilespmem:s12+$0x9040] =	vst v4;
	v4 =	vand.u32 $0xFFFF0000, v1;
	v1 =	vld [tilespmem:s24+$0x4030];
	v6 =	vmul.f32 v6, v11  }
0x238: {  	v11 =	vld [tilespmem:s24+$0x9000];
	[tilespmem:s12+$0x9050] =	vst v5;
	v4 =	vmul.f32 v4, v9  }
.Ltmp3:
0x239: {  	v8 =	vld [tilespmem:s24+$0x9010];
	[tilespmem:s12+$0x9060] =	vst v6;
	(pc) =	sbr.rel @p1 .LBB2_9-.Ltmp3, $4  }
0x23a: {  	v7 =	vld [tilespmem:s24+$0x9020];
	[tilespmem:s12+$0x9070] =	vst v4;
	s12 =	smov.u32 s24  }
0x23b: {  	v6 =	vld [tilespmem:s12+$0x9030]  }
0x23c: {  	v5 =	vshll.u32 v10, $0x10;
	v4 =	vld [tilespmem:s12+$0x9040]  }
0x23d: {  	s13 =	sadd.s32 $0x200, s13;
	v10 =	vand.u32 $0xFFFF0000, v10;
	v9 =	vmul.f32 v5, v11;
	v5 =	vld [tilespmem:s12+$0x9050]  }
0x23e: {  	v11 =	vld [tilespmem:s12+$0x9060];
	v8 =	vmul.f32 v10, v8;
	v61 =	vshll.u32 v3, $0x10  }
0x23f: {  	v3 =	vand.u32 $0xFFFF0000, v3;
	v62 =	vld [tilespmem:s12+$0x9070];
	[tilespmem:s12+$0x9000] =	vst v9;
	v7 =	vmul.f32 v61, v7  }
0x240: {  	v63 =	vshll.u32 v2, $0x10;
	[tilespmem:s12+$0x9010] =	vst v8;
	v3 =	vmul.f32 v3, v6  }
0x241: {  	v2 =	vand.u32 $0xFFFF0000, v2;
	[tilespmem:s12+$0x9020] =	vst v7;
	v4 =	vmul.f32 v63, v4  }
0x242: {  	[tilespmem:s12+$0x9030] =	vst v3;
	v2 =	vmul.f32 v2, v5;
	v3 =	vshll.u32 v1, $0x10  }
0x243: {  	v1 =	vand.u32 $0xFFFF0000, v1;
	[tilespmem:s12+$0x9040] =	vst v4;
	v3 =	vmul.f32 v3, v11  }
0x244: {  	v1 =	vmul.f32 v1, v62;
	[tilespmem:s12+$0x9050] =	vst v2  }
0x245: {  	[tilespmem:s12+$0x9060] =	vst v3  }
0x246: {  	[tilespmem:s12+$0x9070] =	vst v1  }
0x247: {  	_ =	swait.ge [sflag:s8], $0x1400  }
0x248: {  	[sflag:s8] =	ssyncset.done $0x0  }
0x249: {  	s13 =	simm.s32 $0x380;
	[sflag:s8] =	ssyncadd.s32 $0xFFFFEC00  }
0x24a: {  	[spmem:s2] =	stream.indirect.scatter.add.f32 [tilespmem:s0], [sflag:$0xD], $0x80, s13, s18, $0xb8;
	[tilespmem:$0x1E480] =	vst v63  }
0x24b: {  	s13 =	sld [smem:$0x7FB]  }
0x24c: {  	p1 =	seq.s32 s19, $0x3D  }
0x24d: {  	s12 =	sshll.u32 @!p1 s19, $0xA  }
0x24e: {  	s12 =	sadd.s32 @!p1 s12, s13  }
0x24f: {  	s3 =	smul.u32 $0x28, s3;
	s24 =	simm.s32 @!p1 $0x200;
	s12 =	sshrl.u32 @!p1 s12, $0x3  }
0x250: {  	s19 =	sadd.s32 $0x1, s19;
	s13 =	simm.s32 @!p1 $0x0;
	s12 =	sadd.s32 @!p1 s7, s12  }
0x251: {  	[tilespmem:s24], [sflag:$0x3] =	stream.linear.gather @!p1 [hbm4b:s12+s13], $0x100, $0x38;
	[tilespmem:$0x1E480] =	vst v63  }
0x252: {  	p1 =	sne.s32 s19, $0x3E;
	_ =	swait.ge [sflag:s21], $0x100  }
.Ltmp4:
0x253: {  	s3 =	sadd.s32 s11, s3;
	[sflag:s21] =	ssyncset.done $0x0;
	(pc) =	sbr.rel @p1 .LBB2_2-.Ltmp4, $4  }
0x254: {  	s3 =	sshll.u32 s3, $0x4;
	[sflag:s21] =	ssyncadd.s32 $0xFFFFFF00  }
0x255: {  	[tilespmem:s22], [sflag:$0xA] =	stream.indirect.gather [hbm4b:s4+s18], $0x80, s15, s18, $0xb8;
	[tilespmem:$0x1E480] =	vst v63  }
0x256: {  	s29 =	simm.s32 $0x1800;
	s3 =	sadd.s32 s5, s3;
	s24 =	simm.s32 $0x0  }
0x257: {  	[tilespmem:s29], [sflag:$0x6] =	stream.linear.gather [hbm4b:s3+s24], $0x1400, $0x38;
	[tilespmem:$0x1E480] =	vst v63  }
0x258: {  	_ =	swait.ge [sflag:s26], $0x1400  }
0x259: {  	[sflag:s26] =	ssyncset.done $0x0  }
0x25a: {  	[sflag:s26] =	ssyncadd.s32 $0xFFFFEC00  }
0x25b: {  	_ =	swait.ge [sflag:s28], $0x1400  }
0x25c: {  	[sflag:s28] =	ssyncset.done $0x0  }
0x25d: {  	s3 =	simm.s32 $0x0;
	[sflag:s28] =	ssyncadd.s32 $0xFFFFEC00  }
0x25e: {  	v5 =	vld [tilespmem:s3+$0x400]  }
0x25f: {  	v3 =	vld [tilespmem:s3+$0x410]  }
0x260: {  	v2 =	vld [tilespmem:s3+$0x420]  }
0x261: {  	v1 =	vld [tilespmem:s3+$0x430]  }
0x262: {  	v9 =	vld [tilespmem:s3+$0x5400]  }
0x263: {  	v8 =	vld [tilespmem:s3+$0x5410]  }
0x264: {  	v7 =	vld [tilespmem:s3+$0x5420]  }
0x265: {  	v6 =	vld [tilespmem:s3+$0x5430]  }
0x266: {  	v4 =	vld [tilespmem:s3+$0x5440];
	v11 =	vshll.u32 v5, $0x10  }
0x267: {  	s12 =	simm.s32 $0x200;
	v10 =	vand.u32 $0xFFFF0000, v5;
	v5 =	vld [tilespmem:s3+$0x5450];
	v9 =	vmul.f32 v11, v9  }
.LBB2_12:
0x268: {  	p1 =	sne.s32 s12, $0x4E00;
	v8 =	vmul.f32 v10, v8;
	v10 =	vshll.u32 v3, $0x10;
	v11 =	vld [tilespmem:s3+$0x5460]  }
0x269: {  	s13 =	sshra.s32 s12, $0x2;
	v3 =	vand.u32 $0xFFFF0000, v3;
	[tilespmem:s3+$0x5400] =	vst v9;
	v7 =	vmul.f32 v10, v7;
	v9 =	vld [tilespmem:s3+$0x5470]  }
0x26a: {  	v10 =	vld [tilespmem:s13+$0x400];
	[tilespmem:s3+$0x5410] =	vst v8;
	v6 =	vmul.f32 v3, v6;
	v8 =	vshll.u32 v2, $0x10  }
0x26b: {  	v3 =	vld [tilespmem:s13+$0x410];
	[tilespmem:s3+$0x5420] =	vst v7;
	v7 =	vand.u32 $0xFFFF0000, v2;
	v4 =	vmul.f32 v8, v4  }
0x26c: {  	v2 =	vld [tilespmem:s13+$0x420];
	[tilespmem:s3+$0x5430] =	vst v6;
	v5 =	vmul.f32 v7, v5;
	v6 =	vshll.u32 v1, $0x10  }
0x26d: {  	[tilespmem:s3+$0x5440] =	vst v4;
	v4 =	vand.u32 $0xFFFF0000, v1;
	v1 =	vld [tilespmem:s13+$0x430];
	v6 =	vmul.f32 v6, v11  }
0x26e: {  	v11 =	vld [tilespmem:s13+$0x5400];
	[tilespmem:s3+$0x5450] =	vst v5;
	v4 =	vmul.f32 v4, v9  }
.Ltmp5:
0x26f: {  	v8 =	vld [tilespmem:s13+$0x5410];
	[tilespmem:s3+$0x5460] =	vst v6;
	(pc) =	sbr.rel @p1 .LBB2_12-.Ltmp5, $4  }
0x270: {  	v7 =	vld [tilespmem:s13+$0x5420];
	[tilespmem:s3+$0x5470] =	vst v4;
	s3 =	smov.u32 s13  }
0x271: {  	v6 =	vld [tilespmem:s3+$0x5430]  }
0x272: {  	v5 =	vshll.u32 v10, $0x10;
	v4 =	vld [tilespmem:s3+$0x5440]  }
0x273: {  	s12 =	sadd.s32 $0x200, s12;
	v10 =	vand.u32 $0xFFFF0000, v10;
	v9 =	vmul.f32 v5, v11;
	v5 =	vld [tilespmem:s3+$0x5450]  }
0x274: {  	v11 =	vld [tilespmem:s3+$0x5460];
	v8 =	vmul.f32 v10, v8;
	v10 =	vshll.u32 v3, $0x10  }
0x275: {  	v3 =	vand.u32 $0xFFFF0000, v3;
	[tilespmem:s3+$0x5400] =	vst v9;
	v7 =	vmul.f32 v10, v7;
	v9 =	vld [tilespmem:s3+$0x5470]  }
0x276: {  	[tilespmem:s3+$0x5410] =	vst v8;
	v3 =	vmul.f32 v3, v6;
	v6 =	vshll.u32 v2, $0x10  }
0x277: {  	v2 =	vand.u32 $0xFFFF0000, v2;
	[tilespmem:s3+$0x5420] =	vst v7;
	v4 =	vmul.f32 v6, v4  }
0x278: {  	[tilespmem:s3+$0x5430] =	vst v3;
	v2 =	vmul.f32 v2, v5;
	v3 =	vshll.u32 v1, $0x10  }
0x279: {  	v1 =	vand.u32 $0xFFFF0000, v1;
	[tilespmem:s3+$0x5440] =	vst v4;
	v3 =	vmul.f32 v3, v11  }
0x27a: {  	[tilespmem:s3+$0x5450] =	vst v2;
	v1 =	vmul.f32 v1, v9  }
0x27b: {  	[tilespmem:s3+$0x5460] =	vst v3  }
0x27c: {  	[tilespmem:s3+$0x5470] =	vst v1  }
0x27d: {  	_ =	swait.ge [sflag:s8], $0x1400  }
0x27e: {  	[sflag:s8] =	ssyncset.done $0x0  }
0x27f: {  	s29 =	simm.s32 $0x5400;
	s12 =	simm.s32 $0x80;
	[sflag:s8] =	ssyncadd.s32 $0xFFFFEC00  }
0x280: {  	[spmem:s2] =	stream.indirect.scatter.add.f32 [tilespmem:s29], [sflag:$0xD], $0x80, s12, s18, $0xb8;
	[tilespmem:$0x1E480] =	vst v63  }
0x281: {  	_ =	swait.ge [sflag:s1], $0x1400  }
0x282: {  	[sflag:s1] =	ssyncset.done $0x0  }
0x283: {  	[sflag:s1] =	ssyncadd.s32 $0xFFFFEC00  }
0x284: {  	_ =	swait.ge [sflag:s9], $0x1400  }
0x285: {  	[sflag:s9] =	ssyncset.done $0x0  }
0x286: {  	s3 =	simm.s32 $0x0;
	[sflag:s9] =	ssyncadd.s32 $0xFFFFEC00  }
0x287: {  	v5 =	vld [tilespmem:s3+$0x1800]  }
0x288: {  	v3 =	vld [tilespmem:s3+$0x1810]  }
0x289: {  	v2 =	vld [tilespmem:s3+$0x1820]  }
0x28a: {  	v1 =	vld [tilespmem:s3+$0x1830]  }
0x28b: {  	v9 =	vld [tilespmem:s3+$0x6800]  }
0x28c: {  	v8 =	vld [tilespmem:s3+$0x6810]  }
0x28d: {  	v7 =	vld [tilespmem:s3+$0x6820]  }
0x28e: {  	v6 =	vld [tilespmem:s3+$0x6830]  }
0x28f: {  	s19 =	rddreg [dreg:$0x8];
	v4 =	vld [tilespmem:s3+$0x6840];
	v11 =	vshll.u32 v5, $0x10  }
0x290: {  	s12 =	simm.s32 $0x200;
	s24 =	sld [smem:$0x7FD];
	v10 =	vand.u32 $0xFFFF0000, v5;
	v5 =	vld [tilespmem:s3+$0x6850];
	v9 =	vmul.f32 v11, v9  }
.LBB2_14:
0x291: {  	p1 =	sne.s32 s12, $0x4E00;
	v8 =	vmul.f32 v10, v8;
	v10 =	vshll.u32 v3, $0x10;
	v11 =	vld [tilespmem:s3+$0x6860]  }
0x292: {  	s13 =	sshra.s32 s12, $0x2;
	v3 =	vand.u32 $0xFFFF0000, v3;
	[tilespmem:s3+$0x6800] =	vst v9;
	v7 =	vmul.f32 v10, v7;
	v9 =	vld [tilespmem:s3+$0x6870]  }
0x293: {  	v10 =	vld [tilespmem:s13+$0x1800];
	[tilespmem:s3+$0x6810] =	vst v8;
	v6 =	vmul.f32 v3, v6;
	v8 =	vshll.u32 v2, $0x10  }
0x294: {  	v3 =	vld [tilespmem:s13+$0x1810];
	[tilespmem:s3+$0x6820] =	vst v7;
	v7 =	vand.u32 $0xFFFF0000, v2;
	v4 =	vmul.f32 v8, v4  }
0x295: {  	v2 =	vld [tilespmem:s13+$0x1820];
	[tilespmem:s3+$0x6830] =	vst v6;
	v5 =	vmul.f32 v7, v5;
	v6 =	vshll.u32 v1, $0x10  }
0x296: {  	[tilespmem:s3+$0x6840] =	vst v4;
	v4 =	vand.u32 $0xFFFF0000, v1;
	v1 =	vld [tilespmem:s13+$0x1830];
	v6 =	vmul.f32 v6, v11  }
0x297: {  	v11 =	vld [tilespmem:s13+$0x6800];
	[tilespmem:s3+$0x6850] =	vst v5;
	v4 =	vmul.f32 v4, v9  }
.Ltmp6:
0x298: {  	v8 =	vld [tilespmem:s13+$0x6810];
	[tilespmem:s3+$0x6860] =	vst v6;
	(pc) =	sbr.rel @p1 .LBB2_14-.Ltmp6, $4  }
0x299: {  	v7 =	vld [tilespmem:s13+$0x6820];
	[tilespmem:s3+$0x6870] =	vst v4;
	s3 =	smov.u32 s13  }
0x29a: {  	v6 =	vld [tilespmem:s3+$0x6830]  }
0x29b: {  	v5 =	vshll.u32 v10, $0x10;
	v4 =	vld [tilespmem:s3+$0x6840]  }
0x29c: {  	s12 =	sadd.s32 $0x200, s12;
	v10 =	vand.u32 $0xFFFF0000, v10;
	v9 =	vmul.f32 v5, v11;
	v5 =	vld [tilespmem:s3+$0x6850]  }
0x29d: {  	v11 =	vld [tilespmem:s3+$0x6860];
	v8 =	vmul.f32 v10, v8;
	v61 =	vshll.u32 v3, $0x10  }
0x29e: {  	v3 =	vand.u32 $0xFFFF0000, v3;
	v62 =	vld [tilespmem:s3+$0x6870];
	[tilespmem:s3+$0x6800] =	vst v9;
	v7 =	vmul.f32 v61, v7  }
0x29f: {  	v63 =	vshll.u32 v2, $0x10;
	[tilespmem:s3+$0x6810] =	vst v8;
	v3 =	vmul.f32 v3, v6  }
0x2a0: {  	v2 =	vand.u32 $0xFFFF0000, v2;
	[tilespmem:s3+$0x6820] =	vst v7;
	v4 =	vmul.f32 v63, v4  }
0x2a1: {  	[tilespmem:s3+$0x6830] =	vst v3;
	v2 =	vmul.f32 v2, v5;
	v3 =	vshll.u32 v1, $0x10  }
0x2a2: {  	v1 =	vand.u32 $0xFFFF0000, v1;
	[tilespmem:s3+$0x6840] =	vst v4;
	v3 =	vmul.f32 v3, v11  }
0x2a3: {  	v1 =	vmul.f32 v1, v62;
	[tilespmem:s3+$0x6850] =	vst v2  }
0x2a4: {  	[tilespmem:s3+$0x6860] =	vst v3  }
0x2a5: {  	[tilespmem:s3+$0x6870] =	vst v1  }
0x2a6: {  	_ =	swait.ge [sflag:s8], $0x1400  }
0x2a7: {  	[sflag:s8] =	ssyncset.done $0x0  }
0x2a8: {  	s13 =	simm.s32 $0x180;
	[sflag:s8] =	ssyncadd.s32 $0xFFFFEC00  }
0x2a9: {  	[spmem:s2] =	stream.indirect.scatter.add.f32 [tilespmem:s22], [sflag:$0xD], $0x80, s13, s18, $0xb8;
	[tilespmem:$0x1E480] =	vst v63  }
0x2aa: {  	_ =	swait.ge [sflag:s8], $0x1400  }
0x2ab: {  	[sflag:s8] =	ssyncset.done $0x0  }
0x2ac: {  	s29 =	stileid.u32;
	[sflag:s8] =	ssyncadd.s32 $0xFFFFEC00  }
0x2ad: {  	s3 =	sshll.u32 s29, $0x6;
	[bflag:$0x0] =	sbarrier.arrive $0xFFFF  }
0x2ae: {  	s12 =	sshrl.u32 s19, $0x3;
	s3 =	sor.u32 $0x1C0E, s3;
	s13 =	rddreg [dreg:$0x10]  }
0x2af: {  	[hbm:s13], [sflag:s3] =	dma.local [spmem:s12], $0x2700  }
0x2b0: {  	_ =	swait.ge [sflag:s25], $0x2700  }
0x2b1: {  	[sflag:s25] =	ssyncset.done $0x0  }
0x2b2: {  	s12 =	sshrl.u32 @!p0 s24, $0x3;
	s13 =	rddreg [dreg:$0x12];
	[sflag:s25] =	ssyncadd.s32 $0xFFFFD900  }
0x2b3: {  	[hbm:s13], [sflag:s3] =	dma.local @!p0 [spmem:s12], $0x100  }
0x2b4: {  	s3 =	simm.s32 @!p0 $0xE  }
0x2b5: {  	_ =	swait.ge @!p0 [sflag:s3], $0x100  }
0x2b6: {  	s12 =	sld [smem:$0x7E8];
	_ =	sdelay $0x2  }
0x2b7: {  	s29 =	rddreg [dreg:$0x13];
	s13 =	sadd.s32 $0x1, s12  }
0x2b8: {  	p1 =	sne.s32 s13, s29  }
.Ltmp7:
0x2b9: {  	_ = 	snop;
	(pc) =	sbr.rel @p1 .LBB2_1-.Ltmp7, $3  }
0x2ba: {  	_ =	sdelay $0x1  }
0x2bb: {  	[sflag:s3] =	ssyncset.done @!p0 $0x0  }
0x2bc: {  	[sflag:s3] =	ssyncadd.s32 @!p0 $0xFFFFFF00  }
0x2bd: {  	_ =	sfence.sel $0x180000  }
0x2be: {  	[bflag:$0x0] =	sbarrier.arrive $0xFFFF  }
0x2bf: {  	_ =	strace $0x9000004A  }
0x2c0: {  	s0 =	stileid.u32;
	[bflag:$0x2] =	sbarrier.arrive $0xFFFF  }
0x2c1: {  	p0 =	sne.s32 s0, $0x0;
	s0 =	rddreg [dreg:$0x2]  }
0x2c2: {  	s0 =	sadd.s32 @!p0 $0x100000, s0  }
0x2c3: {  	[sflag:s0] =	ssyncadd.tile.s32 @!p0 $0x1;
	_ =	shalt  }
.Lfunc_end2:
_tile_overlayer_lowered:
.L_overlay_start_2:
0x2c4: {  	(tag) =	ssettag $0x2  }
0x2c5: {  	s0 =	rddreg [dreg:$0x0];
	s2 =	stileid.u32  }
0x2c6: {  	s1 =	rddreg [dreg:$0x1];
	p0 =	sne.s32 s2, $0x0  }
0x2c7: {  	s3 =	rddreg [dreg:$0x2];
	[bflag:$0x3] =	sbarrier.arrive $0xFFFF;
	s2 =	simm.s32 @!p0 $0x1C0E  }
0x2c8: {  	[timem:s3], [sflag:s2] =	dma.local @!p0 [hbm:s0], s1  }
0x2c9: {  	s0 =	simm.s32 @!p0 $0xE  }
0x2ca: {  	_ =	swait.ge @!p0 [sflag:s0], s1  }
0x2cb: {  	s1 =	ssub.s32 @!p0 $0x0, s1;
	[sflag:s0] =	ssyncset.done @!p0 $0x0  }
0x2cc: {  	[sflag:s0] =	ssyncadd.s32 @!p0 s1  }
0x2cd: {  	[bflag:$0x3] =	sbarrier.arrive $0xFFFF  }
0x2ce: {  	_ =	shalt  }

</sc_bundles>
